<compile_context>
chip_gen: v7x
topology: tpu7x:2x2x1
jax: 0.10.2.dev20260603
libtpu: 0.0.44.dev20260713+nightly
codegen_flags: <defaults>
</compile_context>

<pallas_src>
import functools

import jax
import jax.numpy as jnp
from jax import lax
from jax.experimental import pallas as pl
from jax.experimental.pallas import tpu as pltpu
from jax.experimental.pallas import tpu_sc as plsc

N = 10000
E = 320000
D_IN = 128
H = 8
DH = 16
HID = H * DH

BLK = 1000


def _tables_from(f, elr, csel):
    f64 = jnp.where(csel, f[:, :64], f[:, 64:])
    el4 = jnp.where(csel, elr[:, 0:4], elr[:, 4:8])
    er4 = jnp.where(csel, elr[:, 8:12], elr[:, 12:16])
    fx = jnp.concatenate([f64, jnp.tile(el4, (1, 4))], axis=1)
    return fx, jnp.tile(er4, (1, 4))


def _k1(x_ref, w_ref, a_ref, fx_ref, tb_ref):
    csel = pl.program_id(1) == 0
    f = jnp.dot(x_ref[...], w_ref[...], preferred_element_type=jnp.float32)
    elr = jnp.dot(f, a_ref[...], preferred_element_type=jnp.float32)
    fx, tb = _tables_from(f, elr, csel)
    fx_ref[...] = fx
    tb_ref[...] = tb


def _stage1(x, W1, AlAr1):
    nb = N // BLK
    return pl.pallas_call(
        _k1,
        grid=(nb, 2),
        in_specs=[
            pl.BlockSpec((BLK, D_IN), lambda i, c: (i, 0)),
            pl.BlockSpec((D_IN, HID), lambda i, c: (0, 0)),
            pl.BlockSpec((HID, 2 * H), lambda i, c: (0, 0)),
        ],
        out_specs=[
            pl.BlockSpec((BLK, 80), lambda i, c, _nb=nb: (c * _nb + i, 0)),
            pl.BlockSpec((BLK, 16), lambda i, c, _nb=nb: (c * _nb + i, 0)),
        ],
        out_shape=[
            jax.ShapeDtypeStruct((2 * N, 80), jnp.float32),
            jax.ShapeDtypeStruct((2 * N, 16), jnp.float32),
        ],
    )(x, W1, AlAr1)


def _agg_from_table(o0, o1, exp_mat):
    den = jnp.concatenate([o0[:, 64:68], o1[:, 64:68]], axis=1)
    rec = 1.0 / den
    rec_exp = jnp.dot(rec, exp_mat, preferred_element_type=jnp.float32)
    return jnp.concatenate([o0[:, :64], o1[:, :64]], axis=1) * rec_exp


def _k2(o0_ref, o1_ref, b_ref, w_ref, a_ref, exp_ref,
        h1_ref, fx_ref, tb_ref):
    csel = pl.program_id(1) == 0
    agg = _agg_from_table(o0_ref[...], o1_ref[...], exp_ref[...])
    h1 = jnp.maximum(agg + b_ref[...], 0.0)
    h1_ref[...] = h1
    f = jnp.dot(h1, w_ref[...], preferred_element_type=jnp.float32)
    elr = jnp.dot(f, a_ref[...], preferred_element_type=jnp.float32)
    fx, tb = _tables_from(f, elr, csel)
    fx_ref[...] = fx
    tb_ref[...] = tb


def _stage2(outx_tbl, b1, W2, AlAr2, EXPAND):
    nb = N // BLK
    return pl.pallas_call(
        _k2,
        grid=(nb, 2),
        in_specs=[
            pl.BlockSpec((BLK, 80), lambda i, c: (i, 0)),
            pl.BlockSpec((BLK, 80), lambda i, c, _nb=nb: (_nb + i, 0)),
            pl.BlockSpec((1, HID), lambda i, c: (0, 0)),
            pl.BlockSpec((HID, HID), lambda i, c: (0, 0)),
            pl.BlockSpec((HID, 2 * H), lambda i, c: (0, 0)),
            pl.BlockSpec((H, HID), lambda i, c: (0, 0)),
        ],
        out_specs=[
            pl.BlockSpec((BLK, HID), lambda i, c: (i, 0)),
            pl.BlockSpec((BLK, 80), lambda i, c, _nb=nb: (c * _nb + i, 0)),
            pl.BlockSpec((BLK, 16), lambda i, c, _nb=nb: (c * _nb + i, 0)),
        ],
        out_shape=[
            jax.ShapeDtypeStruct((N, HID), jnp.float32),
            jax.ShapeDtypeStruct((2 * N, 80), jnp.float32),
            jax.ShapeDtypeStruct((2 * N, 16), jnp.float32),
        ],
    )(outx_tbl, outx_tbl, b1.reshape(1, HID), W2, AlAr2, EXPAND)


def _k3(o0_ref, o1_ref, h1_ref, b2_ref, g_ref, lb_ref,
        wc1_ref, bc1_ref, wc2_ref, bc2_ref, exp_ref, y_ref):
    agg = _agg_from_table(o0_ref[...], o1_ref[...], exp_ref[...])
    h2 = agg + b2_ref[...]
    hh = h2 + h1_ref[...]
    mu = jnp.mean(hh, axis=-1, keepdims=True)
    c = hh - mu
    var = jnp.mean(c * c, axis=-1, keepdims=True)
    h = c * jax.lax.rsqrt(var + 1e-5) * g_ref[...] + lb_ref[...]
    o1 = jnp.maximum(
        jnp.dot(h, wc1_ref[...], preferred_element_type=jnp.float32)
        + bc1_ref[...], 0.0)
    y_ref[...] = (jnp.dot(o1, wc2_ref[...], preferred_element_type=jnp.float32)
                  + bc2_ref[...])


def _stage3(outx_tbl, h1, b2, ln_g, ln_b, Wc1, bc1, Wc2, bc2, EXPAND):
    nb = N // BLK
    return pl.pallas_call(
        _k3,
        grid=(nb,),
        in_specs=[
            pl.BlockSpec((BLK, 80), lambda i: (i, 0)),
            pl.BlockSpec((BLK, 80), lambda i, _nb=nb: (_nb + i, 0)),
            pl.BlockSpec((BLK, HID), lambda i: (i, 0)),
            pl.BlockSpec((1, HID), lambda i: (0, 0)),
            pl.BlockSpec((1, HID), lambda i: (0, 0)),
            pl.BlockSpec((1, HID), lambda i: (0, 0)),
            pl.BlockSpec((HID, HID), lambda i: (0, 0)),
            pl.BlockSpec((1, HID), lambda i: (0, 0)),
            pl.BlockSpec((HID, 1), lambda i: (0, 0)),
            pl.BlockSpec((1, 1), lambda i: (0, 0)),
            pl.BlockSpec((H, HID), lambda i: (0, 0)),
        ],
        out_specs=pl.BlockSpec((BLK, 1), lambda i: (i, 0)),
        out_shape=jax.ShapeDtypeStruct((N, 1), jnp.float32),
    )(outx_tbl, outx_tbl, h1, b2.reshape(1, HID),
      ln_g.reshape(1, HID), ln_b.reshape(1, HID), Wc1, bc1.reshape(1, HID),
      Wc2, bc2.reshape(1, 1), EXPAND)


CHUNK = 80
NCHUNK = E // CHUNK
TILES = 16
CPT = NCHUNK // TILES
SLAB = 624
TAIL = N - TILES * SLAB


def _sc_body(featx_hbm, tblB_hbm, src_hbm, dst_hbm, z80_hbm, outx_hbm,
             outx_sh, srcv, dstv, dofs0, dofs1, fx0, fx1, lb0, lb1,
             sem_i, sg0, sg1, ss0, ss1):
    c = lax.axis_index("c")
    s = lax.axis_index("s")
    base = (c * N).astype(jnp.int32)

    r0 = s * SLAB
    pltpu.sync_copy(z80_hbm.at[pl.ds(r0, SLAB)], outx_sh.at[pl.ds(r0, SLAB)])

    @pl.when(s == TILES - 1)
    def _zero_tail():
        t0 = TILES * SLAB
        pltpu.sync_copy(z80_hbm.at[pl.ds(t0, TAIL)],
                        outx_sh.at[pl.ds(t0, TAIL)])

    plsc.subcore_barrier()

    dofs = (dofs0, dofs1)
    fx = (fx0, fx1)
    lb = (lb0, lb1)
    sg = (sg0, sg1)
    ss = (ss0, ss1)

    def issue_idx(j):
        r = jnp.bitwise_and(j, 3)
        eb = (s + j * TILES) * CHUNK
        pltpu.async_copy(src_hbm.at[pl.ds(eb, CHUNK)], srcv.at[r], sem_i)
        pltpu.async_copy(dst_hbm.at[pl.ds(eb, CHUNK)], dstv.at[r], sem_i)

    def wait_idx_and_offset(j, p):
        r = jnp.bitwise_and(j, 3)
        pltpu.make_async_copy(src_hbm.at[pl.ds(0, CHUNK)], srcv.at[r],
                              sem_i).wait()
        pltpu.make_async_copy(dst_hbm.at[pl.ds(0, CHUNK)], dstv.at[r],
                              sem_i).wait()
        for k in range(CHUNK // 16):
            sl = pl.ds(k * 16, 16)
            srcv[r, sl] = srcv[r, sl] + base
            dofs[p][sl] = dstv[r, sl] + base

    def issue_gather(j, p):
        r = jnp.bitwise_and(j, 3)
        pltpu.async_copy(featx_hbm.at[srcv.at[r]], fx[p], sg[p])
        pltpu.async_copy(tblB_hbm.at[dofs[p]], lb[p], sg[p])

    def wait_gather(p):
        pltpu.make_async_copy(featx_hbm.at[srcv.at[0]], fx[p], sg[p]).wait()
        pltpu.make_async_copy(tblB_hbm.at[dofs[p]], lb[p], sg[p]).wait()

    def compute(p):
        fxp = fx[p]
        lbp = lb[p]

        @plsc.parallel_loop(0, CHUNK, 1, unroll=4)
        def edge(i):
            a = fxp[i, pl.ds(64, 16)]
            e = a + lbp[i]
            e = jnp.maximum(e, 0.2 * e)
            ee = jnp.exp(e)
            fxp[i, pl.ds(64, 16)] = ee
            for h in range(4):
                hidx = jnp.full((16,), h, jnp.int32)
                sp = ee.at[hidx].get(mode="promise_in_bounds")
                csl = pl.ds(h * 16, 16)
                fxp[i, csl] = fxp[i, csl] * sp

    def issue_scatter(j, p):
        r = jnp.bitwise_and(j, 3)
        pltpu.async_copy(fx[p], outx_sh.at[dstv.at[r]], ss[p], add=True)

    def wait_scatter(p):
        pltpu.make_async_copy(fx[p], outx_sh.at[dstv.at[0]], ss[p]).wait()

    issue_idx(jnp.int32(0))
    wait_idx_and_offset(jnp.int32(0), 0)
    issue_gather(jnp.int32(0), 0)
    issue_idx(jnp.int32(1))

    def pair_body(j2, _):
        for u in range(2):
            j = 2 * j2 + u
            p = u
            q = 1 - u

            @pl.when(j >= 1)
            def _w():
                wait_scatter(q)

            @pl.when(j <= CPT - 2)
            def _og():
                wait_idx_and_offset(j + 1, q)
                issue_gather(j + 1, q)

            wait_gather(p)
            compute(p)
            issue_scatter(j, p)

            @pl.when(j <= CPT - 3)
            def _i():
                issue_idx(j + 2)
        return 0

    lax.fori_loop(0, CPT // 2, pair_body, 0)
    wait_scatter(1)
    plsc.subcore_barrier()

    o0 = c * N + r0
    pltpu.sync_copy(outx_sh.at[pl.ds(r0, SLAB)], outx_hbm.at[pl.ds(o0, SLAB)])

    @pl.when(s == TILES - 1)
    def _write_tail():
        t0 = TILES * SLAB
        ot = c * N + t0
        pltpu.sync_copy(outx_sh.at[pl.ds(t0, TAIL)],
                        outx_hbm.at[pl.ds(ot, TAIL)])


def _edge_phase_sc(featx_tbl, tblB, src, dst):
    mesh = plsc.VectorSubcoreMesh(core_axis_name="c", subcore_axis_name="s")
    f = pl.kernel(
        _sc_body,
        compiler_params=pltpu.CompilerParams(use_tc_tiling_on_sc=False),
        out_type=jax.ShapeDtypeStruct((2 * N, 80), jnp.float32),
        mesh=mesh,
        scratch_types=[
            pltpu.VMEM_SHARED((N, 80), jnp.float32),
            pltpu.VMEM((4, CHUNK), jnp.int32),
            pltpu.VMEM((4, CHUNK), jnp.int32),
            pltpu.VMEM((CHUNK,), jnp.int32),
            pltpu.VMEM((CHUNK,), jnp.int32),
            pltpu.VMEM((CHUNK, 80), jnp.float32),
            pltpu.VMEM((CHUNK, 80), jnp.float32),
            pltpu.VMEM((CHUNK, 16), jnp.float32),
            pltpu.VMEM((CHUNK, 16), jnp.float32),
            pltpu.SemaphoreType.DMA,
            pltpu.SemaphoreType.DMA,
            pltpu.SemaphoreType.DMA,
            pltpu.SemaphoreType.DMA,
            pltpu.SemaphoreType.DMA,
        ],
    )
    z80 = jnp.zeros((N, 80), jnp.float32)
    return f(featx_tbl, tblB, src, dst, z80)


def _build_alar(al, ar):
    idx = jnp.arange(HID)
    head = idx // DH
    A = jnp.zeros((HID, 2 * H), jnp.float32)
    A = A.at[idx, head].set(al.reshape(-1))
    A = A.at[idx, H + head].set(ar.reshape(-1))
    return A


def _expand_mat():
    idx = jnp.arange(HID)
    return (jnp.arange(H)[:, None] == (idx // DH)[None, :]).astype(jnp.float32)


def kernel(x, edge_index, W1, al1, ar1, b1, W2, al2, ar2, b2, ln_g, ln_b,
           Wc1, bc1, Wc2, bc2):
    src = edge_index[0]
    dst = edge_index[1]
    EXPAND = _expand_mat()

    ft1, tB1 = _stage1(x, W1, _build_alar(al1, ar1))
    outx1 = _edge_phase_sc(ft1, tB1, src, dst)
    h1, ft2, tB2 = _stage2(outx1, b1, W2, _build_alar(al2, ar2), EXPAND)
    outx2 = _edge_phase_sc(ft2, tB2, src, dst)
    return _stage3(outx2, h1, b2, ln_g, ln_b, Wc1, bc1, Wc2, bc2, EXPAND)

# --- scband reference (transcript-rebuilt; emitter-appended) ---
"""Pipeline reference for scband-htgnn-no-temporal-3006477107342 (READ-ONLY COPY).

The authoritative reference and input builder live on the scoring server;
editing this copy changes nothing except your own understanding.
"""

import jax, jax.numpy as jnp
import numpy as np

N = 10000
E = 320000
D_IN = 128
H = 8
DH = 16
HID = H * DH


def _gat_layer(x, W, al, ar, b, src, dst):
    # DGL GATConv: fc -> per-head attention logits -> edge softmax -> weighted scatter-sum
    feat = (x @ W).reshape(N, H, DH)
    el = jnp.sum(feat * al[None, :, :], axis=-1)  # [N, H]
    er = jnp.sum(feat * ar[None, :, :], axis=-1)  # [N, H]
    e = jax.nn.leaky_relu(el[src] + er[dst], negative_slope=0.2)  # [E, H]
    m = jax.lax.stop_gradient(jax.ops.segment_max(e, dst, num_segments=N))
    m = jnp.where(jnp.isfinite(m), m, 0.0)
    ee = jnp.exp(e - m[dst])
    denom = jax.ops.segment_sum(ee, dst, num_segments=N)
    alpha = ee / denom[dst]  # edge softmax over incoming edges of dst
    msg = feat[src] * alpha[:, :, None]
    out = jax.ops.segment_sum(msg, dst, num_segments=N)  # zero for 0-in-degree nodes (allow_zero_in_degree)
    return out.reshape(N, HID) + b


def _layernorm(h, g, b):
    mu = jnp.mean(h, axis=-1, keepdims=True)
    var = jnp.var(h, axis=-1, keepdims=True)
    return (h - mu) / jnp.sqrt(var + 1e-5) * g + b


def _forward(x, W1, al1, ar1, b1, W2, al2, ar2, b2, ln_g, ln_b, Wc1, bc1, Wc2, bc2, src, dst):
    h1 = jax.nn.relu(_gat_layer(x, W1, al1, ar1, b1, src, dst))
    h2 = _gat_layer(h1, W2, al2, ar2, b2, src, dst)
    h = _layernorm(h2 + h1, ln_g, ln_b)
    h = jax.nn.relu(h @ Wc1 + bc1)  # dropout p=0.3 is identity in eval mode
    return h @ Wc2 + bc2


def setup_inputs(seed: int = 0) -> dict:
    key = jax.random.key(seed)
    ks = jax.random.split(key, 16)
    s = 0.1
    return {
        "x": jax.random.normal(ks[0], (N, D_IN), dtype=jnp.float32),
        "edge_index": jax.random.randint(ks[1], (2, E), 0, N, dtype=jnp.int32),
        "W1": jax.random.normal(ks[2], (D_IN, HID), dtype=jnp.float32) * s,
        "al1": jax.random.normal(ks[3], (H, DH), dtype=jnp.float32) * s,
        "ar1": jax.random.normal(ks[4], (H, DH), dtype=jnp.float32) * s,
        "b1": jnp.zeros((HID,), dtype=jnp.float32),
        "W2": jax.random.normal(ks[5], (HID, HID), dtype=jnp.float32) * s,
        "al2": jax.random.normal(ks[6], (H, DH), dtype=jnp.float32) * s,
        "ar2": jax.random.normal(ks[7], (H, DH), dtype=jnp.float32) * s,
        "b2": jnp.zeros((HID,), dtype=jnp.float32),
        "ln_g": jnp.ones((HID,), dtype=jnp.float32),
        "ln_b": jnp.zeros((HID,), dtype=jnp.float32),
        "Wc1": jax.random.normal(ks[8], (HID, HID), dtype=jnp.float32) * s,
        "bc1": jnp.zeros((HID,), dtype=jnp.float32),
        "Wc2": jax.random.normal(ks[9], (HID, 1), dtype=jnp.float32) * s,
        "bc2": jnp.zeros((1,), dtype=jnp.float32),
    }


def reference(x, edge_index, W1, al1, ar1, b1, W2, al2, ar2, b2, ln_g, ln_b, Wc1, bc1, Wc2, bc2):
    src = edge_index[0]
    dst = edge_index[1]
    return _forward(x, W1, al1, ar1, b1, W2, al2, ar2, b2, ln_g, ln_b, Wc1, bc1, Wc2, bc2, src, dst)

if __name__ == "__main__":
    import jax
    _d = setup_inputs()
    print(jax.jit(kernel)(*tuple(_d.values())))

</pallas_src>

<mosaic_0001>
#map = affine_map<(d0, d1) -> (0, 0)>
#map1 = affine_map<(d0, d1) -> (0)>
module attributes {stable_mosaic.version = 14 : i64} {
  func.func @_sc_body(%arg0: i32, %arg1: i32, %arg2: memref<20000x80xf32, #tpu.memory_space<hbm>>, %arg3: memref<20000x16xf32, #tpu.memory_space<hbm>>, %arg4: memref<320000xi32, #tpu.memory_space<hbm>>, %arg5: memref<320000xi32, #tpu.memory_space<hbm>>, %arg6: memref<10000x80xf32, #tpu.memory_space<hbm>>, %arg7: memref<20000x80xf32, #tpu.memory_space<hbm>>, %arg8: memref<10000x80xf32, #tpu.memory_space<vmem_shared>>, %arg9: memref<4x80xi32, #tpu.memory_space<vmem>>, %arg10: memref<4x80xi32, #tpu.memory_space<vmem>>, %arg11: memref<80xi32, #tpu.memory_space<vmem>>, %arg12: memref<80xi32, #tpu.memory_space<vmem>>, %arg13: memref<80x80xf32, #tpu.memory_space<vmem>>, %arg14: memref<80x80xf32, #tpu.memory_space<vmem>>, %arg15: memref<80x16xf32, #tpu.memory_space<vmem>>, %arg16: memref<80x16xf32, #tpu.memory_space<vmem>>, %arg17: memref<!tpu.dma_semaphore, #tpu.memory_space<semaphore_mem>>, %arg18: memref<!tpu.dma_semaphore, #tpu.memory_space<semaphore_mem>>, %arg19: memref<!tpu.dma_semaphore, #tpu.memory_space<semaphore_mem>>, %arg20: memref<!tpu.dma_semaphore, #tpu.memory_space<semaphore_mem>>, %arg21: memref<!tpu.dma_semaphore, #tpu.memory_space<semaphore_mem>>) attributes {dimension_semantics = [#tpu.dimension_semantics<core_parallel>, #tpu.dimension_semantics<subcore_parallel>], iteration_bounds = array<i64: 2, 16>, scalar_prefetch = 0 : i64, scratch_operands = 14 : i64, tpu.core_type = #tpu.core_type<sc_vector_subcore>, window_params = [{transform_indices = #map}, {transform_indices = #map}, {transform_indices = #map1}, {transform_indices = #map1}, {transform_indices = #map}, {transform_indices = #map}]} {
    %mul3A = arith.constant 10000 : i32
    %mul3A_0 = arith.muli %arg0, %mul3A : i32
    %mul3A_1 = arith.constant 624 : i32
    %mul3A_2 = arith.muli %arg1, %mul3A_1 : i32
    "tpu.region"() ({
      %run_scoped3A = tpu.sem_alloc : memref<!tpu.dma_semaphore, #tpu.memory_space<semaphore_mem>>
      %dma_start3A_211 = arith.constant 0 : i32
      %dma_start3A_212 = tpu.memref_slice %arg8[%mul3A_2, %dma_start3A_211] : memref<10000x80xf32, #tpu.memory_space<vmem_shared>> -> memref<624x80xf32, #tpu.memory_space<vmem_shared>>
      %dma_start3A_213 = arith.constant 0 : i32
      %dma_start3A_214 = tpu.memref_slice %arg6[%mul3A_2, %dma_start3A_213] : memref<10000x80xf32, #tpu.memory_space<hbm>> -> memref<624x80xf32, #tpu.memory_space<hbm>>
      tpu.enqueue_dma source(%dma_start3A_214 : memref<624x80xf32, #tpu.memory_space<hbm>>) target(%dma_start3A_212 : memref<624x80xf32, #tpu.memory_space<vmem_shared>>) target_semaphore(%run_scoped3A : memref<!tpu.dma_semaphore, #tpu.memory_space<semaphore_mem>>)
      %dma_wait3A_215 = arith.constant 0 : i32
      %dma_wait3A_216 = tpu.memref_slice %arg8[%mul3A_2, %dma_wait3A_215] : memref<10000x80xf32, #tpu.memory_space<vmem_shared>> -> memref<624x80xf32, #tpu.memory_space<vmem_shared>>
      %dma_wait3A_217 = arith.constant 0 : i32
      %dma_wait3A_218 = tpu.memref_slice %arg6[%mul3A_2, %dma_wait3A_217] : memref<10000x80xf32, #tpu.memory_space<hbm>> -> memref<624x80xf32, #tpu.memory_space<hbm>>
      tpu.wait_dma2 semaphore(%run_scoped3A : memref<!tpu.dma_semaphore, #tpu.memory_space<semaphore_mem>>) src(%dma_wait3A_218 : memref<624x80xf32, #tpu.memory_space<hbm>>) dst(%dma_wait3A_216 : memref<624x80xf32, #tpu.memory_space<vmem_shared>>)
      tpu.yield
    }) : () -> ()
    %eq3A = arith.constant 15 : i32
    %eq3A_3 = arith.cmpi eq, %arg1, %eq3A : i32
    %convert_element_type3A = arith.extui %eq3A_3 : i1 to i32
    %cond3A = arith.constant 0 : i32
    %cond3A_4 = arith.cmpi ne, %convert_element_type3A, %cond3A : i32
    scf.if %cond3A_4 {
      "tpu.region"() ({
        %run_scoped3A = tpu.sem_alloc : memref<!tpu.dma_semaphore, #tpu.memory_space<semaphore_mem>>
        %dma_start3A_211 = arith.constant 9984 : i32
        %dma_start3A_212 = arith.constant 0 : i32
        %dma_start3A_213 = tpu.memref_slice %arg8[%dma_start3A_211, %dma_start3A_212] : memref<10000x80xf32, #tpu.memory_space<vmem_shared>> -> memref<16x80xf32, #tpu.memory_space<vmem_shared>>
        %dma_start3A_214 = arith.constant 9984 : i32
        %dma_start3A_215 = arith.constant 0 : i32
        %dma_start3A_216 = tpu.memref_slice %arg6[%dma_start3A_214, %dma_start3A_215] : memref<10000x80xf32, #tpu.memory_space<hbm>> -> memref<16x80xf32, #tpu.memory_space<hbm>>
        tpu.enqueue_dma source(%dma_start3A_216 : memref<16x80xf32, #tpu.memory_space<hbm>>) target(%dma_start3A_213 : memref<16x80xf32, #tpu.memory_space<vmem_shared>>) target_semaphore(%run_scoped3A : memref<!tpu.dma_semaphore, #tpu.memory_space<semaphore_mem>>)
        %dma_wait3A_217 = arith.constant 9984 : i32
        %dma_wait3A_218 = arith.constant 0 : i32
        %dma_wait3A_219 = tpu.memref_slice %arg8[%dma_wait3A_217, %dma_wait3A_218] : memref<10000x80xf32, #tpu.memory_space<vmem_shared>> -> memref<16x80xf32, #tpu.memory_space<vmem_shared>>
        %dma_wait3A_220 = arith.constant 9984 : i32
        %dma_wait3A_221 = arith.constant 0 : i32
        %dma_wait3A_222 = tpu.memref_slice %arg6[%dma_wait3A_220, %dma_wait3A_221] : memref<10000x80xf32, #tpu.memory_space<hbm>> -> memref<16x80xf32, #tpu.memory_space<hbm>>
        tpu.wait_dma2 semaphore(%run_scoped3A : memref<!tpu.dma_semaphore, #tpu.memory_space<semaphore_mem>>) src(%dma_wait3A_222 : memref<16x80xf32, #tpu.memory_space<hbm>>) dst(%dma_wait3A_219 : memref<16x80xf32, #tpu.memory_space<vmem_shared>>)
        tpu.yield
      }) : () -> ()
    } else {
    }
    %barrier3A = arith.constant 0 : index
    tpu.barrier barrier_id(%barrier3A)
    %and3A = arith.constant 0 : i32
    %and3A_5 = arith.constant 3 : i32
    %and3A_6 = arith.andi %and3A, %and3A_5 : i32
    %mul3A_7 = arith.constant 0 : i32
    %mul3A_8 = arith.constant 16 : i32
    %mul3A_9 = arith.muli %mul3A_7, %mul3A_8 : i32
    %add3A = arith.addi %arg1, %mul3A_9 : i32
    %mul3A_10 = arith.constant 80 : i32
    %mul3A_11 = arith.muli %add3A, %mul3A_10 : i32
    %dma_start3A = arith.constant 0 : i32
    %dma_start3A_12 = tpu.memref_slice %arg9[%and3A_6, %dma_start3A] : memref<4x80xi32, #tpu.memory_space<vmem>> -> memref<1x80xi32, #tpu.memory_space<vmem>>
    %dma_start3A_13 = tpu.memref_squeeze %dma_start3A_12 : memref<1x80xi32, #tpu.memory_space<vmem>> -> memref<80xi32, #tpu.memory_space<vmem>>
    %dma_start3A_14 = tpu.memref_slice %arg4[%mul3A_11] : memref<320000xi32, #tpu.memory_space<hbm>> -> memref<80xi32, #tpu.memory_space<hbm>>
    %dma_start3A_15 = arith.constant 0 : i32
    %dma_start3A_16 = tpu.memref_slice %arg9[%and3A_6, %dma_start3A_15] : memref<4x80xi32, #tpu.memory_space<vmem>> -> memref<1x80xi32, #tpu.memory_space<vmem>>
    %dma_start3A_17 = tpu.memref_squeeze %dma_start3A_16 : memref<1x80xi32, #tpu.memory_space<vmem>> -> memref<80xi32, #tpu.memory_space<vmem>>
    %dma_start3A_18 = tpu.memref_slice %arg4[%mul3A_11] : memref<320000xi32, #tpu.memory_space<hbm>> -> memref<80xi32, #tpu.memory_space<hbm>>
    tpu.enqueue_dma source(%dma_start3A_18 : memref<80xi32, #tpu.memory_space<hbm>>) target(%dma_start3A_17 : memref<80xi32, #tpu.memory_space<vmem>>) target_semaphore(%arg17 : memref<!tpu.dma_semaphore, #tpu.memory_space<semaphore_mem>>)
    %dma_start3A_19 = arith.constant 0 : i32
    %dma_start3A_20 = tpu.memref_slice %arg10[%and3A_6, %dma_start3A_19] : memref<4x80xi32, #tpu.memory_space<vmem>> -> memref<1x80xi32, #tpu.memory_space<vmem>>
    %dma_start3A_21 = tpu.memref_squeeze %dma_start3A_20 : memref<1x80xi32, #tpu.memory_space<vmem>> -> memref<80xi32, #tpu.memory_space<vmem>>
    %dma_start3A_22 = tpu.memref_slice %arg5[%mul3A_11] : memref<320000xi32, #tpu.memory_space<hbm>> -> memref<80xi32, #tpu.memory_space<hbm>>
    %dma_start3A_23 = arith.constant 0 : i32
    %dma_start3A_24 = tpu.memref_slice %arg10[%and3A_6, %dma_start3A_23] : memref<4x80xi32, #tpu.memory_space<vmem>> -> memref<1x80xi32, #tpu.memory_space<vmem>>
    %dma_start3A_25 = tpu.memref_squeeze %dma_start3A_24 : memref<1x80xi32, #tpu.memory_space<vmem>> -> memref<80xi32, #tpu.memory_space<vmem>>
    %dma_start3A_26 = tpu.memref_slice %arg5[%mul3A_11] : memref<320000xi32, #tpu.memory_space<hbm>> -> memref<80xi32, #tpu.memory_space<hbm>>
    tpu.enqueue_dma source(%dma_start3A_26 : memref<80xi32, #tpu.memory_space<hbm>>) target(%dma_start3A_25 : memref<80xi32, #tpu.memory_space<vmem>>) target_semaphore(%arg17 : memref<!tpu.dma_semaphore, #tpu.memory_space<semaphore_mem>>)
    %and3A_27 = arith.constant 0 : i32
    %and3A_28 = arith.constant 3 : i32
    %and3A_29 = arith.andi %and3A_27, %and3A_28 : i32
    %dma_wait3A = arith.constant 0 : i32
    %dma_wait3A_30 = tpu.memref_slice %arg9[%and3A_29, %dma_wait3A] : memref<4x80xi32, #tpu.memory_space<vmem>> -> memref<1x80xi32, #tpu.memory_space<vmem>>
    %dma_wait3A_31 = tpu.memref_squeeze %dma_wait3A_30 : memref<1x80xi32, #tpu.memory_space<vmem>> -> memref<80xi32, #tpu.memory_space<vmem>>
    %dma_wait3A_32 = arith.constant 0 : i32
    %dma_wait3A_33 = tpu.memref_slice %arg4[%dma_wait3A_32] : memref<320000xi32, #tpu.memory_space<hbm>> -> memref<80xi32, #tpu.memory_space<hbm>>
    %dma_wait3A_34 = arith.constant 0 : i32
    %dma_wait3A_35 = tpu.memref_slice %arg9[%and3A_29, %dma_wait3A_34] : memref<4x80xi32, #tpu.memory_space<vmem>> -> memref<1x80xi32, #tpu.memory_space<vmem>>
    %dma_wait3A_36 = tpu.memref_squeeze %dma_wait3A_35 : memref<1x80xi32, #tpu.memory_space<vmem>> -> memref<80xi32, #tpu.memory_space<vmem>>
    %dma_wait3A_37 = arith.constant 0 : i32
    %dma_wait3A_38 = tpu.memref_slice %arg4[%dma_wait3A_37] : memref<320000xi32, #tpu.memory_space<hbm>> -> memref<80xi32, #tpu.memory_space<hbm>>
    tpu.wait_dma2 semaphore(%arg17 : memref<!tpu.dma_semaphore, #tpu.memory_space<semaphore_mem>>) src(%dma_wait3A_38 : memref<80xi32, #tpu.memory_space<hbm>>) dst(%dma_wait3A_36 : memref<80xi32, #tpu.memory_space<vmem>>)
    %dma_wait3A_39 = arith.constant 0 : i32
    %dma_wait3A_40 = tpu.memref_slice %arg10[%and3A_29, %dma_wait3A_39] : memref<4x80xi32, #tpu.memory_space<vmem>> -> memref<1x80xi32, #tpu.memory_space<vmem>>
    %dma_wait3A_41 = tpu.memref_squeeze %dma_wait3A_40 : memref<1x80xi32, #tpu.memory_space<vmem>> -> memref<80xi32, #tpu.memory_space<vmem>>
    %dma_wait3A_42 = arith.constant 0 : i32
    %dma_wait3A_43 = tpu.memref_slice %arg5[%dma_wait3A_42] : memref<320000xi32, #tpu.memory_space<hbm>> -> memref<80xi32, #tpu.memory_space<hbm>>
    %dma_wait3A_44 = arith.constant 0 : i32
    %dma_wait3A_45 = tpu.memref_slice %arg10[%and3A_29, %dma_wait3A_44] : memref<4x80xi32, #tpu.memory_space<vmem>> -> memref<1x80xi32, #tpu.memory_space<vmem>>
    %dma_wait3A_46 = tpu.memref_squeeze %dma_wait3A_45 : memref<1x80xi32, #tpu.memory_space<vmem>> -> memref<80xi32, #tpu.memory_space<vmem>>
    %dma_wait3A_47 = arith.constant 0 : i32
    %dma_wait3A_48 = tpu.memref_slice %arg5[%dma_wait3A_47] : memref<320000xi32, #tpu.memory_space<hbm>> -> memref<80xi32, #tpu.memory_space<hbm>>
    tpu.wait_dma2 semaphore(%arg17 : memref<!tpu.dma_semaphore, #tpu.memory_space<semaphore_mem>>) src(%dma_wait3A_48 : memref<80xi32, #tpu.memory_space<hbm>>) dst(%dma_wait3A_46 : memref<80xi32, #tpu.memory_space<vmem>>)
    %get3A = arith.index_cast %and3A_29 : i32 to index
    %get3A_49 = arith.constant 0 : index
    %get3A_50 = tpu.vector_load %arg9[%get3A, %get3A_49] {strides = array<i32>} : memref<4x80xi32, #tpu.memory_space<vmem>>, vector<1x16xi32>,
    %get3A_51 = vector.shape_cast %get3A_50 : vector<1x16xi32> to vector<16xi32>
    %add3A_52 = vector.broadcast %mul3A_0 : i32 to vector<16xi32>
    %add3A_53 = arith.addi %get3A_51, %add3A_52 : vector<16xi32>
    %swap3A = arith.index_cast %and3A_29 : i32 to index
    %swap3A_54 = arith.constant 0 : index
    %swap3A_55 = tpu.vector_load %arg9[%swap3A, %swap3A_54] {strides = array<i32>} : memref<4x80xi32, #tpu.memory_space<vmem>>, vector<1x16xi32>,
    %swap3A_56 = vector.shape_cast %swap3A_55 : vector<1x16xi32> to vector<16xi32>
    %swap3A_57 = vector.shape_cast %add3A_53 : vector<16xi32> to vector<1x16xi32>
    tpu.vector_store %arg9[%swap3A, %swap3A_54], %swap3A_57 {strides = array<i32>} : memref<4x80xi32, #tpu.memory_space<vmem>>, vector<1x16xi32>,
    %get3A_58 = arith.index_cast %and3A_29 : i32 to index
    %get3A_59 = arith.constant 0 : index
    %get3A_60 = tpu.vector_load %arg10[%get3A_58, %get3A_59] {strides = array<i32>} : memref<4x80xi32, #tpu.memory_space<vmem>>, vector<1x16xi32>,
    %get3A_61 = vector.shape_cast %get3A_60 : vector<1x16xi32> to vector<16xi32>
    %add3A_62 = vector.broadcast %mul3A_0 : i32 to vector<16xi32>
    %add3A_63 = arith.addi %get3A_61, %add3A_62 : vector<16xi32>
    %swap3A_64 = arith.constant 0 : index
    %swap3A_65 = tpu.vector_load %arg11[%swap3A_64] {strides = array<i32>} : memref<80xi32, #tpu.memory_space<vmem>>, vector<16xi32>,
    %swap3A_66 = vector.shape_cast %swap3A_65 : vector<16xi32> to vector<16xi32>
    %swap3A_67 = vector.shape_cast %add3A_63 : vector<16xi32> to vector<16xi32>
    tpu.vector_store %arg11[%swap3A_64], %swap3A_67 {strides = array<i32>} : memref<80xi32, #tpu.memory_space<vmem>>, vector<16xi32>,
    %get3A_68 = arith.index_cast %and3A_29 : i32 to index
    %get3A_69 = arith.constant 16 : index
    %get3A_70 = tpu.vector_load %arg9[%get3A_68, %get3A_69] {strides = array<i32>} : memref<4x80xi32, #tpu.memory_space<vmem>>, vector<1x16xi32>,
    %get3A_71 = vector.shape_cast %get3A_70 : vector<1x16xi32> to vector<16xi32>
    %add3A_72 = vector.broadcast %mul3A_0 : i32 to vector<16xi32>
    %add3A_73 = arith.addi %get3A_71, %add3A_72 : vector<16xi32>
    %swap3A_74 = arith.index_cast %and3A_29 : i32 to index
    %swap3A_75 = arith.constant 16 : index
    %swap3A_76 = tpu.vector_load %arg9[%swap3A_74, %swap3A_75] {strides = array<i32>} : memref<4x80xi32, #tpu.memory_space<vmem>>, vector<1x16xi32>,
    %swap3A_77 = vector.shape_cast %swap3A_76 : vector<1x16xi32> to vector<16xi32>
    %swap3A_78 = vector.shape_cast %add3A_73 : vector<16xi32> to vector<1x16xi32>
    tpu.vector_store %arg9[%swap3A_74, %swap3A_75], %swap3A_78 {strides = array<i32>} : memref<4x80xi32, #tpu.memory_space<vmem>>, vector<1x16xi32>,
    %get3A_79 = arith.index_cast %and3A_29 : i32 to index
    %get3A_80 = arith.constant 16 : index
    %get3A_81 = tpu.vector_load %arg10[%get3A_79, %get3A_80] {strides = array<i32>} : memref<4x80xi32, #tpu.memory_space<vmem>>, vector<1x16xi32>,
    %get3A_82 = vector.shape_cast %get3A_81 : vector<1x16xi32> to vector<16xi32>
    %add3A_83 = vector.broadcast %mul3A_0 : i32 to vector<16xi32>
    %add3A_84 = arith.addi %get3A_82, %add3A_83 : vector<16xi32>
    %swap3A_85 = arith.constant 16 : index
    %swap3A_86 = tpu.vector_load %arg11[%swap3A_85] {strides = array<i32>} : memref<80xi32, #tpu.memory_space<vmem>>, vector<16xi32>,
    %swap3A_87 = vector.shape_cast %swap3A_86 : vector<16xi32> to vector<16xi32>
    %swap3A_88 = vector.shape_cast %add3A_84 : vector<16xi32> to vector<16xi32>
    tpu.vector_store %arg11[%swap3A_85], %swap3A_88 {strides = array<i32>} : memref<80xi32, #tpu.memory_space<vmem>>, vector<16xi32>,
    %get3A_89 = arith.index_cast %and3A_29 : i32 to index
    %get3A_90 = arith.constant 32 : index
    %get3A_91 = tpu.vector_load %arg9[%get3A_89, %get3A_90] {strides = array<i32>} : memref<4x80xi32, #tpu.memory_space<vmem>>, vector<1x16xi32>,
    %get3A_92 = vector.shape_cast %get3A_91 : vector<1x16xi32> to vector<16xi32>
    %add3A_93 = vector.broadcast %mul3A_0 : i32 to vector<16xi32>
    %add3A_94 = arith.addi %get3A_92, %add3A_93 : vector<16xi32>
    %swap3A_95 = arith.index_cast %and3A_29 : i32 to index
    %swap3A_96 = arith.constant 32 : index
    %swap3A_97 = tpu.vector_load %arg9[%swap3A_95, %swap3A_96] {strides = array<i32>} : memref<4x80xi32, #tpu.memory_space<vmem>>, vector<1x16xi32>,
    %swap3A_98 = vector.shape_cast %swap3A_97 : vector<1x16xi32> to vector<16xi32>
    %swap3A_99 = vector.shape_cast %add3A_94 : vector<16xi32> to vector<1x16xi32>
    tpu.vector_store %arg9[%swap3A_95, %swap3A_96], %swap3A_99 {strides = array<i32>} : memref<4x80xi32, #tpu.memory_space<vmem>>, vector<1x16xi32>,
    %get3A_100 = arith.index_cast %and3A_29 : i32 to index
    %get3A_101 = arith.constant 32 : index
    %get3A_102 = tpu.vector_load %arg10[%get3A_100, %get3A_101] {strides = array<i32>} : memref<4x80xi32, #tpu.memory_space<vmem>>, vector<1x16xi32>,
    %get3A_103 = vector.shape_cast %get3A_102 : vector<1x16xi32> to vector<16xi32>
    %add3A_104 = vector.broadcast %mul3A_0 : i32 to vector<16xi32>
    %add3A_105 = arith.addi %get3A_103, %add3A_104 : vector<16xi32>
    %swap3A_106 = arith.constant 32 : index
    %swap3A_107 = tpu.vector_load %arg11[%swap3A_106] {strides = array<i32>} : memref<80xi32, #tpu.memory_space<vmem>>, vector<16xi32>,
    %swap3A_108 = vector.shape_cast %swap3A_107 : vector<16xi32> to vector<16xi32>
    %swap3A_109 = vector.shape_cast %add3A_105 : vector<16xi32> to vector<16xi32>
    tpu.vector_store %arg11[%swap3A_106], %swap3A_109 {strides = array<i32>} : memref<80xi32, #tpu.memory_space<vmem>>, vector<16xi32>,
    %get3A_110 = arith.index_cast %and3A_29 : i32 to index
    %get3A_111 = arith.constant 48 : index
    %get3A_112 = tpu.vector_load %arg9[%get3A_110, %get3A_111] {strides = array<i32>} : memref<4x80xi32, #tpu.memory_space<vmem>>, vector<1x16xi32>,
    %get3A_113 = vector.shape_cast %get3A_112 : vector<1x16xi32> to vector<16xi32>
    %add3A_114 = vector.broadcast %mul3A_0 : i32 to vector<16xi32>
    %add3A_115 = arith.addi %get3A_113, %add3A_114 : vector<16xi32>
    %swap3A_116 = arith.index_cast %and3A_29 : i32 to index
    %swap3A_117 = arith.constant 48 : index
    %swap3A_118 = tpu.vector_load %arg9[%swap3A_116, %swap3A_117] {strides = array<i32>} : memref<4x80xi32, #tpu.memory_space<vmem>>, vector<1x16xi32>,
    %swap3A_119 = vector.shape_cast %swap3A_118 : vector<1x16xi32> to vector<16xi32>
    %swap3A_120 = vector.shape_cast %add3A_115 : vector<16xi32> to vector<1x16xi32>
    tpu.vector_store %arg9[%swap3A_116, %swap3A_117], %swap3A_120 {strides = array<i32>} : memref<4x80xi32, #tpu.memory_space<vmem>>, vector<1x16xi32>,
    %get3A_121 = arith.index_cast %and3A_29 : i32 to index
    %get3A_122 = arith.constant 48 : index
    %get3A_123 = tpu.vector_load %arg10[%get3A_121, %get3A_122] {strides = array<i32>} : memref<4x80xi32, #tpu.memory_space<vmem>>, vector<1x16xi32>,
    %get3A_124 = vector.shape_cast %get3A_123 : vector<1x16xi32> to vector<16xi32>
    %add3A_125 = vector.broadcast %mul3A_0 : i32 to vector<16xi32>
    %add3A_126 = arith.addi %get3A_124, %add3A_125 : vector<16xi32>
    %swap3A_127 = arith.constant 48 : index
    %swap3A_128 = tpu.vector_load %arg11[%swap3A_127] {strides = array<i32>} : memref<80xi32, #tpu.memory_space<vmem>>, vector<16xi32>,
    %swap3A_129 = vector.shape_cast %swap3A_128 : vector<16xi32> to vector<16xi32>
    %swap3A_130 = vector.shape_cast %add3A_126 : vector<16xi32> to vector<16xi32>
    tpu.vector_store %arg11[%swap3A_127], %swap3A_130 {strides = array<i32>} : memref<80xi32, #tpu.memory_space<vmem>>, vector<16xi32>,
    %get3A_131 = arith.index_cast %and3A_29 : i32 to index
    %get3A_132 = arith.constant 64 : index
    %get3A_133 = tpu.vector_load %arg9[%get3A_131, %get3A_132] {strides = array<i32>} : memref<4x80xi32, #tpu.memory_space<vmem>>, vector<1x16xi32>,
    %get3A_134 = vector.shape_cast %get3A_133 : vector<1x16xi32> to vector<16xi32>
    %add3A_135 = vector.broadcast %mul3A_0 : i32 to vector<16xi32>
    %add3A_136 = arith.addi %get3A_134, %add3A_135 : vector<16xi32>
    %swap3A_137 = arith.index_cast %and3A_29 : i32 to index
    %swap3A_138 = arith.constant 64 : index
    %swap3A_139 = tpu.vector_load %arg9[%swap3A_137, %swap3A_138] {strides = array<i32>} : memref<4x80xi32, #tpu.memory_space<vmem>>, vector<1x16xi32>,
    %swap3A_140 = vector.shape_cast %swap3A_139 : vector<1x16xi32> to vector<16xi32>
    %swap3A_141 = vector.shape_cast %add3A_136 : vector<16xi32> to vector<1x16xi32>
    tpu.vector_store %arg9[%swap3A_137, %swap3A_138], %swap3A_141 {strides = array<i32>} : memref<4x80xi32, #tpu.memory_space<vmem>>, vector<1x16xi32>,
    %get3A_142 = arith.index_cast %and3A_29 : i32 to index
    %get3A_143 = arith.constant 64 : index
    %get3A_144 = tpu.vector_load %arg10[%get3A_142, %get3A_143] {strides = array<i32>} : memref<4x80xi32, #tpu.memory_space<vmem>>, vector<1x16xi32>,
    %get3A_145 = vector.shape_cast %get3A_144 : vector<1x16xi32> to vector<16xi32>
    %add3A_146 = vector.broadcast %mul3A_0 : i32 to vector<16xi32>
    %add3A_147 = arith.addi %get3A_145, %add3A_146 : vector<16xi32>
    %swap3A_148 = arith.constant 64 : index
    %swap3A_149 = tpu.vector_load %arg11[%swap3A_148] {strides = array<i32>} : memref<80xi32, #tpu.memory_space<vmem>>, vector<16xi32>,
    %swap3A_150 = vector.shape_cast %swap3A_149 : vector<16xi32> to vector<16xi32>
    %swap3A_151 = vector.shape_cast %add3A_147 : vector<16xi32> to vector<16xi32>
    tpu.vector_store %arg11[%swap3A_148], %swap3A_151 {strides = array<i32>} : memref<80xi32, #tpu.memory_space<vmem>>, vector<16xi32>,
    %and3A_152 = arith.constant 0 : i32
    %and3A_153 = arith.constant 3 : i32
    %and3A_154 = arith.andi %and3A_152, %and3A_153 : i32
    %dma_start3A_155 = arith.constant 0 : i32
    %dma_start3A_156 = tpu.memref_slice %arg9[%and3A_154, %dma_start3A_155] : memref<4x80xi32, #tpu.memory_space<vmem>> -> memref<1x80xi32, #tpu.memory_space<vmem>>
    %dma_start3A_157 = tpu.memref_squeeze %dma_start3A_156 : memref<1x80xi32, #tpu.memory_space<vmem>> -> memref<80xi32, #tpu.memory_space<vmem>>
    %dma_start3A_158 = arith.constant 0 : i32
    %dma_start3A_159 = arith.constant 0 : i32
    %dma_start3A_160 = tpu.memref_slice %arg2[%dma_start3A_158, %dma_start3A_159] : memref<20000x80xf32, #tpu.memory_space<hbm>> -> memref<20000x80xf32, #tpu.memory_space<hbm>>
    tpu.enqueue_indirect_dma source(%dma_start3A_160 : memref<20000x80xf32, #tpu.memory_space<hbm>>) target(%arg13 : memref<80x80xf32, #tpu.memory_space<vmem>>) offsets(%dma_start3A_157 : memref<80xi32, #tpu.memory_space<vmem>>) semaphore(%arg18 : memref<!tpu.dma_semaphore, #tpu.memory_space<semaphore_mem>>)
    %dma_start3A_161 = arith.constant 0 : i32
    %dma_start3A_162 = arith.constant 0 : i32
    %dma_start3A_163 = tpu.memref_slice %arg3[%dma_start3A_161, %dma_start3A_162] : memref<20000x16xf32, #tpu.memory_space<hbm>> -> memref<20000x16xf32, #tpu.memory_space<hbm>>
    tpu.enqueue_indirect_dma source(%dma_start3A_163 : memref<20000x16xf32, #tpu.memory_space<hbm>>) target(%arg15 : memref<80x16xf32, #tpu.memory_space<vmem>>) offsets(%arg11 : memref<80xi32, #tpu.memory_space<vmem>>) semaphore(%arg18 : memref<!tpu.dma_semaphore, #tpu.memory_space<semaphore_mem>>)
    %and3A_164 = arith.constant 1 : i32
    %and3A_165 = arith.constant 3 : i32
    %and3A_166 = arith.andi %and3A_164, %and3A_165 : i32
    %mul3A_167 = arith.constant 1 : i32
    %mul3A_168 = arith.constant 16 : i32
    %mul3A_169 = arith.muli %mul3A_167, %mul3A_168 : i32
    %add3A_170 = arith.addi %arg1, %mul3A_169 : i32
    %mul3A_171 = arith.constant 80 : i32
    %mul3A_172 = arith.muli %add3A_170, %mul3A_171 : i32
    %dma_start3A_173 = arith.constant 0 : i32
    %dma_start3A_174 = tpu.memref_slice %arg9[%and3A_166, %dma_start3A_173] : memref<4x80xi32, #tpu.memory_space<vmem>> -> memref<1x80xi32, #tpu.memory_space<vmem>>
    %dma_start3A_175 = tpu.memref_squeeze %dma_start3A_174 : memref<1x80xi32, #tpu.memory_space<vmem>> -> memref<80xi32, #tpu.memory_space<vmem>>
    %dma_start3A_176 = tpu.memref_slice %arg4[%mul3A_172] : memref<320000xi32, #tpu.memory_space<hbm>> -> memref<80xi32, #tpu.memory_space<hbm>>
    %dma_start3A_177 = arith.constant 0 : i32
    %dma_start3A_178 = tpu.memref_slice %arg9[%and3A_166, %dma_start3A_177] : memref<4x80xi32, #tpu.memory_space<vmem>> -> memref<1x80xi32, #tpu.memory_space<vmem>>
    %dma_start3A_179 = tpu.memref_squeeze %dma_start3A_178 : memref<1x80xi32, #tpu.memory_space<vmem>> -> memref<80xi32, #tpu.memory_space<vmem>>
    %dma_start3A_180 = tpu.memref_slice %arg4[%mul3A_172] : memref<320000xi32, #tpu.memory_space<hbm>> -> memref<80xi32, #tpu.memory_space<hbm>>
    tpu.enqueue_dma source(%dma_start3A_180 : memref<80xi32, #tpu.memory_space<hbm>>) target(%dma_start3A_179 : memref<80xi32, #tpu.memory_space<vmem>>) target_semaphore(%arg17 : memref<!tpu.dma_semaphore, #tpu.memory_space<semaphore_mem>>)
    %dma_start3A_181 = arith.constant 0 : i32
    %dma_start3A_182 = tpu.memref_slice %arg10[%and3A_166, %dma_start3A_181] : memref<4x80xi32, #tpu.memory_space<vmem>> -> memref<1x80xi32, #tpu.memory_space<vmem>>
    %dma_start3A_183 = tpu.memref_squeeze %dma_start3A_182 : memref<1x80xi32, #tpu.memory_space<vmem>> -> memref<80xi32, #tpu.memory_space<vmem>>
    %dma_start3A_184 = tpu.memref_slice %arg5[%mul3A_172] : memref<320000xi32, #tpu.memory_space<hbm>> -> memref<80xi32, #tpu.memory_space<hbm>>
    %dma_start3A_185 = arith.constant 0 : i32
    %dma_start3A_186 = tpu.memref_slice %arg10[%and3A_166, %dma_start3A_185] : memref<4x80xi32, #tpu.memory_space<vmem>> -> memref<1x80xi32, #tpu.memory_space<vmem>>
    %dma_start3A_187 = tpu.memref_squeeze %dma_start3A_186 : memref<1x80xi32, #tpu.memory_space<vmem>> -> memref<80xi32, #tpu.memory_space<vmem>>
    %dma_start3A_188 = tpu.memref_slice %arg5[%mul3A_172] : memref<320000xi32, #tpu.memory_space<hbm>> -> memref<80xi32, #tpu.memory_space<hbm>>
    tpu.enqueue_dma source(%dma_start3A_188 : memref<80xi32, #tpu.memory_space<hbm>>) target(%dma_start3A_187 : memref<80xi32, #tpu.memory_space<vmem>>) target_semaphore(%arg17 : memref<!tpu.dma_semaphore, #tpu.memory_space<semaphore_mem>>)
    %scan3A = arith.constant 0 : i32
    %scan3A_189 = arith.constant 0 : i32
    %scan3A_190 = arith.constant 125 : i32
    %scan3A_191 = arith.addi %scan3A_189, %scan3A_190 : i32
    %scan3A_192 = arith.constant 1 : i32
    %scan3A_193 = scf.for %scan3A_211 = %scan3A_189 to %scan3A_191 step %scan3A_192 iter_args(%scan3A_212 = %scan3A) -> (i32)  : i32 {
      %mul3A_213 = arith.constant 2 : i32
      %mul3A_214 = arith.muli %mul3A_213, %scan3A_211 : i32
      %add3A_215 = arith.constant 0 : i32
      %add3A_216 = arith.addi %mul3A_214, %add3A_215 : i32
      %ge3A = arith.constant 1 : i32
      %ge3A_217 = arith.cmpi sge, %add3A_216, %ge3A : i32
      %convert_element_type3A_218 = arith.extui %ge3A_217 : i1 to i32
      %cond3A_219 = arith.constant 0 : i32
      %cond3A_220 = arith.cmpi ne, %convert_element_type3A_218, %cond3A_219 : i32
      scf.if %cond3A_220 {
        %dma_wait3A_291 = arith.constant 0 : i32
        %dma_wait3A_292 = arith.constant 0 : i32
        %dma_wait3A_293 = tpu.memref_slice %arg10[%dma_wait3A_291, %dma_wait3A_292] : memref<4x80xi32, #tpu.memory_space<vmem>> -> memref<1x80xi32, #tpu.memory_space<vmem>>
        %dma_wait3A_294 = tpu.memref_squeeze %dma_wait3A_293 : memref<1x80xi32, #tpu.memory_space<vmem>> -> memref<80xi32, #tpu.memory_space<vmem>>
        %dma_wait3A_295 = arith.constant 0 : i32
        %dma_wait3A_296 = arith.constant 0 : i32
        %dma_wait3A_297 = tpu.memref_slice %arg8[%dma_wait3A_295, %dma_wait3A_296] : memref<10000x80xf32, #tpu.memory_space<vmem_shared>> -> memref<10000x80xf32, #tpu.memory_space<vmem_shared>>
        tpu.wait_indirect_dma semaphore(%arg21 : memref<!tpu.dma_semaphore, #tpu.memory_space<semaphore_mem>>) src(%arg14 : memref<80x80xf32, #tpu.memory_space<vmem>>) dst(%dma_wait3A_297 : memref<10000x80xf32, #tpu.memory_space<vmem_shared>>)
      } else {
      }
      %le3A = arith.constant 248 : i32
      %le3A_221 = arith.cmpi sle, %add3A_216, %le3A : i32
      %convert_element_type3A_222 = arith.extui %le3A_221 : i1 to i32
      %cond3A_223 = arith.constant 0 : i32
      %cond3A_224 = arith.cmpi ne, %convert_element_type3A_222, %cond3A_223 : i32
      scf.if %cond3A_224 {
        %add3A_291 = arith.constant 1 : i32
        %add3A_292 = arith.addi %add3A_216, %add3A_291 : i32
        %and3A_293 = arith.constant 3 : i32
        %and3A_294 = arith.andi %add3A_292, %and3A_293 : i32
        %dma_wait3A_295 = arith.constant 0 : i32
        %dma_wait3A_296 = tpu.memref_slice %arg9[%and3A_294, %dma_wait3A_295] : memref<4x80xi32, #tpu.memory_space<vmem>> -> memref<1x80xi32, #tpu.memory_space<vmem>>
        %dma_wait3A_297 = tpu.memref_squeeze %dma_wait3A_296 : memref<1x80xi32, #tpu.memory_space<vmem>> -> memref<80xi32, #tpu.memory_space<vmem>>
        %dma_wait3A_298 = arith.constant 0 : i32
        %dma_wait3A_299 = tpu.memref_slice %arg4[%dma_wait3A_298] : memref<320000xi32, #tpu.memory_space<hbm>> -> memref<80xi32, #tpu.memory_space<hbm>>
        %dma_wait3A_300 = arith.constant 0 : i32
        %dma_wait3A_301 = tpu.memref_slice %arg9[%and3A_294, %dma_wait3A_300] : memref<4x80xi32, #tpu.memory_space<vmem>> -> memref<1x80xi32, #tpu.memory_space<vmem>>
        %dma_wait3A_302 = tpu.memref_squeeze %dma_wait3A_301 : memref<1x80xi32, #tpu.memory_space<vmem>> -> memref<80xi32, #tpu.memory_space<vmem>>
        %dma_wait3A_303 = arith.constant 0 : i32
        %dma_wait3A_304 = tpu.memref_slice %arg4[%dma_wait3A_303] : memref<320000xi32, #tpu.memory_space<hbm>> -> memref<80xi32, #tpu.memory_space<hbm>>
        tpu.wait_dma2 semaphore(%arg17 : memref<!tpu.dma_semaphore, #tpu.memory_space<semaphore_mem>>) src(%dma_wait3A_304 : memref<80xi32, #tpu.memory_space<hbm>>) dst(%dma_wait3A_302 : memref<80xi32, #tpu.memory_space<vmem>>)
        %dma_wait3A_305 = arith.constant 0 : i32
        %dma_wait3A_306 = tpu.memref_slice %arg10[%and3A_294, %dma_wait3A_305] : memref<4x80xi32, #tpu.memory_space<vmem>> -> memref<1x80xi32, #tpu.memory_space<vmem>>
        %dma_wait3A_307 = tpu.memref_squeeze %dma_wait3A_306 : memref<1x80xi32, #tpu.memory_space<vmem>> -> memref<80xi32, #tpu.memory_space<vmem>>
        %dma_wait3A_308 = arith.constant 0 : i32
        %dma_wait3A_309 = tpu.memref_slice %arg5[%dma_wait3A_308] : memref<320000xi32, #tpu.memory_space<hbm>> -> memref<80xi32, #tpu.memory_space<hbm>>
        %dma_wait3A_310 = arith.constant 0 : i32
        %dma_wait3A_311 = tpu.memref_slice %arg10[%and3A_294, %dma_wait3A_310] : memref<4x80xi32, #tpu.memory_space<vmem>> -> memref<1x80xi32, #tpu.memory_space<vmem>>
        %dma_wait3A_312 = tpu.memref_squeeze %dma_wait3A_311 : memref<1x80xi32, #tpu.memory_space<vmem>> -> memref<80xi32, #tpu.memory_space<vmem>>
        %dma_wait3A_313 = arith.constant 0 : i32
        %dma_wait3A_314 = tpu.memref_slice %arg5[%dma_wait3A_313] : memref<320000xi32, #tpu.memory_space<hbm>> -> memref<80xi32, #tpu.memory_space<hbm>>
        tpu.wait_dma2 semaphore(%arg17 : memref<!tpu.dma_semaphore, #tpu.memory_space<semaphore_mem>>) src(%dma_wait3A_314 : memref<80xi32, #tpu.memory_space<hbm>>) dst(%dma_wait3A_312 : memref<80xi32, #tpu.memory_space<vmem>>)
        %get3A_315 = arith.index_cast %and3A_294 : i32 to index
        %get3A_316 = arith.constant 0 : index
        %get3A_317 = tpu.vector_load %arg9[%get3A_315, %get3A_316] {strides = array<i32>} : memref<4x80xi32, #tpu.memory_space<vmem>>, vector<1x16xi32>,
        %get3A_318 = vector.shape_cast %get3A_317 : vector<1x16xi32> to vector<16xi32>
        %add3A_319 = vector.broadcast %mul3A_0 : i32 to vector<16xi32>
        %add3A_320 = arith.addi %get3A_318, %add3A_319 : vector<16xi32>
        %swap3A_321 = arith.index_cast %and3A_294 : i32 to index
        %swap3A_322 = arith.constant 0 : index
        %swap3A_323 = tpu.vector_load %arg9[%swap3A_321, %swap3A_322] {strides = array<i32>} : memref<4x80xi32, #tpu.memory_space<vmem>>, vector<1x16xi32>,
        %swap3A_324 = vector.shape_cast %swap3A_323 : vector<1x16xi32> to vector<16xi32>
        %swap3A_325 = vector.shape_cast %add3A_320 : vector<16xi32> to vector<1x16xi32>
        tpu.vector_store %arg9[%swap3A_321, %swap3A_322], %swap3A_325 {strides = array<i32>} : memref<4x80xi32, #tpu.memory_space<vmem>>, vector<1x16xi32>,
        %get3A_326 = arith.index_cast %and3A_294 : i32 to index
        %get3A_327 = arith.constant 0 : index
        %get3A_328 = tpu.vector_load %arg10[%get3A_326, %get3A_327] {strides = array<i32>} : memref<4x80xi32, #tpu.memory_space<vmem>>, vector<1x16xi32>,
        %get3A_329 = vector.shape_cast %get3A_328 : vector<1x16xi32> to vector<16xi32>
        %add3A_330 = vector.broadcast %mul3A_0 : i32 to vector<16xi32>
        %add3A_331 = arith.addi %get3A_329, %add3A_330 : vector<16xi32>
        %swap3A_332 = arith.constant 0 : index
        %swap3A_333 = tpu.vector_load %arg12[%swap3A_332] {strides = array<i32>} : memref<80xi32, #tpu.memory_space<vmem>>, vector<16xi32>,
        %swap3A_334 = vector.shape_cast %swap3A_333 : vector<16xi32> to vector<16xi32>
        %swap3A_335 = vector.shape_cast %add3A_331 : vector<16xi32> to vector<16xi32>
        tpu.vector_store %arg12[%swap3A_332], %swap3A_335 {strides = array<i32>} : memref<80xi32, #tpu.memory_space<vmem>>, vector<16xi32>,
        %get3A_336 = arith.index_cast %and3A_294 : i32 to index
        %get3A_337 = arith.constant 16 : index
        %get3A_338 = tpu.vector_load %arg9[%get3A_336, %get3A_337] {strides = array<i32>} : memref<4x80xi32, #tpu.memory_space<vmem>>, vector<1x16xi32>,
        %get3A_339 = vector.shape_cast %get3A_338 : vector<1x16xi32> to vector<16xi32>
        %add3A_340 = vector.broadcast %mul3A_0 : i32 to vector<16xi32>
        %add3A_341 = arith.addi %get3A_339, %add3A_340 : vector<16xi32>
        %swap3A_342 = arith.index_cast %and3A_294 : i32 to index
        %swap3A_343 = arith.constant 16 : index
        %swap3A_344 = tpu.vector_load %arg9[%swap3A_342, %swap3A_343] {strides = array<i32>} : memref<4x80xi32, #tpu.memory_space<vmem>>, vector<1x16xi32>,
        %swap3A_345 = vector.shape_cast %swap3A_344 : vector<1x16xi32> to vector<16xi32>
        %swap3A_346 = vector.shape_cast %add3A_341 : vector<16xi32> to vector<1x16xi32>
        tpu.vector_store %arg9[%swap3A_342, %swap3A_343], %swap3A_346 {strides = array<i32>} : memref<4x80xi32, #tpu.memory_space<vmem>>, vector<1x16xi32>,
        %get3A_347 = arith.index_cast %and3A_294 : i32 to index
        %get3A_348 = arith.constant 16 : index
        %get3A_349 = tpu.vector_load %arg10[%get3A_347, %get3A_348] {strides = array<i32>} : memref<4x80xi32, #tpu.memory_space<vmem>>, vector<1x16xi32>,
        %get3A_350 = vector.shape_cast %get3A_349 : vector<1x16xi32> to vector<16xi32>
        %add3A_351 = vector.broadcast %mul3A_0 : i32 to vector<16xi32>
        %add3A_352 = arith.addi %get3A_350, %add3A_351 : vector<16xi32>
        %swap3A_353 = arith.constant 16 : index
        %swap3A_354 = tpu.vector_load %arg12[%swap3A_353] {strides = array<i32>} : memref<80xi32, #tpu.memory_space<vmem>>, vector<16xi32>,
        %swap3A_355 = vector.shape_cast %swap3A_354 : vector<16xi32> to vector<16xi32>
        %swap3A_356 = vector.shape_cast %add3A_352 : vector<16xi32> to vector<16xi32>
        tpu.vector_store %arg12[%swap3A_353], %swap3A_356 {strides = array<i32>} : memref<80xi32, #tpu.memory_space<vmem>>, vector<16xi32>,
        %get3A_357 = arith.index_cast %and3A_294 : i32 to index
        %get3A_358 = arith.constant 32 : index
        %get3A_359 = tpu.vector_load %arg9[%get3A_357, %get3A_358] {strides = array<i32>} : memref<4x80xi32, #tpu.memory_space<vmem>>, vector<1x16xi32>,
        %get3A_360 = vector.shape_cast %get3A_359 : vector<1x16xi32> to vector<16xi32>
        %add3A_361 = vector.broadcast %mul3A_0 : i32 to vector<16xi32>
        %add3A_362 = arith.addi %get3A_360, %add3A_361 : vector<16xi32>
        %swap3A_363 = arith.index_cast %and3A_294 : i32 to index
        %swap3A_364 = arith.constant 32 : index
        %swap3A_365 = tpu.vector_load %arg9[%swap3A_363, %swap3A_364] {strides = array<i32>} : memref<4x80xi32, #tpu.memory_space<vmem>>, vector<1x16xi32>,
        %swap3A_366 = vector.shape_cast %swap3A_365 : vector<1x16xi32> to vector<16xi32>
        %swap3A_367 = vector.shape_cast %add3A_362 : vector<16xi32> to vector<1x16xi32>
        tpu.vector_store %arg9[%swap3A_363, %swap3A_364], %swap3A_367 {strides = array<i32>} : memref<4x80xi32, #tpu.memory_space<vmem>>, vector<1x16xi32>,
        %get3A_368 = arith.index_cast %and3A_294 : i32 to index
        %get3A_369 = arith.constant 32 : index
        %get3A_370 = tpu.vector_load %arg10[%get3A_368, %get3A_369] {strides = array<i32>} : memref<4x80xi32, #tpu.memory_space<vmem>>, vector<1x16xi32>,
        %get3A_371 = vector.shape_cast %get3A_370 : vector<1x16xi32> to vector<16xi32>
        %add3A_372 = vector.broadcast %mul3A_0 : i32 to vector<16xi32>
        %add3A_373 = arith.addi %get3A_371, %add3A_372 : vector<16xi32>
        %swap3A_374 = arith.constant 32 : index
        %swap3A_375 = tpu.vector_load %arg12[%swap3A_374] {strides = array<i32>} : memref<80xi32, #tpu.memory_space<vmem>>, vector<16xi32>,
        %swap3A_376 = vector.shape_cast %swap3A_375 : vector<16xi32> to vector<16xi32>
        %swap3A_377 = vector.shape_cast %add3A_373 : vector<16xi32> to vector<16xi32>
        tpu.vector_store %arg12[%swap3A_374], %swap3A_377 {strides = array<i32>} : memref<80xi32, #tpu.memory_space<vmem>>, vector<16xi32>,
        %get3A_378 = arith.index_cast %and3A_294 : i32 to index
        %get3A_379 = arith.constant 48 : index
        %get3A_380 = tpu.vector_load %arg9[%get3A_378, %get3A_379] {strides = array<i32>} : memref<4x80xi32, #tpu.memory_space<vmem>>, vector<1x16xi32>,
        %get3A_381 = vector.shape_cast %get3A_380 : vector<1x16xi32> to vector<16xi32>
        %add3A_382 = vector.broadcast %mul3A_0 : i32 to vector<16xi32>
        %add3A_383 = arith.addi %get3A_381, %add3A_382 : vector<16xi32>
        %swap3A_384 = arith.index_cast %and3A_294 : i32 to index
        %swap3A_385 = arith.constant 48 : index
        %swap3A_386 = tpu.vector_load %arg9[%swap3A_384, %swap3A_385] {strides = array<i32>} : memref<4x80xi32, #tpu.memory_space<vmem>>, vector<1x16xi32>,
        %swap3A_387 = vector.shape_cast %swap3A_386 : vector<1x16xi32> to vector<16xi32>
        %swap3A_388 = vector.shape_cast %add3A_383 : vector<16xi32> to vector<1x16xi32>
        tpu.vector_store %arg9[%swap3A_384, %swap3A_385], %swap3A_388 {strides = array<i32>} : memref<4x80xi32, #tpu.memory_space<vmem>>, vector<1x16xi32>,
        %get3A_389 = arith.index_cast %and3A_294 : i32 to index
        %get3A_390 = arith.constant 48 : index
        %get3A_391 = tpu.vector_load %arg10[%get3A_389, %get3A_390] {strides = array<i32>} : memref<4x80xi32, #tpu.memory_space<vmem>>, vector<1x16xi32>,
        %get3A_392 = vector.shape_cast %get3A_391 : vector<1x16xi32> to vector<16xi32>
        %add3A_393 = vector.broadcast %mul3A_0 : i32 to vector<16xi32>
        %add3A_394 = arith.addi %get3A_392, %add3A_393 : vector<16xi32>
        %swap3A_395 = arith.constant 48 : index
        %swap3A_396 = tpu.vector_load %arg12[%swap3A_395] {strides = array<i32>} : memref<80xi32, #tpu.memory_space<vmem>>, vector<16xi32>,
        %swap3A_397 = vector.shape_cast %swap3A_396 : vector<16xi32> to vector<16xi32>
        %swap3A_398 = vector.shape_cast %add3A_394 : vector<16xi32> to vector<16xi32>
        tpu.vector_store %arg12[%swap3A_395], %swap3A_398 {strides = array<i32>} : memref<80xi32, #tpu.memory_space<vmem>>, vector<16xi32>,
        %get3A_399 = arith.index_cast %and3A_294 : i32 to index
        %get3A_400 = arith.constant 64 : index
        %get3A_401 = tpu.vector_load %arg9[%get3A_399, %get3A_400] {strides = array<i32>} : memref<4x80xi32, #tpu.memory_space<vmem>>, vector<1x16xi32>,
        %get3A_402 = vector.shape_cast %get3A_401 : vector<1x16xi32> to vector<16xi32>
        %add3A_403 = vector.broadcast %mul3A_0 : i32 to vector<16xi32>
        %add3A_404 = arith.addi %get3A_402, %add3A_403 : vector<16xi32>
        %swap3A_405 = arith.index_cast %and3A_294 : i32 to index
        %swap3A_406 = arith.constant 64 : index
        %swap3A_407 = tpu.vector_load %arg9[%swap3A_405, %swap3A_406] {strides = array<i32>} : memref<4x80xi32, #tpu.memory_space<vmem>>, vector<1x16xi32>,
        %swap3A_408 = vector.shape_cast %swap3A_407 : vector<1x16xi32> to vector<16xi32>
        %swap3A_409 = vector.shape_cast %add3A_404 : vector<16xi32> to vector<1x16xi32>
        tpu.vector_store %arg9[%swap3A_405, %swap3A_406], %swap3A_409 {strides = array<i32>} : memref<4x80xi32, #tpu.memory_space<vmem>>, vector<1x16xi32>,
        %get3A_410 = arith.index_cast %and3A_294 : i32 to index
        %get3A_411 = arith.constant 64 : index
        %get3A_412 = tpu.vector_load %arg10[%get3A_410, %get3A_411] {strides = array<i32>} : memref<4x80xi32, #tpu.memory_space<vmem>>, vector<1x16xi32>,
        %get3A_413 = vector.shape_cast %get3A_412 : vector<1x16xi32> to vector<16xi32>
        %add3A_414 = vector.broadcast %mul3A_0 : i32 to vector<16xi32>
        %add3A_415 = arith.addi %get3A_413, %add3A_414 : vector<16xi32>
        %swap3A_416 = arith.constant 64 : index
        %swap3A_417 = tpu.vector_load %arg12[%swap3A_416] {strides = array<i32>} : memref<80xi32, #tpu.memory_space<vmem>>, vector<16xi32>,
        %swap3A_418 = vector.shape_cast %swap3A_417 : vector<16xi32> to vector<16xi32>
        %swap3A_419 = vector.shape_cast %add3A_415 : vector<16xi32> to vector<16xi32>
        tpu.vector_store %arg12[%swap3A_416], %swap3A_419 {strides = array<i32>} : memref<80xi32, #tpu.memory_space<vmem>>, vector<16xi32>,
        %add3A_420 = arith.constant 1 : i32
        %add3A_421 = arith.addi %add3A_216, %add3A_420 : i32
        %and3A_422 = arith.constant 3 : i32
        %and3A_423 = arith.andi %add3A_421, %and3A_422 : i32
        %dma_start3A_424 = arith.constant 0 : i32
        %dma_start3A_425 = tpu.memref_slice %arg9[%and3A_423, %dma_start3A_424] : memref<4x80xi32, #tpu.memory_space<vmem>> -> memref<1x80xi32, #tpu.memory_space<vmem>>
        %dma_start3A_426 = tpu.memref_squeeze %dma_start3A_425 : memref<1x80xi32, #tpu.memory_space<vmem>> -> memref<80xi32, #tpu.memory_space<vmem>>
        %dma_start3A_427 = arith.constant 0 : i32
        %dma_start3A_428 = arith.constant 0 : i32
        %dma_start3A_429 = tpu.memref_slice %arg2[%dma_start3A_427, %dma_start3A_428] : memref<20000x80xf32, #tpu.memory_space<hbm>> -> memref<20000x80xf32, #tpu.memory_space<hbm>>
        tpu.enqueue_indirect_dma source(%dma_start3A_429 : memref<20000x80xf32, #tpu.memory_space<hbm>>) target(%arg14 : memref<80x80xf32, #tpu.memory_space<vmem>>) offsets(%dma_start3A_426 : memref<80xi32, #tpu.memory_space<vmem>>) semaphore(%arg19 : memref<!tpu.dma_semaphore, #tpu.memory_space<semaphore_mem>>)
        %dma_start3A_430 = arith.constant 0 : i32
        %dma_start3A_431 = arith.constant 0 : i32
        %dma_start3A_432 = tpu.memref_slice %arg3[%dma_start3A_430, %dma_start3A_431] : memref<20000x16xf32, #tpu.memory_space<hbm>> -> memref<20000x16xf32, #tpu.memory_space<hbm>>
        tpu.enqueue_indirect_dma source(%dma_start3A_432 : memref<20000x16xf32, #tpu.memory_space<hbm>>) target(%arg16 : memref<80x16xf32, #tpu.memory_space<vmem>>) offsets(%arg12 : memref<80xi32, #tpu.memory_space<vmem>>) semaphore(%arg19 : memref<!tpu.dma_semaphore, #tpu.memory_space<semaphore_mem>>)
      } else {
      }
      %dma_wait3A_225 = arith.constant 0 : i32
      %dma_wait3A_226 = arith.constant 0 : i32
      %dma_wait3A_227 = tpu.memref_slice %arg9[%dma_wait3A_225, %dma_wait3A_226] : memref<4x80xi32, #tpu.memory_space<vmem>> -> memref<1x80xi32, #tpu.memory_space<vmem>>
      %dma_wait3A_228 = tpu.memref_squeeze %dma_wait3A_227 : memref<1x80xi32, #tpu.memory_space<vmem>> -> memref<80xi32, #tpu.memory_space<vmem>>
      %dma_wait3A_229 = arith.constant 0 : i32
      %dma_wait3A_230 = arith.constant 0 : i32
      %dma_wait3A_231 = tpu.memref_slice %arg2[%dma_wait3A_229, %dma_wait3A_230] : memref<20000x80xf32, #tpu.memory_space<hbm>> -> memref<20000x80xf32, #tpu.memory_space<hbm>>
      tpu.wait_indirect_dma semaphore(%arg18 : memref<!tpu.dma_semaphore, #tpu.memory_space<semaphore_mem>>) src(%dma_wait3A_231 : memref<20000x80xf32, #tpu.memory_space<hbm>>) dst(%arg13 : memref<80x80xf32, #tpu.memory_space<vmem>>)
      %dma_wait3A_232 = arith.constant 0 : i32
      %dma_wait3A_233 = arith.constant 0 : i32
      %dma_wait3A_234 = tpu.memref_slice %arg3[%dma_wait3A_232, %dma_wait3A_233] : memref<20000x16xf32, #tpu.memory_space<hbm>> -> memref<20000x16xf32, #tpu.memory_space<hbm>>
      tpu.wait_indirect_dma semaphore(%arg18 : memref<!tpu.dma_semaphore, #tpu.memory_space<semaphore_mem>>) src(%dma_wait3A_234 : memref<20000x16xf32, #tpu.memory_space<hbm>>) dst(%arg15 : memref<80x16xf32, #tpu.memory_space<vmem>>)
      %parallel_loop3A = arith.constant 0 : i32
      %parallel_loop3A_235 = arith.constant 80 : i32
      %parallel_loop3A_236 = arith.constant 1 : i32
      scf.for %parallel_loop3A_291 = %parallel_loop3A to %parallel_loop3A_235 step %parallel_loop3A_236  : i32 {
        %parallel_loop3A_292 = arith.index_cast %parallel_loop3A_291 : i32 to index
        %parallel_loop3A_293 = arith.constant 64 : index
        %parallel_loop3A_294 = tpu.vector_load %arg13[%parallel_loop3A_292, %parallel_loop3A_293] {strides = array<i32>} : memref<80x80xf32, #tpu.memory_space<vmem>>, vector<1x16xf32>,
        %parallel_loop3A_295 = vector.shape_cast %parallel_loop3A_294 : vector<1x16xf32> to vector<16xf32>
        %parallel_loop3A_296 = arith.index_cast %parallel_loop3A_291 : i32 to index
        %parallel_loop3A_297 = arith.constant 0 : index
        %parallel_loop3A_298 = tpu.vector_load %arg15[%parallel_loop3A_296, %parallel_loop3A_297] {strides = array<i32>} : memref<80x16xf32, #tpu.memory_space<vmem>>, vector<1x16xf32>,
        %parallel_loop3A_299 = vector.shape_cast %parallel_loop3A_298 : vector<1x16xf32> to vector<16xf32>
        %parallel_loop3A_300 = arith.addf %parallel_loop3A_295, %parallel_loop3A_299 : vector<16xf32>
        %parallel_loop3A_301 = arith.constant 2.000000e-01 : f32
        %parallel_loop3A_302 = vector.broadcast %parallel_loop3A_301 : f32 to vector<16xf32>
        %parallel_loop3A_303 = arith.mulf %parallel_loop3A_302, %parallel_loop3A_300 : vector<16xf32>
        %parallel_loop3A_304 = arith.maximumf %parallel_loop3A_300, %parallel_loop3A_303 : vector<16xf32>
        %parallel_loop3A_305 = math.exp %parallel_loop3A_304 : vector<16xf32>
        %parallel_loop3A_306 = arith.index_cast %parallel_loop3A_291 : i32 to index
        %parallel_loop3A_307 = arith.constant 64 : index
        %parallel_loop3A_308 = tpu.vector_load %arg13[%parallel_loop3A_306, %parallel_loop3A_307] {strides = array<i32>} : memref<80x80xf32, #tpu.memory_space<vmem>>, vector<1x16xf32>,
        %parallel_loop3A_309 = vector.shape_cast %parallel_loop3A_308 : vector<1x16xf32> to vector<16xf32>
        %parallel_loop3A_310 = vector.shape_cast %parallel_loop3A_305 : vector<16xf32> to vector<1x16xf32>
        tpu.vector_store %arg13[%parallel_loop3A_306, %parallel_loop3A_307], %parallel_loop3A_310 {strides = array<i32>} : memref<80x80xf32, #tpu.memory_space<vmem>>, vector<1x16xf32>,
        %parallel_loop3A_311 = arith.constant 0 : i32
        %parallel_loop3A_312 = vector.broadcast %parallel_loop3A_311 : i32 to vector<16xi32>
        %parallel_loop3A_313 = arith.constant 0 : i32
        %parallel_loop3A_314 = vector.broadcast %parallel_loop3A_313 : i32 to vector<16xi32>
        %parallel_loop3A_315 = arith.cmpi slt, %parallel_loop3A_312, %parallel_loop3A_314 : vector<16xi32>
        %parallel_loop3A_316 = arith.constant 16 : i32
        %parallel_loop3A_317 = vector.broadcast %parallel_loop3A_316 : i32 to vector<16xi32>
        %parallel_loop3A_318 = arith.addi %parallel_loop3A_312, %parallel_loop3A_317 : vector<16xi32>
        %parallel_loop3A_319 = arith.select %parallel_loop3A_315, %parallel_loop3A_318, %parallel_loop3A_312 : vector<16xi1>, vector<16xi32>
        %parallel_loop3A_320 = vector.shape_cast %parallel_loop3A_319 : vector<16xi32> to vector<16x1xi32>
        %parallel_loop3A_321 = vector.shape_cast %parallel_loop3A_320 : vector<16x1xi32> to vector<16xi32>
        %parallel_loop3A_322 = tpu.dynamic_gather %parallel_loop3A_305[%parallel_loop3A_321] in [0] : vector<16xf32>, vector<16xi32> -> vector<16xf32>
        %parallel_loop3A_323 = arith.index_cast %parallel_loop3A_291 : i32 to index
        %parallel_loop3A_324 = arith.constant 0 : index
        %parallel_loop3A_325 = tpu.vector_load %arg13[%parallel_loop3A_323, %parallel_loop3A_324] {strides = array<i32>} : memref<80x80xf32, #tpu.memory_space<vmem>>, vector<1x16xf32>,
        %parallel_loop3A_326 = vector.shape_cast %parallel_loop3A_325 : vector<1x16xf32> to vector<16xf32>
        %parallel_loop3A_327 = arith.mulf %parallel_loop3A_326, %parallel_loop3A_322 : vector<16xf32>
        %parallel_loop3A_328 = arith.index_cast %parallel_loop3A_291 : i32 to index
        %parallel_loop3A_329 = arith.constant 0 : index
        %parallel_loop3A_330 = tpu.vector_load %arg13[%parallel_loop3A_328, %parallel_loop3A_329] {strides = array<i32>} : memref<80x80xf32, #tpu.memory_space<vmem>>, vector<1x16xf32>,
        %parallel_loop3A_331 = vector.shape_cast %parallel_loop3A_330 : vector<1x16xf32> to vector<16xf32>
        %parallel_loop3A_332 = vector.shape_cast %parallel_loop3A_327 : vector<16xf32> to vector<1x16xf32>
        tpu.vector_store %arg13[%parallel_loop3A_328, %parallel_loop3A_329], %parallel_loop3A_332 {strides = array<i32>} : memref<80x80xf32, #tpu.memory_space<vmem>>, vector<1x16xf32>,
        %parallel_loop3A_333 = arith.constant 1 : i32
        %parallel_loop3A_334 = vector.broadcast %parallel_loop3A_333 : i32 to vector<16xi32>
        %parallel_loop3A_335 = arith.constant 0 : i32
        %parallel_loop3A_336 = vector.broadcast %parallel_loop3A_335 : i32 to vector<16xi32>
        %parallel_loop3A_337 = arith.cmpi slt, %parallel_loop3A_334, %parallel_loop3A_336 : vector<16xi32>
        %parallel_loop3A_338 = arith.constant 16 : i32
        %parallel_loop3A_339 = vector.broadcast %parallel_loop3A_338 : i32 to vector<16xi32>
        %parallel_loop3A_340 = arith.addi %parallel_loop3A_334, %parallel_loop3A_339 : vector<16xi32>
        %parallel_loop3A_341 = arith.select %parallel_loop3A_337, %parallel_loop3A_340, %parallel_loop3A_334 : vector<16xi1>, vector<16xi32>
        %parallel_loop3A_342 = vector.shape_cast %parallel_loop3A_341 : vector<16xi32> to vector<16x1xi32>
        %parallel_loop3A_343 = vector.shape_cast %parallel_loop3A_342 : vector<16x1xi32> to vector<16xi32>
        %parallel_loop3A_344 = tpu.dynamic_gather %parallel_loop3A_305[%parallel_loop3A_343] in [0] : vector<16xf32>, vector<16xi32> -> vector<16xf32>
        %parallel_loop3A_345 = arith.index_cast %parallel_loop3A_291 : i32 to index
        %parallel_loop3A_346 = arith.constant 16 : index
        %parallel_loop3A_347 = tpu.vector_load %arg13[%parallel_loop3A_345, %parallel_loop3A_346] {strides = array<i32>} : memref<80x80xf32, #tpu.memory_space<vmem>>, vector<1x16xf32>,
        %parallel_loop3A_348 = vector.shape_cast %parallel_loop3A_347 : vector<1x16xf32> to vector<16xf32>
        %parallel_loop3A_349 = arith.mulf %parallel_loop3A_348, %parallel_loop3A_344 : vector<16xf32>
        %parallel_loop3A_350 = arith.index_cast %parallel_loop3A_291 : i32 to index
        %parallel_loop3A_351 = arith.constant 16 : index
        %parallel_loop3A_352 = tpu.vector_load %arg13[%parallel_loop3A_350, %parallel_loop3A_351] {strides = array<i32>} : memref<80x80xf32, #tpu.memory_space<vmem>>, vector<1x16xf32>,
        %parallel_loop3A_353 = vector.shape_cast %parallel_loop3A_352 : vector<1x16xf32> to vector<16xf32>
        %parallel_loop3A_354 = vector.shape_cast %parallel_loop3A_349 : vector<16xf32> to vector<1x16xf32>
        tpu.vector_store %arg13[%parallel_loop3A_350, %parallel_loop3A_351], %parallel_loop3A_354 {strides = array<i32>} : memref<80x80xf32, #tpu.memory_space<vmem>>, vector<1x16xf32>,
        %parallel_loop3A_355 = arith.constant 2 : i32
        %parallel_loop3A_356 = vector.broadcast %parallel_loop3A_355 : i32 to vector<16xi32>
        %parallel_loop3A_357 = arith.constant 0 : i32
        %parallel_loop3A_358 = vector.broadcast %parallel_loop3A_357 : i32 to vector<16xi32>
        %parallel_loop3A_359 = arith.cmpi slt, %parallel_loop3A_356, %parallel_loop3A_358 : vector<16xi32>
        %parallel_loop3A_360 = arith.constant 16 : i32
        %parallel_loop3A_361 = vector.broadcast %parallel_loop3A_360 : i32 to vector<16xi32>
        %parallel_loop3A_362 = arith.addi %parallel_loop3A_356, %parallel_loop3A_361 : vector<16xi32>
        %parallel_loop3A_363 = arith.select %parallel_loop3A_359, %parallel_loop3A_362, %parallel_loop3A_356 : vector<16xi1>, vector<16xi32>
        %parallel_loop3A_364 = vector.shape_cast %parallel_loop3A_363 : vector<16xi32> to vector<16x1xi32>
        %parallel_loop3A_365 = vector.shape_cast %parallel_loop3A_364 : vector<16x1xi32> to vector<16xi32>
        %parallel_loop3A_366 = tpu.dynamic_gather %parallel_loop3A_305[%parallel_loop3A_365] in [0] : vector<16xf32>, vector<16xi32> -> vector<16xf32>
        %parallel_loop3A_367 = arith.index_cast %parallel_loop3A_291 : i32 to index
        %parallel_loop3A_368 = arith.constant 32 : index
        %parallel_loop3A_369 = tpu.vector_load %arg13[%parallel_loop3A_367, %parallel_loop3A_368] {strides = array<i32>} : memref<80x80xf32, #tpu.memory_space<vmem>>, vector<1x16xf32>,
        %parallel_loop3A_370 = vector.shape_cast %parallel_loop3A_369 : vector<1x16xf32> to vector<16xf32>
        %parallel_loop3A_371 = arith.mulf %parallel_loop3A_370, %parallel_loop3A_366 : vector<16xf32>
        %parallel_loop3A_372 = arith.index_cast %parallel_loop3A_291 : i32 to index
        %parallel_loop3A_373 = arith.constant 32 : index
        %parallel_loop3A_374 = tpu.vector_load %arg13[%parallel_loop3A_372, %parallel_loop3A_373] {strides = array<i32>} : memref<80x80xf32, #tpu.memory_space<vmem>>, vector<1x16xf32>,
        %parallel_loop3A_375 = vector.shape_cast %parallel_loop3A_374 : vector<1x16xf32> to vector<16xf32>
        %parallel_loop3A_376 = vector.shape_cast %parallel_loop3A_371 : vector<16xf32> to vector<1x16xf32>
        tpu.vector_store %arg13[%parallel_loop3A_372, %parallel_loop3A_373], %parallel_loop3A_376 {strides = array<i32>} : memref<80x80xf32, #tpu.memory_space<vmem>>, vector<1x16xf32>,
        %parallel_loop3A_377 = arith.constant 3 : i32
        %parallel_loop3A_378 = vector.broadcast %parallel_loop3A_377 : i32 to vector<16xi32>
        %parallel_loop3A_379 = arith.constant 0 : i32
        %parallel_loop3A_380 = vector.broadcast %parallel_loop3A_379 : i32 to vector<16xi32>
        %parallel_loop3A_381 = arith.cmpi slt, %parallel_loop3A_378, %parallel_loop3A_380 : vector<16xi32>
        %parallel_loop3A_382 = arith.constant 16 : i32
        %parallel_loop3A_383 = vector.broadcast %parallel_loop3A_382 : i32 to vector<16xi32>
        %parallel_loop3A_384 = arith.addi %parallel_loop3A_378, %parallel_loop3A_383 : vector<16xi32>
        %parallel_loop3A_385 = arith.select %parallel_loop3A_381, %parallel_loop3A_384, %parallel_loop3A_378 : vector<16xi1>, vector<16xi32>
        %parallel_loop3A_386 = vector.shape_cast %parallel_loop3A_385 : vector<16xi32> to vector<16x1xi32>
        %parallel_loop3A_387 = vector.shape_cast %parallel_loop3A_386 : vector<16x1xi32> to vector<16xi32>
        %parallel_loop3A_388 = tpu.dynamic_gather %parallel_loop3A_305[%parallel_loop3A_387] in [0] : vector<16xf32>, vector<16xi32> -> vector<16xf32>
        %parallel_loop3A_389 = arith.index_cast %parallel_loop3A_291 : i32 to index
        %parallel_loop3A_390 = arith.constant 48 : index
        %parallel_loop3A_391 = tpu.vector_load %arg13[%parallel_loop3A_389, %parallel_loop3A_390] {strides = array<i32>} : memref<80x80xf32, #tpu.memory_space<vmem>>, vector<1x16xf32>,
        %parallel_loop3A_392 = vector.shape_cast %parallel_loop3A_391 : vector<1x16xf32> to vector<16xf32>
        %parallel_loop3A_393 = arith.mulf %parallel_loop3A_392, %parallel_loop3A_388 : vector<16xf32>
        %parallel_loop3A_394 = arith.index_cast %parallel_loop3A_291 : i32 to index
        %parallel_loop3A_395 = arith.constant 48 : index
        %parallel_loop3A_396 = tpu.vector_load %arg13[%parallel_loop3A_394, %parallel_loop3A_395] {strides = array<i32>} : memref<80x80xf32, #tpu.memory_space<vmem>>, vector<1x16xf32>,
        %parallel_loop3A_397 = vector.shape_cast %parallel_loop3A_396 : vector<1x16xf32> to vector<16xf32>
        %parallel_loop3A_398 = vector.shape_cast %parallel_loop3A_393 : vector<16xf32> to vector<1x16xf32>
        tpu.vector_store %arg13[%parallel_loop3A_394, %parallel_loop3A_395], %parallel_loop3A_398 {strides = array<i32>} : memref<80x80xf32, #tpu.memory_space<vmem>>, vector<1x16xf32>,
      } {sc.loop_unroll_factor = 4 : i64, sc.parallel_access}
      %and3A_237 = arith.constant 3 : i32
      %and3A_238 = arith.andi %add3A_216, %and3A_237 : i32
      %dma_start3A_239 = arith.constant 0 : i32
      %dma_start3A_240 = tpu.memref_slice %arg10[%and3A_238, %dma_start3A_239] : memref<4x80xi32, #tpu.memory_space<vmem>> -> memref<1x80xi32, #tpu.memory_space<vmem>>
      %dma_start3A_241 = tpu.memref_squeeze %dma_start3A_240 : memref<1x80xi32, #tpu.memory_space<vmem>> -> memref<80xi32, #tpu.memory_space<vmem>>
      %dma_start3A_242 = arith.constant 0 : i32
      %dma_start3A_243 = arith.constant 0 : i32
      %dma_start3A_244 = tpu.memref_slice %arg8[%dma_start3A_242, %dma_start3A_243] : memref<10000x80xf32, #tpu.memory_space<vmem_shared>> -> memref<10000x80xf32, #tpu.memory_space<vmem_shared>>
      tpu.enqueue_indirect_dma source(%arg13 : memref<80x80xf32, #tpu.memory_space<vmem>>) target(%dma_start3A_244 : memref<10000x80xf32, #tpu.memory_space<vmem_shared>>) offsets(%dma_start3A_241 : memref<80xi32, #tpu.memory_space<vmem>>) semaphore(%arg20 : memref<!tpu.dma_semaphore, #tpu.memory_space<semaphore_mem>>) {add = true}
      %le3A_245 = arith.constant 247 : i32
      %le3A_246 = arith.cmpi sle, %add3A_216, %le3A_245 : i32
      %convert_element_type3A_247 = arith.extui %le3A_246 : i1 to i32
      %cond3A_248 = arith.constant 0 : i32
      %cond3A_249 = arith.cmpi ne, %convert_element_type3A_247, %cond3A_248 : i32
      scf.if %cond3A_249 {
        %add3A_291 = arith.constant 2 : i32
        %add3A_292 = arith.addi %add3A_216, %add3A_291 : i32
        %and3A_293 = arith.constant 3 : i32
        %and3A_294 = arith.andi %add3A_292, %and3A_293 : i32
        %mul3A_295 = arith.constant 16 : i32
        %mul3A_296 = arith.muli %add3A_292, %mul3A_295 : i32
        %add3A_297 = arith.addi %arg1, %mul3A_296 : i32
        %mul3A_298 = arith.constant 80 : i32
        %mul3A_299 = arith.muli %add3A_297, %mul3A_298 : i32
        %dma_start3A_300 = arith.constant 0 : i32
        %dma_start3A_301 = tpu.memref_slice %arg9[%and3A_294, %dma_start3A_300] : memref<4x80xi32, #tpu.memory_space<vmem>> -> memref<1x80xi32, #tpu.memory_space<vmem>>
        %dma_start3A_302 = tpu.memref_squeeze %dma_start3A_301 : memref<1x80xi32, #tpu.memory_space<vmem>> -> memref<80xi32, #tpu.memory_space<vmem>>
        %dma_start3A_303 = tpu.memref_slice %arg4[%mul3A_299] : memref<320000xi32, #tpu.memory_space<hbm>> -> memref<80xi32, #tpu.memory_space<hbm>>
        %dma_start3A_304 = arith.constant 0 : i32
        %dma_start3A_305 = tpu.memref_slice %arg9[%and3A_294, %dma_start3A_304] : memref<4x80xi32, #tpu.memory_space<vmem>> -> memref<1x80xi32, #tpu.memory_space<vmem>>
        %dma_start3A_306 = tpu.memref_squeeze %dma_start3A_305 : memref<1x80xi32, #tpu.memory_space<vmem>> -> memref<80xi32, #tpu.memory_space<vmem>>
        %dma_start3A_307 = tpu.memref_slice %arg4[%mul3A_299] : memref<320000xi32, #tpu.memory_space<hbm>> -> memref<80xi32, #tpu.memory_space<hbm>>
        tpu.enqueue_dma source(%dma_start3A_307 : memref<80xi32, #tpu.memory_space<hbm>>) target(%dma_start3A_306 : memref<80xi32, #tpu.memory_space<vmem>>) target_semaphore(%arg17 : memref<!tpu.dma_semaphore, #tpu.memory_space<semaphore_mem>>)
        %dma_start3A_308 = arith.constant 0 : i32
        %dma_start3A_309 = tpu.memref_slice %arg10[%and3A_294, %dma_start3A_308] : memref<4x80xi32, #tpu.memory_space<vmem>> -> memref<1x80xi32, #tpu.memory_space<vmem>>
        %dma_start3A_310 = tpu.memref_squeeze %dma_start3A_309 : memref<1x80xi32, #tpu.memory_space<vmem>> -> memref<80xi32, #tpu.memory_space<vmem>>
        %dma_start3A_311 = tpu.memref_slice %arg5[%mul3A_299] : memref<320000xi32, #tpu.memory_space<hbm>> -> memref<80xi32, #tpu.memory_space<hbm>>
        %dma_start3A_312 = arith.constant 0 : i32
        %dma_start3A_313 = tpu.memref_slice %arg10[%and3A_294, %dma_start3A_312] : memref<4x80xi32, #tpu.memory_space<vmem>> -> memref<1x80xi32, #tpu.memory_space<vmem>>
        %dma_start3A_314 = tpu.memref_squeeze %dma_start3A_313 : memref<1x80xi32, #tpu.memory_space<vmem>> -> memref<80xi32, #tpu.memory_space<vmem>>
        %dma_start3A_315 = tpu.memref_slice %arg5[%mul3A_299] : memref<320000xi32, #tpu.memory_space<hbm>> -> memref<80xi32, #tpu.memory_space<hbm>>
        tpu.enqueue_dma source(%dma_start3A_315 : memref<80xi32, #tpu.memory_space<hbm>>) target(%dma_start3A_314 : memref<80xi32, #tpu.memory_space<vmem>>) target_semaphore(%arg17 : memref<!tpu.dma_semaphore, #tpu.memory_space<semaphore_mem>>)
      } else {
      }
      %mul3A_250 = arith.constant 2 : i32
      %mul3A_251 = arith.muli %mul3A_250, %scan3A_211 : i32
      %add3A_252 = arith.constant 1 : i32
      %add3A_253 = arith.addi %mul3A_251, %add3A_252 : i32
      %ge3A_254 = arith.constant 1 : i32
      %ge3A_255 = arith.cmpi sge, %add3A_253, %ge3A_254 : i32
      %convert_element_type3A_256 = arith.extui %ge3A_255 : i1 to i32
      %cond3A_257 = arith.constant 0 : i32
      %cond3A_258 = arith.cmpi ne, %convert_element_type3A_256, %cond3A_257 : i32
      scf.if %cond3A_258 {
        %dma_wait3A_291 = arith.constant 0 : i32
        %dma_wait3A_292 = arith.constant 0 : i32
        %dma_wait3A_293 = tpu.memref_slice %arg10[%dma_wait3A_291, %dma_wait3A_292] : memref<4x80xi32, #tpu.memory_space<vmem>> -> memref<1x80xi32, #tpu.memory_space<vmem>>
        %dma_wait3A_294 = tpu.memref_squeeze %dma_wait3A_293 : memref<1x80xi32, #tpu.memory_space<vmem>> -> memref<80xi32, #tpu.memory_space<vmem>>
        %dma_wait3A_295 = arith.constant 0 : i32
        %dma_wait3A_296 = arith.constant 0 : i32
        %dma_wait3A_297 = tpu.memref_slice %arg8[%dma_wait3A_295, %dma_wait3A_296] : memref<10000x80xf32, #tpu.memory_space<vmem_shared>> -> memref<10000x80xf32, #tpu.memory_space<vmem_shared>>
        tpu.wait_indirect_dma semaphore(%arg20 : memref<!tpu.dma_semaphore, #tpu.memory_space<semaphore_mem>>) src(%arg13 : memref<80x80xf32, #tpu.memory_space<vmem>>) dst(%dma_wait3A_297 : memref<10000x80xf32, #tpu.memory_space<vmem_shared>>)
      } else {
      }
      %le3A_259 = arith.constant 248 : i32
      %le3A_260 = arith.cmpi sle, %add3A_253, %le3A_259 : i32
      %convert_element_type3A_261 = arith.extui %le3A_260 : i1 to i32
      %cond3A_262 = arith.constant 0 : i32
      %cond3A_263 = arith.cmpi ne, %convert_element_type3A_261, %cond3A_262 : i32
      scf.if %cond3A_263 {
        %add3A_291 = arith.constant 1 : i32
        %add3A_292 = arith.addi %add3A_253, %add3A_291 : i32
        %and3A_293 = arith.constant 3 : i32
        %and3A_294 = arith.andi %add3A_292, %and3A_293 : i32
        %dma_wait3A_295 = arith.constant 0 : i32
        %dma_wait3A_296 = tpu.memref_slice %arg9[%and3A_294, %dma_wait3A_295] : memref<4x80xi32, #tpu.memory_space<vmem>> -> memref<1x80xi32, #tpu.memory_space<vmem>>
        %dma_wait3A_297 = tpu.memref_squeeze %dma_wait3A_296 : memref<1x80xi32, #tpu.memory_space<vmem>> -> memref<80xi32, #tpu.memory_space<vmem>>
        %dma_wait3A_298 = arith.constant 0 : i32
        %dma_wait3A_299 = tpu.memref_slice %arg4[%dma_wait3A_298] : memref<320000xi32, #tpu.memory_space<hbm>> -> memref<80xi32, #tpu.memory_space<hbm>>
        %dma_wait3A_300 = arith.constant 0 : i32
        %dma_wait3A_301 = tpu.memref_slice %arg9[%and3A_294, %dma_wait3A_300] : memref<4x80xi32, #tpu.memory_space<vmem>> -> memref<1x80xi32, #tpu.memory_space<vmem>>
        %dma_wait3A_302 = tpu.memref_squeeze %dma_wait3A_301 : memref<1x80xi32, #tpu.memory_space<vmem>> -> memref<80xi32, #tpu.memory_space<vmem>>
        %dma_wait3A_303 = arith.constant 0 : i32
        %dma_wait3A_304 = tpu.memref_slice %arg4[%dma_wait3A_303] : memref<320000xi32, #tpu.memory_space<hbm>> -> memref<80xi32, #tpu.memory_space<hbm>>
        tpu.wait_dma2 semaphore(%arg17 : memref<!tpu.dma_semaphore, #tpu.memory_space<semaphore_mem>>) src(%dma_wait3A_304 : memref<80xi32, #tpu.memory_space<hbm>>) dst(%dma_wait3A_302 : memref<80xi32, #tpu.memory_space<vmem>>)
        %dma_wait3A_305 = arith.constant 0 : i32
        %dma_wait3A_306 = tpu.memref_slice %arg10[%and3A_294, %dma_wait3A_305] : memref<4x80xi32, #tpu.memory_space<vmem>> -> memref<1x80xi32, #tpu.memory_space<vmem>>
        %dma_wait3A_307 = tpu.memref_squeeze %dma_wait3A_306 : memref<1x80xi32, #tpu.memory_space<vmem>> -> memref<80xi32, #tpu.memory_space<vmem>>
        %dma_wait3A_308 = arith.constant 0 : i32
        %dma_wait3A_309 = tpu.memref_slice %arg5[%dma_wait3A_308] : memref<320000xi32, #tpu.memory_space<hbm>> -> memref<80xi32, #tpu.memory_space<hbm>>
        %dma_wait3A_310 = arith.constant 0 : i32
        %dma_wait3A_311 = tpu.memref_slice %arg10[%and3A_294, %dma_wait3A_310] : memref<4x80xi32, #tpu.memory_space<vmem>> -> memref<1x80xi32, #tpu.memory_space<vmem>>
        %dma_wait3A_312 = tpu.memref_squeeze %dma_wait3A_311 : memref<1x80xi32, #tpu.memory_space<vmem>> -> memref<80xi32, #tpu.memory_space<vmem>>
        %dma_wait3A_313 = arith.constant 0 : i32
        %dma_wait3A_314 = tpu.memref_slice %arg5[%dma_wait3A_313] : memref<320000xi32, #tpu.memory_space<hbm>> -> memref<80xi32, #tpu.memory_space<hbm>>
        tpu.wait_dma2 semaphore(%arg17 : memref<!tpu.dma_semaphore, #tpu.memory_space<semaphore_mem>>) src(%dma_wait3A_314 : memref<80xi32, #tpu.memory_space<hbm>>) dst(%dma_wait3A_312 : memref<80xi32, #tpu.memory_space<vmem>>)
        %get3A_315 = arith.index_cast %and3A_294 : i32 to index
        %get3A_316 = arith.constant 0 : index
        %get3A_317 = tpu.vector_load %arg9[%get3A_315, %get3A_316] {strides = array<i32>} : memref<4x80xi32, #tpu.memory_space<vmem>>, vector<1x16xi32>,
        %get3A_318 = vector.shape_cast %get3A_317 : vector<1x16xi32> to vector<16xi32>
        %add3A_319 = vector.broadcast %mul3A_0 : i32 to vector<16xi32>
        %add3A_320 = arith.addi %get3A_318, %add3A_319 : vector<16xi32>
        %swap3A_321 = arith.index_cast %and3A_294 : i32 to index
        %swap3A_322 = arith.constant 0 : index
        %swap3A_323 = tpu.vector_load %arg9[%swap3A_321, %swap3A_322] {strides = array<i32>} : memref<4x80xi32, #tpu.memory_space<vmem>>, vector<1x16xi32>,
        %swap3A_324 = vector.shape_cast %swap3A_323 : vector<1x16xi32> to vector<16xi32>
        %swap3A_325 = vector.shape_cast %add3A_320 : vector<16xi32> to vector<1x16xi32>
        tpu.vector_store %arg9[%swap3A_321, %swap3A_322], %swap3A_325 {strides = array<i32>} : memref<4x80xi32, #tpu.memory_space<vmem>>, vector<1x16xi32>,
        %get3A_326 = arith.index_cast %and3A_294 : i32 to index
        %get3A_327 = arith.constant 0 : index
        %get3A_328 = tpu.vector_load %arg10[%get3A_326, %get3A_327] {strides = array<i32>} : memref<4x80xi32, #tpu.memory_space<vmem>>, vector<1x16xi32>,
        %get3A_329 = vector.shape_cast %get3A_328 : vector<1x16xi32> to vector<16xi32>
        %add3A_330 = vector.broadcast %mul3A_0 : i32 to vector<16xi32>
        %add3A_331 = arith.addi %get3A_329, %add3A_330 : vector<16xi32>
        %swap3A_332 = arith.constant 0 : index
        %swap3A_333 = tpu.vector_load %arg11[%swap3A_332] {strides = array<i32>} : memref<80xi32, #tpu.memory_space<vmem>>, vector<16xi32>,
        %swap3A_334 = vector.shape_cast %swap3A_333 : vector<16xi32> to vector<16xi32>
        %swap3A_335 = vector.shape_cast %add3A_331 : vector<16xi32> to vector<16xi32>
        tpu.vector_store %arg11[%swap3A_332], %swap3A_335 {strides = array<i32>} : memref<80xi32, #tpu.memory_space<vmem>>, vector<16xi32>,
        %get3A_336 = arith.index_cast %and3A_294 : i32 to index
        %get3A_337 = arith.constant 16 : index
        %get3A_338 = tpu.vector_load %arg9[%get3A_336, %get3A_337] {strides = array<i32>} : memref<4x80xi32, #tpu.memory_space<vmem>>, vector<1x16xi32>,
        %get3A_339 = vector.shape_cast %get3A_338 : vector<1x16xi32> to vector<16xi32>
        %add3A_340 = vector.broadcast %mul3A_0 : i32 to vector<16xi32>
        %add3A_341 = arith.addi %get3A_339, %add3A_340 : vector<16xi32>
        %swap3A_342 = arith.index_cast %and3A_294 : i32 to index
        %swap3A_343 = arith.constant 16 : index
        %swap3A_344 = tpu.vector_load %arg9[%swap3A_342, %swap3A_343] {strides = array<i32>} : memref<4x80xi32, #tpu.memory_space<vmem>>, vector<1x16xi32>,
        %swap3A_345 = vector.shape_cast %swap3A_344 : vector<1x16xi32> to vector<16xi32>
        %swap3A_346 = vector.shape_cast %add3A_341 : vector<16xi32> to vector<1x16xi32>
        tpu.vector_store %arg9[%swap3A_342, %swap3A_343], %swap3A_346 {strides = array<i32>} : memref<4x80xi32, #tpu.memory_space<vmem>>, vector<1x16xi32>,
        %get3A_347 = arith.index_cast %and3A_294 : i32 to index
        %get3A_348 = arith.constant 16 : index
        %get3A_349 = tpu.vector_load %arg10[%get3A_347, %get3A_348] {strides = array<i32>} : memref<4x80xi32, #tpu.memory_space<vmem>>, vector<1x16xi32>,
        %get3A_350 = vector.shape_cast %get3A_349 : vector<1x16xi32> to vector<16xi32>
        %add3A_351 = vector.broadcast %mul3A_0 : i32 to vector<16xi32>
        %add3A_352 = arith.addi %get3A_350, %add3A_351 : vector<16xi32>
        %swap3A_353 = arith.constant 16 : index
        %swap3A_354 = tpu.vector_load %arg11[%swap3A_353] {strides = array<i32>} : memref<80xi32, #tpu.memory_space<vmem>>, vector<16xi32>,
        %swap3A_355 = vector.shape_cast %swap3A_354 : vector<16xi32> to vector<16xi32>
        %swap3A_356 = vector.shape_cast %add3A_352 : vector<16xi32> to vector<16xi32>
        tpu.vector_store %arg11[%swap3A_353], %swap3A_356 {strides = array<i32>} : memref<80xi32, #tpu.memory_space<vmem>>, vector<16xi32>,
        %get3A_357 = arith.index_cast %and3A_294 : i32 to index
        %get3A_358 = arith.constant 32 : index
        %get3A_359 = tpu.vector_load %arg9[%get3A_357, %get3A_358] {strides = array<i32>} : memref<4x80xi32, #tpu.memory_space<vmem>>, vector<1x16xi32>,
        %get3A_360 = vector.shape_cast %get3A_359 : vector<1x16xi32> to vector<16xi32>
        %add3A_361 = vector.broadcast %mul3A_0 : i32 to vector<16xi32>
        %add3A_362 = arith.addi %get3A_360, %add3A_361 : vector<16xi32>
        %swap3A_363 = arith.index_cast %and3A_294 : i32 to index
        %swap3A_364 = arith.constant 32 : index
        %swap3A_365 = tpu.vector_load %arg9[%swap3A_363, %swap3A_364] {strides = array<i32>} : memref<4x80xi32, #tpu.memory_space<vmem>>, vector<1x16xi32>,
        %swap3A_366 = vector.shape_cast %swap3A_365 : vector<1x16xi32> to vector<16xi32>
        %swap3A_367 = vector.shape_cast %add3A_362 : vector<16xi32> to vector<1x16xi32>
        tpu.vector_store %arg9[%swap3A_363, %swap3A_364], %swap3A_367 {strides = array<i32>} : memref<4x80xi32, #tpu.memory_space<vmem>>, vector<1x16xi32>,
        %get3A_368 = arith.index_cast %and3A_294 : i32 to index
        %get3A_369 = arith.constant 32 : index
        %get3A_370 = tpu.vector_load %arg10[%get3A_368, %get3A_369] {strides = array<i32>} : memref<4x80xi32, #tpu.memory_space<vmem>>, vector<1x16xi32>,
        %get3A_371 = vector.shape_cast %get3A_370 : vector<1x16xi32> to vector<16xi32>
        %add3A_372 = vector.broadcast %mul3A_0 : i32 to vector<16xi32>
        %add3A_373 = arith.addi %get3A_371, %add3A_372 : vector<16xi32>
        %swap3A_374 = arith.constant 32 : index
        %swap3A_375 = tpu.vector_load %arg11[%swap3A_374] {strides = array<i32>} : memref<80xi32, #tpu.memory_space<vmem>>, vector<16xi32>,
        %swap3A_376 = vector.shape_cast %swap3A_375 : vector<16xi32> to vector<16xi32>
        %swap3A_377 = vector.shape_cast %add3A_373 : vector<16xi32> to vector<16xi32>
        tpu.vector_store %arg11[%swap3A_374], %swap3A_377 {strides = array<i32>} : memref<80xi32, #tpu.memory_space<vmem>>, vector<16xi32>,
        %get3A_378 = arith.index_cast %and3A_294 : i32 to index
        %get3A_379 = arith.constant 48 : index
        %get3A_380 = tpu.vector_load %arg9[%get3A_378, %get3A_379] {strides = array<i32>} : memref<4x80xi32, #tpu.memory_space<vmem>>, vector<1x16xi32>,
        %get3A_381 = vector.shape_cast %get3A_380 : vector<1x16xi32> to vector<16xi32>
        %add3A_382 = vector.broadcast %mul3A_0 : i32 to vector<16xi32>
        %add3A_383 = arith.addi %get3A_381, %add3A_382 : vector<16xi32>
        %swap3A_384 = arith.index_cast %and3A_294 : i32 to index
        %swap3A_385 = arith.constant 48 : index
        %swap3A_386 = tpu.vector_load %arg9[%swap3A_384, %swap3A_385] {strides = array<i32>} : memref<4x80xi32, #tpu.memory_space<vmem>>, vector<1x16xi32>,
        %swap3A_387 = vector.shape_cast %swap3A_386 : vector<1x16xi32> to vector<16xi32>
        %swap3A_388 = vector.shape_cast %add3A_383 : vector<16xi32> to vector<1x16xi32>
        tpu.vector_store %arg9[%swap3A_384, %swap3A_385], %swap3A_388 {strides = array<i32>} : memref<4x80xi32, #tpu.memory_space<vmem>>, vector<1x16xi32>,
        %get3A_389 = arith.index_cast %and3A_294 : i32 to index
        %get3A_390 = arith.constant 48 : index
        %get3A_391 = tpu.vector_load %arg10[%get3A_389, %get3A_390] {strides = array<i32>} : memref<4x80xi32, #tpu.memory_space<vmem>>, vector<1x16xi32>,
        %get3A_392 = vector.shape_cast %get3A_391 : vector<1x16xi32> to vector<16xi32>
        %add3A_393 = vector.broadcast %mul3A_0 : i32 to vector<16xi32>
        %add3A_394 = arith.addi %get3A_392, %add3A_393 : vector<16xi32>
        %swap3A_395 = arith.constant 48 : index
        %swap3A_396 = tpu.vector_load %arg11[%swap3A_395] {strides = array<i32>} : memref<80xi32, #tpu.memory_space<vmem>>, vector<16xi32>,
        %swap3A_397 = vector.shape_cast %swap3A_396 : vector<16xi32> to vector<16xi32>
        %swap3A_398 = vector.shape_cast %add3A_394 : vector<16xi32> to vector<16xi32>
        tpu.vector_store %arg11[%swap3A_395], %swap3A_398 {strides = array<i32>} : memref<80xi32, #tpu.memory_space<vmem>>, vector<16xi32>,
        %get3A_399 = arith.index_cast %and3A_294 : i32 to index
        %get3A_400 = arith.constant 64 : index
        %get3A_401 = tpu.vector_load %arg9[%get3A_399, %get3A_400] {strides = array<i32>} : memref<4x80xi32, #tpu.memory_space<vmem>>, vector<1x16xi32>,
        %get3A_402 = vector.shape_cast %get3A_401 : vector<1x16xi32> to vector<16xi32>
        %add3A_403 = vector.broadcast %mul3A_0 : i32 to vector<16xi32>
        %add3A_404 = arith.addi %get3A_402, %add3A_403 : vector<16xi32>
        %swap3A_405 = arith.index_cast %and3A_294 : i32 to index
        %swap3A_406 = arith.constant 64 : index
        %swap3A_407 = tpu.vector_load %arg9[%swap3A_405, %swap3A_406] {strides = array<i32>} : memref<4x80xi32, #tpu.memory_space<vmem>>, vector<1x16xi32>,
        %swap3A_408 = vector.shape_cast %swap3A_407 : vector<1x16xi32> to vector<16xi32>
        %swap3A_409 = vector.shape_cast %add3A_404 : vector<16xi32> to vector<1x16xi32>
        tpu.vector_store %arg9[%swap3A_405, %swap3A_406], %swap3A_409 {strides = array<i32>} : memref<4x80xi32, #tpu.memory_space<vmem>>, vector<1x16xi32>,
        %get3A_410 = arith.index_cast %and3A_294 : i32 to index
        %get3A_411 = arith.constant 64 : index
        %get3A_412 = tpu.vector_load %arg10[%get3A_410, %get3A_411] {strides = array<i32>} : memref<4x80xi32, #tpu.memory_space<vmem>>, vector<1x16xi32>,
        %get3A_413 = vector.shape_cast %get3A_412 : vector<1x16xi32> to vector<16xi32>
        %add3A_414 = vector.broadcast %mul3A_0 : i32 to vector<16xi32>
        %add3A_415 = arith.addi %get3A_413, %add3A_414 : vector<16xi32>
        %swap3A_416 = arith.constant 64 : index
        %swap3A_417 = tpu.vector_load %arg11[%swap3A_416] {strides = array<i32>} : memref<80xi32, #tpu.memory_space<vmem>>, vector<16xi32>,
        %swap3A_418 = vector.shape_cast %swap3A_417 : vector<16xi32> to vector<16xi32>
        %swap3A_419 = vector.shape_cast %add3A_415 : vector<16xi32> to vector<16xi32>
        tpu.vector_store %arg11[%swap3A_416], %swap3A_419 {strides = array<i32>} : memref<80xi32, #tpu.memory_space<vmem>>, vector<16xi32>,
        %add3A_420 = arith.constant 1 : i32
        %add3A_421 = arith.addi %add3A_253, %add3A_420 : i32
        %and3A_422 = arith.constant 3 : i32
        %and3A_423 = arith.andi %add3A_421, %and3A_422 : i32
        %dma_start3A_424 = arith.constant 0 : i32
        %dma_start3A_425 = tpu.memref_slice %arg9[%and3A_423, %dma_start3A_424] : memref<4x80xi32, #tpu.memory_space<vmem>> -> memref<1x80xi32, #tpu.memory_space<vmem>>
        %dma_start3A_426 = tpu.memref_squeeze %dma_start3A_425 : memref<1x80xi32, #tpu.memory_space<vmem>> -> memref<80xi32, #tpu.memory_space<vmem>>
        %dma_start3A_427 = arith.constant 0 : i32
        %dma_start3A_428 = arith.constant 0 : i32
        %dma_start3A_429 = tpu.memref_slice %arg2[%dma_start3A_427, %dma_start3A_428] : memref<20000x80xf32, #tpu.memory_space<hbm>> -> memref<20000x80xf32, #tpu.memory_space<hbm>>
        tpu.enqueue_indirect_dma source(%dma_start3A_429 : memref<20000x80xf32, #tpu.memory_space<hbm>>) target(%arg13 : memref<80x80xf32, #tpu.memory_space<vmem>>) offsets(%dma_start3A_426 : memref<80xi32, #tpu.memory_space<vmem>>) semaphore(%arg18 : memref<!tpu.dma_semaphore, #tpu.memory_space<semaphore_mem>>)
        %dma_start3A_430 = arith.constant 0 : i32
        %dma_start3A_431 = arith.constant 0 : i32
        %dma_start3A_432 = tpu.memref_slice %arg3[%dma_start3A_430, %dma_start3A_431] : memref<20000x16xf32, #tpu.memory_space<hbm>> -> memref<20000x16xf32, #tpu.memory_space<hbm>>
        tpu.enqueue_indirect_dma source(%dma_start3A_432 : memref<20000x16xf32, #tpu.memory_space<hbm>>) target(%arg15 : memref<80x16xf32, #tpu.memory_space<vmem>>) offsets(%arg11 : memref<80xi32, #tpu.memory_space<vmem>>) semaphore(%arg18 : memref<!tpu.dma_semaphore, #tpu.memory_space<semaphore_mem>>)
      } else {
      }
      %dma_wait3A_264 = arith.constant 0 : i32
      %dma_wait3A_265 = arith.constant 0 : i32
      %dma_wait3A_266 = tpu.memref_slice %arg9[%dma_wait3A_264, %dma_wait3A_265] : memref<4x80xi32, #tpu.memory_space<vmem>> -> memref<1x80xi32, #tpu.memory_space<vmem>>
      %dma_wait3A_267 = tpu.memref_squeeze %dma_wait3A_266 : memref<1x80xi32, #tpu.memory_space<vmem>> -> memref<80xi32, #tpu.memory_space<vmem>>
      %dma_wait3A_268 = arith.constant 0 : i32
      %dma_wait3A_269 = arith.constant 0 : i32
      %dma_wait3A_270 = tpu.memref_slice %arg2[%dma_wait3A_268, %dma_wait3A_269] : memref<20000x80xf32, #tpu.memory_space<hbm>> -> memref<20000x80xf32, #tpu.memory_space<hbm>>
      tpu.wait_indirect_dma semaphore(%arg19 : memref<!tpu.dma_semaphore, #tpu.memory_space<semaphore_mem>>) src(%dma_wait3A_270 : memref<20000x80xf32, #tpu.memory_space<hbm>>) dst(%arg14 : memref<80x80xf32, #tpu.memory_space<vmem>>)
      %dma_wait3A_271 = arith.constant 0 : i32
      %dma_wait3A_272 = arith.constant 0 : i32
      %dma_wait3A_273 = tpu.memref_slice %arg3[%dma_wait3A_271, %dma_wait3A_272] : memref<20000x16xf32, #tpu.memory_space<hbm>> -> memref<20000x16xf32, #tpu.memory_space<hbm>>
      tpu.wait_indirect_dma semaphore(%arg19 : memref<!tpu.dma_semaphore, #tpu.memory_space<semaphore_mem>>) src(%dma_wait3A_273 : memref<20000x16xf32, #tpu.memory_space<hbm>>) dst(%arg16 : memref<80x16xf32, #tpu.memory_space<vmem>>)
      %parallel_loop3A_274 = arith.constant 0 : i32
      %parallel_loop3A_275 = arith.constant 80 : i32
      %parallel_loop3A_276 = arith.constant 1 : i32
      scf.for %parallel_loop3A_291 = %parallel_loop3A_274 to %parallel_loop3A_275 step %parallel_loop3A_276  : i32 {
        %parallel_loop3A_292 = arith.index_cast %parallel_loop3A_291 : i32 to index
        %parallel_loop3A_293 = arith.constant 64 : index
        %parallel_loop3A_294 = tpu.vector_load %arg14[%parallel_loop3A_292, %parallel_loop3A_293] {strides = array<i32>} : memref<80x80xf32, #tpu.memory_space<vmem>>, vector<1x16xf32>,
        %parallel_loop3A_295 = vector.shape_cast %parallel_loop3A_294 : vector<1x16xf32> to vector<16xf32>
        %parallel_loop3A_296 = arith.index_cast %parallel_loop3A_291 : i32 to index
        %parallel_loop3A_297 = arith.constant 0 : index
        %parallel_loop3A_298 = tpu.vector_load %arg16[%parallel_loop3A_296, %parallel_loop3A_297] {strides = array<i32>} : memref<80x16xf32, #tpu.memory_space<vmem>>, vector<1x16xf32>,
        %parallel_loop3A_299 = vector.shape_cast %parallel_loop3A_298 : vector<1x16xf32> to vector<16xf32>
        %parallel_loop3A_300 = arith.addf %parallel_loop3A_295, %parallel_loop3A_299 : vector<16xf32>
        %parallel_loop3A_301 = arith.constant 2.000000e-01 : f32
        %parallel_loop3A_302 = vector.broadcast %parallel_loop3A_301 : f32 to vector<16xf32>
        %parallel_loop3A_303 = arith.mulf %parallel_loop3A_302, %parallel_loop3A_300 : vector<16xf32>
        %parallel_loop3A_304 = arith.maximumf %parallel_loop3A_300, %parallel_loop3A_303 : vector<16xf32>
        %parallel_loop3A_305 = math.exp %parallel_loop3A_304 : vector<16xf32>
        %parallel_loop3A_306 = arith.index_cast %parallel_loop3A_291 : i32 to index
        %parallel_loop3A_307 = arith.constant 64 : index
        %parallel_loop3A_308 = tpu.vector_load %arg14[%parallel_loop3A_306, %parallel_loop3A_307] {strides = array<i32>} : memref<80x80xf32, #tpu.memory_space<vmem>>, vector<1x16xf32>,
        %parallel_loop3A_309 = vector.shape_cast %parallel_loop3A_308 : vector<1x16xf32> to vector<16xf32>
        %parallel_loop3A_310 = vector.shape_cast %parallel_loop3A_305 : vector<16xf32> to vector<1x16xf32>
        tpu.vector_store %arg14[%parallel_loop3A_306, %parallel_loop3A_307], %parallel_loop3A_310 {strides = array<i32>} : memref<80x80xf32, #tpu.memory_space<vmem>>, vector<1x16xf32>,
        %parallel_loop3A_311 = arith.constant 0 : i32
        %parallel_loop3A_312 = vector.broadcast %parallel_loop3A_311 : i32 to vector<16xi32>
        %parallel_loop3A_313 = arith.constant 0 : i32
        %parallel_loop3A_314 = vector.broadcast %parallel_loop3A_313 : i32 to vector<16xi32>
        %parallel_loop3A_315 = arith.cmpi slt, %parallel_loop3A_312, %parallel_loop3A_314 : vector<16xi32>
        %parallel_loop3A_316 = arith.constant 16 : i32
        %parallel_loop3A_317 = vector.broadcast %parallel_loop3A_316 : i32 to vector<16xi32>
        %parallel_loop3A_318 = arith.addi %parallel_loop3A_312, %parallel_loop3A_317 : vector<16xi32>
        %parallel_loop3A_319 = arith.select %parallel_loop3A_315, %parallel_loop3A_318, %parallel_loop3A_312 : vector<16xi1>, vector<16xi32>
        %parallel_loop3A_320 = vector.shape_cast %parallel_loop3A_319 : vector<16xi32> to vector<16x1xi32>
        %parallel_loop3A_321 = vector.shape_cast %parallel_loop3A_320 : vector<16x1xi32> to vector<16xi32>
        %parallel_loop3A_322 = tpu.dynamic_gather %parallel_loop3A_305[%parallel_loop3A_321] in [0] : vector<16xf32>, vector<16xi32> -> vector<16xf32>
        %parallel_loop3A_323 = arith.index_cast %parallel_loop3A_291 : i32 to index
        %parallel_loop3A_324 = arith.constant 0 : index
        %parallel_loop3A_325 = tpu.vector_load %arg14[%parallel_loop3A_323, %parallel_loop3A_324] {strides = array<i32>} : memref<80x80xf32, #tpu.memory_space<vmem>>, vector<1x16xf32>,
        %parallel_loop3A_326 = vector.shape_cast %parallel_loop3A_325 : vector<1x16xf32> to vector<16xf32>
        %parallel_loop3A_327 = arith.mulf %parallel_loop3A_326, %parallel_loop3A_322 : vector<16xf32>
        %parallel_loop3A_328 = arith.index_cast %parallel_loop3A_291 : i32 to index
        %parallel_loop3A_329 = arith.constant 0 : index
        %parallel_loop3A_330 = tpu.vector_load %arg14[%parallel_loop3A_328, %parallel_loop3A_329] {strides = array<i32>} : memref<80x80xf32, #tpu.memory_space<vmem>>, vector<1x16xf32>,
        %parallel_loop3A_331 = vector.shape_cast %parallel_loop3A_330 : vector<1x16xf32> to vector<16xf32>
        %parallel_loop3A_332 = vector.shape_cast %parallel_loop3A_327 : vector<16xf32> to vector<1x16xf32>
        tpu.vector_store %arg14[%parallel_loop3A_328, %parallel_loop3A_329], %parallel_loop3A_332 {strides = array<i32>} : memref<80x80xf32, #tpu.memory_space<vmem>>, vector<1x16xf32>,
        %parallel_loop3A_333 = arith.constant 1 : i32
        %parallel_loop3A_334 = vector.broadcast %parallel_loop3A_333 : i32 to vector<16xi32>
        %parallel_loop3A_335 = arith.constant 0 : i32
        %parallel_loop3A_336 = vector.broadcast %parallel_loop3A_335 : i32 to vector<16xi32>
        %parallel_loop3A_337 = arith.cmpi slt, %parallel_loop3A_334, %parallel_loop3A_336 : vector<16xi32>
        %parallel_loop3A_338 = arith.constant 16 : i32
        %parallel_loop3A_339 = vector.broadcast %parallel_loop3A_338 : i32 to vector<16xi32>
        %parallel_loop3A_340 = arith.addi %parallel_loop3A_334, %parallel_loop3A_339 : vector<16xi32>
        %parallel_loop3A_341 = arith.select %parallel_loop3A_337, %parallel_loop3A_340, %parallel_loop3A_334 : vector<16xi1>, vector<16xi32>
        %parallel_loop3A_342 = vector.shape_cast %parallel_loop3A_341 : vector<16xi32> to vector<16x1xi32>
        %parallel_loop3A_343 = vector.shape_cast %parallel_loop3A_342 : vector<16x1xi32> to vector<16xi32>
        %parallel_loop3A_344 = tpu.dynamic_gather %parallel_loop3A_305[%parallel_loop3A_343] in [0] : vector<16xf32>, vector<16xi32> -> vector<16xf32>
        %parallel_loop3A_345 = arith.index_cast %parallel_loop3A_291 : i32 to index
        %parallel_loop3A_346 = arith.constant 16 : index
        %parallel_loop3A_347 = tpu.vector_load %arg14[%parallel_loop3A_345, %parallel_loop3A_346] {strides = array<i32>} : memref<80x80xf32, #tpu.memory_space<vmem>>, vector<1x16xf32>,
        %parallel_loop3A_348 = vector.shape_cast %parallel_loop3A_347 : vector<1x16xf32> to vector<16xf32>
        %parallel_loop3A_349 = arith.mulf %parallel_loop3A_348, %parallel_loop3A_344 : vector<16xf32>
        %parallel_loop3A_350 = arith.index_cast %parallel_loop3A_291 : i32 to index
        %parallel_loop3A_351 = arith.constant 16 : index
        %parallel_loop3A_352 = tpu.vector_load %arg14[%parallel_loop3A_350, %parallel_loop3A_351] {strides = array<i32>} : memref<80x80xf32, #tpu.memory_space<vmem>>, vector<1x16xf32>,
        %parallel_loop3A_353 = vector.shape_cast %parallel_loop3A_352 : vector<1x16xf32> to vector<16xf32>
        %parallel_loop3A_354 = vector.shape_cast %parallel_loop3A_349 : vector<16xf32> to vector<1x16xf32>
        tpu.vector_store %arg14[%parallel_loop3A_350, %parallel_loop3A_351], %parallel_loop3A_354 {strides = array<i32>} : memref<80x80xf32, #tpu.memory_space<vmem>>, vector<1x16xf32>,
        %parallel_loop3A_355 = arith.constant 2 : i32
        %parallel_loop3A_356 = vector.broadcast %parallel_loop3A_355 : i32 to vector<16xi32>
        %parallel_loop3A_357 = arith.constant 0 : i32
        %parallel_loop3A_358 = vector.broadcast %parallel_loop3A_357 : i32 to vector<16xi32>
        %parallel_loop3A_359 = arith.cmpi slt, %parallel_loop3A_356, %parallel_loop3A_358 : vector<16xi32>
        %parallel_loop3A_360 = arith.constant 16 : i32
        %parallel_loop3A_361 = vector.broadcast %parallel_loop3A_360 : i32 to vector<16xi32>
        %parallel_loop3A_362 = arith.addi %parallel_loop3A_356, %parallel_loop3A_361 : vector<16xi32>
        %parallel_loop3A_363 = arith.select %parallel_loop3A_359, %parallel_loop3A_362, %parallel_loop3A_356 : vector<16xi1>, vector<16xi32>
        %parallel_loop3A_364 = vector.shape_cast %parallel_loop3A_363 : vector<16xi32> to vector<16x1xi32>
        %parallel_loop3A_365 = vector.shape_cast %parallel_loop3A_364 : vector<16x1xi32> to vector<16xi32>
        %parallel_loop3A_366 = tpu.dynamic_gather %parallel_loop3A_305[%parallel_loop3A_365] in [0] : vector<16xf32>, vector<16xi32> -> vector<16xf32>
        %parallel_loop3A_367 = arith.index_cast %parallel_loop3A_291 : i32 to index
        %parallel_loop3A_368 = arith.constant 32 : index
        %parallel_loop3A_369 = tpu.vector_load %arg14[%parallel_loop3A_367, %parallel_loop3A_368] {strides = array<i32>} : memref<80x80xf32, #tpu.memory_space<vmem>>, vector<1x16xf32>,
        %parallel_loop3A_370 = vector.shape_cast %parallel_loop3A_369 : vector<1x16xf32> to vector<16xf32>
        %parallel_loop3A_371 = arith.mulf %parallel_loop3A_370, %parallel_loop3A_366 : vector<16xf32>
        %parallel_loop3A_372 = arith.index_cast %parallel_loop3A_291 : i32 to index
        %parallel_loop3A_373 = arith.constant 32 : index
        %parallel_loop3A_374 = tpu.vector_load %arg14[%parallel_loop3A_372, %parallel_loop3A_373] {strides = array<i32>} : memref<80x80xf32, #tpu.memory_space<vmem>>, vector<1x16xf32>,
        %parallel_loop3A_375 = vector.shape_cast %parallel_loop3A_374 : vector<1x16xf32> to vector<16xf32>
        %parallel_loop3A_376 = vector.shape_cast %parallel_loop3A_371 : vector<16xf32> to vector<1x16xf32>
        tpu.vector_store %arg14[%parallel_loop3A_372, %parallel_loop3A_373], %parallel_loop3A_376 {strides = array<i32>} : memref<80x80xf32, #tpu.memory_space<vmem>>, vector<1x16xf32>,
        %parallel_loop3A_377 = arith.constant 3 : i32
        %parallel_loop3A_378 = vector.broadcast %parallel_loop3A_377 : i32 to vector<16xi32>
        %parallel_loop3A_379 = arith.constant 0 : i32
        %parallel_loop3A_380 = vector.broadcast %parallel_loop3A_379 : i32 to vector<16xi32>
        %parallel_loop3A_381 = arith.cmpi slt, %parallel_loop3A_378, %parallel_loop3A_380 : vector<16xi32>
        %parallel_loop3A_382 = arith.constant 16 : i32
        %parallel_loop3A_383 = vector.broadcast %parallel_loop3A_382 : i32 to vector<16xi32>
        %parallel_loop3A_384 = arith.addi %parallel_loop3A_378, %parallel_loop3A_383 : vector<16xi32>
        %parallel_loop3A_385 = arith.select %parallel_loop3A_381, %parallel_loop3A_384, %parallel_loop3A_378 : vector<16xi1>, vector<16xi32>
        %parallel_loop3A_386 = vector.shape_cast %parallel_loop3A_385 : vector<16xi32> to vector<16x1xi32>
        %parallel_loop3A_387 = vector.shape_cast %parallel_loop3A_386 : vector<16x1xi32> to vector<16xi32>
        %parallel_loop3A_388 = tpu.dynamic_gather %parallel_loop3A_305[%parallel_loop3A_387] in [0] : vector<16xf32>, vector<16xi32> -> vector<16xf32>
        %parallel_loop3A_389 = arith.index_cast %parallel_loop3A_291 : i32 to index
        %parallel_loop3A_390 = arith.constant 48 : index
        %parallel_loop3A_391 = tpu.vector_load %arg14[%parallel_loop3A_389, %parallel_loop3A_390] {strides = array<i32>} : memref<80x80xf32, #tpu.memory_space<vmem>>, vector<1x16xf32>,
        %parallel_loop3A_392 = vector.shape_cast %parallel_loop3A_391 : vector<1x16xf32> to vector<16xf32>
        %parallel_loop3A_393 = arith.mulf %parallel_loop3A_392, %parallel_loop3A_388 : vector<16xf32>
        %parallel_loop3A_394 = arith.index_cast %parallel_loop3A_291 : i32 to index
        %parallel_loop3A_395 = arith.constant 48 : index
        %parallel_loop3A_396 = tpu.vector_load %arg14[%parallel_loop3A_394, %parallel_loop3A_395] {strides = array<i32>} : memref<80x80xf32, #tpu.memory_space<vmem>>, vector<1x16xf32>,
        %parallel_loop3A_397 = vector.shape_cast %parallel_loop3A_396 : vector<1x16xf32> to vector<16xf32>
        %parallel_loop3A_398 = vector.shape_cast %parallel_loop3A_393 : vector<16xf32> to vector<1x16xf32>
        tpu.vector_store %arg14[%parallel_loop3A_394, %parallel_loop3A_395], %parallel_loop3A_398 {strides = array<i32>} : memref<80x80xf32, #tpu.memory_space<vmem>>, vector<1x16xf32>,
      } {sc.loop_unroll_factor = 4 : i64, sc.parallel_access}
      %and3A_277 = arith.constant 3 : i32
      %and3A_278 = arith.andi %add3A_253, %and3A_277 : i32
      %dma_start3A_279 = arith.constant 0 : i32
      %dma_start3A_280 = tpu.memref_slice %arg10[%and3A_278, %dma_start3A_279] : memref<4x80xi32, #tpu.memory_space<vmem>> -> memref<1x80xi32, #tpu.memory_space<vmem>>
      %dma_start3A_281 = tpu.memref_squeeze %dma_start3A_280 : memref<1x80xi32, #tpu.memory_space<vmem>> -> memref<80xi32, #tpu.memory_space<vmem>>
      %dma_start3A_282 = arith.constant 0 : i32
      %dma_start3A_283 = arith.constant 0 : i32
      %dma_start3A_284 = tpu.memref_slice %arg8[%dma_start3A_282, %dma_start3A_283] : memref<10000x80xf32, #tpu.memory_space<vmem_shared>> -> memref<10000x80xf32, #tpu.memory_space<vmem_shared>>
      tpu.enqueue_indirect_dma source(%arg14 : memref<80x80xf32, #tpu.memory_space<vmem>>) target(%dma_start3A_284 : memref<10000x80xf32, #tpu.memory_space<vmem_shared>>) offsets(%dma_start3A_281 : memref<80xi32, #tpu.memory_space<vmem>>) semaphore(%arg21 : memref<!tpu.dma_semaphore, #tpu.memory_space<semaphore_mem>>) {add = true}
      %le3A_285 = arith.constant 247 : i32
      %le3A_286 = arith.cmpi sle, %add3A_253, %le3A_285 : i32
      %convert_element_type3A_287 = arith.extui %le3A_286 : i1 to i32
      %cond3A_288 = arith.constant 0 : i32
      %cond3A_289 = arith.cmpi ne, %convert_element_type3A_287, %cond3A_288 : i32
      scf.if %cond3A_289 {
        %add3A_291 = arith.constant 2 : i32
        %add3A_292 = arith.addi %add3A_253, %add3A_291 : i32
        %and3A_293 = arith.constant 3 : i32
        %and3A_294 = arith.andi %add3A_292, %and3A_293 : i32
        %mul3A_295 = arith.constant 16 : i32
        %mul3A_296 = arith.muli %add3A_292, %mul3A_295 : i32
        %add3A_297 = arith.addi %arg1, %mul3A_296 : i32
        %mul3A_298 = arith.constant 80 : i32
        %mul3A_299 = arith.muli %add3A_297, %mul3A_298 : i32
        %dma_start3A_300 = arith.constant 0 : i32
        %dma_start3A_301 = tpu.memref_slice %arg9[%and3A_294, %dma_start3A_300] : memref<4x80xi32, #tpu.memory_space<vmem>> -> memref<1x80xi32, #tpu.memory_space<vmem>>
        %dma_start3A_302 = tpu.memref_squeeze %dma_start3A_301 : memref<1x80xi32, #tpu.memory_space<vmem>> -> memref<80xi32, #tpu.memory_space<vmem>>
        %dma_start3A_303 = tpu.memref_slice %arg4[%mul3A_299] : memref<320000xi32, #tpu.memory_space<hbm>> -> memref<80xi32, #tpu.memory_space<hbm>>
        %dma_start3A_304 = arith.constant 0 : i32
        %dma_start3A_305 = tpu.memref_slice %arg9[%and3A_294, %dma_start3A_304] : memref<4x80xi32, #tpu.memory_space<vmem>> -> memref<1x80xi32, #tpu.memory_space<vmem>>
        %dma_start3A_306 = tpu.memref_squeeze %dma_start3A_305 : memref<1x80xi32, #tpu.memory_space<vmem>> -> memref<80xi32, #tpu.memory_space<vmem>>
        %dma_start3A_307 = tpu.memref_slice %arg4[%mul3A_299] : memref<320000xi32, #tpu.memory_space<hbm>> -> memref<80xi32, #tpu.memory_space<hbm>>
        tpu.enqueue_dma source(%dma_start3A_307 : memref<80xi32, #tpu.memory_space<hbm>>) target(%dma_start3A_306 : memref<80xi32, #tpu.memory_space<vmem>>) target_semaphore(%arg17 : memref<!tpu.dma_semaphore, #tpu.memory_space<semaphore_mem>>)
        %dma_start3A_308 = arith.constant 0 : i32
        %dma_start3A_309 = tpu.memref_slice %arg10[%and3A_294, %dma_start3A_308] : memref<4x80xi32, #tpu.memory_space<vmem>> -> memref<1x80xi32, #tpu.memory_space<vmem>>
        %dma_start3A_310 = tpu.memref_squeeze %dma_start3A_309 : memref<1x80xi32, #tpu.memory_space<vmem>> -> memref<80xi32, #tpu.memory_space<vmem>>
        %dma_start3A_311 = tpu.memref_slice %arg5[%mul3A_299] : memref<320000xi32, #tpu.memory_space<hbm>> -> memref<80xi32, #tpu.memory_space<hbm>>
        %dma_start3A_312 = arith.constant 0 : i32
        %dma_start3A_313 = tpu.memref_slice %arg10[%and3A_294, %dma_start3A_312] : memref<4x80xi32, #tpu.memory_space<vmem>> -> memref<1x80xi32, #tpu.memory_space<vmem>>
        %dma_start3A_314 = tpu.memref_squeeze %dma_start3A_313 : memref<1x80xi32, #tpu.memory_space<vmem>> -> memref<80xi32, #tpu.memory_space<vmem>>
        %dma_start3A_315 = tpu.memref_slice %arg5[%mul3A_299] : memref<320000xi32, #tpu.memory_space<hbm>> -> memref<80xi32, #tpu.memory_space<hbm>>
        tpu.enqueue_dma source(%dma_start3A_315 : memref<80xi32, #tpu.memory_space<hbm>>) target(%dma_start3A_314 : memref<80xi32, #tpu.memory_space<vmem>>) target_semaphore(%arg17 : memref<!tpu.dma_semaphore, #tpu.memory_space<semaphore_mem>>)
      } else {
      }
      %scan3A_290 = arith.constant 0 : i32
      scf.yield %scan3A_290 : i32
    }
    %scan3A_194 = arith.constant 125 : i32
    %dma_wait3A_195 = arith.constant 0 : i32
    %dma_wait3A_196 = arith.constant 0 : i32
    %dma_wait3A_197 = tpu.memref_slice %arg10[%dma_wait3A_195, %dma_wait3A_196] : memref<4x80xi32, #tpu.memory_space<vmem>> -> memref<1x80xi32, #tpu.memory_space<vmem>>
    %dma_wait3A_198 = tpu.memref_squeeze %dma_wait3A_197 : memref<1x80xi32, #tpu.memory_space<vmem>> -> memref<80xi32, #tpu.memory_space<vmem>>
    %dma_wait3A_199 = arith.constant 0 : i32
    %dma_wait3A_200 = arith.constant 0 : i32
    %dma_wait3A_201 = tpu.memref_slice %arg8[%dma_wait3A_199, %dma_wait3A_200] : memref<10000x80xf32, #tpu.memory_space<vmem_shared>> -> memref<10000x80xf32, #tpu.memory_space<vmem_shared>>
    tpu.wait_indirect_dma semaphore(%arg21 : memref<!tpu.dma_semaphore, #tpu.memory_space<semaphore_mem>>) src(%arg14 : memref<80x80xf32, #tpu.memory_space<vmem>>) dst(%dma_wait3A_201 : memref<10000x80xf32, #tpu.memory_space<vmem_shared>>)
    %barrier3A_202 = arith.constant 0 : index
    tpu.barrier barrier_id(%barrier3A_202)
    %mul3A_203 = arith.constant 10000 : i32
    %mul3A_204 = arith.muli %arg0, %mul3A_203 : i32
    %add3A_205 = arith.addi %mul3A_204, %mul3A_2 : i32
    "tpu.region"() ({
      %run_scoped3A = tpu.sem_alloc : memref<!tpu.dma_semaphore, #tpu.memory_space<semaphore_mem>>
      %dma_start3A_211 = arith.constant 0 : i32
      %dma_start3A_212 = tpu.memref_slice %arg7[%add3A_205, %dma_start3A_211] : memref<20000x80xf32, #tpu.memory_space<hbm>> -> memref<624x80xf32, #tpu.memory_space<hbm>>
      %dma_start3A_213 = arith.constant 0 : i32
      %dma_start3A_214 = tpu.memref_slice %arg8[%mul3A_2, %dma_start3A_213] : memref<10000x80xf32, #tpu.memory_space<vmem_shared>> -> memref<624x80xf32, #tpu.memory_space<vmem_shared>>
      tpu.enqueue_dma source(%dma_start3A_214 : memref<624x80xf32, #tpu.memory_space<vmem_shared>>) target(%dma_start3A_212 : memref<624x80xf32, #tpu.memory_space<hbm>>) target_semaphore(%run_scoped3A : memref<!tpu.dma_semaphore, #tpu.memory_space<semaphore_mem>>)
      %dma_wait3A_215 = arith.constant 0 : i32
      %dma_wait3A_216 = tpu.memref_slice %arg7[%add3A_205, %dma_wait3A_215] : memref<20000x80xf32, #tpu.memory_space<hbm>> -> memref<624x80xf32, #tpu.memory_space<hbm>>
      %dma_wait3A_217 = arith.constant 0 : i32
      %dma_wait3A_218 = tpu.memref_slice %arg8[%mul3A_2, %dma_wait3A_217] : memref<10000x80xf32, #tpu.memory_space<vmem_shared>> -> memref<624x80xf32, #tpu.memory_space<vmem_shared>>
      tpu.wait_dma2 semaphore(%run_scoped3A : memref<!tpu.dma_semaphore, #tpu.memory_space<semaphore_mem>>) src(%dma_wait3A_218 : memref<624x80xf32, #tpu.memory_space<vmem_shared>>) dst(%dma_wait3A_216 : memref<624x80xf32, #tpu.memory_space<hbm>>)
      tpu.yield
    }) : () -> ()
    %eq3A_206 = arith.constant 15 : i32
    %eq3A_207 = arith.cmpi eq, %arg1, %eq3A_206 : i32
    %convert_element_type3A_208 = arith.extui %eq3A_207 : i1 to i32
    %cond3A_209 = arith.constant 0 : i32
    %cond3A_210 = arith.cmpi ne, %convert_element_type3A_208, %cond3A_209 : i32
    scf.if %cond3A_210 {
      %mul3A_211 = arith.constant 10000 : i32
      %mul3A_212 = arith.muli %arg0, %mul3A_211 : i32
      %add3A_213 = arith.constant 9984 : i32
      %add3A_214 = arith.addi %mul3A_212, %add3A_213 : i32
      "tpu.region"() ({
        %run_scoped3A = tpu.sem_alloc : memref<!tpu.dma_semaphore, #tpu.memory_space<semaphore_mem>>
        %dma_start3A_215 = arith.constant 0 : i32
        %dma_start3A_216 = tpu.memref_slice %arg7[%add3A_214, %dma_start3A_215] : memref<20000x80xf32, #tpu.memory_space<hbm>> -> memref<16x80xf32, #tpu.memory_space<hbm>>
        %dma_start3A_217 = arith.constant 9984 : i32
        %dma_start3A_218 = arith.constant 0 : i32
        %dma_start3A_219 = tpu.memref_slice %arg8[%dma_start3A_217, %dma_start3A_218] : memref<10000x80xf32, #tpu.memory_space<vmem_shared>> -> memref<16x80xf32, #tpu.memory_space<vmem_shared>>
        tpu.enqueue_dma source(%dma_start3A_219 : memref<16x80xf32, #tpu.memory_space<vmem_shared>>) target(%dma_start3A_216 : memref<16x80xf32, #tpu.memory_space<hbm>>) target_semaphore(%run_scoped3A : memref<!tpu.dma_semaphore, #tpu.memory_space<semaphore_mem>>)
        %dma_wait3A_220 = arith.constant 0 : i32
        %dma_wait3A_221 = tpu.memref_slice %arg7[%add3A_214, %dma_wait3A_220] : memref<20000x80xf32, #tpu.memory_space<hbm>> -> memref<16x80xf32, #tpu.memory_space<hbm>>
        %dma_wait3A_222 = arith.constant 9984 : i32
        %dma_wait3A_223 = arith.constant 0 : i32
        %dma_wait3A_224 = tpu.memref_slice %arg8[%dma_wait3A_222, %dma_wait3A_223] : memref<10000x80xf32, #tpu.memory_space<vmem_shared>> -> memref<16x80xf32, #tpu.memory_space<vmem_shared>>
        tpu.wait_dma2 semaphore(%run_scoped3A : memref<!tpu.dma_semaphore, #tpu.memory_space<semaphore_mem>>) src(%dma_wait3A_224 : memref<16x80xf32, #tpu.memory_space<vmem_shared>>) dst(%dma_wait3A_221 : memref<16x80xf32, #tpu.memory_space<hbm>>)
        tpu.yield
      }) : () -> ()
    } else {
    }
    return
  }
}

#map = affine_map<(d0, d1) -> (0, 0)>
#map1 = affine_map<(d0, d1) -> (0)>
module attributes {stable_mosaic.version = 14 : i64} {
  func.func @_sc_body(%arg0: i32, %arg1: i32, %arg2: memref<20000x80xf32, #tpu.memory_space<hbm>>, %arg3: memref<20000x16xf32, #tpu.memory_space<hbm>>, %arg4: memref<320000xi32, #tpu.memory_space<hbm>>, %arg5: memref<320000xi32, #tpu.memory_space<hbm>>, %arg6: memref<10000x80xf32, #tpu.memory_space<hbm>>, %arg7: memref<20000x80xf32, #tpu.memory_space<hbm>>, %arg8: memref<10000x80xf32, #tpu.memory_space<vmem_shared>>, %arg9: memref<4x80xi32, #tpu.memory_space<vmem>>, %arg10: memref<4x80xi32, #tpu.memory_space<vmem>>, %arg11: memref<80xi32, #tpu.memory_space<vmem>>, %arg12: memref<80xi32, #tpu.memory_space<vmem>>, %arg13: memref<80x80xf32, #tpu.memory_space<vmem>>, %arg14: memref<80x80xf32, #tpu.memory_space<vmem>>, %arg15: memref<80x16xf32, #tpu.memory_space<vmem>>, %arg16: memref<80x16xf32, #tpu.memory_space<vmem>>, %arg17: memref<!tpu.dma_semaphore, #tpu.memory_space<semaphore_mem>>, %arg18: memref<!tpu.dma_semaphore, #tpu.memory_space<semaphore_mem>>, %arg19: memref<!tpu.dma_semaphore, #tpu.memory_space<semaphore_mem>>, %arg20: memref<!tpu.dma_semaphore, #tpu.memory_space<semaphore_mem>>, %arg21: memref<!tpu.dma_semaphore, #tpu.memory_space<semaphore_mem>>) attributes {dimension_semantics = [#tpu.dimension_semantics<core_parallel>, #tpu.dimension_semantics<subcore_parallel>], iteration_bounds = array<i64: 2, 16>, scalar_prefetch = 0 : i64, scratch_operands = 14 : i64, tpu.core_type = #tpu.core_type<sc_vector_subcore>, window_params = [{transform_indices = #map}, {transform_indices = #map}, {transform_indices = #map1}, {transform_indices = #map1}, {transform_indices = #map}, {transform_indices = #map}]} {
    %mul3A = arith.constant 10000 : i32
    %mul3A_0 = arith.muli %arg0, %mul3A : i32
    %mul3A_1 = arith.constant 624 : i32
    %mul3A_2 = arith.muli %arg1, %mul3A_1 : i32
    "tpu.region"() ({
      %run_scoped3A = tpu.sem_alloc : memref<!tpu.dma_semaphore, #tpu.memory_space<semaphore_mem>>
      %dma_start3A_211 = arith.constant 0 : i32
      %dma_start3A_212 = tpu.memref_slice %arg8[%mul3A_2, %dma_start3A_211] : memref<10000x80xf32, #tpu.memory_space<vmem_shared>> -> memref<624x80xf32, #tpu.memory_space<vmem_shared>>
      %dma_start3A_213 = arith.constant 0 : i32
      %dma_start3A_214 = tpu.memref_slice %arg6[%mul3A_2, %dma_start3A_213] : memref<10000x80xf32, #tpu.memory_space<hbm>> -> memref<624x80xf32, #tpu.memory_space<hbm>>
      tpu.enqueue_dma source(%dma_start3A_214 : memref<624x80xf32, #tpu.memory_space<hbm>>) target(%dma_start3A_212 : memref<624x80xf32, #tpu.memory_space<vmem_shared>>) target_semaphore(%run_scoped3A : memref<!tpu.dma_semaphore, #tpu.memory_space<semaphore_mem>>)
      %dma_wait3A_215 = arith.constant 0 : i32
      %dma_wait3A_216 = tpu.memref_slice %arg8[%mul3A_2, %dma_wait3A_215] : memref<10000x80xf32, #tpu.memory_space<vmem_shared>> -> memref<624x80xf32, #tpu.memory_space<vmem_shared>>
      %dma_wait3A_217 = arith.constant 0 : i32
      %dma_wait3A_218 = tpu.memref_slice %arg6[%mul3A_2, %dma_wait3A_217] : memref<10000x80xf32, #tpu.memory_space<hbm>> -> memref<624x80xf32, #tpu.memory_space<hbm>>
      tpu.wait_dma2 semaphore(%run_scoped3A : memref<!tpu.dma_semaphore, #tpu.memory_space<semaphore_mem>>) src(%dma_wait3A_218 : memref<624x80xf32, #tpu.memory_space<hbm>>) dst(%dma_wait3A_216 : memref<624x80xf32, #tpu.memory_space<vmem_shared>>)
      tpu.yield
    }) : () -> ()
    %eq3A = arith.constant 15 : i32
    %eq3A_3 = arith.cmpi eq, %arg1, %eq3A : i32
    %convert_element_type3A = arith.extui %eq3A_3 : i1 to i32
    %cond3A = arith.constant 0 : i32
    %cond3A_4 = arith.cmpi ne, %convert_element_type3A, %cond3A : i32
    scf.if %cond3A_4 {
      "tpu.region"() ({
        %run_scoped3A = tpu.sem_alloc : memref<!tpu.dma_semaphore, #tpu.memory_space<semaphore_mem>>
        %dma_start3A_211 = arith.constant 9984 : i32
        %dma_start3A_212 = arith.constant 0 : i32
        %dma_start3A_213 = tpu.memref_slice %arg8[%dma_start3A_211, %dma_start3A_212] : memref<10000x80xf32, #tpu.memory_space<vmem_shared>> -> memref<16x80xf32, #tpu.memory_space<vmem_shared>>
        %dma_start3A_214 = arith.constant 9984 : i32
        %dma_start3A_215 = arith.constant 0 : i32
        %dma_start3A_216 = tpu.memref_slice %arg6[%dma_start3A_214, %dma_start3A_215] : memref<10000x80xf32, #tpu.memory_space<hbm>> -> memref<16x80xf32, #tpu.memory_space<hbm>>
        tpu.enqueue_dma source(%dma_start3A_216 : memref<16x80xf32, #tpu.memory_space<hbm>>) target(%dma_start3A_213 : memref<16x80xf32, #tpu.memory_space<vmem_shared>>) target_semaphore(%run_scoped3A : memref<!tpu.dma_semaphore, #tpu.memory_space<semaphore_mem>>)
        %dma_wait3A_217 = arith.constant 9984 : i32
        %dma_wait3A_218 = arith.constant 0 : i32
        %dma_wait3A_219 = tpu.memref_slice %arg8[%dma_wait3A_217, %dma_wait3A_218] : memref<10000x80xf32, #tpu.memory_space<vmem_shared>> -> memref<16x80xf32, #tpu.memory_space<vmem_shared>>
        %dma_wait3A_220 = arith.constant 9984 : i32
        %dma_wait3A_221 = arith.constant 0 : i32
        %dma_wait3A_222 = tpu.memref_slice %arg6[%dma_wait3A_220, %dma_wait3A_221] : memref<10000x80xf32, #tpu.memory_space<hbm>> -> memref<16x80xf32, #tpu.memory_space<hbm>>
        tpu.wait_dma2 semaphore(%run_scoped3A : memref<!tpu.dma_semaphore, #tpu.memory_space<semaphore_mem>>) src(%dma_wait3A_222 : memref<16x80xf32, #tpu.memory_space<hbm>>) dst(%dma_wait3A_219 : memref<16x80xf32, #tpu.memory_space<vmem_shared>>)
        tpu.yield
      }) : () -> ()
    } else {
    }
    %barrier3A = arith.constant 0 : index
    tpu.barrier barrier_id(%barrier3A)
    %and3A = arith.constant 0 : i32
    %and3A_5 = arith.constant 3 : i32
    %and3A_6 = arith.andi %and3A, %and3A_5 : i32
    %mul3A_7 = arith.constant 0 : i32
    %mul3A_8 = arith.constant 16 : i32
    %mul3A_9 = arith.muli %mul3A_7, %mul3A_8 : i32
    %add3A = arith.addi %arg1, %mul3A_9 : i32
    %mul3A_10 = arith.constant 80 : i32
    %mul3A_11 = arith.muli %add3A, %mul3A_10 : i32
    %dma_start3A = arith.constant 0 : i32
    %dma_start3A_12 = tpu.memref_slice %arg9[%and3A_6, %dma_start3A] : memref<4x80xi32, #tpu.memory_space<vmem>> -> memref<1x80xi32, #tpu.memory_space<vmem>>
    %dma_start3A_13 = tpu.memref_squeeze %dma_start3A_12 : memref<1x80xi32, #tpu.memory_space<vmem>> -> memref<80xi32, #tpu.memory_space<vmem>>
    %dma_start3A_14 = tpu.memref_slice %arg4[%mul3A_11] : memref<320000xi32, #tpu.memory_space<hbm>> -> memref<80xi32, #tpu.memory_space<hbm>>
    %dma_start3A_15 = arith.constant 0 : i32
    %dma_start3A_16 = tpu.memref_slice %arg9[%and3A_6, %dma_start3A_15] : memref<4x80xi32, #tpu.memory_space<vmem>> -> memref<1x80xi32, #tpu.memory_space<vmem>>
    %dma_start3A_17 = tpu.memref_squeeze %dma_start3A_16 : memref<1x80xi32, #tpu.memory_space<vmem>> -> memref<80xi32, #tpu.memory_space<vmem>>
    %dma_start3A_18 = tpu.memref_slice %arg4[%mul3A_11] : memref<320000xi32, #tpu.memory_space<hbm>> -> memref<80xi32, #tpu.memory_space<hbm>>
    tpu.enqueue_dma source(%dma_start3A_18 : memref<80xi32, #tpu.memory_space<hbm>>) target(%dma_start3A_17 : memref<80xi32, #tpu.memory_space<vmem>>) target_semaphore(%arg17 : memref<!tpu.dma_semaphore, #tpu.memory_space<semaphore_mem>>)
    %dma_start3A_19 = arith.constant 0 : i32
    %dma_start3A_20 = tpu.memref_slice %arg10[%and3A_6, %dma_start3A_19] : memref<4x80xi32, #tpu.memory_space<vmem>> -> memref<1x80xi32, #tpu.memory_space<vmem>>
    %dma_start3A_21 = tpu.memref_squeeze %dma_start3A_20 : memref<1x80xi32, #tpu.memory_space<vmem>> -> memref<80xi32, #tpu.memory_space<vmem>>
    %dma_start3A_22 = tpu.memref_slice %arg5[%mul3A_11] : memref<320000xi32, #tpu.memory_space<hbm>> -> memref<80xi32, #tpu.memory_space<hbm>>
    %dma_start3A_23 = arith.constant 0 : i32
    %dma_start3A_24 = tpu.memref_slice %arg10[%and3A_6, %dma_start3A_23] : memref<4x80xi32, #tpu.memory_space<vmem>> -> memref<1x80xi32, #tpu.memory_space<vmem>>
    %dma_start3A_25 = tpu.memref_squeeze %dma_start3A_24 : memref<1x80xi32, #tpu.memory_space<vmem>> -> memref<80xi32, #tpu.memory_space<vmem>>
    %dma_start3A_26 = tpu.memref_slice %arg5[%mul3A_11] : memref<320000xi32, #tpu.memory_space<hbm>> -> memref<80xi32, #tpu.memory_space<hbm>>
    tpu.enqueue_dma source(%dma_start3A_26 : memref<80xi32, #tpu.memory_space<hbm>>) target(%dma_start3A_25 : memref<80xi32, #tpu.memory_space<vmem>>) target_semaphore(%arg17 : memref<!tpu.dma_semaphore, #tpu.memory_space<semaphore_mem>>)
    %and3A_27 = arith.constant 0 : i32
    %and3A_28 = arith.constant 3 : i32
    %and3A_29 = arith.andi %and3A_27, %and3A_28 : i32
    %dma_wait3A = arith.constant 0 : i32
    %dma_wait3A_30 = tpu.memref_slice %arg9[%and3A_29, %dma_wait3A] : memref<4x80xi32, #tpu.memory_space<vmem>> -> memref<1x80xi32, #tpu.memory_space<vmem>>
    %dma_wait3A_31 = tpu.memref_squeeze %dma_wait3A_30 : memref<1x80xi32, #tpu.memory_space<vmem>> -> memref<80xi32, #tpu.memory_space<vmem>>
    %dma_wait3A_32 = arith.constant 0 : i32
    %dma_wait3A_33 = tpu.memref_slice %arg4[%dma_wait3A_32] : memref<320000xi32, #tpu.memory_space<hbm>> -> memref<80xi32, #tpu.memory_space<hbm>>
    %dma_wait3A_34 = arith.constant 0 : i32
    %dma_wait3A_35 = tpu.memref_slice %arg9[%and3A_29, %dma_wait3A_34] : memref<4x80xi32, #tpu.memory_space<vmem>> -> memref<1x80xi32, #tpu.memory_space<vmem>>
    %dma_wait3A_36 = tpu.memref_squeeze %dma_wait3A_35 : memref<1x80xi32, #tpu.memory_space<vmem>> -> memref<80xi32, #tpu.memory_space<vmem>>
    %dma_wait3A_37 = arith.constant 0 : i32
    %dma_wait3A_38 = tpu.memref_slice %arg4[%dma_wait3A_37] : memref<320000xi32, #tpu.memory_space<hbm>> -> memref<80xi32, #tpu.memory_space<hbm>>
    tpu.wait_dma2 semaphore(%arg17 : memref<!tpu.dma_semaphore, #tpu.memory_space<semaphore_mem>>) src(%dma_wait3A_38 : memref<80xi32, #tpu.memory_space<hbm>>) dst(%dma_wait3A_36 : memref<80xi32, #tpu.memory_space<vmem>>)
    %dma_wait3A_39 = arith.constant 0 : i32
    %dma_wait3A_40 = tpu.memref_slice %arg10[%and3A_29, %dma_wait3A_39] : memref<4x80xi32, #tpu.memory_space<vmem>> -> memref<1x80xi32, #tpu.memory_space<vmem>>
    %dma_wait3A_41 = tpu.memref_squeeze %dma_wait3A_40 : memref<1x80xi32, #tpu.memory_space<vmem>> -> memref<80xi32, #tpu.memory_space<vmem>>
    %dma_wait3A_42 = arith.constant 0 : i32
    %dma_wait3A_43 = tpu.memref_slice %arg5[%dma_wait3A_42] : memref<320000xi32, #tpu.memory_space<hbm>> -> memref<80xi32, #tpu.memory_space<hbm>>
    %dma_wait3A_44 = arith.constant 0 : i32
    %dma_wait3A_45 = tpu.memref_slice %arg10[%and3A_29, %dma_wait3A_44] : memref<4x80xi32, #tpu.memory_space<vmem>> -> memref<1x80xi32, #tpu.memory_space<vmem>>
    %dma_wait3A_46 = tpu.memref_squeeze %dma_wait3A_45 : memref<1x80xi32, #tpu.memory_space<vmem>> -> memref<80xi32, #tpu.memory_space<vmem>>
    %dma_wait3A_47 = arith.constant 0 : i32
    %dma_wait3A_48 = tpu.memref_slice %arg5[%dma_wait3A_47] : memref<320000xi32, #tpu.memory_space<hbm>> -> memref<80xi32, #tpu.memory_space<hbm>>
    tpu.wait_dma2 semaphore(%arg17 : memref<!tpu.dma_semaphore, #tpu.memory_space<semaphore_mem>>) src(%dma_wait3A_48 : memref<80xi32, #tpu.memory_space<hbm>>) dst(%dma_wait3A_46 : memref<80xi32, #tpu.memory_space<vmem>>)
    %get3A = arith.index_cast %and3A_29 : i32 to index
    %get3A_49 = arith.constant 0 : index
    %get3A_50 = tpu.vector_load %arg9[%get3A, %get3A_49] {strides = array<i32>} : memref<4x80xi32, #tpu.memory_space<vmem>>, vector<1x16xi32>,
    %get3A_51 = vector.shape_cast %get3A_50 : vector<1x16xi32> to vector<16xi32>
    %add3A_52 = vector.broadcast %mul3A_0 : i32 to vector<16xi32>
    %add3A_53 = arith.addi %get3A_51, %add3A_52 : vector<16xi32>
    %swap3A = arith.index_cast %and3A_29 : i32 to index
    %swap3A_54 = arith.constant 0 : index
    %swap3A_55 = tpu.vector_load %arg9[%swap3A, %swap3A_54] {strides = array<i32>} : memref<4x80xi32, #tpu.memory_space<vmem>>, vector<1x16xi32>,
    %swap3A_56 = vector.shape_cast %swap3A_55 : vector<1x16xi32> to vector<16xi32>
    %swap3A_57 = vector.shape_cast %add3A_53 : vector<16xi32> to vector<1x16xi32>
    tpu.vector_store %arg9[%swap3A, %swap3A_54], %swap3A_57 {strides = array<i32>} : memref<4x80xi32, #tpu.memory_space<vmem>>, vector<1x16xi32>,
    %get3A_58 = arith.index_cast %and3A_29 : i32 to index
    %get3A_59 = arith.constant 0 : index
    %get3A_60 = tpu.vector_load %arg10[%get3A_58, %get3A_59] {strides = array<i32>} : memref<4x80xi32, #tpu.memory_space<vmem>>, vector<1x16xi32>,
    %get3A_61 = vector.shape_cast %get3A_60 : vector<1x16xi32> to vector<16xi32>
    %add3A_62 = vector.broadcast %mul3A_0 : i32 to vector<16xi32>
    %add3A_63 = arith.addi %get3A_61, %add3A_62 : vector<16xi32>
    %swap3A_64 = arith.constant 0 : index
    %swap3A_65 = tpu.vector_load %arg11[%swap3A_64] {strides = array<i32>} : memref<80xi32, #tpu.memory_space<vmem>>, vector<16xi32>,
    %swap3A_66 = vector.shape_cast %swap3A_65 : vector<16xi32> to vector<16xi32>
    %swap3A_67 = vector.shape_cast %add3A_63 : vector<16xi32> to vector<16xi32>
    tpu.vector_store %arg11[%swap3A_64], %swap3A_67 {strides = array<i32>} : memref<80xi32, #tpu.memory_space<vmem>>, vector<16xi32>,
    %get3A_68 = arith.index_cast %and3A_29 : i32 to index
    %get3A_69 = arith.constant 16 : index
    %get3A_70 = tpu.vector_load %arg9[%get3A_68, %get3A_69] {strides = array<i32>} : memref<4x80xi32, #tpu.memory_space<vmem>>, vector<1x16xi32>,
    %get3A_71 = vector.shape_cast %get3A_70 : vector<1x16xi32> to vector<16xi32>
    %add3A_72 = vector.broadcast %mul3A_0 : i32 to vector<16xi32>
    %add3A_73 = arith.addi %get3A_71, %add3A_72 : vector<16xi32>
    %swap3A_74 = arith.index_cast %and3A_29 : i32 to index
    %swap3A_75 = arith.constant 16 : index
    %swap3A_76 = tpu.vector_load %arg9[%swap3A_74, %swap3A_75] {strides = array<i32>} : memref<4x80xi32, #tpu.memory_space<vmem>>, vector<1x16xi32>,
    %swap3A_77 = vector.shape_cast %swap3A_76 : vector<1x16xi32> to vector<16xi32>
    %swap3A_78 = vector.shape_cast %add3A_73 : vector<16xi32> to vector<1x16xi32>
    tpu.vector_store %arg9[%swap3A_74, %swap3A_75], %swap3A_78 {strides = array<i32>} : memref<4x80xi32, #tpu.memory_space<vmem>>, vector<1x16xi32>,
    %get3A_79 = arith.index_cast %and3A_29 : i32 to index
    %get3A_80 = arith.constant 16 : index
    %get3A_81 = tpu.vector_load %arg10[%get3A_79, %get3A_80] {strides = array<i32>} : memref<4x80xi32, #tpu.memory_space<vmem>>, vector<1x16xi32>,
    %get3A_82 = vector.shape_cast %get3A_81 : vector<1x16xi32> to vector<16xi32>
    %add3A_83 = vector.broadcast %mul3A_0 : i32 to vector<16xi32>
    %add3A_84 = arith.addi %get3A_82, %add3A_83 : vector<16xi32>
    %swap3A_85 = arith.constant 16 : index
    %swap3A_86 = tpu.vector_load %arg11[%swap3A_85] {strides = array<i32>} : memref<80xi32, #tpu.memory_space<vmem>>, vector<16xi32>,
    %swap3A_87 = vector.shape_cast %swap3A_86 : vector<16xi32> to vector<16xi32>
    %swap3A_88 = vector.shape_cast %add3A_84 : vector<16xi32> to vector<16xi32>
    tpu.vector_store %arg11[%swap3A_85], %swap3A_88 {strides = array<i32>} : memref<80xi32, #tpu.memory_space<vmem>>, vector<16xi32>,
    %get3A_89 = arith.index_cast %and3A_29 : i32 to index
    %get3A_90 = arith.constant 32 : index
    %get3A_91 = tpu.vector_load %arg9[%get3A_89, %get3A_90] {strides = array<i32>} : memref<4x80xi32, #tpu.memory_space<vmem>>, vector<1x16xi32>,
    %get3A_92 = vector.shape_cast %get3A_91 : vector<1x16xi32> to vector<16xi32>
    %add3A_93 = vector.broadcast %mul3A_0 : i32 to vector<16xi32>
    %add3A_94 = arith.addi %get3A_92, %add3A_93 : vector<16xi32>
    %swap3A_95 = arith.index_cast %and3A_29 : i32 to index
    %swap3A_96 = arith.constant 32 : index
    %swap3A_97 = tpu.vector_load %arg9[%swap3A_95, %swap3A_96] {strides = array<i32>} : memref<4x80xi32, #tpu.memory_space<vmem>>, vector<1x16xi32>,
    %swap3A_98 = vector.shape_cast %swap3A_97 : vector<1x16xi32> to vector<16xi32>
    %swap3A_99 = vector.shape_cast %add3A_94 : vector<16xi32> to vector<1x16xi32>
    tpu.vector_store %arg9[%swap3A_95, %swap3A_96], %swap3A_99 {strides = array<i32>} : memref<4x80xi32, #tpu.memory_space<vmem>>, vector<1x16xi32>,
    %get3A_100 = arith.index_cast %and3A_29 : i32 to index
    %get3A_101 = arith.constant 32 : index
    %get3A_102 = tpu.vector_load %arg10[%get3A_100, %get3A_101] {strides = array<i32>} : memref<4x80xi32, #tpu.memory_space<vmem>>, vector<1x16xi32>,
    %get3A_103 = vector.shape_cast %get3A_102 : vector<1x16xi32> to vector<16xi32>
    %add3A_104 = vector.broadcast %mul3A_0 : i32 to vector<16xi32>
    %add3A_105 = arith.addi %get3A_103, %add3A_104 : vector<16xi32>
    %swap3A_106 = arith.constant 32 : index
    %swap3A_107 = tpu.vector_load %arg11[%swap3A_106] {strides = array<i32>} : memref<80xi32, #tpu.memory_space<vmem>>, vector<16xi32>,
    %swap3A_108 = vector.shape_cast %swap3A_107 : vector<16xi32> to vector<16xi32>
    %swap3A_109 = vector.shape_cast %add3A_105 : vector<16xi32> to vector<16xi32>
    tpu.vector_store %arg11[%swap3A_106], %swap3A_109 {strides = array<i32>} : memref<80xi32, #tpu.memory_space<vmem>>, vector<16xi32>,
    %get3A_110 = arith.index_cast %and3A_29 : i32 to index
    %get3A_111 = arith.constant 48 : index
    %get3A_112 = tpu.vector_load %arg9[%get3A_110, %get3A_111] {strides = array<i32>} : memref<4x80xi32, #tpu.memory_space<vmem>>, vector<1x16xi32>,
    %get3A_113 = vector.shape_cast %get3A_112 : vector<1x16xi32> to vector<16xi32>
    %add3A_114 = vector.broadcast %mul3A_0 : i32 to vector<16xi32>
    %add3A_115 = arith.addi %get3A_113, %add3A_114 : vector<16xi32>
    %swap3A_116 = arith.index_cast %and3A_29 : i32 to index
    %swap3A_117 = arith.constant 48 : index
    %swap3A_118 = tpu.vector_load %arg9[%swap3A_116, %swap3A_117] {strides = array<i32>} : memref<4x80xi32, #tpu.memory_space<vmem>>, vector<1x16xi32>,
    %swap3A_119 = vector.shape_cast %swap3A_118 : vector<1x16xi32> to vector<16xi32>
    %swap3A_120 = vector.shape_cast %add3A_115 : vector<16xi32> to vector<1x16xi32>
    tpu.vector_store %arg9[%swap3A_116, %swap3A_117], %swap3A_120 {strides = array<i32>} : memref<4x80xi32, #tpu.memory_space<vmem>>, vector<1x16xi32>,
    %get3A_121 = arith.index_cast %and3A_29 : i32 to index
    %get3A_122 = arith.constant 48 : index
    %get3A_123 = tpu.vector_load %arg10[%get3A_121, %get3A_122] {strides = array<i32>} : memref<4x80xi32, #tpu.memory_space<vmem>>, vector<1x16xi32>,
    %get3A_124 = vector.shape_cast %get3A_123 : vector<1x16xi32> to vector<16xi32>
    %add3A_125 = vector.broadcast %mul3A_0 : i32 to vector<16xi32>
    %add3A_126 = arith.addi %get3A_124, %add3A_125 : vector<16xi32>
    %swap3A_127 = arith.constant 48 : index
    %swap3A_128 = tpu.vector_load %arg11[%swap3A_127] {strides = array<i32>} : memref<80xi32, #tpu.memory_space<vmem>>, vector<16xi32>,
    %swap3A_129 = vector.shape_cast %swap3A_128 : vector<16xi32> to vector<16xi32>
    %swap3A_130 = vector.shape_cast %add3A_126 : vector<16xi32> to vector<16xi32>
    tpu.vector_store %arg11[%swap3A_127], %swap3A_130 {strides = array<i32>} : memref<80xi32, #tpu.memory_space<vmem>>, vector<16xi32>,
    %get3A_131 = arith.index_cast %and3A_29 : i32 to index
    %get3A_132 = arith.constant 64 : index
    %get3A_133 = tpu.vector_load %arg9[%get3A_131, %get3A_132] {strides = array<i32>} : memref<4x80xi32, #tpu.memory_space<vmem>>, vector<1x16xi32>,
    %get3A_134 = vector.shape_cast %get3A_133 : vector<1x16xi32> to vector<16xi32>
    %add3A_135 = vector.broadcast %mul3A_0 : i32 to vector<16xi32>
    %add3A_136 = arith.addi %get3A_134, %add3A_135 : vector<16xi32>
    %swap3A_137 = arith.index_cast %and3A_29 : i32 to index
    %swap3A_138 = arith.constant 64 : index
    %swap3A_139 = tpu.vector_load %arg9[%swap3A_137, %swap3A_138] {strides = array<i32>} : memref<4x80xi32, #tpu.memory_space<vmem>>, vector<1x16xi32>,
    %swap3A_140 = vector.shape_cast %swap3A_139 : vector<1x16xi32> to vector<16xi32>
    %swap3A_141 = vector.shape_cast %add3A_136 : vector<16xi32> to vector<1x16xi32>
    tpu.vector_store %arg9[%swap3A_137, %swap3A_138], %swap3A_141 {strides = array<i32>} : memref<4x80xi32, #tpu.memory_space<vmem>>, vector<1x16xi32>,
    %get3A_142 = arith.index_cast %and3A_29 : i32 to index
    %get3A_143 = arith.constant 64 : index
    %get3A_144 = tpu.vector_load %arg10[%get3A_142, %get3A_143] {strides = array<i32>} : memref<4x80xi32, #tpu.memory_space<vmem>>, vector<1x16xi32>,
    %get3A_145 = vector.shape_cast %get3A_144 : vector<1x16xi32> to vector<16xi32>
    %add3A_146 = vector.broadcast %mul3A_0 : i32 to vector<16xi32>
    %add3A_147 = arith.addi %get3A_145, %add3A_146 : vector<16xi32>
    %swap3A_148 = arith.constant 64 : index
    %swap3A_149 = tpu.vector_load %arg11[%swap3A_148] {strides = array<i32>} : memref<80xi32, #tpu.memory_space<vmem>>, vector<16xi32>,
    %swap3A_150 = vector.shape_cast %swap3A_149 : vector<16xi32> to vector<16xi32>
    %swap3A_151 = vector.shape_cast %add3A_147 : vector<16xi32> to vector<16xi32>
    tpu.vector_store %arg11[%swap3A_148], %swap3A_151 {strides = array<i32>} : memref<80xi32, #tpu.memory_space<vmem>>, vector<16xi32>,
    %and3A_152 = arith.constant 0 : i32
    %and3A_153 = arith.constant 3 : i32
    %and3A_154 = arith.andi %and3A_152, %and3A_153 : i32
    %dma_start3A_155 = arith.constant 0 : i32
    %dma_start3A_156 = tpu.memref_slice %arg9[%and3A_154, %dma_start3A_155] : memref<4x80xi32, #tpu.memory_space<vmem>> -> memref<1x80xi32, #tpu.memory_space<vmem>>
    %dma_start3A_157 = tpu.memref_squeeze %dma_start3A_156 : memref<1x80xi32, #tpu.memory_space<vmem>> -> memref<80xi32, #tpu.memory_space<vmem>>
    %dma_start3A_158 = arith.constant 0 : i32
    %dma_start3A_159 = arith.constant 0 : i32
    %dma_start3A_160 = tpu.memref_slice %arg2[%dma_start3A_158, %dma_start3A_159] : memref<20000x80xf32, #tpu.memory_space<hbm>> -> memref<20000x80xf32, #tpu.memory_space<hbm>>
    tpu.enqueue_indirect_dma source(%dma_start3A_160 : memref<20000x80xf32, #tpu.memory_space<hbm>>) target(%arg13 : memref<80x80xf32, #tpu.memory_space<vmem>>) offsets(%dma_start3A_157 : memref<80xi32, #tpu.memory_space<vmem>>) semaphore(%arg18 : memref<!tpu.dma_semaphore, #tpu.memory_space<semaphore_mem>>)
    %dma_start3A_161 = arith.constant 0 : i32
    %dma_start3A_162 = arith.constant 0 : i32
    %dma_start3A_163 = tpu.memref_slice %arg3[%dma_start3A_161, %dma_start3A_162] : memref<20000x16xf32, #tpu.memory_space<hbm>> -> memref<20000x16xf32, #tpu.memory_space<hbm>>
    tpu.enqueue_indirect_dma source(%dma_start3A_163 : memref<20000x16xf32, #tpu.memory_space<hbm>>) target(%arg15 : memref<80x16xf32, #tpu.memory_space<vmem>>) offsets(%arg11 : memref<80xi32, #tpu.memory_space<vmem>>) semaphore(%arg18 : memref<!tpu.dma_semaphore, #tpu.memory_space<semaphore_mem>>)
    %and3A_164 = arith.constant 1 : i32
    %and3A_165 = arith.constant 3 : i32
    %and3A_166 = arith.andi %and3A_164, %and3A_165 : i32
    %mul3A_167 = arith.constant 1 : i32
    %mul3A_168 = arith.constant 16 : i32
    %mul3A_169 = arith.muli %mul3A_167, %mul3A_168 : i32
    %add3A_170 = arith.addi %arg1, %mul3A_169 : i32
    %mul3A_171 = arith.constant 80 : i32
    %mul3A_172 = arith.muli %add3A_170, %mul3A_171 : i32
    %dma_start3A_173 = arith.constant 0 : i32
    %dma_start3A_174 = tpu.memref_slice %arg9[%and3A_166, %dma_start3A_173] : memref<4x80xi32, #tpu.memory_space<vmem>> -> memref<1x80xi32, #tpu.memory_space<vmem>>
    %dma_start3A_175 = tpu.memref_squeeze %dma_start3A_174 : memref<1x80xi32, #tpu.memory_space<vmem>> -> memref<80xi32, #tpu.memory_space<vmem>>
    %dma_start3A_176 = tpu.memref_slice %arg4[%mul3A_172] : memref<320000xi32, #tpu.memory_space<hbm>> -> memref<80xi32, #tpu.memory_space<hbm>>
    %dma_start3A_177 = arith.constant 0 : i32
    %dma_start3A_178 = tpu.memref_slice %arg9[%and3A_166, %dma_start3A_177] : memref<4x80xi32, #tpu.memory_space<vmem>> -> memref<1x80xi32, #tpu.memory_space<vmem>>
    %dma_start3A_179 = tpu.memref_squeeze %dma_start3A_178 : memref<1x80xi32, #tpu.memory_space<vmem>> -> memref<80xi32, #tpu.memory_space<vmem>>
    %dma_start3A_180 = tpu.memref_slice %arg4[%mul3A_172] : memref<320000xi32, #tpu.memory_space<hbm>> -> memref<80xi32, #tpu.memory_space<hbm>>
    tpu.enqueue_dma source(%dma_start3A_180 : memref<80xi32, #tpu.memory_space<hbm>>) target(%dma_start3A_179 : memref<80xi32, #tpu.memory_space<vmem>>) target_semaphore(%arg17 : memref<!tpu.dma_semaphore, #tpu.memory_space<semaphore_mem>>)
    %dma_start3A_181 = arith.constant 0 : i32
    %dma_start3A_182 = tpu.memref_slice %arg10[%and3A_166, %dma_start3A_181] : memref<4x80xi32, #tpu.memory_space<vmem>> -> memref<1x80xi32, #tpu.memory_space<vmem>>
    %dma_start3A_183 = tpu.memref_squeeze %dma_start3A_182 : memref<1x80xi32, #tpu.memory_space<vmem>> -> memref<80xi32, #tpu.memory_space<vmem>>
    %dma_start3A_184 = tpu.memref_slice %arg5[%mul3A_172] : memref<320000xi32, #tpu.memory_space<hbm>> -> memref<80xi32, #tpu.memory_space<hbm>>
    %dma_start3A_185 = arith.constant 0 : i32
    %dma_start3A_186 = tpu.memref_slice %arg10[%and3A_166, %dma_start3A_185] : memref<4x80xi32, #tpu.memory_space<vmem>> -> memref<1x80xi32, #tpu.memory_space<vmem>>
    %dma_start3A_187 = tpu.memref_squeeze %dma_start3A_186 : memref<1x80xi32, #tpu.memory_space<vmem>> -> memref<80xi32, #tpu.memory_space<vmem>>
    %dma_start3A_188 = tpu.memref_slice %arg5[%mul3A_172] : memref<320000xi32, #tpu.memory_space<hbm>> -> memref<80xi32, #tpu.memory_space<hbm>>
    tpu.enqueue_dma source(%dma_start3A_188 : memref<80xi32, #tpu.memory_space<hbm>>) target(%dma_start3A_187 : memref<80xi32, #tpu.memory_space<vmem>>) target_semaphore(%arg17 : memref<!tpu.dma_semaphore, #tpu.memory_space<semaphore_mem>>)
    %scan3A = arith.constant 0 : i32
    %scan3A_189 = arith.constant 0 : i32
    %scan3A_190 = arith.constant 125 : i32
    %scan3A_191 = arith.addi %scan3A_189, %scan3A_190 : i32
    %scan3A_192 = arith.constant 1 : i32
    %scan3A_193 = scf.for %scan3A_211 = %scan3A_189 to %scan3A_191 step %scan3A_192 iter_args(%scan3A_212 = %scan3A) -> (i32)  : i32 {
      %mul3A_213 = arith.constant 2 : i32
      %mul3A_214 = arith.muli %mul3A_213, %scan3A_211 : i32
      %add3A_215 = arith.constant 0 : i32
      %add3A_216 = arith.addi %mul3A_214, %add3A_215 : i32
      %ge3A = arith.constant 1 : i32
      %ge3A_217 = arith.cmpi sge, %add3A_216, %ge3A : i32
      %convert_element_type3A_218 = arith.extui %ge3A_217 : i1 to i32
      %cond3A_219 = arith.constant 0 : i32
      %cond3A_220 = arith.cmpi ne, %convert_element_type3A_218, %cond3A_219 : i32
      scf.if %cond3A_220 {
        %dma_wait3A_291 = arith.constant 0 : i32
        %dma_wait3A_292 = arith.constant 0 : i32
        %dma_wait3A_293 = tpu.memref_slice %arg10[%dma_wait3A_291, %dma_wait3A_292] : memref<4x80xi32, #tpu.memory_space<vmem>> -> memref<1x80xi32, #tpu.memory_space<vmem>>
        %dma_wait3A_294 = tpu.memref_squeeze %dma_wait3A_293 : memref<1x80xi32, #tpu.memory_space<vmem>> -> memref<80xi32, #tpu.memory_space<vmem>>
        %dma_wait3A_295 = arith.constant 0 : i32
        %dma_wait3A_296 = arith.constant 0 : i32
        %dma_wait3A_297 = tpu.memref_slice %arg8[%dma_wait3A_295, %dma_wait3A_296] : memref<10000x80xf32, #tpu.memory_space<vmem_shared>> -> memref<10000x80xf32, #tpu.memory_space<vmem_shared>>
        tpu.wait_indirect_dma semaphore(%arg21 : memref<!tpu.dma_semaphore, #tpu.memory_space<semaphore_mem>>) src(%arg14 : memref<80x80xf32, #tpu.memory_space<vmem>>) dst(%dma_wait3A_297 : memref<10000x80xf32, #tpu.memory_space<vmem_shared>>)
      } else {
      }
      %le3A = arith.constant 248 : i32
      %le3A_221 = arith.cmpi sle, %add3A_216, %le3A : i32
      %convert_element_type3A_222 = arith.extui %le3A_221 : i1 to i32
      %cond3A_223 = arith.constant 0 : i32
      %cond3A_224 = arith.cmpi ne, %convert_element_type3A_222, %cond3A_223 : i32
      scf.if %cond3A_224 {
        %add3A_291 = arith.constant 1 : i32
        %add3A_292 = arith.addi %add3A_216, %add3A_291 : i32
        %and3A_293 = arith.constant 3 : i32
        %and3A_294 = arith.andi %add3A_292, %and3A_293 : i32
        %dma_wait3A_295 = arith.constant 0 : i32
        %dma_wait3A_296 = tpu.memref_slice %arg9[%and3A_294, %dma_wait3A_295] : memref<4x80xi32, #tpu.memory_space<vmem>> -> memref<1x80xi32, #tpu.memory_space<vmem>>
        %dma_wait3A_297 = tpu.memref_squeeze %dma_wait3A_296 : memref<1x80xi32, #tpu.memory_space<vmem>> -> memref<80xi32, #tpu.memory_space<vmem>>
        %dma_wait3A_298 = arith.constant 0 : i32
        %dma_wait3A_299 = tpu.memref_slice %arg4[%dma_wait3A_298] : memref<320000xi32, #tpu.memory_space<hbm>> -> memref<80xi32, #tpu.memory_space<hbm>>
        %dma_wait3A_300 = arith.constant 0 : i32
        %dma_wait3A_301 = tpu.memref_slice %arg9[%and3A_294, %dma_wait3A_300] : memref<4x80xi32, #tpu.memory_space<vmem>> -> memref<1x80xi32, #tpu.memory_space<vmem>>
        %dma_wait3A_302 = tpu.memref_squeeze %dma_wait3A_301 : memref<1x80xi32, #tpu.memory_space<vmem>> -> memref<80xi32, #tpu.memory_space<vmem>>
        %dma_wait3A_303 = arith.constant 0 : i32
        %dma_wait3A_304 = tpu.memref_slice %arg4[%dma_wait3A_303] : memref<320000xi32, #tpu.memory_space<hbm>> -> memref<80xi32, #tpu.memory_space<hbm>>
        tpu.wait_dma2 semaphore(%arg17 : memref<!tpu.dma_semaphore, #tpu.memory_space<semaphore_mem>>) src(%dma_wait3A_304 : memref<80xi32, #tpu.memory_space<hbm>>) dst(%dma_wait3A_302 : memref<80xi32, #tpu.memory_space<vmem>>)
        %dma_wait3A_305 = arith.constant 0 : i32
        %dma_wait3A_306 = tpu.memref_slice %arg10[%and3A_294, %dma_wait3A_305] : memref<4x80xi32, #tpu.memory_space<vmem>> -> memref<1x80xi32, #tpu.memory_space<vmem>>
        %dma_wait3A_307 = tpu.memref_squeeze %dma_wait3A_306 : memref<1x80xi32, #tpu.memory_space<vmem>> -> memref<80xi32, #tpu.memory_space<vmem>>
        %dma_wait3A_308 = arith.constant 0 : i32
        %dma_wait3A_309 = tpu.memref_slice %arg5[%dma_wait3A_308] : memref<320000xi32, #tpu.memory_space<hbm>> -> memref<80xi32, #tpu.memory_space<hbm>>
        %dma_wait3A_310 = arith.constant 0 : i32
        %dma_wait3A_311 = tpu.memref_slice %arg10[%and3A_294, %dma_wait3A_310] : memref<4x80xi32, #tpu.memory_space<vmem>> -> memref<1x80xi32, #tpu.memory_space<vmem>>
        %dma_wait3A_312 = tpu.memref_squeeze %dma_wait3A_311 : memref<1x80xi32, #tpu.memory_space<vmem>> -> memref<80xi32, #tpu.memory_space<vmem>>
        %dma_wait3A_313 = arith.constant 0 : i32
        %dma_wait3A_314 = tpu.memref_slice %arg5[%dma_wait3A_313] : memref<320000xi32, #tpu.memory_space<hbm>> -> memref<80xi32, #tpu.memory_space<hbm>>
        tpu.wait_dma2 semaphore(%arg17 : memref<!tpu.dma_semaphore, #tpu.memory_space<semaphore_mem>>) src(%dma_wait3A_314 : memref<80xi32, #tpu.memory_space<hbm>>) dst(%dma_wait3A_312 : memref<80xi32, #tpu.memory_space<vmem>>)
        %get3A_315 = arith.index_cast %and3A_294 : i32 to index
        %get3A_316 = arith.constant 0 : index
        %get3A_317 = tpu.vector_load %arg9[%get3A_315, %get3A_316] {strides = array<i32>} : memref<4x80xi32, #tpu.memory_space<vmem>>, vector<1x16xi32>,
        %get3A_318 = vector.shape_cast %get3A_317 : vector<1x16xi32> to vector<16xi32>
        %add3A_319 = vector.broadcast %mul3A_0 : i32 to vector<16xi32>
        %add3A_320 = arith.addi %get3A_318, %add3A_319 : vector<16xi32>
        %swap3A_321 = arith.index_cast %and3A_294 : i32 to index
        %swap3A_322 = arith.constant 0 : index
        %swap3A_323 = tpu.vector_load %arg9[%swap3A_321, %swap3A_322] {strides = array<i32>} : memref<4x80xi32, #tpu.memory_space<vmem>>, vector<1x16xi32>,
        %swap3A_324 = vector.shape_cast %swap3A_323 : vector<1x16xi32> to vector<16xi32>
        %swap3A_325 = vector.shape_cast %add3A_320 : vector<16xi32> to vector<1x16xi32>
        tpu.vector_store %arg9[%swap3A_321, %swap3A_322], %swap3A_325 {strides = array<i32>} : memref<4x80xi32, #tpu.memory_space<vmem>>, vector<1x16xi32>,
        %get3A_326 = arith.index_cast %and3A_294 : i32 to index
        %get3A_327 = arith.constant 0 : index
        %get3A_328 = tpu.vector_load %arg10[%get3A_326, %get3A_327] {strides = array<i32>} : memref<4x80xi32, #tpu.memory_space<vmem>>, vector<1x16xi32>,
        %get3A_329 = vector.shape_cast %get3A_328 : vector<1x16xi32> to vector<16xi32>
        %add3A_330 = vector.broadcast %mul3A_0 : i32 to vector<16xi32>
        %add3A_331 = arith.addi %get3A_329, %add3A_330 : vector<16xi32>
        %swap3A_332 = arith.constant 0 : index
        %swap3A_333 = tpu.vector_load %arg12[%swap3A_332] {strides = array<i32>} : memref<80xi32, #tpu.memory_space<vmem>>, vector<16xi32>,
        %swap3A_334 = vector.shape_cast %swap3A_333 : vector<16xi32> to vector<16xi32>
        %swap3A_335 = vector.shape_cast %add3A_331 : vector<16xi32> to vector<16xi32>
        tpu.vector_store %arg12[%swap3A_332], %swap3A_335 {strides = array<i32>} : memref<80xi32, #tpu.memory_space<vmem>>, vector<16xi32>,
        %get3A_336 = arith.index_cast %and3A_294 : i32 to index
        %get3A_337 = arith.constant 16 : index
        %get3A_338 = tpu.vector_load %arg9[%get3A_336, %get3A_337] {strides = array<i32>} : memref<4x80xi32, #tpu.memory_space<vmem>>, vector<1x16xi32>,
        %get3A_339 = vector.shape_cast %get3A_338 : vector<1x16xi32> to vector<16xi32>
        %add3A_340 = vector.broadcast %mul3A_0 : i32 to vector<16xi32>
        %add3A_341 = arith.addi %get3A_339, %add3A_340 : vector<16xi32>
        %swap3A_342 = arith.index_cast %and3A_294 : i32 to index
        %swap3A_343 = arith.constant 16 : index
        %swap3A_344 = tpu.vector_load %arg9[%swap3A_342, %swap3A_343] {strides = array<i32>} : memref<4x80xi32, #tpu.memory_space<vmem>>, vector<1x16xi32>,
        %swap3A_345 = vector.shape_cast %swap3A_344 : vector<1x16xi32> to vector<16xi32>
        %swap3A_346 = vector.shape_cast %add3A_341 : vector<16xi32> to vector<1x16xi32>
        tpu.vector_store %arg9[%swap3A_342, %swap3A_343], %swap3A_346 {strides = array<i32>} : memref<4x80xi32, #tpu.memory_space<vmem>>, vector<1x16xi32>,
        %get3A_347 = arith.index_cast %and3A_294 : i32 to index
        %get3A_348 = arith.constant 16 : index
        %get3A_349 = tpu.vector_load %arg10[%get3A_347, %get3A_348] {strides = array<i32>} : memref<4x80xi32, #tpu.memory_space<vmem>>, vector<1x16xi32>,
        %get3A_350 = vector.shape_cast %get3A_349 : vector<1x16xi32> to vector<16xi32>
        %add3A_351 = vector.broadcast %mul3A_0 : i32 to vector<16xi32>
        %add3A_352 = arith.addi %get3A_350, %add3A_351 : vector<16xi32>
        %swap3A_353 = arith.constant 16 : index
        %swap3A_354 = tpu.vector_load %arg12[%swap3A_353] {strides = array<i32>} : memref<80xi32, #tpu.memory_space<vmem>>, vector<16xi32>,
        %swap3A_355 = vector.shape_cast %swap3A_354 : vector<16xi32> to vector<16xi32>
        %swap3A_356 = vector.shape_cast %add3A_352 : vector<16xi32> to vector<16xi32>
        tpu.vector_store %arg12[%swap3A_353], %swap3A_356 {strides = array<i32>} : memref<80xi32, #tpu.memory_space<vmem>>, vector<16xi32>,
        %get3A_357 = arith.index_cast %and3A_294 : i32 to index
        %get3A_358 = arith.constant 32 : index
        %get3A_359 = tpu.vector_load %arg9[%get3A_357, %get3A_358] {strides = array<i32>} : memref<4x80xi32, #tpu.memory_space<vmem>>, vector<1x16xi32>,
        %get3A_360 = vector.shape_cast %get3A_359 : vector<1x16xi32> to vector<16xi32>
        %add3A_361 = vector.broadcast %mul3A_0 : i32 to vector<16xi32>
        %add3A_362 = arith.addi %get3A_360, %add3A_361 : vector<16xi32>
        %swap3A_363 = arith.index_cast %and3A_294 : i32 to index
        %swap3A_364 = arith.constant 32 : index
        %swap3A_365 = tpu.vector_load %arg9[%swap3A_363, %swap3A_364] {strides = array<i32>} : memref<4x80xi32, #tpu.memory_space<vmem>>, vector<1x16xi32>,
        %swap3A_366 = vector.shape_cast %swap3A_365 : vector<1x16xi32> to vector<16xi32>
        %swap3A_367 = vector.shape_cast %add3A_362 : vector<16xi32> to vector<1x16xi32>
        tpu.vector_store %arg9[%swap3A_363, %swap3A_364], %swap3A_367 {strides = array<i32>} : memref<4x80xi32, #tpu.memory_space<vmem>>, vector<1x16xi32>,
        %get3A_368 = arith.index_cast %and3A_294 : i32 to index
        %get3A_369 = arith.constant 32 : index
        %get3A_370 = tpu.vector_load %arg10[%get3A_368, %get3A_369] {strides = array<i32>} : memref<4x80xi32, #tpu.memory_space<vmem>>, vector<1x16xi32>,
        %get3A_371 = vector.shape_cast %get3A_370 : vector<1x16xi32> to vector<16xi32>
        %add3A_372 = vector.broadcast %mul3A_0 : i32 to vector<16xi32>
        %add3A_373 = arith.addi %get3A_371, %add3A_372 : vector<16xi32>
        %swap3A_374 = arith.constant 32 : index
        %swap3A_375 = tpu.vector_load %arg12[%swap3A_374] {strides = array<i32>} : memref<80xi32, #tpu.memory_space<vmem>>, vector<16xi32>,
        %swap3A_376 = vector.shape_cast %swap3A_375 : vector<16xi32> to vector<16xi32>
        %swap3A_377 = vector.shape_cast %add3A_373 : vector<16xi32> to vector<16xi32>
        tpu.vector_store %arg12[%swap3A_374], %swap3A_377 {strides = array<i32>} : memref<80xi32, #tpu.memory_space<vmem>>, vector<16xi32>,
        %get3A_378 = arith.index_cast %and3A_294 : i32 to index
        %get3A_379 = arith.constant 48 : index
        %get3A_380 = tpu.vector_load %arg9[%get3A_378, %get3A_379] {strides = array<i32>} : memref<4x80xi32, #tpu.memory_space<vmem>>, vector<1x16xi32>,
        %get3A_381 = vector.shape_cast %get3A_380 : vector<1x16xi32> to vector<16xi32>
        %add3A_382 = vector.broadcast %mul3A_0 : i32 to vector<16xi32>
        %add3A_383 = arith.addi %get3A_381, %add3A_382 : vector<16xi32>
        %swap3A_384 = arith.index_cast %and3A_294 : i32 to index
        %swap3A_385 = arith.constant 48 : index
        %swap3A_386 = tpu.vector_load %arg9[%swap3A_384, %swap3A_385] {strides = array<i32>} : memref<4x80xi32, #tpu.memory_space<vmem>>, vector<1x16xi32>,
        %swap3A_387 = vector.shape_cast %swap3A_386 : vector<1x16xi32> to vector<16xi32>
        %swap3A_388 = vector.shape_cast %add3A_383 : vector<16xi32> to vector<1x16xi32>
        tpu.vector_store %arg9[%swap3A_384, %swap3A_385], %swap3A_388 {strides = array<i32>} : memref<4x80xi32, #tpu.memory_space<vmem>>, vector<1x16xi32>,
        %get3A_389 = arith.index_cast %and3A_294 : i32 to index
        %get3A_390 = arith.constant 48 : index
        %get3A_391 = tpu.vector_load %arg10[%get3A_389, %get3A_390] {strides = array<i32>} : memref<4x80xi32, #tpu.memory_space<vmem>>, vector<1x16xi32>,
        %get3A_392 = vector.shape_cast %get3A_391 : vector<1x16xi32> to vector<16xi32>
        %add3A_393 = vector.broadcast %mul3A_0 : i32 to vector<16xi32>
        %add3A_394 = arith.addi %get3A_392, %add3A_393 : vector<16xi32>
        %swap3A_395 = arith.constant 48 : index
        %swap3A_396 = tpu.vector_load %arg12[%swap3A_395] {strides = array<i32>} : memref<80xi32, #tpu.memory_space<vmem>>, vector<16xi32>,
        %swap3A_397 = vector.shape_cast %swap3A_396 : vector<16xi32> to vector<16xi32>
        %swap3A_398 = vector.shape_cast %add3A_394 : vector<16xi32> to vector<16xi32>
        tpu.vector_store %arg12[%swap3A_395], %swap3A_398 {strides = array<i32>} : memref<80xi32, #tpu.memory_space<vmem>>, vector<16xi32>,
        %get3A_399 = arith.index_cast %and3A_294 : i32 to index
        %get3A_400 = arith.constant 64 : index
        %get3A_401 = tpu.vector_load %arg9[%get3A_399, %get3A_400] {strides = array<i32>} : memref<4x80xi32, #tpu.memory_space<vmem>>, vector<1x16xi32>,
        %get3A_402 = vector.shape_cast %get3A_401 : vector<1x16xi32> to vector<16xi32>
        %add3A_403 = vector.broadcast %mul3A_0 : i32 to vector<16xi32>
        %add3A_404 = arith.addi %get3A_402, %add3A_403 : vector<16xi32>
        %swap3A_405 = arith.index_cast %and3A_294 : i32 to index
        %swap3A_406 = arith.constant 64 : index
        %swap3A_407 = tpu.vector_load %arg9[%swap3A_405, %swap3A_406] {strides = array<i32>} : memref<4x80xi32, #tpu.memory_space<vmem>>, vector<1x16xi32>,
        %swap3A_408 = vector.shape_cast %swap3A_407 : vector<1x16xi32> to vector<16xi32>
        %swap3A_409 = vector.shape_cast %add3A_404 : vector<16xi32> to vector<1x16xi32>
        tpu.vector_store %arg9[%swap3A_405, %swap3A_406], %swap3A_409 {strides = array<i32>} : memref<4x80xi32, #tpu.memory_space<vmem>>, vector<1x16xi32>,
        %get3A_410 = arith.index_cast %and3A_294 : i32 to index
        %get3A_411 = arith.constant 64 : index
        %get3A_412 = tpu.vector_load %arg10[%get3A_410, %get3A_411] {strides = array<i32>} : memref<4x80xi32, #tpu.memory_space<vmem>>, vector<1x16xi32>,
        %get3A_413 = vector.shape_cast %get3A_412 : vector<1x16xi32> to vector<16xi32>
        %add3A_414 = vector.broadcast %mul3A_0 : i32 to vector<16xi32>
        %add3A_415 = arith.addi %get3A_413, %add3A_414 : vector<16xi32>
        %swap3A_416 = arith.constant 64 : index
        %swap3A_417 = tpu.vector_load %arg12[%swap3A_416] {strides = array<i32>} : memref<80xi32, #tpu.memory_space<vmem>>, vector<16xi32>,
        %swap3A_418 = vector.shape_cast %swap3A_417 : vector<16xi32> to vector<16xi32>
        %swap3A_419 = vector.shape_cast %add3A_415 : vector<16xi32> to vector<16xi32>
        tpu.vector_store %arg12[%swap3A_416], %swap3A_419 {strides = array<i32>} : memref<80xi32, #tpu.memory_space<vmem>>, vector<16xi32>,
        %add3A_420 = arith.constant 1 : i32
        %add3A_421 = arith.addi %add3A_216, %add3A_420 : i32
        %and3A_422 = arith.constant 3 : i32
        %and3A_423 = arith.andi %add3A_421, %and3A_422 : i32
        %dma_start3A_424 = arith.constant 0 : i32
        %dma_start3A_425 = tpu.memref_slice %arg9[%and3A_423, %dma_start3A_424] : memref<4x80xi32, #tpu.memory_space<vmem>> -> memref<1x80xi32, #tpu.memory_space<vmem>>
        %dma_start3A_426 = tpu.memref_squeeze %dma_start3A_425 : memref<1x80xi32, #tpu.memory_space<vmem>> -> memref<80xi32, #tpu.memory_space<vmem>>
        %dma_start3A_427 = arith.constant 0 : i32
        %dma_start3A_428 = arith.constant 0 : i32
        %dma_start3A_429 = tpu.memref_slice %arg2[%dma_start3A_427, %dma_start3A_428] : memref<20000x80xf32, #tpu.memory_space<hbm>> -> memref<20000x80xf32, #tpu.memory_space<hbm>>
        tpu.enqueue_indirect_dma source(%dma_start3A_429 : memref<20000x80xf32, #tpu.memory_space<hbm>>) target(%arg14 : memref<80x80xf32, #tpu.memory_space<vmem>>) offsets(%dma_start3A_426 : memref<80xi32, #tpu.memory_space<vmem>>) semaphore(%arg19 : memref<!tpu.dma_semaphore, #tpu.memory_space<semaphore_mem>>)
        %dma_start3A_430 = arith.constant 0 : i32
        %dma_start3A_431 = arith.constant 0 : i32
        %dma_start3A_432 = tpu.memref_slice %arg3[%dma_start3A_430, %dma_start3A_431] : memref<20000x16xf32, #tpu.memory_space<hbm>> -> memref<20000x16xf32, #tpu.memory_space<hbm>>
        tpu.enqueue_indirect_dma source(%dma_start3A_432 : memref<20000x16xf32, #tpu.memory_space<hbm>>) target(%arg16 : memref<80x16xf32, #tpu.memory_space<vmem>>) offsets(%arg12 : memref<80xi32, #tpu.memory_space<vmem>>) semaphore(%arg19 : memref<!tpu.dma_semaphore, #tpu.memory_space<semaphore_mem>>)
      } else {
      }
      %dma_wait3A_225 = arith.constant 0 : i32
      %dma_wait3A_226 = arith.constant 0 : i32
      %dma_wait3A_227 = tpu.memref_slice %arg9[%dma_wait3A_225, %dma_wait3A_226] : memref<4x80xi32, #tpu.memory_space<vmem>> -> memref<1x80xi32, #tpu.memory_space<vmem>>
      %dma_wait3A_228 = tpu.memref_squeeze %dma_wait3A_227 : memref<1x80xi32, #tpu.memory_space<vmem>> -> memref<80xi32, #tpu.memory_space<vmem>>
      %dma_wait3A_229 = arith.constant 0 : i32
      %dma_wait3A_230 = arith.constant 0 : i32
      %dma_wait3A_231 = tpu.memref_slice %arg2[%dma_wait3A_229, %dma_wait3A_230] : memref<20000x80xf32, #tpu.memory_space<hbm>> -> memref<20000x80xf32, #tpu.memory_space<hbm>>
      tpu.wait_indirect_dma semaphore(%arg18 : memref<!tpu.dma_semaphore, #tpu.memory_space<semaphore_mem>>) src(%dma_wait3A_231 : memref<20000x80xf32, #tpu.memory_space<hbm>>) dst(%arg13 : memref<80x80xf32, #tpu.memory_space<vmem>>)
      %dma_wait3A_232 = arith.constant 0 : i32
      %dma_wait3A_233 = arith.constant 0 : i32
      %dma_wait3A_234 = tpu.memref_slice %arg3[%dma_wait3A_232, %dma_wait3A_233] : memref<20000x16xf32, #tpu.memory_space<hbm>> -> memref<20000x16xf32, #tpu.memory_space<hbm>>
      tpu.wait_indirect_dma semaphore(%arg18 : memref<!tpu.dma_semaphore, #tpu.memory_space<semaphore_mem>>) src(%dma_wait3A_234 : memref<20000x16xf32, #tpu.memory_space<hbm>>) dst(%arg15 : memref<80x16xf32, #tpu.memory_space<vmem>>)
      %parallel_loop3A = arith.constant 0 : i32
      %parallel_loop3A_235 = arith.constant 80 : i32
      %parallel_loop3A_236 = arith.constant 1 : i32
      scf.for %parallel_loop3A_291 = %parallel_loop3A to %parallel_loop3A_235 step %parallel_loop3A_236  : i32 {
        %parallel_loop3A_292 = arith.index_cast %parallel_loop3A_291 : i32 to index
        %parallel_loop3A_293 = arith.constant 64 : index
        %parallel_loop3A_294 = tpu.vector_load %arg13[%parallel_loop3A_292, %parallel_loop3A_293] {strides = array<i32>} : memref<80x80xf32, #tpu.memory_space<vmem>>, vector<1x16xf32>,
        %parallel_loop3A_295 = vector.shape_cast %parallel_loop3A_294 : vector<1x16xf32> to vector<16xf32>
        %parallel_loop3A_296 = arith.index_cast %parallel_loop3A_291 : i32 to index
        %parallel_loop3A_297 = arith.constant 0 : index
        %parallel_loop3A_298 = tpu.vector_load %arg15[%parallel_loop3A_296, %parallel_loop3A_297] {strides = array<i32>} : memref<80x16xf32, #tpu.memory_space<vmem>>, vector<1x16xf32>,
        %parallel_loop3A_299 = vector.shape_cast %parallel_loop3A_298 : vector<1x16xf32> to vector<16xf32>
        %parallel_loop3A_300 = arith.addf %parallel_loop3A_295, %parallel_loop3A_299 : vector<16xf32>
        %parallel_loop3A_301 = arith.constant 2.000000e-01 : f32
        %parallel_loop3A_302 = vector.broadcast %parallel_loop3A_301 : f32 to vector<16xf32>
        %parallel_loop3A_303 = arith.mulf %parallel_loop3A_302, %parallel_loop3A_300 : vector<16xf32>
        %parallel_loop3A_304 = arith.maximumf %parallel_loop3A_300, %parallel_loop3A_303 : vector<16xf32>
        %parallel_loop3A_305 = math.exp %parallel_loop3A_304 : vector<16xf32>
        %parallel_loop3A_306 = arith.index_cast %parallel_loop3A_291 : i32 to index
        %parallel_loop3A_307 = arith.constant 64 : index
        %parallel_loop3A_308 = tpu.vector_load %arg13[%parallel_loop3A_306, %parallel_loop3A_307] {strides = array<i32>} : memref<80x80xf32, #tpu.memory_space<vmem>>, vector<1x16xf32>,
        %parallel_loop3A_309 = vector.shape_cast %parallel_loop3A_308 : vector<1x16xf32> to vector<16xf32>
        %parallel_loop3A_310 = vector.shape_cast %parallel_loop3A_305 : vector<16xf32> to vector<1x16xf32>
        tpu.vector_store %arg13[%parallel_loop3A_306, %parallel_loop3A_307], %parallel_loop3A_310 {strides = array<i32>} : memref<80x80xf32, #tpu.memory_space<vmem>>, vector<1x16xf32>,
        %parallel_loop3A_311 = arith.constant 0 : i32
        %parallel_loop3A_312 = vector.broadcast %parallel_loop3A_311 : i32 to vector<16xi32>
        %parallel_loop3A_313 = arith.constant 0 : i32
        %parallel_loop3A_314 = vector.broadcast %parallel_loop3A_313 : i32 to vector<16xi32>
        %parallel_loop3A_315 = arith.cmpi slt, %parallel_loop3A_312, %parallel_loop3A_314 : vector<16xi32>
        %parallel_loop3A_316 = arith.constant 16 : i32
        %parallel_loop3A_317 = vector.broadcast %parallel_loop3A_316 : i32 to vector<16xi32>
        %parallel_loop3A_318 = arith.addi %parallel_loop3A_312, %parallel_loop3A_317 : vector<16xi32>
        %parallel_loop3A_319 = arith.select %parallel_loop3A_315, %parallel_loop3A_318, %parallel_loop3A_312 : vector<16xi1>, vector<16xi32>
        %parallel_loop3A_320 = vector.shape_cast %parallel_loop3A_319 : vector<16xi32> to vector<16x1xi32>
        %parallel_loop3A_321 = vector.shape_cast %parallel_loop3A_320 : vector<16x1xi32> to vector<16xi32>
        %parallel_loop3A_322 = tpu.dynamic_gather %parallel_loop3A_305[%parallel_loop3A_321] in [0] : vector<16xf32>, vector<16xi32> -> vector<16xf32>
        %parallel_loop3A_323 = arith.index_cast %parallel_loop3A_291 : i32 to index
        %parallel_loop3A_324 = arith.constant 0 : index
        %parallel_loop3A_325 = tpu.vector_load %arg13[%parallel_loop3A_323, %parallel_loop3A_324] {strides = array<i32>} : memref<80x80xf32, #tpu.memory_space<vmem>>, vector<1x16xf32>,
        %parallel_loop3A_326 = vector.shape_cast %parallel_loop3A_325 : vector<1x16xf32> to vector<16xf32>
        %parallel_loop3A_327 = arith.mulf %parallel_loop3A_326, %parallel_loop3A_322 : vector<16xf32>
        %parallel_loop3A_328 = arith.index_cast %parallel_loop3A_291 : i32 to index
        %parallel_loop3A_329 = arith.constant 0 : index
        %parallel_loop3A_330 = tpu.vector_load %arg13[%parallel_loop3A_328, %parallel_loop3A_329] {strides = array<i32>} : memref<80x80xf32, #tpu.memory_space<vmem>>, vector<1x16xf32>,
        %parallel_loop3A_331 = vector.shape_cast %parallel_loop3A_330 : vector<1x16xf32> to vector<16xf32>
        %parallel_loop3A_332 = vector.shape_cast %parallel_loop3A_327 : vector<16xf32> to vector<1x16xf32>
        tpu.vector_store %arg13[%parallel_loop3A_328, %parallel_loop3A_329], %parallel_loop3A_332 {strides = array<i32>} : memref<80x80xf32, #tpu.memory_space<vmem>>, vector<1x16xf32>,
        %parallel_loop3A_333 = arith.constant 1 : i32
        %parallel_loop3A_334 = vector.broadcast %parallel_loop3A_333 : i32 to vector<16xi32>
        %parallel_loop3A_335 = arith.constant 0 : i32
        %parallel_loop3A_336 = vector.broadcast %parallel_loop3A_335 : i32 to vector<16xi32>
        %parallel_loop3A_337 = arith.cmpi slt, %parallel_loop3A_334, %parallel_loop3A_336 : vector<16xi32>
        %parallel_loop3A_338 = arith.constant 16 : i32
        %parallel_loop3A_339 = vector.broadcast %parallel_loop3A_338 : i32 to vector<16xi32>
        %parallel_loop3A_340 = arith.addi %parallel_loop3A_334, %parallel_loop3A_339 : vector<16xi32>
        %parallel_loop3A_341 = arith.select %parallel_loop3A_337, %parallel_loop3A_340, %parallel_loop3A_334 : vector<16xi1>, vector<16xi32>
        %parallel_loop3A_342 = vector.shape_cast %parallel_loop3A_341 : vector<16xi32> to vector<16x1xi32>
        %parallel_loop3A_343 = vector.shape_cast %parallel_loop3A_342 : vector<16x1xi32> to vector<16xi32>
        %parallel_loop3A_344 = tpu.dynamic_gather %parallel_loop3A_305[%parallel_loop3A_343] in [0] : vector<16xf32>, vector<16xi32> -> vector<16xf32>
        %parallel_loop3A_345 = arith.index_cast %parallel_loop3A_291 : i32 to index
        %parallel_loop3A_346 = arith.constant 16 : index
        %parallel_loop3A_347 = tpu.vector_load %arg13[%parallel_loop3A_345, %parallel_loop3A_346] {strides = array<i32>} : memref<80x80xf32, #tpu.memory_space<vmem>>, vector<1x16xf32>,
        %parallel_loop3A_348 = vector.shape_cast %parallel_loop3A_347 : vector<1x16xf32> to vector<16xf32>
        %parallel_loop3A_349 = arith.mulf %parallel_loop3A_348, %parallel_loop3A_344 : vector<16xf32>
        %parallel_loop3A_350 = arith.index_cast %parallel_loop3A_291 : i32 to index
        %parallel_loop3A_351 = arith.constant 16 : index
        %parallel_loop3A_352 = tpu.vector_load %arg13[%parallel_loop3A_350, %parallel_loop3A_351] {strides = array<i32>} : memref<80x80xf32, #tpu.memory_space<vmem>>, vector<1x16xf32>,
        %parallel_loop3A_353 = vector.shape_cast %parallel_loop3A_352 : vector<1x16xf32> to vector<16xf32>
        %parallel_loop3A_354 = vector.shape_cast %parallel_loop3A_349 : vector<16xf32> to vector<1x16xf32>
        tpu.vector_store %arg13[%parallel_loop3A_350, %parallel_loop3A_351], %parallel_loop3A_354 {strides = array<i32>} : memref<80x80xf32, #tpu.memory_space<vmem>>, vector<1x16xf32>,
        %parallel_loop3A_355 = arith.constant 2 : i32
        %parallel_loop3A_356 = vector.broadcast %parallel_loop3A_355 : i32 to vector<16xi32>
        %parallel_loop3A_357 = arith.constant 0 : i32
        %parallel_loop3A_358 = vector.broadcast %parallel_loop3A_357 : i32 to vector<16xi32>
        %parallel_loop3A_359 = arith.cmpi slt, %parallel_loop3A_356, %parallel_loop3A_358 : vector<16xi32>
        %parallel_loop3A_360 = arith.constant 16 : i32
        %parallel_loop3A_361 = vector.broadcast %parallel_loop3A_360 : i32 to vector<16xi32>
        %parallel_loop3A_362 = arith.addi %parallel_loop3A_356, %parallel_loop3A_361 : vector<16xi32>
        %parallel_loop3A_363 = arith.select %parallel_loop3A_359, %parallel_loop3A_362, %parallel_loop3A_356 : vector<16xi1>, vector<16xi32>
        %parallel_loop3A_364 = vector.shape_cast %parallel_loop3A_363 : vector<16xi32> to vector<16x1xi32>
        %parallel_loop3A_365 = vector.shape_cast %parallel_loop3A_364 : vector<16x1xi32> to vector<16xi32>
        %parallel_loop3A_366 = tpu.dynamic_gather %parallel_loop3A_305[%parallel_loop3A_365] in [0] : vector<16xf32>, vector<16xi32> -> vector<16xf32>
        %parallel_loop3A_367 = arith.index_cast %parallel_loop3A_291 : i32 to index
        %parallel_loop3A_368 = arith.constant 32 : index
        %parallel_loop3A_369 = tpu.vector_load %arg13[%parallel_loop3A_367, %parallel_loop3A_368] {strides = array<i32>} : memref<80x80xf32, #tpu.memory_space<vmem>>, vector<1x16xf32>,
        %parallel_loop3A_370 = vector.shape_cast %parallel_loop3A_369 : vector<1x16xf32> to vector<16xf32>
        %parallel_loop3A_371 = arith.mulf %parallel_loop3A_370, %parallel_loop3A_366 : vector<16xf32>
        %parallel_loop3A_372 = arith.index_cast %parallel_loop3A_291 : i32 to index
        %parallel_loop3A_373 = arith.constant 32 : index
        %parallel_loop3A_374 = tpu.vector_load %arg13[%parallel_loop3A_372, %parallel_loop3A_373] {strides = array<i32>} : memref<80x80xf32, #tpu.memory_space<vmem>>, vector<1x16xf32>,
        %parallel_loop3A_375 = vector.shape_cast %parallel_loop3A_374 : vector<1x16xf32> to vector<16xf32>
        %parallel_loop3A_376 = vector.shape_cast %parallel_loop3A_371 : vector<16xf32> to vector<1x16xf32>
        tpu.vector_store %arg13[%parallel_loop3A_372, %parallel_loop3A_373], %parallel_loop3A_376 {strides = array<i32>} : memref<80x80xf32, #tpu.memory_space<vmem>>, vector<1x16xf32>,
        %parallel_loop3A_377 = arith.constant 3 : i32
        %parallel_loop3A_378 = vector.broadcast %parallel_loop3A_377 : i32 to vector<16xi32>
        %parallel_loop3A_379 = arith.constant 0 : i32
        %parallel_loop3A_380 = vector.broadcast %parallel_loop3A_379 : i32 to vector<16xi32>
        %parallel_loop3A_381 = arith.cmpi slt, %parallel_loop3A_378, %parallel_loop3A_380 : vector<16xi32>
        %parallel_loop3A_382 = arith.constant 16 : i32
        %parallel_loop3A_383 = vector.broadcast %parallel_loop3A_382 : i32 to vector<16xi32>
        %parallel_loop3A_384 = arith.addi %parallel_loop3A_378, %parallel_loop3A_383 : vector<16xi32>
        %parallel_loop3A_385 = arith.select %parallel_loop3A_381, %parallel_loop3A_384, %parallel_loop3A_378 : vector<16xi1>, vector<16xi32>
        %parallel_loop3A_386 = vector.shape_cast %parallel_loop3A_385 : vector<16xi32> to vector<16x1xi32>
        %parallel_loop3A_387 = vector.shape_cast %parallel_loop3A_386 : vector<16x1xi32> to vector<16xi32>
        %parallel_loop3A_388 = tpu.dynamic_gather %parallel_loop3A_305[%parallel_loop3A_387] in [0] : vector<16xf32>, vector<16xi32> -> vector<16xf32>
        %parallel_loop3A_389 = arith.index_cast %parallel_loop3A_291 : i32 to index
        %parallel_loop3A_390 = arith.constant 48 : index
        %parallel_loop3A_391 = tpu.vector_load %arg13[%parallel_loop3A_389, %parallel_loop3A_390] {strides = array<i32>} : memref<80x80xf32, #tpu.memory_space<vmem>>, vector<1x16xf32>,
        %parallel_loop3A_392 = vector.shape_cast %parallel_loop3A_391 : vector<1x16xf32> to vector<16xf32>
        %parallel_loop3A_393 = arith.mulf %parallel_loop3A_392, %parallel_loop3A_388 : vector<16xf32>
        %parallel_loop3A_394 = arith.index_cast %parallel_loop3A_291 : i32 to index
        %parallel_loop3A_395 = arith.constant 48 : index
        %parallel_loop3A_396 = tpu.vector_load %arg13[%parallel_loop3A_394, %parallel_loop3A_395] {strides = array<i32>} : memref<80x80xf32, #tpu.memory_space<vmem>>, vector<1x16xf32>,
        %parallel_loop3A_397 = vector.shape_cast %parallel_loop3A_396 : vector<1x16xf32> to vector<16xf32>
        %parallel_loop3A_398 = vector.shape_cast %parallel_loop3A_393 : vector<16xf32> to vector<1x16xf32>
        tpu.vector_store %arg13[%parallel_loop3A_394, %parallel_loop3A_395], %parallel_loop3A_398 {strides = array<i32>} : memref<80x80xf32, #tpu.memory_space<vmem>>, vector<1x16xf32>,
      } {sc.loop_unroll_factor = 4 : i64, sc.parallel_access}
      %and3A_237 = arith.constant 3 : i32
      %and3A_238 = arith.andi %add3A_216, %and3A_237 : i32
      %dma_start3A_239 = arith.constant 0 : i32
      %dma_start3A_240 = tpu.memref_slice %arg10[%and3A_238, %dma_start3A_239] : memref<4x80xi32, #tpu.memory_space<vmem>> -> memref<1x80xi32, #tpu.memory_space<vmem>>
      %dma_start3A_241 = tpu.memref_squeeze %dma_start3A_240 : memref<1x80xi32, #tpu.memory_space<vmem>> -> memref<80xi32, #tpu.memory_space<vmem>>
      %dma_start3A_242 = arith.constant 0 : i32
      %dma_start3A_243 = arith.constant 0 : i32
      %dma_start3A_244 = tpu.memref_slice %arg8[%dma_start3A_242, %dma_start3A_243] : memref<10000x80xf32, #tpu.memory_space<vmem_shared>> -> memref<10000x80xf32, #tpu.memory_space<vmem_shared>>
      tpu.enqueue_indirect_dma source(%arg13 : memref<80x80xf32, #tpu.memory_space<vmem>>) target(%dma_start3A_244 : memref<10000x80xf32, #tpu.memory_space<vmem_shared>>) offsets(%dma_start3A_241 : memref<80xi32, #tpu.memory_space<vmem>>) semaphore(%arg20 : memref<!tpu.dma_semaphore, #tpu.memory_space<semaphore_mem>>) {add = true}
      %le3A_245 = arith.constant 247 : i32
      %le3A_246 = arith.cmpi sle, %add3A_216, %le3A_245 : i32
      %convert_element_type3A_247 = arith.extui %le3A_246 : i1 to i32
      %cond3A_248 = arith.constant 0 : i32
      %cond3A_249 = arith.cmpi ne, %convert_element_type3A_247, %cond3A_248 : i32
      scf.if %cond3A_249 {
        %add3A_291 = arith.constant 2 : i32
        %add3A_292 = arith.addi %add3A_216, %add3A_291 : i32
        %and3A_293 = arith.constant 3 : i32
        %and3A_294 = arith.andi %add3A_292, %and3A_293 : i32
        %mul3A_295 = arith.constant 16 : i32
        %mul3A_296 = arith.muli %add3A_292, %mul3A_295 : i32
        %add3A_297 = arith.addi %arg1, %mul3A_296 : i32
        %mul3A_298 = arith.constant 80 : i32
        %mul3A_299 = arith.muli %add3A_297, %mul3A_298 : i32
        %dma_start3A_300 = arith.constant 0 : i32
        %dma_start3A_301 = tpu.memref_slice %arg9[%and3A_294, %dma_start3A_300] : memref<4x80xi32, #tpu.memory_space<vmem>> -> memref<1x80xi32, #tpu.memory_space<vmem>>
        %dma_start3A_302 = tpu.memref_squeeze %dma_start3A_301 : memref<1x80xi32, #tpu.memory_space<vmem>> -> memref<80xi32, #tpu.memory_space<vmem>>
        %dma_start3A_303 = tpu.memref_slice %arg4[%mul3A_299] : memref<320000xi32, #tpu.memory_space<hbm>> -> memref<80xi32, #tpu.memory_space<hbm>>
        %dma_start3A_304 = arith.constant 0 : i32
        %dma_start3A_305 = tpu.memref_slice %arg9[%and3A_294, %dma_start3A_304] : memref<4x80xi32, #tpu.memory_space<vmem>> -> memref<1x80xi32, #tpu.memory_space<vmem>>
        %dma_start3A_306 = tpu.memref_squeeze %dma_start3A_305 : memref<1x80xi32, #tpu.memory_space<vmem>> -> memref<80xi32, #tpu.memory_space<vmem>>
        %dma_start3A_307 = tpu.memref_slice %arg4[%mul3A_299] : memref<320000xi32, #tpu.memory_space<hbm>> -> memref<80xi32, #tpu.memory_space<hbm>>
        tpu.enqueue_dma source(%dma_start3A_307 : memref<80xi32, #tpu.memory_space<hbm>>) target(%dma_start3A_306 : memref<80xi32, #tpu.memory_space<vmem>>) target_semaphore(%arg17 : memref<!tpu.dma_semaphore, #tpu.memory_space<semaphore_mem>>)
        %dma_start3A_308 = arith.constant 0 : i32
        %dma_start3A_309 = tpu.memref_slice %arg10[%and3A_294, %dma_start3A_308] : memref<4x80xi32, #tpu.memory_space<vmem>> -> memref<1x80xi32, #tpu.memory_space<vmem>>
        %dma_start3A_310 = tpu.memref_squeeze %dma_start3A_309 : memref<1x80xi32, #tpu.memory_space<vmem>> -> memref<80xi32, #tpu.memory_space<vmem>>
        %dma_start3A_311 = tpu.memref_slice %arg5[%mul3A_299] : memref<320000xi32, #tpu.memory_space<hbm>> -> memref<80xi32, #tpu.memory_space<hbm>>
        %dma_start3A_312 = arith.constant 0 : i32
        %dma_start3A_313 = tpu.memref_slice %arg10[%and3A_294, %dma_start3A_312] : memref<4x80xi32, #tpu.memory_space<vmem>> -> memref<1x80xi32, #tpu.memory_space<vmem>>
        %dma_start3A_314 = tpu.memref_squeeze %dma_start3A_313 : memref<1x80xi32, #tpu.memory_space<vmem>> -> memref<80xi32, #tpu.memory_space<vmem>>
        %dma_start3A_315 = tpu.memref_slice %arg5[%mul3A_299] : memref<320000xi32, #tpu.memory_space<hbm>> -> memref<80xi32, #tpu.memory_space<hbm>>
        tpu.enqueue_dma source(%dma_start3A_315 : memref<80xi32, #tpu.memory_space<hbm>>) target(%dma_start3A_314 : memref<80xi32, #tpu.memory_space<vmem>>) target_semaphore(%arg17 : memref<!tpu.dma_semaphore, #tpu.memory_space<semaphore_mem>>)
      } else {
      }
      %mul3A_250 = arith.constant 2 : i32
      %mul3A_251 = arith.muli %mul3A_250, %scan3A_211 : i32
      %add3A_252 = arith.constant 1 : i32
      %add3A_253 = arith.addi %mul3A_251, %add3A_252 : i32
      %ge3A_254 = arith.constant 1 : i32
      %ge3A_255 = arith.cmpi sge, %add3A_253, %ge3A_254 : i32
      %convert_element_type3A_256 = arith.extui %ge3A_255 : i1 to i32
      %cond3A_257 = arith.constant 0 : i32
      %cond3A_258 = arith.cmpi ne, %convert_element_type3A_256, %cond3A_257 : i32
      scf.if %cond3A_258 {
        %dma_wait3A_291 = arith.constant 0 : i32
        %dma_wait3A_292 = arith.constant 0 : i32
        %dma_wait3A_293 = tpu.memref_slice %arg10[%dma_wait3A_291, %dma_wait3A_292] : memref<4x80xi32, #tpu.memory_space<vmem>> -> memref<1x80xi32, #tpu.memory_space<vmem>>
        %dma_wait3A_294 = tpu.memref_squeeze %dma_wait3A_293 : memref<1x80xi32, #tpu.memory_space<vmem>> -> memref<80xi32, #tpu.memory_space<vmem>>
        %dma_wait3A_295 = arith.constant 0 : i32
        %dma_wait3A_296 = arith.constant 0 : i32
        %dma_wait3A_297 = tpu.memref_slice %arg8[%dma_wait3A_295, %dma_wait3A_296] : memref<10000x80xf32, #tpu.memory_space<vmem_shared>> -> memref<10000x80xf32, #tpu.memory_space<vmem_shared>>
        tpu.wait_indirect_dma semaphore(%arg20 : memref<!tpu.dma_semaphore, #tpu.memory_space<semaphore_mem>>) src(%arg13 : memref<80x80xf32, #tpu.memory_space<vmem>>) dst(%dma_wait3A_297 : memref<10000x80xf32, #tpu.memory_space<vmem_shared>>)
      } else {
      }
      %le3A_259 = arith.constant 248 : i32
      %le3A_260 = arith.cmpi sle, %add3A_253, %le3A_259 : i32
      %convert_element_type3A_261 = arith.extui %le3A_260 : i1 to i32
      %cond3A_262 = arith.constant 0 : i32
      %cond3A_263 = arith.cmpi ne, %convert_element_type3A_261, %cond3A_262 : i32
      scf.if %cond3A_263 {
        %add3A_291 = arith.constant 1 : i32
        %add3A_292 = arith.addi %add3A_253, %add3A_291 : i32
        %and3A_293 = arith.constant 3 : i32
        %and3A_294 = arith.andi %add3A_292, %and3A_293 : i32
        %dma_wait3A_295 = arith.constant 0 : i32
        %dma_wait3A_296 = tpu.memref_slice %arg9[%and3A_294, %dma_wait3A_295] : memref<4x80xi32, #tpu.memory_space<vmem>> -> memref<1x80xi32, #tpu.memory_space<vmem>>
        %dma_wait3A_297 = tpu.memref_squeeze %dma_wait3A_296 : memref<1x80xi32, #tpu.memory_space<vmem>> -> memref<80xi32, #tpu.memory_space<vmem>>
        %dma_wait3A_298 = arith.constant 0 : i32
        %dma_wait3A_299 = tpu.memref_slice %arg4[%dma_wait3A_298] : memref<320000xi32, #tpu.memory_space<hbm>> -> memref<80xi32, #tpu.memory_space<hbm>>
        %dma_wait3A_300 = arith.constant 0 : i32
        %dma_wait3A_301 = tpu.memref_slice %arg9[%and3A_294, %dma_wait3A_300] : memref<4x80xi32, #tpu.memory_space<vmem>> -> memref<1x80xi32, #tpu.memory_space<vmem>>
        %dma_wait3A_302 = tpu.memref_squeeze %dma_wait3A_301 : memref<1x80xi32, #tpu.memory_space<vmem>> -> memref<80xi32, #tpu.memory_space<vmem>>
        %dma_wait3A_303 = arith.constant 0 : i32
        %dma_wait3A_304 = tpu.memref_slice %arg4[%dma_wait3A_303] : memref<320000xi32, #tpu.memory_space<hbm>> -> memref<80xi32, #tpu.memory_space<hbm>>
        tpu.wait_dma2 semaphore(%arg17 : memref<!tpu.dma_semaphore, #tpu.memory_space<semaphore_mem>>) src(%dma_wait3A_304 : memref<80xi32, #tpu.memory_space<hbm>>) dst(%dma_wait3A_302 : memref<80xi32, #tpu.memory_space<vmem>>)
        %dma_wait3A_305 = arith.constant 0 : i32
        %dma_wait3A_306 = tpu.memref_slice %arg10[%and3A_294, %dma_wait3A_305] : memref<4x80xi32, #tpu.memory_space<vmem>> -> memref<1x80xi32, #tpu.memory_space<vmem>>
        %dma_wait3A_307 = tpu.memref_squeeze %dma_wait3A_306 : memref<1x80xi32, #tpu.memory_space<vmem>> -> memref<80xi32, #tpu.memory_space<vmem>>
        %dma_wait3A_308 = arith.constant 0 : i32
        %dma_wait3A_309 = tpu.memref_slice %arg5[%dma_wait3A_308] : memref<320000xi32, #tpu.memory_space<hbm>> -> memref<80xi32, #tpu.memory_space<hbm>>
        %dma_wait3A_310 = arith.constant 0 : i32
        %dma_wait3A_311 = tpu.memref_slice %arg10[%and3A_294, %dma_wait3A_310] : memref<4x80xi32, #tpu.memory_space<vmem>> -> memref<1x80xi32, #tpu.memory_space<vmem>>
        %dma_wait3A_312 = tpu.memref_squeeze %dma_wait3A_311 : memref<1x80xi32, #tpu.memory_space<vmem>> -> memref<80xi32, #tpu.memory_space<vmem>>
        %dma_wait3A_313 = arith.constant 0 : i32
        %dma_wait3A_314 = tpu.memref_slice %arg5[%dma_wait3A_313] : memref<320000xi32, #tpu.memory_space<hbm>> -> memref<80xi32, #tpu.memory_space<hbm>>
        tpu.wait_dma2 semaphore(%arg17 : memref<!tpu.dma_semaphore, #tpu.memory_space<semaphore_mem>>) src(%dma_wait3A_314 : memref<80xi32, #tpu.memory_space<hbm>>) dst(%dma_wait3A_312 : memref<80xi32, #tpu.memory_space<vmem>>)
        %get3A_315 = arith.index_cast %and3A_294 : i32 to index
        %get3A_316 = arith.constant 0 : index
        %get3A_317 = tpu.vector_load %arg9[%get3A_315, %get3A_316] {strides = array<i32>} : memref<4x80xi32, #tpu.memory_space<vmem>>, vector<1x16xi32>,
        %get3A_318 = vector.shape_cast %get3A_317 : vector<1x16xi32> to vector<16xi32>
        %add3A_319 = vector.broadcast %mul3A_0 : i32 to vector<16xi32>
        %add3A_320 = arith.addi %get3A_318, %add3A_319 : vector<16xi32>
        %swap3A_321 = arith.index_cast %and3A_294 : i32 to index
        %swap3A_322 = arith.constant 0 : index
        %swap3A_323 = tpu.vector_load %arg9[%swap3A_321, %swap3A_322] {strides = array<i32>} : memref<4x80xi32, #tpu.memory_space<vmem>>, vector<1x16xi32>,
        %swap3A_324 = vector.shape_cast %swap3A_323 : vector<1x16xi32> to vector<16xi32>
        %swap3A_325 = vector.shape_cast %add3A_320 : vector<16xi32> to vector<1x16xi32>
        tpu.vector_store %arg9[%swap3A_321, %swap3A_322], %swap3A_325 {strides = array<i32>} : memref<4x80xi32, #tpu.memory_space<vmem>>, vector<1x16xi32>,
        %get3A_326 = arith.index_cast %and3A_294 : i32 to index
        %get3A_327 = arith.constant 0 : index
        %get3A_328 = tpu.vector_load %arg10[%get3A_326, %get3A_327] {strides = array<i32>} : memref<4x80xi32, #tpu.memory_space<vmem>>, vector<1x16xi32>,
        %get3A_329 = vector.shape_cast %get3A_328 : vector<1x16xi32> to vector<16xi32>
        %add3A_330 = vector.broadcast %mul3A_0 : i32 to vector<16xi32>
        %add3A_331 = arith.addi %get3A_329, %add3A_330 : vector<16xi32>
        %swap3A_332 = arith.constant 0 : index
        %swap3A_333 = tpu.vector_load %arg11[%swap3A_332] {strides = array<i32>} : memref<80xi32, #tpu.memory_space<vmem>>, vector<16xi32>,
        %swap3A_334 = vector.shape_cast %swap3A_333 : vector<16xi32> to vector<16xi32>
        %swap3A_335 = vector.shape_cast %add3A_331 : vector<16xi32> to vector<16xi32>
        tpu.vector_store %arg11[%swap3A_332], %swap3A_335 {strides = array<i32>} : memref<80xi32, #tpu.memory_space<vmem>>, vector<16xi32>,
        %get3A_336 = arith.index_cast %and3A_294 : i32 to index
        %get3A_337 = arith.constant 16 : index
        %get3A_338 = tpu.vector_load %arg9[%get3A_336, %get3A_337] {strides = array<i32>} : memref<4x80xi32, #tpu.memory_space<vmem>>, vector<1x16xi32>,
        %get3A_339 = vector.shape_cast %get3A_338 : vector<1x16xi32> to vector<16xi32>
        %add3A_340 = vector.broadcast %mul3A_0 : i32 to vector<16xi32>
        %add3A_341 = arith.addi %get3A_339, %add3A_340 : vector<16xi32>
        %swap3A_342 = arith.index_cast %and3A_294 : i32 to index
        %swap3A_343 = arith.constant 16 : index
        %swap3A_344 = tpu.vector_load %arg9[%swap3A_342, %swap3A_343] {strides = array<i32>} : memref<4x80xi32, #tpu.memory_space<vmem>>, vector<1x16xi32>,
        %swap3A_345 = vector.shape_cast %swap3A_344 : vector<1x16xi32> to vector<16xi32>
        %swap3A_346 = vector.shape_cast %add3A_341 : vector<16xi32> to vector<1x16xi32>
        tpu.vector_store %arg9[%swap3A_342, %swap3A_343], %swap3A_346 {strides = array<i32>} : memref<4x80xi32, #tpu.memory_space<vmem>>, vector<1x16xi32>,
        %get3A_347 = arith.index_cast %and3A_294 : i32 to index
        %get3A_348 = arith.constant 16 : index
        %get3A_349 = tpu.vector_load %arg10[%get3A_347, %get3A_348] {strides = array<i32>} : memref<4x80xi32, #tpu.memory_space<vmem>>, vector<1x16xi32>,
        %get3A_350 = vector.shape_cast %get3A_349 : vector<1x16xi32> to vector<16xi32>
        %add3A_351 = vector.broadcast %mul3A_0 : i32 to vector<16xi32>
        %add3A_352 = arith.addi %get3A_350, %add3A_351 : vector<16xi32>
        %swap3A_353 = arith.constant 16 : index
        %swap3A_354 = tpu.vector_load %arg11[%swap3A_353] {strides = array<i32>} : memref<80xi32, #tpu.memory_space<vmem>>, vector<16xi32>,
        %swap3A_355 = vector.shape_cast %swap3A_354 : vector<16xi32> to vector<16xi32>
        %swap3A_356 = vector.shape_cast %add3A_352 : vector<16xi32> to vector<16xi32>
        tpu.vector_store %arg11[%swap3A_353], %swap3A_356 {strides = array<i32>} : memref<80xi32, #tpu.memory_space<vmem>>, vector<16xi32>,
        %get3A_357 = arith.index_cast %and3A_294 : i32 to index
        %get3A_358 = arith.constant 32 : index
        %get3A_359 = tpu.vector_load %arg9[%get3A_357, %get3A_358] {strides = array<i32>} : memref<4x80xi32, #tpu.memory_space<vmem>>, vector<1x16xi32>,
        %get3A_360 = vector.shape_cast %get3A_359 : vector<1x16xi32> to vector<16xi32>
        %add3A_361 = vector.broadcast %mul3A_0 : i32 to vector<16xi32>
        %add3A_362 = arith.addi %get3A_360, %add3A_361 : vector<16xi32>
        %swap3A_363 = arith.index_cast %and3A_294 : i32 to index
        %swap3A_364 = arith.constant 32 : index
        %swap3A_365 = tpu.vector_load %arg9[%swap3A_363, %swap3A_364] {strides = array<i32>} : memref<4x80xi32, #tpu.memory_space<vmem>>, vector<1x16xi32>,
        %swap3A_366 = vector.shape_cast %swap3A_365 : vector<1x16xi32> to vector<16xi32>
        %swap3A_367 = vector.shape_cast %add3A_362 : vector<16xi32> to vector<1x16xi32>
        tpu.vector_store %arg9[%swap3A_363, %swap3A_364], %swap3A_367 {strides = array<i32>} : memref<4x80xi32, #tpu.memory_space<vmem>>, vector<1x16xi32>,
        %get3A_368 = arith.index_cast %and3A_294 : i32 to index
        %get3A_369 = arith.constant 32 : index
        %get3A_370 = tpu.vector_load %arg10[%get3A_368, %get3A_369] {strides = array<i32>} : memref<4x80xi32, #tpu.memory_space<vmem>>, vector<1x16xi32>,
        %get3A_371 = vector.shape_cast %get3A_370 : vector<1x16xi32> to vector<16xi32>
        %add3A_372 = vector.broadcast %mul3A_0 : i32 to vector<16xi32>
        %add3A_373 = arith.addi %get3A_371, %add3A_372 : vector<16xi32>
        %swap3A_374 = arith.constant 32 : index
        %swap3A_375 = tpu.vector_load %arg11[%swap3A_374] {strides = array<i32>} : memref<80xi32, #tpu.memory_space<vmem>>, vector<16xi32>,
        %swap3A_376 = vector.shape_cast %swap3A_375 : vector<16xi32> to vector<16xi32>
        %swap3A_377 = vector.shape_cast %add3A_373 : vector<16xi32> to vector<16xi32>
        tpu.vector_store %arg11[%swap3A_374], %swap3A_377 {strides = array<i32>} : memref<80xi32, #tpu.memory_space<vmem>>, vector<16xi32>,
        %get3A_378 = arith.index_cast %and3A_294 : i32 to index
        %get3A_379 = arith.constant 48 : index
        %get3A_380 = tpu.vector_load %arg9[%get3A_378, %get3A_379] {strides = array<i32>} : memref<4x80xi32, #tpu.memory_space<vmem>>, vector<1x16xi32>,
        %get3A_381 = vector.shape_cast %get3A_380 : vector<1x16xi32> to vector<16xi32>
        %add3A_382 = vector.broadcast %mul3A_0 : i32 to vector<16xi32>
        %add3A_383 = arith.addi %get3A_381, %add3A_382 : vector<16xi32>
        %swap3A_384 = arith.index_cast %and3A_294 : i32 to index
        %swap3A_385 = arith.constant 48 : index
        %swap3A_386 = tpu.vector_load %arg9[%swap3A_384, %swap3A_385] {strides = array<i32>} : memref<4x80xi32, #tpu.memory_space<vmem>>, vector<1x16xi32>,
        %swap3A_387 = vector.shape_cast %swap3A_386 : vector<1x16xi32> to vector<16xi32>
        %swap3A_388 = vector.shape_cast %add3A_383 : vector<16xi32> to vector<1x16xi32>
        tpu.vector_store %arg9[%swap3A_384, %swap3A_385], %swap3A_388 {strides = array<i32>} : memref<4x80xi32, #tpu.memory_space<vmem>>, vector<1x16xi32>,
        %get3A_389 = arith.index_cast %and3A_294 : i32 to index
        %get3A_390 = arith.constant 48 : index
        %get3A_391 = tpu.vector_load %arg10[%get3A_389, %get3A_390] {strides = array<i32>} : memref<4x80xi32, #tpu.memory_space<vmem>>, vector<1x16xi32>,
        %get3A_392 = vector.shape_cast %get3A_391 : vector<1x16xi32> to vector<16xi32>
        %add3A_393 = vector.broadcast %mul3A_0 : i32 to vector<16xi32>
        %add3A_394 = arith.addi %get3A_392, %add3A_393 : vector<16xi32>
        %swap3A_395 = arith.constant 48 : index
        %swap3A_396 = tpu.vector_load %arg11[%swap3A_395] {strides = array<i32>} : memref<80xi32, #tpu.memory_space<vmem>>, vector<16xi32>,
        %swap3A_397 = vector.shape_cast %swap3A_396 : vector<16xi32> to vector<16xi32>
        %swap3A_398 = vector.shape_cast %add3A_394 : vector<16xi32> to vector<16xi32>
        tpu.vector_store %arg11[%swap3A_395], %swap3A_398 {strides = array<i32>} : memref<80xi32, #tpu.memory_space<vmem>>, vector<16xi32>,
        %get3A_399 = arith.index_cast %and3A_294 : i32 to index
        %get3A_400 = arith.constant 64 : index
        %get3A_401 = tpu.vector_load %arg9[%get3A_399, %get3A_400] {strides = array<i32>} : memref<4x80xi32, #tpu.memory_space<vmem>>, vector<1x16xi32>,
        %get3A_402 = vector.shape_cast %get3A_401 : vector<1x16xi32> to vector<16xi32>
        %add3A_403 = vector.broadcast %mul3A_0 : i32 to vector<16xi32>
        %add3A_404 = arith.addi %get3A_402, %add3A_403 : vector<16xi32>
        %swap3A_405 = arith.index_cast %and3A_294 : i32 to index
        %swap3A_406 = arith.constant 64 : index
        %swap3A_407 = tpu.vector_load %arg9[%swap3A_405, %swap3A_406] {strides = array<i32>} : memref<4x80xi32, #tpu.memory_space<vmem>>, vector<1x16xi32>,
        %swap3A_408 = vector.shape_cast %swap3A_407 : vector<1x16xi32> to vector<16xi32>
        %swap3A_409 = vector.shape_cast %add3A_404 : vector<16xi32> to vector<1x16xi32>
        tpu.vector_store %arg9[%swap3A_405, %swap3A_406], %swap3A_409 {strides = array<i32>} : memref<4x80xi32, #tpu.memory_space<vmem>>, vector<1x16xi32>,
        %get3A_410 = arith.index_cast %and3A_294 : i32 to index
        %get3A_411 = arith.constant 64 : index
        %get3A_412 = tpu.vector_load %arg10[%get3A_410, %get3A_411] {strides = array<i32>} : memref<4x80xi32, #tpu.memory_space<vmem>>, vector<1x16xi32>,
        %get3A_413 = vector.shape_cast %get3A_412 : vector<1x16xi32> to vector<16xi32>
        %add3A_414 = vector.broadcast %mul3A_0 : i32 to vector<16xi32>
        %add3A_415 = arith.addi %get3A_413, %add3A_414 : vector<16xi32>
        %swap3A_416 = arith.constant 64 : index
        %swap3A_417 = tpu.vector_load %arg11[%swap3A_416] {strides = array<i32>} : memref<80xi32, #tpu.memory_space<vmem>>, vector<16xi32>,
        %swap3A_418 = vector.shape_cast %swap3A_417 : vector<16xi32> to vector<16xi32>
        %swap3A_419 = vector.shape_cast %add3A_415 : vector<16xi32> to vector<16xi32>
        tpu.vector_store %arg11[%swap3A_416], %swap3A_419 {strides = array<i32>} : memref<80xi32, #tpu.memory_space<vmem>>, vector<16xi32>,
        %add3A_420 = arith.constant 1 : i32
        %add3A_421 = arith.addi %add3A_253, %add3A_420 : i32
        %and3A_422 = arith.constant 3 : i32
        %and3A_423 = arith.andi %add3A_421, %and3A_422 : i32
        %dma_start3A_424 = arith.constant 0 : i32
        %dma_start3A_425 = tpu.memref_slice %arg9[%and3A_423, %dma_start3A_424] : memref<4x80xi32, #tpu.memory_space<vmem>> -> memref<1x80xi32, #tpu.memory_space<vmem>>
        %dma_start3A_426 = tpu.memref_squeeze %dma_start3A_425 : memref<1x80xi32, #tpu.memory_space<vmem>> -> memref<80xi32, #tpu.memory_space<vmem>>
        %dma_start3A_427 = arith.constant 0 : i32
        %dma_start3A_428 = arith.constant 0 : i32
        %dma_start3A_429 = tpu.memref_slice %arg2[%dma_start3A_427, %dma_start3A_428] : memref<20000x80xf32, #tpu.memory_space<hbm>> -> memref<20000x80xf32, #tpu.memory_space<hbm>>
        tpu.enqueue_indirect_dma source(%dma_start3A_429 : memref<20000x80xf32, #tpu.memory_space<hbm>>) target(%arg13 : memref<80x80xf32, #tpu.memory_space<vmem>>) offsets(%dma_start3A_426 : memref<80xi32, #tpu.memory_space<vmem>>) semaphore(%arg18 : memref<!tpu.dma_semaphore, #tpu.memory_space<semaphore_mem>>)
        %dma_start3A_430 = arith.constant 0 : i32
        %dma_start3A_431 = arith.constant 0 : i32
        %dma_start3A_432 = tpu.memref_slice %arg3[%dma_start3A_430, %dma_start3A_431] : memref<20000x16xf32, #tpu.memory_space<hbm>> -> memref<20000x16xf32, #tpu.memory_space<hbm>>
        tpu.enqueue_indirect_dma source(%dma_start3A_432 : memref<20000x16xf32, #tpu.memory_space<hbm>>) target(%arg15 : memref<80x16xf32, #tpu.memory_space<vmem>>) offsets(%arg11 : memref<80xi32, #tpu.memory_space<vmem>>) semaphore(%arg18 : memref<!tpu.dma_semaphore, #tpu.memory_space<semaphore_mem>>)
      } else {
      }
      %dma_wait3A_264 = arith.constant 0 : i32
      %dma_wait3A_265 = arith.constant 0 : i32
      %dma_wait3A_266 = tpu.memref_slice %arg9[%dma_wait3A_264, %dma_wait3A_265] : memref<4x80xi32, #tpu.memory_space<vmem>> -> memref<1x80xi32, #tpu.memory_space<vmem>>
      %dma_wait3A_267 = tpu.memref_squeeze %dma_wait3A_266 : memref<1x80xi32, #tpu.memory_space<vmem>> -> memref<80xi32, #tpu.memory_space<vmem>>
      %dma_wait3A_268 = arith.constant 0 : i32
      %dma_wait3A_269 = arith.constant 0 : i32
      %dma_wait3A_270 = tpu.memref_slice %arg2[%dma_wait3A_268, %dma_wait3A_269] : memref<20000x80xf32, #tpu.memory_space<hbm>> -> memref<20000x80xf32, #tpu.memory_space<hbm>>
      tpu.wait_indirect_dma semaphore(%arg19 : memref<!tpu.dma_semaphore, #tpu.memory_space<semaphore_mem>>) src(%dma_wait3A_270 : memref<20000x80xf32, #tpu.memory_space<hbm>>) dst(%arg14 : memref<80x80xf32, #tpu.memory_space<vmem>>)
      %dma_wait3A_271 = arith.constant 0 : i32
      %dma_wait3A_272 = arith.constant 0 : i32
      %dma_wait3A_273 = tpu.memref_slice %arg3[%dma_wait3A_271, %dma_wait3A_272] : memref<20000x16xf32, #tpu.memory_space<hbm>> -> memref<20000x16xf32, #tpu.memory_space<hbm>>
      tpu.wait_indirect_dma semaphore(%arg19 : memref<!tpu.dma_semaphore, #tpu.memory_space<semaphore_mem>>) src(%dma_wait3A_273 : memref<20000x16xf32, #tpu.memory_space<hbm>>) dst(%arg16 : memref<80x16xf32, #tpu.memory_space<vmem>>)
      %parallel_loop3A_274 = arith.constant 0 : i32
      %parallel_loop3A_275 = arith.constant 80 : i32
      %parallel_loop3A_276 = arith.constant 1 : i32
      scf.for %parallel_loop3A_291 = %parallel_loop3A_274 to %parallel_loop3A_275 step %parallel_loop3A_276  : i32 {
        %parallel_loop3A_292 = arith.index_cast %parallel_loop3A_291 : i32 to index
        %parallel_loop3A_293 = arith.constant 64 : index
        %parallel_loop3A_294 = tpu.vector_load %arg14[%parallel_loop3A_292, %parallel_loop3A_293] {strides = array<i32>} : memref<80x80xf32, #tpu.memory_space<vmem>>, vector<1x16xf32>,
        %parallel_loop3A_295 = vector.shape_cast %parallel_loop3A_294 : vector<1x16xf32> to vector<16xf32>
        %parallel_loop3A_296 = arith.index_cast %parallel_loop3A_291 : i32 to index
        %parallel_loop3A_297 = arith.constant 0 : index
        %parallel_loop3A_298 = tpu.vector_load %arg16[%parallel_loop3A_296, %parallel_loop3A_297] {strides = array<i32>} : memref<80x16xf32, #tpu.memory_space<vmem>>, vector<1x16xf32>,
        %parallel_loop3A_299 = vector.shape_cast %parallel_loop3A_298 : vector<1x16xf32> to vector<16xf32>
        %parallel_loop3A_300 = arith.addf %parallel_loop3A_295, %parallel_loop3A_299 : vector<16xf32>
        %parallel_loop3A_301 = arith.constant 2.000000e-01 : f32
        %parallel_loop3A_302 = vector.broadcast %parallel_loop3A_301 : f32 to vector<16xf32>
        %parallel_loop3A_303 = arith.mulf %parallel_loop3A_302, %parallel_loop3A_300 : vector<16xf32>
        %parallel_loop3A_304 = arith.maximumf %parallel_loop3A_300, %parallel_loop3A_303 : vector<16xf32>
        %parallel_loop3A_305 = math.exp %parallel_loop3A_304 : vector<16xf32>
        %parallel_loop3A_306 = arith.index_cast %parallel_loop3A_291 : i32 to index
        %parallel_loop3A_307 = arith.constant 64 : index
        %parallel_loop3A_308 = tpu.vector_load %arg14[%parallel_loop3A_306, %parallel_loop3A_307] {strides = array<i32>} : memref<80x80xf32, #tpu.memory_space<vmem>>, vector<1x16xf32>,
        %parallel_loop3A_309 = vector.shape_cast %parallel_loop3A_308 : vector<1x16xf32> to vector<16xf32>
        %parallel_loop3A_310 = vector.shape_cast %parallel_loop3A_305 : vector<16xf32> to vector<1x16xf32>
        tpu.vector_store %arg14[%parallel_loop3A_306, %parallel_loop3A_307], %parallel_loop3A_310 {strides = array<i32>} : memref<80x80xf32, #tpu.memory_space<vmem>>, vector<1x16xf32>,
        %parallel_loop3A_311 = arith.constant 0 : i32
        %parallel_loop3A_312 = vector.broadcast %parallel_loop3A_311 : i32 to vector<16xi32>
        %parallel_loop3A_313 = arith.constant 0 : i32
        %parallel_loop3A_314 = vector.broadcast %parallel_loop3A_313 : i32 to vector<16xi32>
        %parallel_loop3A_315 = arith.cmpi slt, %parallel_loop3A_312, %parallel_loop3A_314 : vector<16xi32>
        %parallel_loop3A_316 = arith.constant 16 : i32
        %parallel_loop3A_317 = vector.broadcast %parallel_loop3A_316 : i32 to vector<16xi32>
        %parallel_loop3A_318 = arith.addi %parallel_loop3A_312, %parallel_loop3A_317 : vector<16xi32>
        %parallel_loop3A_319 = arith.select %parallel_loop3A_315, %parallel_loop3A_318, %parallel_loop3A_312 : vector<16xi1>, vector<16xi32>
        %parallel_loop3A_320 = vector.shape_cast %parallel_loop3A_319 : vector<16xi32> to vector<16x1xi32>
        %parallel_loop3A_321 = vector.shape_cast %parallel_loop3A_320 : vector<16x1xi32> to vector<16xi32>
        %parallel_loop3A_322 = tpu.dynamic_gather %parallel_loop3A_305[%parallel_loop3A_321] in [0] : vector<16xf32>, vector<16xi32> -> vector<16xf32>
        %parallel_loop3A_323 = arith.index_cast %parallel_loop3A_291 : i32 to index
        %parallel_loop3A_324 = arith.constant 0 : index
        %parallel_loop3A_325 = tpu.vector_load %arg14[%parallel_loop3A_323, %parallel_loop3A_324] {strides = array<i32>} : memref<80x80xf32, #tpu.memory_space<vmem>>, vector<1x16xf32>,
        %parallel_loop3A_326 = vector.shape_cast %parallel_loop3A_325 : vector<1x16xf32> to vector<16xf32>
        %parallel_loop3A_327 = arith.mulf %parallel_loop3A_326, %parallel_loop3A_322 : vector<16xf32>
        %parallel_loop3A_328 = arith.index_cast %parallel_loop3A_291 : i32 to index
        %parallel_loop3A_329 = arith.constant 0 : index
        %parallel_loop3A_330 = tpu.vector_load %arg14[%parallel_loop3A_328, %parallel_loop3A_329] {strides = array<i32>} : memref<80x80xf32, #tpu.memory_space<vmem>>, vector<1x16xf32>,
        %parallel_loop3A_331 = vector.shape_cast %parallel_loop3A_330 : vector<1x16xf32> to vector<16xf32>
        %parallel_loop3A_332 = vector.shape_cast %parallel_loop3A_327 : vector<16xf32> to vector<1x16xf32>
        tpu.vector_store %arg14[%parallel_loop3A_328, %parallel_loop3A_329], %parallel_loop3A_332 {strides = array<i32>} : memref<80x80xf32, #tpu.memory_space<vmem>>, vector<1x16xf32>,
        %parallel_loop3A_333 = arith.constant 1 : i32
        %parallel_loop3A_334 = vector.broadcast %parallel_loop3A_333 : i32 to vector<16xi32>
        %parallel_loop3A_335 = arith.constant 0 : i32
        %parallel_loop3A_336 = vector.broadcast %parallel_loop3A_335 : i32 to vector<16xi32>
        %parallel_loop3A_337 = arith.cmpi slt, %parallel_loop3A_334, %parallel_loop3A_336 : vector<16xi32>
        %parallel_loop3A_338 = arith.constant 16 : i32
        %parallel_loop3A_339 = vector.broadcast %parallel_loop3A_338 : i32 to vector<16xi32>
        %parallel_loop3A_340 = arith.addi %parallel_loop3A_334, %parallel_loop3A_339 : vector<16xi32>
        %parallel_loop3A_341 = arith.select %parallel_loop3A_337, %parallel_loop3A_340, %parallel_loop3A_334 : vector<16xi1>, vector<16xi32>
        %parallel_loop3A_342 = vector.shape_cast %parallel_loop3A_341 : vector<16xi32> to vector<16x1xi32>
        %parallel_loop3A_343 = vector.shape_cast %parallel_loop3A_342 : vector<16x1xi32> to vector<16xi32>
        %parallel_loop3A_344 = tpu.dynamic_gather %parallel_loop3A_305[%parallel_loop3A_343] in [0] : vector<16xf32>, vector<16xi32> -> vector<16xf32>
        %parallel_loop3A_345 = arith.index_cast %parallel_loop3A_291 : i32 to index
        %parallel_loop3A_346 = arith.constant 16 : index
        %parallel_loop3A_347 = tpu.vector_load %arg14[%parallel_loop3A_345, %parallel_loop3A_346] {strides = array<i32>} : memref<80x80xf32, #tpu.memory_space<vmem>>, vector<1x16xf32>,
        %parallel_loop3A_348 = vector.shape_cast %parallel_loop3A_347 : vector<1x16xf32> to vector<16xf32>
        %parallel_loop3A_349 = arith.mulf %parallel_loop3A_348, %parallel_loop3A_344 : vector<16xf32>
        %parallel_loop3A_350 = arith.index_cast %parallel_loop3A_291 : i32 to index
        %parallel_loop3A_351 = arith.constant 16 : index
        %parallel_loop3A_352 = tpu.vector_load %arg14[%parallel_loop3A_350, %parallel_loop3A_351] {strides = array<i32>} : memref<80x80xf32, #tpu.memory_space<vmem>>, vector<1x16xf32>,
        %parallel_loop3A_353 = vector.shape_cast %parallel_loop3A_352 : vector<1x16xf32> to vector<16xf32>
        %parallel_loop3A_354 = vector.shape_cast %parallel_loop3A_349 : vector<16xf32> to vector<1x16xf32>
        tpu.vector_store %arg14[%parallel_loop3A_350, %parallel_loop3A_351], %parallel_loop3A_354 {strides = array<i32>} : memref<80x80xf32, #tpu.memory_space<vmem>>, vector<1x16xf32>,
        %parallel_loop3A_355 = arith.constant 2 : i32
        %parallel_loop3A_356 = vector.broadcast %parallel_loop3A_355 : i32 to vector<16xi32>
        %parallel_loop3A_357 = arith.constant 0 : i32
        %parallel_loop3A_358 = vector.broadcast %parallel_loop3A_357 : i32 to vector<16xi32>
        %parallel_loop3A_359 = arith.cmpi slt, %parallel_loop3A_356, %parallel_loop3A_358 : vector<16xi32>
        %parallel_loop3A_360 = arith.constant 16 : i32
        %parallel_loop3A_361 = vector.broadcast %parallel_loop3A_360 : i32 to vector<16xi32>
        %parallel_loop3A_362 = arith.addi %parallel_loop3A_356, %parallel_loop3A_361 : vector<16xi32>
        %parallel_loop3A_363 = arith.select %parallel_loop3A_359, %parallel_loop3A_362, %parallel_loop3A_356 : vector<16xi1>, vector<16xi32>
        %parallel_loop3A_364 = vector.shape_cast %parallel_loop3A_363 : vector<16xi32> to vector<16x1xi32>
        %parallel_loop3A_365 = vector.shape_cast %parallel_loop3A_364 : vector<16x1xi32> to vector<16xi32>
        %parallel_loop3A_366 = tpu.dynamic_gather %parallel_loop3A_305[%parallel_loop3A_365] in [0] : vector<16xf32>, vector<16xi32> -> vector<16xf32>
        %parallel_loop3A_367 = arith.index_cast %parallel_loop3A_291 : i32 to index
        %parallel_loop3A_368 = arith.constant 32 : index
        %parallel_loop3A_369 = tpu.vector_load %arg14[%parallel_loop3A_367, %parallel_loop3A_368] {strides = array<i32>} : memref<80x80xf32, #tpu.memory_space<vmem>>, vector<1x16xf32>,
        %parallel_loop3A_370 = vector.shape_cast %parallel_loop3A_369 : vector<1x16xf32> to vector<16xf32>
        %parallel_loop3A_371 = arith.mulf %parallel_loop3A_370, %parallel_loop3A_366 : vector<16xf32>
        %parallel_loop3A_372 = arith.index_cast %parallel_loop3A_291 : i32 to index
        %parallel_loop3A_373 = arith.constant 32 : index
        %parallel_loop3A_374 = tpu.vector_load %arg14[%parallel_loop3A_372, %parallel_loop3A_373] {strides = array<i32>} : memref<80x80xf32, #tpu.memory_space<vmem>>, vector<1x16xf32>,
        %parallel_loop3A_375 = vector.shape_cast %parallel_loop3A_374 : vector<1x16xf32> to vector<16xf32>
        %parallel_loop3A_376 = vector.shape_cast %parallel_loop3A_371 : vector<16xf32> to vector<1x16xf32>
        tpu.vector_store %arg14[%parallel_loop3A_372, %parallel_loop3A_373], %parallel_loop3A_376 {strides = array<i32>} : memref<80x80xf32, #tpu.memory_space<vmem>>, vector<1x16xf32>,
        %parallel_loop3A_377 = arith.constant 3 : i32
        %parallel_loop3A_378 = vector.broadcast %parallel_loop3A_377 : i32 to vector<16xi32>
        %parallel_loop3A_379 = arith.constant 0 : i32
        %parallel_loop3A_380 = vector.broadcast %parallel_loop3A_379 : i32 to vector<16xi32>
        %parallel_loop3A_381 = arith.cmpi slt, %parallel_loop3A_378, %parallel_loop3A_380 : vector<16xi32>
        %parallel_loop3A_382 = arith.constant 16 : i32
        %parallel_loop3A_383 = vector.broadcast %parallel_loop3A_382 : i32 to vector<16xi32>
        %parallel_loop3A_384 = arith.addi %parallel_loop3A_378, %parallel_loop3A_383 : vector<16xi32>
        %parallel_loop3A_385 = arith.select %parallel_loop3A_381, %parallel_loop3A_384, %parallel_loop3A_378 : vector<16xi1>, vector<16xi32>
        %parallel_loop3A_386 = vector.shape_cast %parallel_loop3A_385 : vector<16xi32> to vector<16x1xi32>
        %parallel_loop3A_387 = vector.shape_cast %parallel_loop3A_386 : vector<16x1xi32> to vector<16xi32>
        %parallel_loop3A_388 = tpu.dynamic_gather %parallel_loop3A_305[%parallel_loop3A_387] in [0] : vector<16xf32>, vector<16xi32> -> vector<16xf32>
        %parallel_loop3A_389 = arith.index_cast %parallel_loop3A_291 : i32 to index
        %parallel_loop3A_390 = arith.constant 48 : index
        %parallel_loop3A_391 = tpu.vector_load %arg14[%parallel_loop3A_389, %parallel_loop3A_390] {strides = array<i32>} : memref<80x80xf32, #tpu.memory_space<vmem>>, vector<1x16xf32>,
        %parallel_loop3A_392 = vector.shape_cast %parallel_loop3A_391 : vector<1x16xf32> to vector<16xf32>
        %parallel_loop3A_393 = arith.mulf %parallel_loop3A_392, %parallel_loop3A_388 : vector<16xf32>
        %parallel_loop3A_394 = arith.index_cast %parallel_loop3A_291 : i32 to index
        %parallel_loop3A_395 = arith.constant 48 : index
        %parallel_loop3A_396 = tpu.vector_load %arg14[%parallel_loop3A_394, %parallel_loop3A_395] {strides = array<i32>} : memref<80x80xf32, #tpu.memory_space<vmem>>, vector<1x16xf32>,
        %parallel_loop3A_397 = vector.shape_cast %parallel_loop3A_396 : vector<1x16xf32> to vector<16xf32>
        %parallel_loop3A_398 = vector.shape_cast %parallel_loop3A_393 : vector<16xf32> to vector<1x16xf32>
        tpu.vector_store %arg14[%parallel_loop3A_394, %parallel_loop3A_395], %parallel_loop3A_398 {strides = array<i32>} : memref<80x80xf32, #tpu.memory_space<vmem>>, vector<1x16xf32>,
      } {sc.loop_unroll_factor = 4 : i64, sc.parallel_access}
      %and3A_277 = arith.constant 3 : i32
      %and3A_278 = arith.andi %add3A_253, %and3A_277 : i32
      %dma_start3A_279 = arith.constant 0 : i32
      %dma_start3A_280 = tpu.memref_slice %arg10[%and3A_278, %dma_start3A_279] : memref<4x80xi32, #tpu.memory_space<vmem>> -> memref<1x80xi32, #tpu.memory_space<vmem>>
      %dma_start3A_281 = tpu.memref_squeeze %dma_start3A_280 : memref<1x80xi32, #tpu.memory_space<vmem>> -> memref<80xi32, #tpu.memory_space<vmem>>
      %dma_start3A_282 = arith.constant 0 : i32
      %dma_start3A_283 = arith.constant 0 : i32
      %dma_start3A_284 = tpu.memref_slice %arg8[%dma_start3A_282, %dma_start3A_283] : memref<10000x80xf32, #tpu.memory_space<vmem_shared>> -> memref<10000x80xf32, #tpu.memory_space<vmem_shared>>
      tpu.enqueue_indirect_dma source(%arg14 : memref<80x80xf32, #tpu.memory_space<vmem>>) target(%dma_start3A_284 : memref<10000x80xf32, #tpu.memory_space<vmem_shared>>) offsets(%dma_start3A_281 : memref<80xi32, #tpu.memory_space<vmem>>) semaphore(%arg21 : memref<!tpu.dma_semaphore, #tpu.memory_space<semaphore_mem>>) {add = true}
      %le3A_285 = arith.constant 247 : i32
      %le3A_286 = arith.cmpi sle, %add3A_253, %le3A_285 : i32
      %convert_element_type3A_287 = arith.extui %le3A_286 : i1 to i32
      %cond3A_288 = arith.constant 0 : i32
      %cond3A_289 = arith.cmpi ne, %convert_element_type3A_287, %cond3A_288 : i32
      scf.if %cond3A_289 {
        %add3A_291 = arith.constant 2 : i32
        %add3A_292 = arith.addi %add3A_253, %add3A_291 : i32
        %and3A_293 = arith.constant 3 : i32
        %and3A_294 = arith.andi %add3A_292, %and3A_293 : i32
        %mul3A_295 = arith.constant 16 : i32
        %mul3A_296 = arith.muli %add3A_292, %mul3A_295 : i32
        %add3A_297 = arith.addi %arg1, %mul3A_296 : i32
        %mul3A_298 = arith.constant 80 : i32
        %mul3A_299 = arith.muli %add3A_297, %mul3A_298 : i32
        %dma_start3A_300 = arith.constant 0 : i32
        %dma_start3A_301 = tpu.memref_slice %arg9[%and3A_294, %dma_start3A_300] : memref<4x80xi32, #tpu.memory_space<vmem>> -> memref<1x80xi32, #tpu.memory_space<vmem>>
        %dma_start3A_302 = tpu.memref_squeeze %dma_start3A_301 : memref<1x80xi32, #tpu.memory_space<vmem>> -> memref<80xi32, #tpu.memory_space<vmem>>
        %dma_start3A_303 = tpu.memref_slice %arg4[%mul3A_299] : memref<320000xi32, #tpu.memory_space<hbm>> -> memref<80xi32, #tpu.memory_space<hbm>>
        %dma_start3A_304 = arith.constant 0 : i32
        %dma_start3A_305 = tpu.memref_slice %arg9[%and3A_294, %dma_start3A_304] : memref<4x80xi32, #tpu.memory_space<vmem>> -> memref<1x80xi32, #tpu.memory_space<vmem>>
        %dma_start3A_306 = tpu.memref_squeeze %dma_start3A_305 : memref<1x80xi32, #tpu.memory_space<vmem>> -> memref<80xi32, #tpu.memory_space<vmem>>
        %dma_start3A_307 = tpu.memref_slice %arg4[%mul3A_299] : memref<320000xi32, #tpu.memory_space<hbm>> -> memref<80xi32, #tpu.memory_space<hbm>>
        tpu.enqueue_dma source(%dma_start3A_307 : memref<80xi32, #tpu.memory_space<hbm>>) target(%dma_start3A_306 : memref<80xi32, #tpu.memory_space<vmem>>) target_semaphore(%arg17 : memref<!tpu.dma_semaphore, #tpu.memory_space<semaphore_mem>>)
        %dma_start3A_308 = arith.constant 0 : i32
        %dma_start3A_309 = tpu.memref_slice %arg10[%and3A_294, %dma_start3A_308] : memref<4x80xi32, #tpu.memory_space<vmem>> -> memref<1x80xi32, #tpu.memory_space<vmem>>
        %dma_start3A_310 = tpu.memref_squeeze %dma_start3A_309 : memref<1x80xi32, #tpu.memory_space<vmem>> -> memref<80xi32, #tpu.memory_space<vmem>>
        %dma_start3A_311 = tpu.memref_slice %arg5[%mul3A_299] : memref<320000xi32, #tpu.memory_space<hbm>> -> memref<80xi32, #tpu.memory_space<hbm>>
        %dma_start3A_312 = arith.constant 0 : i32
        %dma_start3A_313 = tpu.memref_slice %arg10[%and3A_294, %dma_start3A_312] : memref<4x80xi32, #tpu.memory_space<vmem>> -> memref<1x80xi32, #tpu.memory_space<vmem>>
        %dma_start3A_314 = tpu.memref_squeeze %dma_start3A_313 : memref<1x80xi32, #tpu.memory_space<vmem>> -> memref<80xi32, #tpu.memory_space<vmem>>
        %dma_start3A_315 = tpu.memref_slice %arg5[%mul3A_299] : memref<320000xi32, #tpu.memory_space<hbm>> -> memref<80xi32, #tpu.memory_space<hbm>>
        tpu.enqueue_dma source(%dma_start3A_315 : memref<80xi32, #tpu.memory_space<hbm>>) target(%dma_start3A_314 : memref<80xi32, #tpu.memory_space<vmem>>) target_semaphore(%arg17 : memref<!tpu.dma_semaphore, #tpu.memory_space<semaphore_mem>>)
      } else {
      }
      %scan3A_290 = arith.constant 0 : i32
      scf.yield %scan3A_290 : i32
    }
    %scan3A_194 = arith.constant 125 : i32
    %dma_wait3A_195 = arith.constant 0 : i32
    %dma_wait3A_196 = arith.constant 0 : i32
    %dma_wait3A_197 = tpu.memref_slice %arg10[%dma_wait3A_195, %dma_wait3A_196] : memref<4x80xi32, #tpu.memory_space<vmem>> -> memref<1x80xi32, #tpu.memory_space<vmem>>
    %dma_wait3A_198 = tpu.memref_squeeze %dma_wait3A_197 : memref<1x80xi32, #tpu.memory_space<vmem>> -> memref<80xi32, #tpu.memory_space<vmem>>
    %dma_wait3A_199 = arith.constant 0 : i32
    %dma_wait3A_200 = arith.constant 0 : i32
    %dma_wait3A_201 = tpu.memref_slice %arg8[%dma_wait3A_199, %dma_wait3A_200] : memref<10000x80xf32, #tpu.memory_space<vmem_shared>> -> memref<10000x80xf32, #tpu.memory_space<vmem_shared>>
    tpu.wait_indirect_dma semaphore(%arg21 : memref<!tpu.dma_semaphore, #tpu.memory_space<semaphore_mem>>) src(%arg14 : memref<80x80xf32, #tpu.memory_space<vmem>>) dst(%dma_wait3A_201 : memref<10000x80xf32, #tpu.memory_space<vmem_shared>>)
    %barrier3A_202 = arith.constant 0 : index
    tpu.barrier barrier_id(%barrier3A_202)
    %mul3A_203 = arith.constant 10000 : i32
    %mul3A_204 = arith.muli %arg0, %mul3A_203 : i32
    %add3A_205 = arith.addi %mul3A_204, %mul3A_2 : i32
    "tpu.region"() ({
      %run_scoped3A = tpu.sem_alloc : memref<!tpu.dma_semaphore, #tpu.memory_space<semaphore_mem>>
      %dma_start3A_211 = arith.constant 0 : i32
      %dma_start3A_212 = tpu.memref_slice %arg7[%add3A_205, %dma_start3A_211] : memref<20000x80xf32, #tpu.memory_space<hbm>> -> memref<624x80xf32, #tpu.memory_space<hbm>>
      %dma_start3A_213 = arith.constant 0 : i32
      %dma_start3A_214 = tpu.memref_slice %arg8[%mul3A_2, %dma_start3A_213] : memref<10000x80xf32, #tpu.memory_space<vmem_shared>> -> memref<624x80xf32, #tpu.memory_space<vmem_shared>>
      tpu.enqueue_dma source(%dma_start3A_214 : memref<624x80xf32, #tpu.memory_space<vmem_shared>>) target(%dma_start3A_212 : memref<624x80xf32, #tpu.memory_space<hbm>>) target_semaphore(%run_scoped3A : memref<!tpu.dma_semaphore, #tpu.memory_space<semaphore_mem>>)
      %dma_wait3A_215 = arith.constant 0 : i32
      %dma_wait3A_216 = tpu.memref_slice %arg7[%add3A_205, %dma_wait3A_215] : memref<20000x80xf32, #tpu.memory_space<hbm>> -> memref<624x80xf32, #tpu.memory_space<hbm>>
      %dma_wait3A_217 = arith.constant 0 : i32
      %dma_wait3A_218 = tpu.memref_slice %arg8[%mul3A_2, %dma_wait3A_217] : memref<10000x80xf32, #tpu.memory_space<vmem_shared>> -> memref<624x80xf32, #tpu.memory_space<vmem_shared>>
      tpu.wait_dma2 semaphore(%run_scoped3A : memref<!tpu.dma_semaphore, #tpu.memory_space<semaphore_mem>>) src(%dma_wait3A_218 : memref<624x80xf32, #tpu.memory_space<vmem_shared>>) dst(%dma_wait3A_216 : memref<624x80xf32, #tpu.memory_space<hbm>>)
      tpu.yield
    }) : () -> ()
    %eq3A_206 = arith.constant 15 : i32
    %eq3A_207 = arith.cmpi eq, %arg1, %eq3A_206 : i32
    %convert_element_type3A_208 = arith.extui %eq3A_207 : i1 to i32
    %cond3A_209 = arith.constant 0 : i32
    %cond3A_210 = arith.cmpi ne, %convert_element_type3A_208, %cond3A_209 : i32
    scf.if %cond3A_210 {
      %mul3A_211 = arith.constant 10000 : i32
      %mul3A_212 = arith.muli %arg0, %mul3A_211 : i32
      %add3A_213 = arith.constant 9984 : i32
      %add3A_214 = arith.addi %mul3A_212, %add3A_213 : i32
      "tpu.region"() ({
        %run_scoped3A = tpu.sem_alloc : memref<!tpu.dma_semaphore, #tpu.memory_space<semaphore_mem>>
        %dma_start3A_215 = arith.constant 0 : i32
        %dma_start3A_216 = tpu.memref_slice %arg7[%add3A_214, %dma_start3A_215] : memref<20000x80xf32, #tpu.memory_space<hbm>> -> memref<16x80xf32, #tpu.memory_space<hbm>>
        %dma_start3A_217 = arith.constant 9984 : i32
        %dma_start3A_218 = arith.constant 0 : i32
        %dma_start3A_219 = tpu.memref_slice %arg8[%dma_start3A_217, %dma_start3A_218] : memref<10000x80xf32, #tpu.memory_space<vmem_shared>> -> memref<16x80xf32, #tpu.memory_space<vmem_shared>>
        tpu.enqueue_dma source(%dma_start3A_219 : memref<16x80xf32, #tpu.memory_space<vmem_shared>>) target(%dma_start3A_216 : memref<16x80xf32, #tpu.memory_space<hbm>>) target_semaphore(%run_scoped3A : memref<!tpu.dma_semaphore, #tpu.memory_space<semaphore_mem>>)
        %dma_wait3A_220 = arith.constant 0 : i32
        %dma_wait3A_221 = tpu.memref_slice %arg7[%add3A_214, %dma_wait3A_220] : memref<20000x80xf32, #tpu.memory_space<hbm>> -> memref<16x80xf32, #tpu.memory_space<hbm>>
        %dma_wait3A_222 = arith.constant 9984 : i32
        %dma_wait3A_223 = arith.constant 0 : i32
        %dma_wait3A_224 = tpu.memref_slice %arg8[%dma_wait3A_222, %dma_wait3A_223] : memref<10000x80xf32, #tpu.memory_space<vmem_shared>> -> memref<16x80xf32, #tpu.memory_space<vmem_shared>>
        tpu.wait_dma2 semaphore(%run_scoped3A : memref<!tpu.dma_semaphore, #tpu.memory_space<semaphore_mem>>) src(%dma_wait3A_224 : memref<16x80xf32, #tpu.memory_space<vmem_shared>>) dst(%dma_wait3A_221 : memref<16x80xf32, #tpu.memory_space<hbm>>)
        tpu.yield
      }) : () -> ()
    } else {
    }
    return
  }
}

module attributes {stable_mosaic.version = 14 : i64} {
  func.func @_k1(%arg0: i32, %arg1: i32, %arg2: memref<1000x128xf32, #tpu.memory_space<vmem>>, %arg3: memref<128x128xf32, #tpu.memory_space<vmem>>, %arg4: memref<128x16xf32, #tpu.memory_space<vmem>>, %arg5: memref<1000x80xf32, #tpu.memory_space<vmem>>, %arg6: memref<1000x16xf32, #tpu.memory_space<vmem>>) attributes {dimension_semantics = [#tpu.dimension_semantics<arbitrary>, #tpu.dimension_semantics<arbitrary>], iteration_bounds = array<i64: 10, 2>, scalar_prefetch = 0 : i64, scratch_operands = 0 : i64, tpu.core_type = #tpu.core_type<tc>, window_params = [{transform_indices = @transform_0, window_bounds = array<i64: 1000, 128>}, {pipeline_mode = #tpu.pipeline_mode<synchronous>, transform_indices = @transform_1, window_bounds = array<i64: 128, 128>}, {pipeline_mode = #tpu.pipeline_mode<synchronous>, transform_indices = @transform_2, window_bounds = array<i64: 128, 16>}, {transform_indices = @transform_3, window_bounds = array<i64: 1000, 80>}, {transform_indices = @transform_4, window_bounds = array<i64: 1000, 16>}]} {
    %eq3A = arith.constant 0 : i32
    %eq3A_0 = arith.cmpi eq, %arg1, %eq3A : i32
    %get3A = arith.constant 0 : index
    %get3A_1 = arith.constant 0 : index
    %get3A_2 = vector.load %arg2[%get3A, %get3A_1] : memref<1000x128xf32, #tpu.memory_space<vmem>>, vector<1000x128xf32>
    %get3A_3 = arith.constant 0 : index
    %get3A_4 = arith.constant 0 : index
    %get3A_5 = vector.load %arg3[%get3A_3, %get3A_4] : memref<128x128xf32, #tpu.memory_space<vmem>>, vector<128x128xf32>
    %dot_general3A = arith.constant dense<0.000000e+00> : vector<1000x128xf32>
    %dot_general3A_6 = tpu.matmul %get3A_2, %get3A_5, %dot_general3A {dimension_numbers = #tpu.dot_dimension_numbers<[1], [0], [0], [1], [0, 0, 1, 1], [], []>, transpose_lhs_hint = false} : vector<1000x128xf32>, vector<128x128xf32>, vector<1000x128xf32> -> vector<1000x128xf32>
    %get3A_7 = arith.constant 0 : index
    %get3A_8 = arith.constant 0 : index
    %get3A_9 = vector.load %arg4[%get3A_7, %get3A_8] : memref<128x16xf32, #tpu.memory_space<vmem>>, vector<128x16xf32>
    %dot_general3A_10 = arith.constant dense<0.000000e+00> : vector<1000x16xf32>
    %dot_general3A_11 = tpu.matmul %dot_general3A_6, %get3A_9, %dot_general3A_10 {dimension_numbers = #tpu.dot_dimension_numbers<[1], [0], [0], [1], [0, 0, 1, 1], [], []>, transpose_lhs_hint = false} : vector<1000x128xf32>, vector<128x16xf32>, vector<1000x16xf32> -> vector<1000x16xf32>
    %slice3A = vector.extract_strided_slice %dot_general3A_6 {offsets = [0, 0], sizes = [1000, 64], strides = [1, 1]} : vector<1000x128xf32> to vector<1000x64xf32>
    %slice3A_12 = vector.extract_strided_slice %dot_general3A_6 {offsets = [0, 64], sizes = [1000, 64], strides = [1, 1]} : vector<1000x128xf32> to vector<1000x64xf32>
    %select_n3A = arith.select %eq3A_0, %slice3A, %slice3A_12 : vector<1000x64xf32>
    %slice3A_13 = vector.extract_strided_slice %dot_general3A_11 {offsets = [0, 0], sizes = [1000, 4], strides = [1, 1]} : vector<1000x16xf32> to vector<1000x4xf32>
    %slice3A_14 = vector.extract_strided_slice %dot_general3A_11 {offsets = [0, 4], sizes = [1000, 4], strides = [1, 1]} : vector<1000x16xf32> to vector<1000x4xf32>
    %select_n3A_15 = arith.select %eq3A_0, %slice3A_13, %slice3A_14 : vector<1000x4xf32>
    %slice3A_16 = vector.extract_strided_slice %dot_general3A_11 {offsets = [0, 8], sizes = [1000, 4], strides = [1, 1]} : vector<1000x16xf32> to vector<1000x4xf32>
    %slice3A_17 = vector.extract_strided_slice %dot_general3A_11 {offsets = [0, 12], sizes = [1000, 4], strides = [1, 1]} : vector<1000x16xf32> to vector<1000x4xf32>
    %select_n3A_18 = arith.select %eq3A_0, %slice3A_16, %slice3A_17 : vector<1000x4xf32>
    %tile3A = tpu.concatenate %select_n3A_15, %select_n3A_15, %select_n3A_15, %select_n3A_15 in 1 : vector<1000x4xf32>, vector<1000x4xf32>, vector<1000x4xf32>, vector<1000x4xf32> -> vector<1000x16xf32>
    %concatenate3A = tpu.concatenate %select_n3A, %tile3A in 1 : vector<1000x64xf32>, vector<1000x16xf32> -> vector<1000x80xf32>
    %tile3A_19 = tpu.concatenate %select_n3A_18, %select_n3A_18, %select_n3A_18, %select_n3A_18 in 1 : vector<1000x4xf32>, vector<1000x4xf32>, vector<1000x4xf32>, vector<1000x4xf32> -> vector<1000x16xf32>
    %swap3A = arith.constant 0 : index
    %swap3A_20 = arith.constant 0 : index
    %swap3A_21 = vector.load %arg5[%swap3A, %swap3A_20] : memref<1000x80xf32, #tpu.memory_space<vmem>>, vector<1000x80xf32>
    tpu.vector_store %arg5[%swap3A, %swap3A_20], %concatenate3A {strides = array<i32>} : memref<1000x80xf32, #tpu.memory_space<vmem>>, vector<1000x80xf32>,
    %swap3A_22 = arith.constant 0 : index
    %swap3A_23 = arith.constant 0 : index
    %swap3A_24 = vector.load %arg6[%swap3A_22, %swap3A_23] : memref<1000x16xf32, #tpu.memory_space<vmem>>, vector<1000x16xf32>
    tpu.vector_store %arg6[%swap3A_22, %swap3A_23], %tile3A_19 {strides = array<i32>} : memref<1000x16xf32, #tpu.memory_space<vmem>>, vector<1000x16xf32>,
    return
  }
  func.func @transform_0(%arg0: i32, %arg1: i32) -> (i32, i32) {
    %c0_i32 = arith.constant 0 : i32
    %c0_i32_0 = arith.constant 0 : i32
    return %arg0, %c0_i32 : i32, i32
  }
  func.func @transform_1(%arg0: i32, %arg1: i32) -> (i32, i32) {
    %c0_i32 = arith.constant 0 : i32
    %c0_i32_0 = arith.constant 0 : i32
    %c0_i32_1 = arith.constant 0 : i32
    return %c0_i32, %c0_i32_0 : i32, i32
  }
  func.func @transform_2(%arg0: i32, %arg1: i32) -> (i32, i32) {
    %c0_i32 = arith.constant 0 : i32
    %c0_i32_0 = arith.constant 0 : i32
    %c0_i32_1 = arith.constant 0 : i32
    return %c0_i32, %c0_i32_0 : i32, i32
  }
  func.func @transform_3(%arg0: i32, %arg1: i32) -> (i32, i32) {
    %mul3A = arith.constant 10 : i32
    %mul3A_0 = arith.muli %arg1, %mul3A : i32
    %add3A = arith.addi %mul3A_0, %arg0 : i32
    %c0_i32 = arith.constant 0 : i32
    %c0_i32_1 = arith.constant 0 : i32
    return %add3A, %c0_i32 : i32, i32
  }
  func.func @transform_4(%arg0: i32, %arg1: i32) -> (i32, i32) {
    %mul3A = arith.constant 10 : i32
    %mul3A_0 = arith.muli %arg1, %mul3A : i32
    %add3A = arith.addi %mul3A_0, %arg0 : i32
    %c0_i32 = arith.constant 0 : i32
    %c0_i32_1 = arith.constant 0 : i32
    return %add3A, %c0_i32 : i32, i32
  }
}

module attributes {stable_mosaic.version = 14 : i64} {
  func.func @_k2(%arg0: i32, %arg1: i32, %arg2: memref<1000x80xf32, #tpu.memory_space<vmem>>, %arg3: memref<1000x80xf32, #tpu.memory_space<vmem>>, %arg4: memref<1x128xf32, #tpu.memory_space<vmem>>, %arg5: memref<128x128xf32, #tpu.memory_space<vmem>>, %arg6: memref<128x16xf32, #tpu.memory_space<vmem>>, %arg7: memref<8x128xf32, #tpu.memory_space<vmem>>, %arg8: memref<1000x128xf32, #tpu.memory_space<vmem>>, %arg9: memref<1000x80xf32, #tpu.memory_space<vmem>>, %arg10: memref<1000x16xf32, #tpu.memory_space<vmem>>) attributes {dimension_semantics = [#tpu.dimension_semantics<arbitrary>, #tpu.dimension_semantics<arbitrary>], iteration_bounds = array<i64: 10, 2>, scalar_prefetch = 0 : i64, scratch_operands = 0 : i64, tpu.core_type = #tpu.core_type<tc>, window_params = [{transform_indices = @transform_0, window_bounds = array<i64: 1000, 80>}, {transform_indices = @transform_1, window_bounds = array<i64: 1000, 80>}, {pipeline_mode = #tpu.pipeline_mode<synchronous>, transform_indices = @transform_2, window_bounds = array<i64: 1, 128>}, {pipeline_mode = #tpu.pipeline_mode<synchronous>, transform_indices = @transform_3, window_bounds = array<i64: 128, 128>}, {pipeline_mode = #tpu.pipeline_mode<synchronous>, transform_indices = @transform_4, window_bounds = array<i64: 128, 16>}, {pipeline_mode = #tpu.pipeline_mode<synchronous>, transform_indices = @transform_5, window_bounds = array<i64: 8, 128>}, {transform_indices = @transform_6, window_bounds = array<i64: 1000, 128>}, {transform_indices = @transform_7, window_bounds = array<i64: 1000, 80>}, {transform_indices = @transform_8, window_bounds = array<i64: 1000, 16>}]} {
    %eq3A = arith.constant 0 : i32
    %eq3A_0 = arith.cmpi eq, %arg1, %eq3A : i32
    %get3A = arith.constant 0 : index
    %get3A_1 = arith.constant 0 : index
    %get3A_2 = vector.load %arg2[%get3A, %get3A_1] : memref<1000x80xf32, #tpu.memory_space<vmem>>, vector<1000x80xf32>
    %get3A_3 = arith.constant 0 : index
    %get3A_4 = arith.constant 0 : index
    %get3A_5 = vector.load %arg3[%get3A_3, %get3A_4] : memref<1000x80xf32, #tpu.memory_space<vmem>>, vector<1000x80xf32>
    %get3A_6 = arith.constant 0 : index
    %get3A_7 = arith.constant 0 : index
    %get3A_8 = vector.load %arg7[%get3A_6, %get3A_7] : memref<8x128xf32, #tpu.memory_space<vmem>>, vector<8x128xf32>
    %slice3A = vector.extract_strided_slice %get3A_2 {offsets = [0, 64], sizes = [1000, 4], strides = [1, 1]} : vector<1000x80xf32> to vector<1000x4xf32>
    %slice3A_9 = vector.extract_strided_slice %get3A_5 {offsets = [0, 64], sizes = [1000, 4], strides = [1, 1]} : vector<1000x80xf32> to vector<1000x4xf32>
    %concatenate3A = tpu.concatenate %slice3A, %slice3A_9 in 1 : vector<1000x4xf32>, vector<1000x4xf32> -> vector<1000x8xf32>
    %div3A = arith.constant 1.000000e+00 : f32
    %div3A_10 = vector.broadcast %div3A : f32 to vector<1000x8xf32>
    %div3A_11 = arith.divf %div3A_10, %concatenate3A : vector<1000x8xf32>
    %dot_general3A = arith.constant dense<0.000000e+00> : vector<1000x128xf32>
    %dot_general3A_12 = tpu.matmul %div3A_11, %get3A_8, %dot_general3A {dimension_numbers = #tpu.dot_dimension_numbers<[1], [0], [0], [1], [0, 0, 1, 1], [], []>, transpose_lhs_hint = false} : vector<1000x8xf32>, vector<8x128xf32>, vector<1000x128xf32> -> vector<1000x128xf32>
    %slice3A_13 = vector.extract_strided_slice %get3A_2 {offsets = [0, 0], sizes = [1000, 64], strides = [1, 1]} : vector<1000x80xf32> to vector<1000x64xf32>
    %slice3A_14 = vector.extract_strided_slice %get3A_5 {offsets = [0, 0], sizes = [1000, 64], strides = [1, 1]} : vector<1000x80xf32> to vector<1000x64xf32>
    %concatenate3A_15 = tpu.concatenate %slice3A_13, %slice3A_14 in 1 : vector<1000x64xf32>, vector<1000x64xf32> -> vector<1000x128xf32>
    %mul3A = arith.mulf %concatenate3A_15, %dot_general3A_12 : vector<1000x128xf32>
    %get3A_16 = arith.constant 0 : index
    %get3A_17 = arith.constant 0 : index
    %get3A_18 = vector.load %arg4[%get3A_16, %get3A_17] : memref<1x128xf32, #tpu.memory_space<vmem>>, vector<1x128xf32>
    %add3A = vector.broadcast %get3A_18 : vector<1x128xf32> to vector<1000x128xf32>
    %add3A_19 = arith.addf %mul3A, %add3A : vector<1000x128xf32>
    %max3A = arith.constant 0.000000e+00 : f32
    %max3A_20 = vector.broadcast %max3A : f32 to vector<1000x128xf32>
    %max3A_21 = arith.maximumf %add3A_19, %max3A_20 : vector<1000x128xf32>
    %swap3A = arith.constant 0 : index
    %swap3A_22 = arith.constant 0 : index
    %swap3A_23 = vector.load %arg8[%swap3A, %swap3A_22] : memref<1000x128xf32, #tpu.memory_space<vmem>>, vector<1000x128xf32>
    tpu.vector_store %arg8[%swap3A, %swap3A_22], %max3A_21 {strides = array<i32>} : memref<1000x128xf32, #tpu.memory_space<vmem>>, vector<1000x128xf32>,
    %get3A_24 = arith.constant 0 : index
    %get3A_25 = arith.constant 0 : index
    %get3A_26 = vector.load %arg5[%get3A_24, %get3A_25] : memref<128x128xf32, #tpu.memory_space<vmem>>, vector<128x128xf32>
    %dot_general3A_27 = arith.constant dense<0.000000e+00> : vector<1000x128xf32>
    %dot_general3A_28 = tpu.matmul %max3A_21, %get3A_26, %dot_general3A_27 {dimension_numbers = #tpu.dot_dimension_numbers<[1], [0], [0], [1], [0, 0, 1, 1], [], []>, transpose_lhs_hint = false} : vector<1000x128xf32>, vector<128x128xf32>, vector<1000x128xf32> -> vector<1000x128xf32>
    %get3A_29 = arith.constant 0 : index
    %get3A_30 = arith.constant 0 : index
    %get3A_31 = vector.load %arg6[%get3A_29, %get3A_30] : memref<128x16xf32, #tpu.memory_space<vmem>>, vector<128x16xf32>
    %dot_general3A_32 = arith.constant dense<0.000000e+00> : vector<1000x16xf32>
    %dot_general3A_33 = tpu.matmul %dot_general3A_28, %get3A_31, %dot_general3A_32 {dimension_numbers = #tpu.dot_dimension_numbers<[1], [0], [0], [1], [0, 0, 1, 1], [], []>, transpose_lhs_hint = false} : vector<1000x128xf32>, vector<128x16xf32>, vector<1000x16xf32> -> vector<1000x16xf32>
    %slice3A_34 = vector.extract_strided_slice %dot_general3A_28 {offsets = [0, 0], sizes = [1000, 64], strides = [1, 1]} : vector<1000x128xf32> to vector<1000x64xf32>
    %slice3A_35 = vector.extract_strided_slice %dot_general3A_28 {offsets = [0, 64], sizes = [1000, 64], strides = [1, 1]} : vector<1000x128xf32> to vector<1000x64xf32>
    %select_n3A = arith.select %eq3A_0, %slice3A_34, %slice3A_35 : vector<1000x64xf32>
    %slice3A_36 = vector.extract_strided_slice %dot_general3A_33 {offsets = [0, 0], sizes = [1000, 4], strides = [1, 1]} : vector<1000x16xf32> to vector<1000x4xf32>
    %slice3A_37 = vector.extract_strided_slice %dot_general3A_33 {offsets = [0, 4], sizes = [1000, 4], strides = [1, 1]} : vector<1000x16xf32> to vector<1000x4xf32>
    %select_n3A_38 = arith.select %eq3A_0, %slice3A_36, %slice3A_37 : vector<1000x4xf32>
    %slice3A_39 = vector.extract_strided_slice %dot_general3A_33 {offsets = [0, 8], sizes = [1000, 4], strides = [1, 1]} : vector<1000x16xf32> to vector<1000x4xf32>
    %slice3A_40 = vector.extract_strided_slice %dot_general3A_33 {offsets = [0, 12], sizes = [1000, 4], strides = [1, 1]} : vector<1000x16xf32> to vector<1000x4xf32>
    %select_n3A_41 = arith.select %eq3A_0, %slice3A_39, %slice3A_40 : vector<1000x4xf32>
    %tile3A = tpu.concatenate %select_n3A_38, %select_n3A_38, %select_n3A_38, %select_n3A_38 in 1 : vector<1000x4xf32>, vector<1000x4xf32>, vector<1000x4xf32>, vector<1000x4xf32> -> vector<1000x16xf32>
    %concatenate3A_42 = tpu.concatenate %select_n3A, %tile3A in 1 : vector<1000x64xf32>, vector<1000x16xf32> -> vector<1000x80xf32>
    %tile3A_43 = tpu.concatenate %select_n3A_41, %select_n3A_41, %select_n3A_41, %select_n3A_41 in 1 : vector<1000x4xf32>, vector<1000x4xf32>, vector<1000x4xf32>, vector<1000x4xf32> -> vector<1000x16xf32>
    %swap3A_44 = arith.constant 0 : index
    %swap3A_45 = arith.constant 0 : index
    %swap3A_46 = vector.load %arg9[%swap3A_44, %swap3A_45] : memref<1000x80xf32, #tpu.memory_space<vmem>>, vector<1000x80xf32>
    tpu.vector_store %arg9[%swap3A_44, %swap3A_45], %concatenate3A_42 {strides = array<i32>} : memref<1000x80xf32, #tpu.memory_space<vmem>>, vector<1000x80xf32>,
    %swap3A_47 = arith.constant 0 : index
    %swap3A_48 = arith.constant 0 : index
    %swap3A_49 = vector.load %arg10[%swap3A_47, %swap3A_48] : memref<1000x16xf32, #tpu.memory_space<vmem>>, vector<1000x16xf32>
    tpu.vector_store %arg10[%swap3A_47, %swap3A_48], %tile3A_43 {strides = array<i32>} : memref<1000x16xf32, #tpu.memory_space<vmem>>, vector<1000x16xf32>,
    return
  }
  func.func @transform_0(%arg0: i32, %arg1: i32) -> (i32, i32) {
    %c0_i32 = arith.constant 0 : i32
    %c0_i32_0 = arith.constant 0 : i32
    return %arg0, %c0_i32 : i32, i32
  }
  func.func @transform_1(%arg0: i32, %arg1: i32) -> (i32, i32) {
    %add3A = arith.constant 10 : i32
    %add3A_0 = arith.addi %add3A, %arg0 : i32
    %c0_i32 = arith.constant 0 : i32
    %c0_i32_1 = arith.constant 0 : i32
    return %add3A_0, %c0_i32 : i32, i32
  }
  func.func @transform_2(%arg0: i32, %arg1: i32) -> (i32, i32) {
    %c0_i32 = arith.constant 0 : i32
    %c0_i32_0 = arith.constant 0 : i32
    %c0_i32_1 = arith.constant 0 : i32
    return %c0_i32, %c0_i32_0 : i32, i32
  }
  func.func @transform_3(%arg0: i32, %arg1: i32) -> (i32, i32) {
    %c0_i32 = arith.constant 0 : i32
    %c0_i32_0 = arith.constant 0 : i32
    %c0_i32_1 = arith.constant 0 : i32
    return %c0_i32, %c0_i32_0 : i32, i32
  }
  func.func @transform_4(%arg0: i32, %arg1: i32) -> (i32, i32) {
    %c0_i32 = arith.constant 0 : i32
    %c0_i32_0 = arith.constant 0 : i32
    %c0_i32_1 = arith.constant 0 : i32
    return %c0_i32, %c0_i32_0 : i32, i32
  }
  func.func @transform_5(%arg0: i32, %arg1: i32) -> (i32, i32) {
    %c0_i32 = arith.constant 0 : i32
    %c0_i32_0 = arith.constant 0 : i32
    %c0_i32_1 = arith.constant 0 : i32
    return %c0_i32, %c0_i32_0 : i32, i32
  }
  func.func @transform_6(%arg0: i32, %arg1: i32) -> (i32, i32) {
    %c0_i32 = arith.constant 0 : i32
    %c0_i32_0 = arith.constant 0 : i32
    return %arg0, %c0_i32 : i32, i32
  }
  func.func @transform_7(%arg0: i32, %arg1: i32) -> (i32, i32) {
    %mul3A = arith.constant 10 : i32
    %mul3A_0 = arith.muli %arg1, %mul3A : i32
    %add3A = arith.addi %mul3A_0, %arg0 : i32
    %c0_i32 = arith.constant 0 : i32
    %c0_i32_1 = arith.constant 0 : i32
    return %add3A, %c0_i32 : i32, i32
  }
  func.func @transform_8(%arg0: i32, %arg1: i32) -> (i32, i32) {
    %mul3A = arith.constant 10 : i32
    %mul3A_0 = arith.muli %arg1, %mul3A : i32
    %add3A = arith.addi %mul3A_0, %arg0 : i32
    %c0_i32 = arith.constant 0 : i32
    %c0_i32_1 = arith.constant 0 : i32
    return %add3A, %c0_i32 : i32, i32
  }
}

module attributes {stable_mosaic.version = 14 : i64} {
  func.func @_k3(%arg0: i32, %arg1: memref<1000x80xf32, #tpu.memory_space<vmem>>, %arg2: memref<1000x80xf32, #tpu.memory_space<vmem>>, %arg3: memref<1000x128xf32, #tpu.memory_space<vmem>>, %arg4: memref<1x128xf32, #tpu.memory_space<vmem>>, %arg5: memref<1x128xf32, #tpu.memory_space<vmem>>, %arg6: memref<1x128xf32, #tpu.memory_space<vmem>>, %arg7: memref<128x128xf32, #tpu.memory_space<vmem>>, %arg8: memref<1x128xf32, #tpu.memory_space<vmem>>, %arg9: memref<128x1xf32, #tpu.memory_space<vmem>>, %arg10: memref<1x1xf32, #tpu.memory_space<vmem>>, %arg11: memref<8x128xf32, #tpu.memory_space<vmem>>, %arg12: memref<1000x1xf32, #tpu.memory_space<vmem>>) attributes {dimension_semantics = [#tpu.dimension_semantics<arbitrary>], iteration_bounds = array<i64: 10>, scalar_prefetch = 0 : i64, scratch_operands = 0 : i64, tpu.core_type = #tpu.core_type<tc>, window_params = [{transform_indices = @transform_0, window_bounds = array<i64: 1000, 80>}, {transform_indices = @transform_1, window_bounds = array<i64: 1000, 80>}, {transform_indices = @transform_2, window_bounds = array<i64: 1000, 128>}, {pipeline_mode = #tpu.pipeline_mode<synchronous>, transform_indices = @transform_3, window_bounds = array<i64: 1, 128>}, {pipeline_mode = #tpu.pipeline_mode<synchronous>, transform_indices = @transform_4, window_bounds = array<i64: 1, 128>}, {pipeline_mode = #tpu.pipeline_mode<synchronous>, transform_indices = @transform_5, window_bounds = array<i64: 1, 128>}, {pipeline_mode = #tpu.pipeline_mode<synchronous>, transform_indices = @transform_6, window_bounds = array<i64: 128, 128>}, {pipeline_mode = #tpu.pipeline_mode<synchronous>, transform_indices = @transform_7, window_bounds = array<i64: 1, 128>}, {pipeline_mode = #tpu.pipeline_mode<synchronous>, transform_indices = @transform_8, window_bounds = array<i64: 128, 1>}, {pipeline_mode = #tpu.pipeline_mode<synchronous>, transform_indices = @transform_9, window_bounds = array<i64: 1, 1>}, {pipeline_mode = #tpu.pipeline_mode<synchronous>, transform_indices = @transform_10, window_bounds = array<i64: 8, 128>}, {transform_indices = @transform_11, window_bounds = array<i64: 1000, 1>}]} {
    %get3A = arith.constant 0 : index
    %get3A_0 = arith.constant 0 : index
    %get3A_1 = vector.load %arg1[%get3A, %get3A_0] : memref<1000x80xf32, #tpu.memory_space<vmem>>, vector<1000x80xf32>
    %get3A_2 = arith.constant 0 : index
    %get3A_3 = arith.constant 0 : index
    %get3A_4 = vector.load %arg2[%get3A_2, %get3A_3] : memref<1000x80xf32, #tpu.memory_space<vmem>>, vector<1000x80xf32>
    %get3A_5 = arith.constant 0 : index
    %get3A_6 = arith.constant 0 : index
    %get3A_7 = vector.load %arg11[%get3A_5, %get3A_6] : memref<8x128xf32, #tpu.memory_space<vmem>>, vector<8x128xf32>
    %slice3A = vector.extract_strided_slice %get3A_1 {offsets = [0, 64], sizes = [1000, 4], strides = [1, 1]} : vector<1000x80xf32> to vector<1000x4xf32>
    %slice3A_8 = vector.extract_strided_slice %get3A_4 {offsets = [0, 64], sizes = [1000, 4], strides = [1, 1]} : vector<1000x80xf32> to vector<1000x4xf32>
    %concatenate3A = tpu.concatenate %slice3A, %slice3A_8 in 1 : vector<1000x4xf32>, vector<1000x4xf32> -> vector<1000x8xf32>
    %div3A = arith.constant 1.000000e+00 : f32
    %div3A_9 = vector.broadcast %div3A : f32 to vector<1000x8xf32>
    %div3A_10 = arith.divf %div3A_9, %concatenate3A : vector<1000x8xf32>
    %dot_general3A = arith.constant dense<0.000000e+00> : vector<1000x128xf32>
    %dot_general3A_11 = tpu.matmul %div3A_10, %get3A_7, %dot_general3A {dimension_numbers = #tpu.dot_dimension_numbers<[1], [0], [0], [1], [0, 0, 1, 1], [], []>, transpose_lhs_hint = false} : vector<1000x8xf32>, vector<8x128xf32>, vector<1000x128xf32> -> vector<1000x128xf32>
    %slice3A_12 = vector.extract_strided_slice %get3A_1 {offsets = [0, 0], sizes = [1000, 64], strides = [1, 1]} : vector<1000x80xf32> to vector<1000x64xf32>
    %slice3A_13 = vector.extract_strided_slice %get3A_4 {offsets = [0, 0], sizes = [1000, 64], strides = [1, 1]} : vector<1000x80xf32> to vector<1000x64xf32>
    %concatenate3A_14 = tpu.concatenate %slice3A_12, %slice3A_13 in 1 : vector<1000x64xf32>, vector<1000x64xf32> -> vector<1000x128xf32>
    %mul3A = arith.mulf %concatenate3A_14, %dot_general3A_11 : vector<1000x128xf32>
    %get3A_15 = arith.constant 0 : index
    %get3A_16 = arith.constant 0 : index
    %get3A_17 = vector.load %arg4[%get3A_15, %get3A_16] : memref<1x128xf32, #tpu.memory_space<vmem>>, vector<1x128xf32>
    %add3A = vector.broadcast %get3A_17 : vector<1x128xf32> to vector<1000x128xf32>
    %add3A_18 = arith.addf %mul3A, %add3A : vector<1000x128xf32>
    %get3A_19 = arith.constant 0 : index
    %get3A_20 = arith.constant 0 : index
    %get3A_21 = vector.load %arg3[%get3A_19, %get3A_20] : memref<1000x128xf32, #tpu.memory_space<vmem>>, vector<1000x128xf32>
    %add3A_22 = arith.addf %add3A_18, %get3A_21 : vector<1000x128xf32>
    %reduce_sum3A = arith.constant dense<0.000000e+00> : vector<1000xf32>
    %reduce_sum3A_23 = vector.multi_reduction <add>, %add3A_22, %reduce_sum3A [1] : vector<1000x128xf32> to vector<1000xf32>
    %broadcast_in_dim3A = vector.shape_cast %reduce_sum3A_23 : vector<1000xf32> to vector<1000x1xf32>
    %div3A_24 = arith.constant 1.280000e+02 : f32
    %div3A_25 = vector.broadcast %div3A_24 : f32 to vector<1000x1xf32>
    %div3A_26 = arith.divf %broadcast_in_dim3A, %div3A_25 : vector<1000x1xf32>
    %sub3A = vector.broadcast %div3A_26 : vector<1000x1xf32> to vector<1000x128xf32>
    %sub3A_27 = arith.subf %add3A_22, %sub3A : vector<1000x128xf32>
    %mul3A_28 = arith.mulf %sub3A_27, %sub3A_27 : vector<1000x128xf32>
    %reduce_sum3A_29 = arith.constant dense<0.000000e+00> : vector<1000xf32>
    %reduce_sum3A_30 = vector.multi_reduction <add>, %mul3A_28, %reduce_sum3A_29 [1] : vector<1000x128xf32> to vector<1000xf32>
    %broadcast_in_dim3A_31 = vector.shape_cast %reduce_sum3A_30 : vector<1000xf32> to vector<1000x1xf32>
    %div3A_32 = arith.constant 1.280000e+02 : f32
    %div3A_33 = vector.broadcast %div3A_32 : f32 to vector<1000x1xf32>
    %div3A_34 = arith.divf %broadcast_in_dim3A_31, %div3A_33 : vector<1000x1xf32>
    %add3A_35 = arith.constant 9.99999974E-6 : f32
    %add3A_36 = vector.broadcast %add3A_35 : f32 to vector<1000x1xf32>
    %add3A_37 = arith.addf %div3A_34, %add3A_36 : vector<1000x1xf32>
    %rsqrt3A = math.rsqrt %add3A_37 : vector<1000x1xf32>
    %mul3A_38 = vector.broadcast %rsqrt3A : vector<1000x1xf32> to vector<1000x128xf32>
    %mul3A_39 = arith.mulf %sub3A_27, %mul3A_38 : vector<1000x128xf32>
    %get3A_40 = arith.constant 0 : index
    %get3A_41 = arith.constant 0 : index
    %get3A_42 = vector.load %arg5[%get3A_40, %get3A_41] : memref<1x128xf32, #tpu.memory_space<vmem>>, vector<1x128xf32>
    %mul3A_43 = vector.broadcast %get3A_42 : vector<1x128xf32> to vector<1000x128xf32>
    %mul3A_44 = arith.mulf %mul3A_39, %mul3A_43 : vector<1000x128xf32>
    %get3A_45 = arith.constant 0 : index
    %get3A_46 = arith.constant 0 : index
    %get3A_47 = vector.load %arg6[%get3A_45, %get3A_46] : memref<1x128xf32, #tpu.memory_space<vmem>>, vector<1x128xf32>
    %add3A_48 = vector.broadcast %get3A_47 : vector<1x128xf32> to vector<1000x128xf32>
    %add3A_49 = arith.addf %mul3A_44, %add3A_48 : vector<1000x128xf32>
    %get3A_50 = arith.constant 0 : index
    %get3A_51 = arith.constant 0 : index
    %get3A_52 = vector.load %arg7[%get3A_50, %get3A_51] : memref<128x128xf32, #tpu.memory_space<vmem>>, vector<128x128xf32>
    %dot_general3A_53 = arith.constant dense<0.000000e+00> : vector<1000x128xf32>
    %dot_general3A_54 = tpu.matmul %add3A_49, %get3A_52, %dot_general3A_53 {dimension_numbers = #tpu.dot_dimension_numbers<[1], [0], [0], [1], [0, 0, 1, 1], [], []>, transpose_lhs_hint = false} : vector<1000x128xf32>, vector<128x128xf32>, vector<1000x128xf32> -> vector<1000x128xf32>
    %get3A_55 = arith.constant 0 : index
    %get3A_56 = arith.constant 0 : index
    %get3A_57 = vector.load %arg8[%get3A_55, %get3A_56] : memref<1x128xf32, #tpu.memory_space<vmem>>, vector<1x128xf32>
    %add3A_58 = vector.broadcast %get3A_57 : vector<1x128xf32> to vector<1000x128xf32>
    %add3A_59 = arith.addf %dot_general3A_54, %add3A_58 : vector<1000x128xf32>
    %max3A = arith.constant 0.000000e+00 : f32
    %max3A_60 = vector.broadcast %max3A : f32 to vector<1000x128xf32>
    %max3A_61 = arith.maximumf %add3A_59, %max3A_60 : vector<1000x128xf32>
    %get3A_62 = arith.constant 0 : index
    %get3A_63 = arith.constant 0 : index
    %get3A_64 = vector.load %arg9[%get3A_62, %get3A_63] : memref<128x1xf32, #tpu.memory_space<vmem>>, vector<128x1xf32>
    %dot_general3A_65 = arith.constant dense<0.000000e+00> : vector<1000x1xf32>
    %dot_general3A_66 = tpu.matmul %max3A_61, %get3A_64, %dot_general3A_65 {dimension_numbers = #tpu.dot_dimension_numbers<[1], [0], [0], [1], [0, 0, 1, 1], [], []>, transpose_lhs_hint = false} : vector<1000x128xf32>, vector<128x1xf32>, vector<1000x1xf32> -> vector<1000x1xf32>
    %get3A_67 = arith.constant 0 : index
    %get3A_68 = arith.constant 0 : index
    %get3A_69 = vector.load %arg10[%get3A_67, %get3A_68] : memref<1x1xf32, #tpu.memory_space<vmem>>, vector<1x1xf32>
    %add3A_70 = vector.broadcast %get3A_69 : vector<1x1xf32> to vector<1000x1xf32>
    %add3A_71 = arith.addf %dot_general3A_66, %add3A_70 : vector<1000x1xf32>
    %swap3A = arith.constant 0 : index
    %swap3A_72 = arith.constant 0 : index
    %swap3A_73 = vector.load %arg12[%swap3A, %swap3A_72] : memref<1000x1xf32, #tpu.memory_space<vmem>>, vector<1000x1xf32>
    tpu.vector_store %arg12[%swap3A, %swap3A_72], %add3A_71 {strides = array<i32>} : memref<1000x1xf32, #tpu.memory_space<vmem>>, vector<1000x1xf32>,
    return
  }
  func.func @transform_0(%arg0: i32) -> (i32, i32) {
    %c0_i32 = arith.constant 0 : i32
    %c0_i32_0 = arith.constant 0 : i32
    return %arg0, %c0_i32 : i32, i32
  }
  func.func @transform_1(%arg0: i32) -> (i32, i32) {
    %add3A = arith.constant 10 : i32
    %add3A_0 = arith.addi %add3A, %arg0 : i32
    %c0_i32 = arith.constant 0 : i32
    %c0_i32_1 = arith.constant 0 : i32
    return %add3A_0, %c0_i32 : i32, i32
  }
  func.func @transform_2(%arg0: i32) -> (i32, i32) {
    %c0_i32 = arith.constant 0 : i32
    %c0_i32_0 = arith.constant 0 : i32
    return %arg0, %c0_i32 : i32, i32
  }
  func.func @transform_3(%arg0: i32) -> (i32, i32) {
    %c0_i32 = arith.constant 0 : i32
    %c0_i32_0 = arith.constant 0 : i32
    %c0_i32_1 = arith.constant 0 : i32
    return %c0_i32, %c0_i32_0 : i32, i32
  }
  func.func @transform_4(%arg0: i32) -> (i32, i32) {
    %c0_i32 = arith.constant 0 : i32
    %c0_i32_0 = arith.constant 0 : i32
    %c0_i32_1 = arith.constant 0 : i32
    return %c0_i32, %c0_i32_0 : i32, i32
  }
  func.func @transform_5(%arg0: i32) -> (i32, i32) {
    %c0_i32 = arith.constant 0 : i32
    %c0_i32_0 = arith.constant 0 : i32
    %c0_i32_1 = arith.constant 0 : i32
    return %c0_i32, %c0_i32_0 : i32, i32
  }
  func.func @transform_6(%arg0: i32) -> (i32, i32) {
    %c0_i32 = arith.constant 0 : i32
    %c0_i32_0 = arith.constant 0 : i32
    %c0_i32_1 = arith.constant 0 : i32
    return %c0_i32, %c0_i32_0 : i32, i32
  }
  func.func @transform_7(%arg0: i32) -> (i32, i32) {
    %c0_i32 = arith.constant 0 : i32
    %c0_i32_0 = arith.constant 0 : i32
    %c0_i32_1 = arith.constant 0 : i32
    return %c0_i32, %c0_i32_0 : i32, i32
  }
  func.func @transform_8(%arg0: i32) -> (i32, i32) {
    %c0_i32 = arith.constant 0 : i32
    %c0_i32_0 = arith.constant 0 : i32
    %c0_i32_1 = arith.constant 0 : i32
    return %c0_i32, %c0_i32_0 : i32, i32
  }
  func.func @transform_9(%arg0: i32) -> (i32, i32) {
    %c0_i32 = arith.constant 0 : i32
    %c0_i32_0 = arith.constant 0 : i32
    %c0_i32_1 = arith.constant 0 : i32
    return %c0_i32, %c0_i32_0 : i32, i32
  }
  func.func @transform_10(%arg0: i32) -> (i32, i32) {
    %c0_i32 = arith.constant 0 : i32
    %c0_i32_0 = arith.constant 0 : i32
    %c0_i32_1 = arith.constant 0 : i32
    return %c0_i32, %c0_i32_0 : i32, i32
  }
  func.func @transform_11(%arg0: i32) -> (i32, i32) {
    %c0_i32 = arith.constant 0 : i32
    %c0_i32_0 = arith.constant 0 : i32
    return %arg0, %c0_i32 : i32, i32
  }
}

</mosaic_0001>

<sc_bundles>
// kernel: kernel.10.cloned.1.call-start
scs
__scs_entry_jumppad:
0x0: {  	(pc) =	sbr.rel $0x88, $3  }
0x1: {  	(tag) =	ssettag $0x0;
	lr =	simm.s32 $0x1  }
0x2: {  	[smem:$0x3F91] =	sst lr;
	_ =	strace $0xD0000000  }
0x3: {  	_ = 	snop  }
0x4: {  	_ = 	snop  }
0x5: {  	_ = 	snop  }
0x6: {  	_ = 	snop  }
0x7: {  	_ = 	snop  }
__scs_overlays_trampoline_lowered:
0x8: {  	[smem:$0x3FA0] =	sst s0  }
0x9: {  	[smem:$0x3FA1] =	sst s1  }
0xa: {  	[smem:$0x3FA2] =	sst s2  }
0xb: {  	[smem:$0x3FA3] =	sst s3  }
0xc: {  	[smem:$0x3FA4] =	sst s4  }
0xd: {  	[smem:$0x3FA5] =	sst s5  }
0xe: {  	[smem:$0x3FA6] =	sst s6  }
0xf: {  	[smem:$0x3FA7] =	sst s7  }
0x10: {  	[smem:$0x3FA8] =	sst s8  }
0x11: {  	[smem:$0x3FA9] =	sst s9;
	s0 =	simm.s32 @!p0 $0x0  }
0x12: {  	s1 =	sld [smem:$0x3F8F];
	s0 =	simm.s32 @p0 $0x1  }
0x13: {  	[smem:$0x3FAA] =	sst s0;
	s0 =	simm.s32 @!p1 $0x0  }
0x14: {  	s2 =	sld [smem:$0x3F8E];
	s0 =	simm.s32 @p1 $0x1  }
0x15: {  	[smem:$0x3FAB] =	sst s0;
	s0 =	simm.s32 @!p2 $0x0  }
0x16: {  	s3 =	sld [smem:$0x3FDB];
	s0 =	simm.s32 @p2 $0x1  }
0x17: {  	s4 =	simm.s32 $0x1BF5;
	[smem:$0x3FAD] =	sst s0  }
0x18: {  	s0 =	sld [smem:$0x3F90];
	_ =	swait.ge [sflag:s4], $0x0  }
0x19: {  	s7 =	sld [smem:$0x3F91]  }
0x1a: {  	s8 =	sadd.s32 $0xFFFFE003, lr  }
0x1b: {  	s9 =	sadd.s32 $0xFFFFFEF7, lr;
	s5 =	simm.s32 $0xFFFFFFFF;
	p2 =	slt.u32 s8, $0xFFFFF086  }
0x1c: {  	p1 =	slt.u32 s9, $0xF7A;
	s5 =	simm.s32 @!p2 $0x0  }
0x1d: {  	s5 =	simm.s32 @p1 $0x1;
	p0 =	seq.s32 s7, s2  }
0x1e: {  	s7 =	smul.u32 @!p0 $0xF7A, s2;
	p2 =	seq.s32 @!p0 s5, $0x0  }
0x1f: {  	s9 =	smul.u32 $0xF7A, s1;
	s8 =	simm.s32 @!p0 $0x1BF5;
	p2 =	por !p2, p0  }
0x20: {  	[sflag:s8] =	ssyncset.s32 @!p0 $0xFFFFF086;
	s6 =	sadd.s32 @!p0 s3, s7;
	s7 =	simm.s32 @!p0 $0x108  }
0x21: {  	s3 =	sadd.s32 s3, s9;
	s6 =	sadd.s32 @!p0 $0x88, s6;
	s7 =	simm.s32 @p2 $0x1082  }
0x22: {  	[simem:s7], [sflag:s8] =	dma.local @!p0 [hbm:s6], $0xF7A  }
0x23: {  	s9 =	sor.u32 $0xD0000000, s2;
	s6 =	simm.s32 $0x108;
	_ =	swait.ge @!p0 [sflag:s8], $0x0  }
0x24: {  	s3 =	sadd.s32 $0x88, s3;
	s6 =	simm.s32 @!p1 $0x1082;
	[sflag:s4] =	ssyncset.s32 $0xFFFFF086  }
0x25: {  	[simem:s6], [sflag:s4] =	dma.local [hbm:s3], $0xF7A  }
0x26: {  	[smem:$0x3F91] =	sst s1;
	(tag) =	ssettag s2;
	_ =	strace s9  }
0x27: {  	s1 =	sld [smem:$0x3FA1]  }
0x28: {  	s2 =	sld [smem:$0x3FA2]  }
0x29: {  	s4 =	sld [smem:$0x3FA4]  }
0x2a: {  	p0 =	seq.s32 s5, $0x0;
	s5 =	sld [smem:$0x3FA5]  }
0x2b: {  	s6 =	sld [smem:$0x3FA6]  }
0x2c: {  	s7 =	sld [smem:$0x3FA7]  }
0x2d: {  	s3 =	simm.s32 $0x108;
	s8 =	sld [smem:$0x3FA8]  }
0x2e: {  	s3 =	simm.s32 @!p0 $0x1082;
	s9 =	sld [smem:$0x3FA9]  }
0x2f: {  	lr =	sadd.s32 s0, s3;
	s0 =	sld [smem:$0x3FA0]  }
0x30: {  	s3 =	sld [smem:$0x3FA3]  }
0x31: {  	[smem:$0x3FAC] =	sst s10  }
0x32: {  	s10 =	sld [smem:$0x3FAA];
	_ =	sdelay $0x3  }
0x33: {  	p0 =	seq.s32 s10, $0x1;
	s10 =	sld [smem:$0x3FAC];
	_ =	sdelay $0x3  }
0x34: {  	[smem:$0x3FAC] =	sst s10  }
0x35: {  	s10 =	sld [smem:$0x3FAB];
	_ =	sdelay $0x3  }
0x36: {  	p1 =	seq.s32 s10, $0x1;
	s10 =	sld [smem:$0x3FAC];
	_ =	sdelay $0x3  }
0x37: {  	[smem:$0x3FAC] =	sst s10  }
0x38: {  	s10 =	sld [smem:$0x3FAD]  }
0x39: {  	_ = 	snop;
	(pc) =	sbr.ind lr, $3  }
0x3a: {  	_ = 	snop  }
0x3b: {  	_ = 	snop  }
0x3c: {  	p2 =	seq.s32 s10, $0x1;
	s10 =	sld [smem:$0x3FAC]  }
0x3d: {  	_ =	shalt  }
0x3e: {  	_ =	shalt  }
0x3f: {  	_ =	shalt  }
0x40: {  	_ =	shalt  }
0x41: {  	_ =	shalt  }
0x42: {  	_ =	shalt  }
0x43: {  	_ =	shalt  }
0x44: {  	_ =	shalt  }
0x45: {  	_ =	shalt  }
0x46: {  	_ =	shalt  }
0x47: {  	_ =	shalt  }
0x48: {  	_ =	shalt  }
0x49: {  	_ =	shalt  }
0x4a: {  	_ =	shalt  }
0x4b: {  	_ =	shalt  }
0x4c: {  	_ =	shalt  }
0x4d: {  	_ =	shalt  }
0x4e: {  	_ =	shalt  }
0x4f: {  	_ =	shalt  }
0x50: {  	_ =	shalt  }
0x51: {  	_ =	shalt  }
0x52: {  	_ =	shalt  }
0x53: {  	_ =	shalt  }
0x54: {  	_ =	shalt  }
0x55: {  	_ =	shalt  }
0x56: {  	_ =	shalt  }
0x57: {  	_ =	shalt  }
0x58: {  	_ =	shalt  }
0x59: {  	_ =	shalt  }
0x5a: {  	_ =	shalt  }
0x5b: {  	_ =	shalt  }
0x5c: {  	_ =	shalt  }
0x5d: {  	_ =	shalt  }
0x5e: {  	_ =	shalt  }
0x5f: {  	_ =	shalt  }
0x60: {  	_ =	shalt  }
0x61: {  	_ =	shalt  }
0x62: {  	_ =	shalt  }
0x63: {  	_ =	shalt  }
0x64: {  	_ =	shalt  }
0x65: {  	_ =	shalt  }
0x66: {  	_ =	shalt  }
0x67: {  	_ =	shalt  }
0x68: {  	_ =	shalt  }
0x69: {  	_ =	shalt  }
0x6a: {  	_ =	shalt  }
0x6b: {  	_ =	shalt  }
0x6c: {  	_ =	shalt  }
0x6d: {  	_ =	shalt  }
0x6e: {  	_ =	shalt  }
0x6f: {  	_ =	shalt  }
0x70: {  	_ =	shalt  }
0x71: {  	_ =	shalt  }
0x72: {  	_ =	shalt  }
0x73: {  	_ =	shalt  }
0x74: {  	_ =	shalt  }
0x75: {  	_ =	shalt  }
0x76: {  	_ =	shalt  }
0x77: {  	_ =	shalt  }
0x78: {  	_ =	shalt  }
0x79: {  	_ =	shalt  }
0x7a: {  	_ =	shalt  }
0x7b: {  	_ =	shalt  }
0x7c: {  	_ =	shalt  }
0x7d: {  	_ =	shalt  }
0x7e: {  	_ =	shalt  }
0x7f: {  	_ =	shalt  }
0x80: {  	_ =	shalt  }
0x81: {  	_ =	shalt  }
0x82: {  	_ =	shalt  }
0x83: {  	_ =	shalt  }
0x84: {  	_ =	shalt  }
0x85: {  	_ =	shalt  }
0x86: {  	_ =	shalt  }
0x87: {  	_ =	shalt  }
.Lfunc_end0:
.L_simem_size_0:
called_computation.1_lowered:
.L_overlay_start_0:
0x88: {  	s2 =	sld [smem:$0x3FD9]  }
0x89: {  	s3 =	sld [smem:$0x3FFE];
	_ =	sdelay $0x1  }
0x8a: {  	s1 =	srdreg.scid  }
0x8b: {  	s0 =	sand.u32 $0x1, s1  }
0x8c: {  	s16 =	sshll.u32 s0, $0xA;
	s2 =	sadd.s32 s3, s2  }
0x8d: {  	s2 =	sadd.s32 s2, s16  }
0x8e: {  	[smem:$0x3FB8] =	sst s2  }
0x8f: {  	_ = 	snop  }
0x90: {  	(tm) =	ssettm $0x1  }
0x91: {  	s17 =	sld [smem:$0x3FFB];
	_ =	sdelay $0x3  }
0x92: {  	_ =	strace s17  }
0x93: {  	s2 =	sld [smem:$0x3FFC];
	_ =	sdelay $0x3  }
0x94: {  	_ =	strace s2  }
0x95: {  	s2 =	sld [smem:$0x3FFD];
	_ =	sdelay $0x3  }
0x96: {  	_ =	strace s2  }
0x97: {  	_ =	strace $0x8FFFFFFF  }
0x98: {  	s18 =	sld [smem:$0x3FDB];
	_ =	sdelay $0x1  }
0x99: {  	s19 =	simm.s32 $_scs_section_size  }
0x9a: {  	s4 =	simm.s32 $_size__tile_overlayer_lowered;
	s5 =	simm.s32 $_tile_overlayer_lowered  }
0x9b: {  	s22 =	simm.s32 $0x1BFF;
	s21 =	sshll.u32 s5, $0x1;
	s2 =	sadd.s32 s19, s18  }
0x9c: {  	s6 =	simm.s32 $0x0;
	s20 =	sshll.u32 s4, $0x1;
	s4 =	sadd.s32 s21, s2  }
0x9d: {  	[timem:s6], [sflag:s22] =	dma.local [hbm:s4], s20  }
0x9e: {  	_ =	swait.ge [sflag:s22], s20  }
0x9f: {  	s3 =	ssub.s32 $0x0, s20;
	[sflag:s22] =	ssyncset.done $0x0  }
0xa0: {  	[sflag:s22] =	ssyncadd.s32 s3;
	_ =	sdelay $0x1  }
0xa1: {  	s23 =	simm.s32 $0x1B8B  }
0xa2: {  	_ =	swait.ge [sflag:s23], $0x1  }
0xa3: {  	[sflag:s23] =	ssyncset.done $0x0  }
0xa4: {  	s25 =	simm.s32 $0x1B8E;
	s24 =	sld [smem:$0x3FFE];
	[sflag:s23] =	ssyncadd.s32 $0xFFFFFFFF  }
0xa5: {  	s26 =	simm.s32 $execute0_lowered;
	[smem:$0x3FD2] =	sst s25  }
0xa6: {  	s4 =	sshll.u32 s26, $0x1;
	_ =	strace $0x80000049;
	[dreg:$0x1] =	wrdreg $0xFFFFFFFF  }
0xa7: {  	s28 =	simm.s32 $_size_execute0_lowered;
	s2 =	sadd.s32 s2, s4;
	[dreg:$0x0] =	wrdreg $0x0  }
0xa8: {  	s4 =	sshll.u32 s28, $0x1;
	[dreg:$0x2] =	wrdreg s2  }
0xa9: {  	[dreg:$0x3] =	wrdreg s4  }
0xaa: {  	[dreg:$0x4] =	wrdreg $0xC0  }
0xab: {  	_ =	task [dreg:s6], $0x5FFFF  }
0xac: {  	[dreg:$0x1] =	wrdreg $0xFFFFFFFF  }
0xad: {  	[dreg:$0x0] =	wrdreg $0x60  }
0xae: {  	[dreg:$0x2] =	wrdreg s24  }
0xaf: {  	[dreg:$0x3] =	wrdreg $0x0  }
0xb0: {  	[dreg:$0x4] =	wrdreg $0x9  }
0xb1: {  	_ =	task.clear_ibuf [dreg:s6], $0x5FFFF;
	_ =	strace $0x90000049  }
0xb2: {  	s29 =	simm.s32 $0x9;
	_ =	strace $0x8000004B  }
0xb3: {  	_ =	swait.ge [sflag:s29], $0x1  }
0xb4: {  	[sflag:s29] =	ssyncadd.s32 $0xFFFFFFFF  }
0xb5: {  	_ =	strace $0x9000004B  }
0xb6: {  	_ =	sfence  }
0xb7: {  	s30 =	sld [smem:$0x0];
	_ =	sdelay $0x2  }
0xb8: {  	s31 =	sshll.u32 s1, $0xD;
	s1 =	sshrl.u32 s1, $0x2  }
0xb9: {  	s3 =	sand.u32 $0x4000, s31;
	s1 =	sadd.s32 s1, s30  }
0xba: {  	s0 =	sor.u32 s3, s0;
	s1 =	sshll.u32 s1, $0x11  }
0xbb: {  	s0 =	sor.u32 s1, s0  }
0xbc: {  	s0 =	sadd.s32 $0x8F2B, s0  }
0xbd: {  	[sflag:s0] =	ssyncadd.remote.s32 $0x1  }
0xbe: {  	_ =	sfence.sel $0xFFFF  }
0xbf: {  	[dreg:$0x0] =	wrdreg $0xFFFFFFFF;
	(pc) =	sbr.abs _section_cstart, $3  }
0xc0: {  	[dreg:$0x1] =	wrdreg $0xFFFFFFFF  }
0xc1: {  	_ =	task.clear_ibuf [dreg:s6], $0x2FFFF;
	_ =	strace $0x9FFFFFFF  }
0xc2: {  	(tm) =	ssettm $0x7FFFFFFF  }
0xc3: {  	_ =	shalt  }
tec
execute0_lowered:
.L_overlay_start_1:
0x0: {  	(tag) =	ssettag $0x1  }
0x1: {  	s0 =	rddreg [dreg:$0x0]  }
0x2: {  	s2 =	rddreg [dreg:$0x1];
	s3 =	simm.s32 $0x0;
	s1 =	stileid.u32  }
0x3: {  	s7 =	srdreg.scid;
	s31 =	simm.s32 $0xDF70;
	s28 =	simm.s32 $0x4  }
0x4: {  	s29 =	simm.s32 $0x3;
	s30 =	simm.s32 $0x5;
	[smem:$0x7FF] =	sst s3  }
0x5: {  	s8 =	smul.u32 $0xC300, s1;
	s4 =	sadd.s32 $0x85600, s0;
	s5 =	sadd.s32 $0x1200, s0  }
0x6: {  	s6 =	sadd.s32 $0x14E00, s0;
	s10 =	sand.u32 $0x1, s7;
	s19 =	smul.u32 $0x270, s1  }
0x7: {  	s7 =	sadd.s32 $0xB000, s0;
	s12 =	sadd.s32 $0x37400, s0;
	s15 =	smul.u32 $0xA, s1  }
0x8: {  	s20 =	sshll.u32 s1, $0x6;
	s16 =	sadd.s32 $0xC3000, s2;
	s17 =	smul.u32 $0x50, s1  }
0x9: {  	p0 =	sne.s32 s1, $0xF;
	_ =	strace $0x8000004A;
	s14 =	smul.u32 $0x2710, s10  }
0xa: {  	s11 =	ssub.s32 $0x2, s10;
	s22 =	smul.u32 $0xC3500, s10;
	s9 =	sshrl.u32 s8, $0x3  }
0xb: {  	s13 =	sshrl.u32 s11, $0x1;
	s8 =	sadd.s32 s8, s2;
	s21 =	sadd.s32 s6, s15  }
0xc: {  	s23 =	sadd.s32 s7, s15;
	s24 =	sshrl.u32 s17, $0x3;
	s9 =	sadd.s32 s9, s0  }
0xd: {  	s11 =	ssub.s32 s11, s13;
	s0 =	sadd.s32 $0x37200, s0;
	[dreg:$0x5] =	wrdreg s21  }
0xe: {  	[dreg:$0x6] =	wrdreg s23;
	s13 =	sadd.s32 s19, s14;
	s10 =	sadd.s32 $0xA0, s24  }
0xf: {  	s18 =	sshrl.u32 s8, $0x3;
	s19 =	simm.s32 $0x6;
	s23 =	simm.s32 $0x1  }
0x10: {  	s24 =	simm.s32 $0x50;
	s8 =	simm.s32 $0x0;
	s9 =	sadd.s32 $0x1EC00, s9  }
0x11: {  	[dreg:$0x4] =	wrdreg s0;
	s13 =	smul.u32 $0xA, s13;
	s0 =	sshrl.u32 s22, $0x3  }
0x12: {  	s25 =	sadd.s32 s6, s10;
	s10 =	sadd.s32 s7, s10;
	[dreg:$0x3] =	wrdreg s9  }
.Ltmp0:
0x13: {  	s17 =	smax.u32 s11, $0x1;
	[dreg:$0x7] =	wrdreg s25;
	(pc) =	sbr.rel .LBB2_1-.Ltmp0, $4  }
0x14: {  	s22 =	simm.s32 $0xFD70;
	s9 =	sor.u32 $0x1C06, s20;
	[dreg:$0x8] =	wrdreg s10  }
0x15: {  	s0 =	sadd.s32 s12, s0;
	s20 =	sshrl.u32 @!p0 s16, $0x3;
	s26 =	sadd.s32 s12, s13  }
0x16: {  	v1 =	vimm.s32 $0x0;
	v2 =	vimm.s32 $0x1;
	s25 =	simm.s32 $0xC670;
	s0 =	sadd.s32 $0x18600, s0;
	[dreg:$0x9] =	wrdreg s26  }
0x17: {  	v3 =	vimm.s32 $0x2;
	v4 =	vimm.s32 $0x3;
	v0 =	vmov s14;
	[dreg:$0xa] =	wrdreg s0;
	s0 =	simm.s32 $0xC620;
	s26 =	simm.s32 $0x2  }
.LBB2_8:
0x18: {  	_ =	swait.ge [sflag:s30], $0x1900  }
0x19: {  	[sflag:s30] =	ssyncset.done $0x0  }
0x1a: {  	[sflag:s30] =	ssyncadd.s32 $0xFFFFE700  }
0x1b: {  	[bflag:$0x0] =	sbarrier.arrive $0xFFFF  }
0x1c: {  	s10 =	rddreg [dreg:$0x9]  }
0x1d: {  	[hbm:s10], [sflag:s9] =	dma.local [spmem:s18], $0x1860  }
0x1e: {  	_ =	swait.ge [sflag:s19], $0x1860  }
0x1f: {  	s8 =	sadd.s32 $0x1, s8;
	[sflag:s19] =	ssyncset.done $0x0  }
0x20: {  	p1 =	sne.s32 s8, s17;
	s10 =	rddreg [dreg:$0xa];
	[sflag:s19] =	ssyncadd.s32 $0xFFFFE7A0  }
0x21: {  	[hbm:s10], [sflag:s9] =	dma.local @!p0 [spmem:s20], $0xA0  }
.Ltmp1:
0x22: {  	_ = 	snop;
	(pc) =	sbr.rel @!p1 .LBB2_9-.Ltmp1, $4  }
0x23: {  	s10 =	simm.s32 @!p0 $0x6  }
0x24: {  	_ =	swait.ge @!p0 [sflag:s10], $0xA0  }
0x25: {  	[sflag:s10] =	ssyncset.done @!p0 $0x0  }
0x26: {  	[sflag:s10] =	ssyncadd.s32 @!p0 $0xFFFFFF60  }
.LBB2_1:
0x27: {  	s10 =	rddreg [dreg:$0x3]  }
0x28: {  	[spmem:s18], [sflag:s9] =	dma.local [hbm:s10], $0x1860  }
0x29: {  	_ =	swait.ge [sflag:s19], $0x1860  }
0x2a: {  	[sflag:s19] =	ssyncset.done $0x0  }
0x2b: {  	s10 =	rddreg [dreg:$0x4];
	[sflag:s19] =	ssyncadd.s32 $0xFFFFE7A0  }
0x2c: {  	[spmem:s20], [sflag:s9] =	dma.local @!p0 [hbm:s10], $0xA0  }
0x2d: {  	s10 =	simm.s32 @!p0 $0x6  }
0x2e: {  	_ =	swait.ge @!p0 [sflag:s10], $0xA0  }
0x2f: {  	[sflag:s10] =	ssyncset.done @!p0 $0x0  }
0x30: {  	[sflag:s10] =	ssyncadd.s32 @!p0 $0xFFFFFF60  }
0x31: {  	[bflag:$0x0] =	sbarrier.arrive $0xFFFF  }
0x32: {  	s11 =	simm.s32 $0xC350;
	s16 =	rddreg [dreg:$0x5]  }
0x33: {  	[tilespmem:s11], [sflag:$0x1] =	stream.linear.gather [hbm4b:s16+s3], $0x50, $0x38;
	[tilespmem:$0x10270] =	vst v63  }
0x34: {  	s12 =	simm.s32 $0xC490;
	s21 =	rddreg [dreg:$0x6]  }
0x35: {  	[tilespmem:s12], [sflag:$0x1] =	stream.linear.gather [hbm4b:s21+s3], $0x50, $0x38;
	[tilespmem:$0x10270] =	vst v63  }
0x36: {  	_ =	swait.ge [sflag:s23], $0x50  }
0x37: {  	[sflag:s23] =	ssyncset.done $0x0  }
0x38: {  	[sflag:s23] =	ssyncadd.s32 $0xFFFFFFB0  }
0x39: {  	_ =	swait.ge [sflag:s23], $0x50  }
0x3a: {  	[sflag:s23] =	ssyncset.done $0x0  }
0x3b: {  	[sflag:s23] =	ssyncadd.s32 $0xFFFFFFB0  }
0x3c: {  	v5 =	vld [tilespmem:$0xC350]  }
0x3d: {  	v6 =	vld [tilespmem:$0xC490]  }
0x3e: {  	v7 =	vld [tilespmem:$0xC360]  }
0x3f: {  	v8 =	vld [tilespmem:$0xC4A0]  }
0x40: {  	v9 =	vld [tilespmem:$0xC370]  }
0x41: {  	v10 =	vld [tilespmem:$0xC4B0];
	v5 =	vadd.s32 v0, v5  }
0x42: {  	[tilespmem:$0xC350] =	vst v5;
	v5 =	vadd.s32 v0, v6;
	v6 =	vld [tilespmem:$0xC380]  }
0x43: {  	[tilespmem:$0xC5D0] =	vst v5;
	v5 =	vadd.s32 v0, v7;
	v7 =	vld [tilespmem:$0xC4C0]  }
0x44: {  	v62 =	vld [tilespmem:$0xC390];
	[tilespmem:$0xC360] =	vst v5;
	v5 =	vadd.s32 v0, v8  }
0x45: {  	v63 =	vld [tilespmem:$0xC4D0];
	[tilespmem:$0xC5E0] =	vst v5;
	v5 =	vadd.s32 v0, v9  }
0x46: {  	[tilespmem:$0xC370] =	vst v5;
	v5 =	vadd.s32 v0, v10  }
0x47: {  	[tilespmem:$0xC5F0] =	vst v5;
	v5 =	vadd.s32 v0, v6  }
0x48: {  	[tilespmem:$0xC380] =	vst v5;
	v5 =	vadd.s32 v0, v7  }
0x49: {  	[tilespmem:$0xC600] =	vst v5;
	v5 =	vadd.s32 v0, v62  }
0x4a: {  	[tilespmem:$0xC390] =	vst v5;
	v5 =	vadd.s32 v0, v63  }
0x4b: {  	[tilespmem:$0xC610] =	vst v5  }
0x4c: {  	[tilespmem:s25], [sflag:$0x2] =	stream.indirect.gather [hbm4b:s4+s24], $0x50, s11, s24, $0xb8;
	[tilespmem:$0x10270] =	vst v63  }
0x4d: {  	s13 =	simm.s32 $0xF870;
	s12 =	simm.s32 $0xC5D0  }
0x4e: {  	[tilespmem:s13], [sflag:$0x2] =	stream.indirect.gather [hbm4b:s5+s24], $0x10, s12, s24, $0xb8;
	[tilespmem:$0x10270] =	vst v63  }
0x4f: {  	s15 =	simm.s32 $0xC3A0;
	s14 =	rddreg [dreg:$0x7]  }
0x50: {  	[tilespmem:s15], [sflag:$0x1] =	stream.linear.gather [hbm4b:s14+s3], $0x50, $0x38;
	[tilespmem:$0x10270] =	vst v63  }
0x51: {  	s10 =	simm.s32 $0x0;
	s21 =	simm.s32 $0xC4E0;
	s16 =	rddreg [dreg:$0x8]  }
0x52: {  	[tilespmem:s21], [sflag:$0x1] =	stream.linear.gather [hbm4b:s16+s3], $0x50, $0x38;
	[tilespmem:$0x10270] =	vst v63  }
.LBB2_2:
0x53: {  	p1 =	seq.s32 s10, $0x0  }
0x54: {  	s11 =	simm.s32 @!p1 $0x5  }
0x55: {  	_ =	swait.ge @!p1 [sflag:s11], $0x1900  }
0x56: {  	[sflag:s11] =	ssyncset.done @!p1 $0x0  }
0x57: {  	[sflag:s11] =	ssyncadd.s32 @!p1 $0xFFFFE700  }
0x58: {  	_ =	swait.ge [sflag:s23], $0x50  }
0x59: {  	[sflag:s23] =	ssyncset.done $0x0  }
0x5a: {  	s11 =	sshll.u32 s10, $0x1;
	[sflag:s23] =	ssyncadd.s32 $0xFFFFFFB0  }
0x5b: {  	s12 =	sand.u32 $0x2, s11;
	_ =	swait.ge [sflag:s23], $0x50  }
0x5c: {  	s13 =	smul.u32 $0x50, s12;
	[sflag:s23] =	ssyncset.done $0x0  }
0x5d: {  	[sflag:s23] =	ssyncadd.s32 $0xFFFFFFB0  }
0x5e: {  	v5 =	vld [tilespmem:s13+$0xC3A0]  }
0x5f: {  	v6 =	vld [tilespmem:s13+$0xC4E0];
	_ =	sdelay $0x3  }
0x60: {  	v5 =	vadd.s32 v0, v5  }
0x61: {  	[tilespmem:s13+$0xC3A0] =	vst v5;
	v5 =	vadd.s32 v0, v6  }
0x62: {  	[tilespmem:$0xC620] =	vst v5  }
0x63: {  	v5 =	vld [tilespmem:s13+$0xC3B0]  }
0x64: {  	v6 =	vld [tilespmem:s13+$0xC4F0];
	_ =	sdelay $0x3  }
0x65: {  	v5 =	vadd.s32 v0, v5  }
0x66: {  	[tilespmem:s13+$0xC3B0] =	vst v5;
	v5 =	vadd.s32 v0, v6  }
0x67: {  	[tilespmem:$0xC630] =	vst v5  }
0x68: {  	v5 =	vld [tilespmem:s13+$0xC3C0]  }
0x69: {  	v6 =	vld [tilespmem:s13+$0xC500];
	_ =	sdelay $0x3  }
0x6a: {  	v5 =	vadd.s32 v0, v5  }
0x6b: {  	[tilespmem:s13+$0xC3C0] =	vst v5;
	v5 =	vadd.s32 v0, v6  }
0x6c: {  	[tilespmem:$0xC640] =	vst v5  }
0x6d: {  	v5 =	vld [tilespmem:s13+$0xC3D0]  }
0x6e: {  	v6 =	vld [tilespmem:s13+$0xC510];
	_ =	sdelay $0x3  }
0x6f: {  	v5 =	vadd.s32 v0, v5  }
0x70: {  	[tilespmem:s13+$0xC3D0] =	vst v5;
	v5 =	vadd.s32 v0, v6  }
0x71: {  	[tilespmem:$0xC650] =	vst v5  }
0x72: {  	v5 =	vld [tilespmem:s13+$0xC3E0]  }
0x73: {  	v6 =	vld [tilespmem:s13+$0xC520];
	_ =	sdelay $0x3  }
0x74: {  	v5 =	vadd.s32 v0, v5  }
0x75: {  	[tilespmem:s13+$0xC3E0] =	vst v5;
	v5 =	vadd.s32 v0, v6  }
0x76: {  	s13 =	sadd.s32 $0xC3A0, s13;
	[tilespmem:$0xC660] =	vst v5  }
0x77: {  	[tilespmem:s31], [sflag:$0x3] =	stream.indirect.gather [hbm4b:s4+s24], $0x50, s13, s24, $0xb8;
	[tilespmem:$0x10270] =	vst v63  }
0x78: {  	_ = 	snop  }
0x79: {  	[tilespmem:s22], [sflag:$0x3] =	stream.indirect.gather [hbm4b:s5+s24], $0x10, s0, s24, $0xb8;
	[tilespmem:$0x10270] =	vst v63  }
0x7a: {  	_ =	swait.ge [sflag:s26], $0x1900  }
0x7b: {  	[sflag:s26] =	ssyncset.done $0x0  }
0x7c: {  	[sflag:s26] =	ssyncadd.s32 $0xFFFFE700  }
0x7d: {  	_ =	swait.ge [sflag:s26], $0x500  }
0x7e: {  	[sflag:s26] =	ssyncset.done $0x0  }
0x7f: {  	s13 =	simm.s32 $0xC710;
	[sflag:s26] =	ssyncadd.s32 $0xFFFFFB00  }
0x80: {  	s14 =	simm.s32 $0xF890;
	v5 =	vld [tilespmem:s13+$0x90]  }
0x81: {  	v6 =	vld [tilespmem:s14+$0x10]  }
0x82: {  	v8 =	vld [tilespmem:s13+$0xFFFFFFF0]  }
0x83: {  	v9 =	vld [tilespmem:s14+$0xFFFFFFF0]  }
0x84: {  	v7 =	vld [tilespmem:s14+$0xFFFFFFE0]  }
0x85: {  	v10 =	vld [tilespmem:s13+$0x40]  }
0x86: {  	v11 =	vld [tilespmem:s14+$0x0]  }
0x87: {  	v5 =	vadd.f32 v6, v5;
	v6 =	vld [tilespmem:s13+$0xFFFFFFA0]  }
0x88: {  	v8 =	vadd.f32 v9, v8  }
0x89: {  	v12 =	vld [tilespmem:s13+$0xFFFFFF60];
	v13 =	vmul.f32 $2.000000030e-01, v5  }
0x8a: {  	v14 =	vld [tilespmem:s13+$0xFFFFFF70];
	v15 =	vmul.f32 $2.000000030e-01, v8  }
0x8b: {  	v16 =	vld [tilespmem:s13+$0xFFFFFFC0];
	v10 =	vadd.f32 v11, v10;
	v5 =	vmax.f32 v5, v13  }
0x8c: {  	v17 =	vld [tilespmem:s13+$0xFFFFFFE0];
	v5 =	vmul.f32 $1.442695020e+00, v5;
	v6 =	vadd.f32 v7, v6;
	v7 =	vmax.f32 v8, v15  }
0x8d: {  	s21 =	simm.s32 $0xC850;
	v18 =	vld [tilespmem:s13+$0x0];
	v8 =	vmul.f32 $2.000000030e-01, v10;
	v7 =	vmul.f32 $1.442695020e+00, v7  }
0x8e: {  	s14 =	simm.s32 $0xF8D0;
	v41 =	vld [tilespmem:s21+$0xFFFFFFA0];
	(erf) = vpow2.f32 v5;
	v5 =	vmul.f32 $2.000000030e-01, v6  }
0x8f: {  	v29 =	vld [tilespmem:s14+$0xFFFFFFE0];
	v8 =	vmax.f32 v10, v8  }
0x90: {  	v10 =	vld [tilespmem:s14+$0x10];
	(erf) = vpow2.f32 v7;
	v5 =	vmax.f32 v6, v5;
	v6 =	vmul.f32 $1.442695020e+00, v8  }
0x91: {  	v7 =	vld [tilespmem:s21+$0x90];
	v5 =	vmul.f32 $1.442695020e+00, v5  }
0x92: {  	v19 =	vld [tilespmem:s13+$0x10];
	(erf) = vpow2.f32 v6  }
0x93: {  	v20 =	vld [tilespmem:s13+$0x20];
	(erf) = vpow2.f32 v5  }
0x94: {  	v21 =	vld [tilespmem:s13+$0x30]  }
0x95: {  	v23 =	vld [tilespmem:s13+$0x50];
	v29 =	vadd.f32 v29, v41  }
0x96: {  	v24 =	vld [tilespmem:s13+$0x60];
	v10 =	vadd.f32 v10, v7  }
0x97: {  	v63 =	vmul.f32 $2.000000030e-01, v29;
	v5 =	vld [tilespmem:s13+$0x80];
	v6 =	vpop (erf)  }
0x98: {  	v25 =	vld [tilespmem:s13+$0x70];
	v42 =	vmul.f32 $2.000000030e-01, v10;
	v26 =	vperm.xlane v6, v1  }
0x99: {  	v11 =	vld [tilespmem:s13+$0xFFFFFFB0];
	v8 =	vperm.xlane v6, v4;
	v27 =	vperm.xlane v6, v2;
	v22 =	vpop (erf)  }
0x9a: {  	v31 =	vld [tilespmem:s21+$0xFFFFFFF0];
	v28 =	vperm.xlane v6, v3;
	v30 =	vperm.xlane v22, v1  }
0x9b: {  	v38 =	vld [tilespmem:s21+$0x40];
	v32 =	vperm.xlane v22, v2;
	v33 =	vperm.xlane v22, v3;
	v34 =	vpop (erf)  }
0x9c: {  	v35 =	vld [tilespmem:s14+$0xFFFFFFF0];
	[tilespmem:s13+$0x90] =	vst v6;
	v10 =	vmax.f32 v10, v42;
	v36 =	vperm.xlane v22, v4;
	v5 =	vmul.f32 v5, v8;
	v6 =	vpop (erf)  }
0x9d: {  	v13 =	vld [tilespmem:s13+$0xFFFFFF90];
	[tilespmem:s13+$0xFFFFFFF0] =	vst v22;
	v60 =	vmul.f32 $1.442695020e+00, v10;
	v8 =	vperm.xlane v6, v1  }
0x9e: {  	v15 =	vld [tilespmem:s13+$0xFFFFFFD0];
	v11 =	vmul.f32 v11, v30;
	[tilespmem:s13+$0x80] =	vst v5;
	v7 =	vperm.xlane v6, v2  }
0x9f: {  	v39 =	vld [tilespmem:s14+$0x0];
	v62 =	vmul.f32 v16, v32;
	[tilespmem:s13+$0x40] =	vst v34;
	v8 =	vmul.f32 v12, v8  }
0xa0: {  	v9 =	vld [tilespmem:s13+$0xFFFFFF80];
	[tilespmem:s13+$0xFFFFFFA0] =	vst v6;
	v12 =	vperm.xlane v6, v4;
	v14 =	vmul.f32 v14, v7  }
0xa1: {  	v10 =	vld [tilespmem:s21+$0xFFFFFFC0];
	v17 =	vmul.f32 v17, v36;
	v37 =	vperm.xlane v34, v1;
	[tilespmem:s13+$0xFFFFFFB0] =	vst v11  }
0xa2: {  	v16 =	vld [tilespmem:s21+$0xFFFFFFD0];
	v22 =	vperm.xlane v34, v2;
	v13 =	vmul.f32 v13, v12;
	[tilespmem:s13+$0xFFFFFF70] =	vst v14;
	v14 =	vadd.f32 v35, v31  }
0xa3: {  	v15 =	vmul.f32 v15, v33;
	v5 =	vld [tilespmem:s21+$0xFFFFFF60];
	[tilespmem:s13+$0xFFFFFFE0] =	vst v17;
	v18 =	vmul.f32 v18, v37  }
0xa4: {  	v61 =	vadd.f32 v39, v38;
	v17 =	vmul.f32 v19, v22;
	v22 =	vld [tilespmem:s21+$0x80];
	[tilespmem:s13+$0xFFFFFF90] =	vst v13;
	v13 =	vmul.f32 $2.000000030e-01, v14  }
0xa5: {  	v43 =	vperm.xlane v34, v3;
	v40 =	vperm.xlane v6, v3;
	[tilespmem:s13+$0xFFFFFFD0] =	vst v15;
	v6 =	vld [tilespmem:s21+$0xFFFFFF70]  }
0xa6: {  	(erf) = vpow2.f32 v60;
	v11 =	vmul.f32 $2.000000030e-01, v61;
	v7 =	vld [tilespmem:s21+$0xFFFFFF80];
	[tilespmem:s13+$0x0] =	vst v18;
	v13 =	vmax.f32 v14, v13  }
0xa7: {  	v34 =	vperm.xlane v34, v4;
	[tilespmem:s13+$0x10] =	vst v17;
	v17 =	vld [tilespmem:s21+$0x50];
	v15 =	vmul.f32 $1.442695020e+00, v13  }
0xa8: {  	v9 =	vmul.f32 v9, v40;
	v18 =	vmul.f32 v20, v43;
	[tilespmem:s13+$0xFFFFFF60] =	vst v8;
	v8 =	vld [tilespmem:s21+$0xFFFFFF90];
	v13 =	vmax.f32 v61, v11  }
0xa9: {  	v20 =	vmax.f32 v29, v63;
	v12 =	vld [tilespmem:s21+$0xFFFFFFB0];
	v19 =	vmul.f32 $1.442695020e+00, v13;
	(erf) = vpow2.f32 v15  }
0xaa: {  	v26 =	vmul.f32 v23, v26;
	[tilespmem:s13+$0xFFFFFF80] =	vst v9;
	v9 =	vld [tilespmem:s21+$0xFFFFFFE0];
	v20 =	vmul.f32 $1.442695020e+00, v20  }
0xab: {  	v21 =	vmul.f32 v21, v34;
	[tilespmem:s13+$0x20] =	vst v18;
	v18 =	vld [tilespmem:s21+$0x60];
	(erf) = vpow2.f32 v19  }
0xac: {  	v27 =	vmul.f32 v24, v27;
	v14 =	vld [tilespmem:s21+$0x0];
	(erf) = vpow2.f32 v20  }
0xad: {  	[tilespmem:s13+$0x50] =	vst v26;
	v11 =	vld [tilespmem:s21+$0x10]  }
0xae: {  	[tilespmem:s13+$0x60] =	vst v27;
	v13 =	vld [tilespmem:s21+$0x20]  }
0xaf: {  	v23 =	vmul.f32 v25, v28;
	[tilespmem:s13+$0x30] =	vst v21;
	v21 =	vpop (erf);
	v15 =	vld [tilespmem:s21+$0x30]  }
0xb0: {  	s15 =	simm.s32 $0x4;
	s16 =	simm.s32 $0xC990;
	[tilespmem:s13+$0xFFFFFFC0] =	vst v62;
	v24 =	vperm.xlane v21, v4;
	v19 =	vld [tilespmem:s21+$0x70];
	v20 =	vperm.xlane v21, v1  }
.LBB2_3:
0xb1: {  	v25 =	vld [tilespmem:s16+$0x90];
	v26 =	vperm.xlane v21, v2;
	v27 =	vperm.xlane v21, v3;
	s14 =	sadd.s32 $0x40, s14;
	[tilespmem:s13+$0x70] =	vst v23;
	s13 =	smov.u32 s21;
	s21 =	smov.u32 s16  }
0xb2: {  	s15 =	sadd.s32 $0x4, s15;
	v23 =	vld [tilespmem:s14+$0x10];
	[tilespmem:s13+$0x90] =	vst v21;
	v32 =	vmul.f32 v22, v24;
	v22 =	vpop (erf)  }
0xb3: {  	p1 =	slt.u32 s15, $0x4C;
	v24 =	vld [tilespmem:s14+$0xFFFFFFE0];
	[tilespmem:s13+$0xFFFFFFF0] =	vst v22;
	v28 =	vperm.xlane v22, v1;
	v29 =	vperm.xlane v22, v2  }
0xb4: {  	v31 =	vperm.xlane v22, v3;
	v22 =	vperm.xlane v22, v4;
	v30 =	vld [tilespmem:s16+$0xFFFFFFF0];
	[tilespmem:s13+$0x80] =	vst v32;
	v21 =	vpop (erf)  }
0xb5: {  	v32 =	vld [tilespmem:s14+$0xFFFFFFF0];
	[tilespmem:s13+$0x40] =	vst v21;
	v33 =	vperm.xlane v21, v1;
	v34 =	vperm.xlane v21, v2;
	v35 =	vpop (erf)  }
0xb6: {  	v36 =	vld [tilespmem:s16+$0x40];
	[tilespmem:s13+$0xFFFFFFA0] =	vst v35;
	v37 =	vperm.xlane v35, v1;
	v38 =	vperm.xlane v35, v2  }
0xb7: {  	v39 =	vld [tilespmem:s14+$0x0];
	v23 =	vadd.f32 v23, v25;
	v25 =	vperm.xlane v35, v3;
	v35 =	vperm.xlane v35, v4  }
0xb8: {  	v41 =	vperm.xlane v21, v3;
	v21 =	vperm.xlane v21, v4;
	v40 =	vld [tilespmem:s16+$0xFFFFFFA0]  }
0xb9: {  	v37 =	vmul.f32 v5, v37;
	v42 =	vmul.f32 $2.000000030e-01, v23;
	v5 =	vld [tilespmem:s16+$0xFFFFFF60]  }
0xba: {  	v25 =	vmul.f32 v7, v25;
	v30 =	vadd.f32 v32, v30;
	v32 =	vmul.f32 v6, v38;
	v6 =	vld [tilespmem:s16+$0xFFFFFF70]  }
0xbb: {  	v28 =	vmul.f32 v12, v28;
	v35 =	vmul.f32 v8, v35;
	v7 =	vld [tilespmem:s16+$0xFFFFFF80];
	v23 =	vmax.f32 v23, v42;
	[tilespmem:s13+$0xFFFFFF60] =	vst v37  }
0xbc: {  	v8 =	vld [tilespmem:s16+$0xFFFFFF90];
	v37 =	vmul.f32 $2.000000030e-01, v30;
	v36 =	vadd.f32 v39, v36;
	v23 =	vmul.f32 $1.442695020e+00, v23;
	[tilespmem:s13+$0xFFFFFF70] =	vst v32  }
0xbd: {  	v24 =	vadd.f32 v24, v40;
	v12 =	vld [tilespmem:s16+$0xFFFFFFB0];
	[tilespmem:s13+$0xFFFFFF80] =	vst v25;
	v25 =	vmul.f32 v10, v29;
	v29 =	vmul.f32 v16, v31  }
0xbe: {  	v16 =	vmax.f32 v30, v37;
	v10 =	vld [tilespmem:s16+$0xFFFFFFC0];
	v30 =	vmul.f32 $2.000000030e-01, v36;
	(erf) = vpow2.f32 v23;
	[tilespmem:s13+$0xFFFFFF90] =	vst v35  }
0xbf: {  	v23 =	vmul.f32 $2.000000030e-01, v24;
	v31 =	vmul.f32 $1.442695020e+00, v16;
	v16 =	vld [tilespmem:s16+$0xFFFFFFD0];
	[tilespmem:s13+$0xFFFFFFB0] =	vst v28  }
0xc0: {  	v22 =	vmul.f32 v9, v22;
	v28 =	vmax.f32 v36, v30;
	[tilespmem:s13+$0xFFFFFFC0] =	vst v25;
	v9 =	vld [tilespmem:s16+$0xFFFFFFE0];
	v25 =	vmul.f32 v14, v33  }
0xc1: {  	v23 =	vmax.f32 v24, v23;
	v24 =	vmul.f32 $1.442695020e+00, v28;
	v14 =	vld [tilespmem:s16+$0x0];
	(erf) = vpow2.f32 v31;
	[tilespmem:s13+$0xFFFFFFD0] =	vst v29  }
0xc2: {  	v23 =	vmul.f32 $1.442695020e+00, v23;
	[tilespmem:s13+$0xFFFFFFE0] =	vst v22;
	v22 =	vmul.f32 v11, v34;
	v11 =	vld [tilespmem:s16+$0x10]  }
0xc3: {  	(erf) = vpow2.f32 v24;
	[tilespmem:s13+$0x0] =	vst v25;
	v24 =	vmul.f32 v13, v41;
	v13 =	vld [tilespmem:s16+$0x20]  }
.Ltmp2:
0xc4: {  	v28 =	vmul.f32 v15, v21;
	(erf) = vpow2.f32 v23;
	[tilespmem:s13+$0x10] =	vst v22;
	v15 =	vld [tilespmem:s16+$0x30];
	(pc) =	sbr.rel @p1 .LBB2_3-.Ltmp2, $4  }
0xc5: {  	v20 =	vmul.f32 v17, v20;
	v25 =	vmul.f32 v18, v26;
	v22 =	vld [tilespmem:s16+$0x80];
	[tilespmem:s13+$0x20] =	vst v24  }
0xc6: {  	v23 =	vmul.f32 v19, v27;
	v17 =	vld [tilespmem:s16+$0x50];
	[tilespmem:s13+$0x30] =	vst v28  }
0xc7: {  	v18 =	vld [tilespmem:s16+$0x60];
	v21 =	vpop (erf);
	[tilespmem:s13+$0x50] =	vst v20  }
0xc8: {  	s16 =	sadd.s32 $0x140, s16;
	v20 =	vperm.xlane v21, v1;
	v19 =	vld [tilespmem:s21+$0x70];
	v24 =	vperm.xlane v21, v4;
	[tilespmem:s13+$0x60] =	vst v25  }
0xc9: {  	_ =	sdelay $0x1  }
0xca: {  	v25 =	vpop (erf)  }
0xcb: {  	[tilespmem:s13+$0x70] =	vst v23;
	v23 =	vpop (erf)  }
0xcc: {  	[tilespmem:s21+$0x90] =	vst v21;
	v22 =	vmul.f32 v22, v24;
	v24 =	vpop (erf)  }
0xcd: {  	[tilespmem:s21+$0xFFFFFFF0] =	vst v25;
	v26 =	vperm.xlane v24, v1  }
0xce: {  	[tilespmem:s21+$0x80] =	vst v22;
	v22 =	vperm.xlane v24, v2;
	v27 =	vperm.xlane v24, v3  }
0xcf: {  	[tilespmem:s21+$0xFFFFFFA0] =	vst v24;
	v24 =	vperm.xlane v24, v4;
	v5 =	vmul.f32 v5, v26  }
0xd0: {  	[tilespmem:s21+$0x40] =	vst v23;
	v6 =	vmul.f32 v6, v22  }
0xd1: {  	v22 =	vperm.xlane v25, v1;
	v8 =	vmul.f32 v8, v24;
	[tilespmem:s21+$0xFFFFFF60] =	vst v5  }
0xd2: {  	v7 =	vmul.f32 v7, v27;
	v5 =	vperm.xlane v25, v2;
	[tilespmem:s21+$0xFFFFFF70] =	vst v6  }
0xd3: {  	v12 =	vmul.f32 v12, v22;
	[tilespmem:s21+$0xFFFFFF90] =	vst v8;
	v8 =	vperm.xlane v23, v1  }
0xd4: {  	[tilespmem:s21+$0xFFFFFF80] =	vst v7;
	v7 =	vperm.xlane v25, v4;
	v5 =	vmul.f32 v10, v5  }
0xd5: {  	v6 =	vperm.xlane v25, v3;
	[tilespmem:s21+$0xFFFFFFB0] =	vst v12;
	v8 =	vmul.f32 v14, v8  }
0xd6: {  	v10 =	vperm.xlane v23, v2;
	[tilespmem:s21+$0xFFFFFFC0] =	vst v5;
	v5 =	vmul.f32 v9, v7  }
0xd7: {  	v6 =	vmul.f32 v16, v6;
	v7 =	vperm.xlane v23, v3;
	[tilespmem:s21+$0x0] =	vst v8  }
0xd8: {  	v8 =	vperm.xlane v21, v2;
	[tilespmem:s21+$0xFFFFFFE0] =	vst v5;
	v5 =	vmul.f32 v11, v10  }
0xd9: {  	[tilespmem:s21+$0xFFFFFFD0] =	vst v6;
	v6 =	vperm.xlane v23, v4;
	v7 =	vmul.f32 v13, v7  }
0xda: {  	v8 =	vmul.f32 v18, v8;
	[tilespmem:s21+$0x10] =	vst v5  }
0xdb: {  	p1 =	seq.s32 s10, $0x7C;
	v5 =	vmul.f32 v15, v6;
	v6 =	vperm.xlane v21, v3;
	[tilespmem:s21+$0x20] =	vst v7  }
0xdc: {  	s16 =	smul.u32 $0x140, s12;
	s14 =	sadd.s32 @!p1 $0x2, s11;
	v7 =	vmul.f32 v17, v20;
	[tilespmem:s21+$0x60] =	vst v8  }
0xdd: {  	s15 =	sand.u32 @!p1 $0x2, s14;
	s14 =	sshll.u32 @!p1 s14, $0x4;
	[tilespmem:s21+$0x30] =	vst v5;
	v5 =	vmul.f32 v19, v6  }
0xde: {  	s13 =	sshrl.u32 s16, $0x2;
	s15 =	smul.u32 @!p1 $0x50, s15;
	s14 =	sor.u32 @!p1 s1, s14;
	[tilespmem:s21+$0x50] =	vst v7  }
0xdf: {  	s13 =	sadd.s32 $0xC490, s13;
	s14 =	smul.u32 @!p1 $0xA, s14;
	[tilespmem:s21+$0x70] =	vst v5  }
0xe0: {  	[spmem:s2] =	stream.indirect.scatter.add.f32 [tilespmem:s25], [sflag:$0x4], $0x50, s13, s24, $0xb8;
	[tilespmem:$0x10270] =	vst v63  }
0xe1: {  	s16 =	sadd.s32 @!p1 s6, s14;
	s21 =	simm.s32 @!p1 $0x0;
	s13 =	sadd.s32 @!p1 $0xC350, s15  }
0xe2: {  	[tilespmem:s13], [sflag:$0x1] =	stream.linear.gather @!p1 [hbm4b:s16+s21], $0x50, $0x38;
	[tilespmem:$0x10270] =	vst v63  }
0xe3: {  	s14 =	sadd.s32 @!p1 s7, s14;
	s13 =	sadd.s32 @!p1 $0xC490, s15  }
0xe4: {  	[tilespmem:s13], [sflag:$0x1] =	stream.linear.gather @!p1 [hbm4b:s14+s21], $0x50, $0x38;
	[tilespmem:$0x10270] =	vst v63  }
0xe5: {  	s21 =	sor.u32 $0x1, s11;
	_ =	swait.ge [sflag:s28], $0x1900  }
0xe6: {  	p2 =	sgt.u32 s21, $0xF8;
	[sflag:s28] =	ssyncset.done $0x0  }
0xe7: {  	s13 =	simm.s32 @!p2 $0x1;
	[sflag:s28] =	ssyncadd.s32 $0xFFFFE700  }
0xe8: {  	_ =	swait.ge @!p2 [sflag:s13], $0x50  }
0xe9: {  	[sflag:s13] =	ssyncset.done @!p2 $0x0  }
0xea: {  	[sflag:s13] =	ssyncadd.s32 @!p2 $0xFFFFFFB0  }
0xeb: {  	s12 =	sxor.u32 @!p2 $0x2, s12;
	_ =	swait.ge @!p2 [sflag:s13], $0x50  }
0xec: {  	s12 =	smul.u32 @!p2 $0x50, s12;
	[sflag:s13] =	ssyncset.done @!p2 $0x0  }
0xed: {  	[sflag:s13] =	ssyncadd.s32 @!p2 $0xFFFFFFB0  }
0xee: {  	v5 =	vld @!p2 [tilespmem:s12+$0xC350]  }
0xef: {  	v6 =	vld @!p2 [tilespmem:s12+$0xC490];
	_ =	sdelay $0x3  }
0xf0: {  	v5 =	vadd.s32 @!p2 v0, v5  }
0xf1: {  	[tilespmem:s12+$0xC350] =	vst @!p2 v5;
	v5 =	vadd.s32 @!p2 v0, v6  }
0xf2: {  	[tilespmem:$0xC5D0] =	vst @!p2 v5  }
0xf3: {  	v5 =	vld @!p2 [tilespmem:s12+$0xC360]  }
0xf4: {  	v6 =	vld @!p2 [tilespmem:s12+$0xC4A0];
	_ =	sdelay $0x3  }
0xf5: {  	v5 =	vadd.s32 @!p2 v0, v5  }
0xf6: {  	[tilespmem:s12+$0xC360] =	vst @!p2 v5;
	v5 =	vadd.s32 @!p2 v0, v6  }
0xf7: {  	[tilespmem:$0xC5E0] =	vst @!p2 v5  }
0xf8: {  	v5 =	vld @!p2 [tilespmem:s12+$0xC370]  }
0xf9: {  	v6 =	vld @!p2 [tilespmem:s12+$0xC4B0];
	_ =	sdelay $0x3  }
0xfa: {  	v5 =	vadd.s32 @!p2 v0, v5  }
0xfb: {  	[tilespmem:s12+$0xC370] =	vst @!p2 v5;
	v5 =	vadd.s32 @!p2 v0, v6  }
0xfc: {  	[tilespmem:$0xC5F0] =	vst @!p2 v5  }
0xfd: {  	v5 =	vld @!p2 [tilespmem:s12+$0xC380]  }
0xfe: {  	v6 =	vld @!p2 [tilespmem:s12+$0xC4C0];
	_ =	sdelay $0x3  }
0xff: {  	v5 =	vadd.s32 @!p2 v0, v5  }
0x100: {  	[tilespmem:s12+$0xC380] =	vst @!p2 v5;
	v5 =	vadd.s32 @!p2 v0, v6  }
0x101: {  	[tilespmem:$0xC600] =	vst @!p2 v5  }
0x102: {  	v5 =	vld @!p2 [tilespmem:s12+$0xC390]  }
0x103: {  	v6 =	vld @!p2 [tilespmem:s12+$0xC4D0];
	_ =	sdelay $0x3  }
0x104: {  	v5 =	vadd.s32 @!p2 v0, v5  }
0x105: {  	[tilespmem:s12+$0xC390] =	vst @!p2 v5;
	v5 =	vadd.s32 @!p2 v0, v6  }
0x106: {  	s14 =	simm.s32 @!p2 $0xC670;
	s13 =	simm.s32 @!p2 $0x50;
	s12 =	sadd.s32 @!p2 $0xC350, s12;
	[tilespmem:$0xC610] =	vst @!p2 v5  }
0x107: {  	[tilespmem:s14], [sflag:$0x2] =	stream.indirect.gather @!p2 [hbm4b:s4+s13], $0x50, s12, s13, $0xb8;
	[tilespmem:$0x10270] =	vst v63  }
0x108: {  	s12 =	simm.s32 @!p2 $0xC5D0;
	s14 =	simm.s32 @!p2 $0xF870  }
0x109: {  	[tilespmem:s14], [sflag:$0x2] =	stream.indirect.gather @!p2 [hbm4b:s5+s13], $0x10, s12, s13, $0xb8;
	[tilespmem:$0x10270] =	vst v63  }
0x10a: {  	_ =	swait.ge [sflag:s29], $0x1900  }
0x10b: {  	[sflag:s29] =	ssyncset.done $0x0  }
0x10c: {  	[sflag:s29] =	ssyncadd.s32 $0xFFFFE700  }
0x10d: {  	_ =	swait.ge [sflag:s29], $0x500  }
0x10e: {  	[sflag:s29] =	ssyncset.done $0x0  }
0x10f: {  	s13 =	simm.s32 $0xE010;
	[sflag:s29] =	ssyncadd.s32 $0xFFFFFB00  }
0x110: {  	s16 =	simm.s32 $0xFD90;
	v5 =	vld [tilespmem:s13+$0x90]  }
0x111: {  	v6 =	vld [tilespmem:s16+$0x10]  }
0x112: {  	v8 =	vld [tilespmem:s13+$0xFFFFFFF0]  }
0x113: {  	v9 =	vld [tilespmem:s16+$0xFFFFFFF0]  }
0x114: {  	v7 =	vld [tilespmem:s16+$0xFFFFFFE0]  }
0x115: {  	v10 =	vld [tilespmem:s13+$0x40]  }
0x116: {  	v11 =	vld [tilespmem:s16+$0x0]  }
0x117: {  	v5 =	vadd.f32 v6, v5;
	v6 =	vld [tilespmem:s13+$0xFFFFFFA0]  }
0x118: {  	v8 =	vadd.f32 v9, v8  }
0x119: {  	v12 =	vld [tilespmem:s13+$0xFFFFFF60];
	v13 =	vmul.f32 $2.000000030e-01, v5  }
0x11a: {  	v14 =	vld [tilespmem:s13+$0xFFFFFF70];
	v15 =	vmul.f32 $2.000000030e-01, v8  }
0x11b: {  	v16 =	vld [tilespmem:s13+$0xFFFFFFC0];
	v10 =	vadd.f32 v11, v10;
	v5 =	vmax.f32 v5, v13  }
0x11c: {  	v17 =	vld [tilespmem:s13+$0xFFFFFFE0];
	v5 =	vmul.f32 $1.442695020e+00, v5;
	v6 =	vadd.f32 v7, v6;
	v7 =	vmax.f32 v8, v15  }
0x11d: {  	s14 =	simm.s32 $0xFDD0;
	v18 =	vld [tilespmem:s13+$0x0];
	v8 =	vmul.f32 $2.000000030e-01, v10;
	v7 =	vmul.f32 $1.442695020e+00, v7  }
0x11e: {  	s12 =	simm.s32 $0xE150;
	v29 =	vld [tilespmem:s14+$0xFFFFFFE0];
	(erf) = vpow2.f32 v5;
	v5 =	vmul.f32 $2.000000030e-01, v6  }
0x11f: {  	v41 =	vld [tilespmem:s12+$0xFFFFFFA0];
	v8 =	vmax.f32 v10, v8  }
0x120: {  	v10 =	vld [tilespmem:s14+$0x10];
	(erf) = vpow2.f32 v7;
	v5 =	vmax.f32 v6, v5;
	v6 =	vmul.f32 $1.442695020e+00, v8  }
0x121: {  	v7 =	vld [tilespmem:s12+$0x90];
	v5 =	vmul.f32 $1.442695020e+00, v5  }
0x122: {  	v19 =	vld [tilespmem:s13+$0x10];
	(erf) = vpow2.f32 v6  }
0x123: {  	v20 =	vld [tilespmem:s13+$0x20];
	(erf) = vpow2.f32 v5  }
0x124: {  	v21 =	vld [tilespmem:s13+$0x30]  }
0x125: {  	v23 =	vld [tilespmem:s13+$0x50];
	v29 =	vadd.f32 v29, v41  }
0x126: {  	v24 =	vld [tilespmem:s13+$0x60];
	v10 =	vadd.f32 v10, v7  }
0x127: {  	v63 =	vmul.f32 $2.000000030e-01, v29;
	v5 =	vld [tilespmem:s13+$0x80];
	v6 =	vpop (erf)  }
0x128: {  	v25 =	vld [tilespmem:s13+$0x70];
	v42 =	vmul.f32 $2.000000030e-01, v10;
	v26 =	vperm.xlane v6, v1  }
0x129: {  	v11 =	vld [tilespmem:s13+$0xFFFFFFB0];
	v8 =	vperm.xlane v6, v4;
	v27 =	vperm.xlane v6, v2;
	v22 =	vpop (erf)  }
0x12a: {  	v31 =	vld [tilespmem:s12+$0xFFFFFFF0];
	v28 =	vperm.xlane v6, v3;
	v30 =	vperm.xlane v22, v1  }
0x12b: {  	v35 =	vld [tilespmem:s14+$0xFFFFFFF0];
	v32 =	vperm.xlane v22, v2;
	v33 =	vperm.xlane v22, v3;
	v34 =	vpop (erf)  }
0x12c: {  	v38 =	vld [tilespmem:s12+$0x40];
	[tilespmem:s13+$0x90] =	vst v6;
	v10 =	vmax.f32 v10, v42;
	v36 =	vperm.xlane v22, v4;
	v5 =	vmul.f32 v5, v8;
	v6 =	vpop (erf)  }
0x12d: {  	v13 =	vld [tilespmem:s13+$0xFFFFFF90];
	[tilespmem:s13+$0xFFFFFFF0] =	vst v22;
	v60 =	vmul.f32 $1.442695020e+00, v10;
	v8 =	vperm.xlane v6, v1  }
0x12e: {  	v15 =	vld [tilespmem:s13+$0xFFFFFFD0];
	v11 =	vmul.f32 v11, v30;
	[tilespmem:s13+$0x80] =	vst v5;
	v7 =	vperm.xlane v6, v2  }
0x12f: {  	v39 =	vld [tilespmem:s14+$0x0];
	v62 =	vmul.f32 v16, v32;
	[tilespmem:s13+$0x40] =	vst v34;
	v8 =	vmul.f32 v12, v8  }
0x130: {  	v9 =	vld [tilespmem:s13+$0xFFFFFF80];
	[tilespmem:s13+$0xFFFFFFA0] =	vst v6;
	v12 =	vperm.xlane v6, v4;
	v14 =	vmul.f32 v14, v7  }
0x131: {  	v10 =	vld [tilespmem:s12+$0xFFFFFFC0];
	v17 =	vmul.f32 v17, v36;
	v37 =	vperm.xlane v34, v1;
	[tilespmem:s13+$0xFFFFFFB0] =	vst v11  }
0x132: {  	v16 =	vld [tilespmem:s12+$0xFFFFFFD0];
	v22 =	vperm.xlane v34, v2;
	v13 =	vmul.f32 v13, v12;
	[tilespmem:s13+$0xFFFFFF70] =	vst v14;
	v14 =	vadd.f32 v35, v31  }
0x133: {  	v15 =	vmul.f32 v15, v33;
	v5 =	vld [tilespmem:s12+$0xFFFFFF60];
	[tilespmem:s13+$0xFFFFFFE0] =	vst v17;
	v18 =	vmul.f32 v18, v37  }
0x134: {  	v61 =	vadd.f32 v39, v38;
	v17 =	vmul.f32 v19, v22;
	v22 =	vld [tilespmem:s12+$0x80];
	[tilespmem:s13+$0xFFFFFF90] =	vst v13;
	v13 =	vmul.f32 $2.000000030e-01, v14  }
0x135: {  	v43 =	vperm.xlane v34, v3;
	v40 =	vperm.xlane v6, v3;
	[tilespmem:s13+$0xFFFFFFD0] =	vst v15;
	v6 =	vld [tilespmem:s12+$0xFFFFFF70]  }
0x136: {  	(erf) = vpow2.f32 v60;
	v11 =	vmul.f32 $2.000000030e-01, v61;
	v7 =	vld [tilespmem:s12+$0xFFFFFF80];
	[tilespmem:s13+$0x0] =	vst v18;
	v13 =	vmax.f32 v14, v13  }
0x137: {  	v34 =	vperm.xlane v34, v4;
	[tilespmem:s13+$0x10] =	vst v17;
	v17 =	vld [tilespmem:s12+$0x50];
	v15 =	vmul.f32 $1.442695020e+00, v13  }
0x138: {  	v9 =	vmul.f32 v9, v40;
	v18 =	vmul.f32 v20, v43;
	[tilespmem:s13+$0xFFFFFF60] =	vst v8;
	v8 =	vld [tilespmem:s12+$0xFFFFFF90];
	v13 =	vmax.f32 v61, v11  }
0x139: {  	v20 =	vmax.f32 v29, v63;
	v12 =	vld [tilespmem:s12+$0xFFFFFFB0];
	v19 =	vmul.f32 $1.442695020e+00, v13;
	(erf) = vpow2.f32 v15  }
0x13a: {  	v26 =	vmul.f32 v23, v26;
	[tilespmem:s13+$0xFFFFFF80] =	vst v9;
	v9 =	vld [tilespmem:s12+$0xFFFFFFE0];
	v20 =	vmul.f32 $1.442695020e+00, v20  }
0x13b: {  	v21 =	vmul.f32 v21, v34;
	[tilespmem:s13+$0x20] =	vst v18;
	v18 =	vld [tilespmem:s12+$0x60];
	(erf) = vpow2.f32 v19  }
0x13c: {  	v27 =	vmul.f32 v24, v27;
	v14 =	vld [tilespmem:s12+$0x0];
	(erf) = vpow2.f32 v20  }
0x13d: {  	[tilespmem:s13+$0x50] =	vst v26;
	v11 =	vld [tilespmem:s12+$0x10]  }
0x13e: {  	[tilespmem:s13+$0x60] =	vst v27;
	v13 =	vld [tilespmem:s12+$0x20]  }
0x13f: {  	v23 =	vmul.f32 v25, v28;
	[tilespmem:s13+$0x30] =	vst v21;
	v21 =	vpop (erf);
	v15 =	vld [tilespmem:s12+$0x30]  }
0x140: {  	s15 =	simm.s32 $0x4;
	s16 =	simm.s32 $0xE290;
	[tilespmem:s13+$0xFFFFFFC0] =	vst v62;
	v24 =	vperm.xlane v21, v4;
	v19 =	vld [tilespmem:s12+$0x70];
	v20 =	vperm.xlane v21, v1  }
.LBB2_5:
0x141: {  	v25 =	vld [tilespmem:s16+$0x90];
	v26 =	vperm.xlane v21, v2;
	v27 =	vperm.xlane v21, v3;
	s14 =	sadd.s32 $0x40, s14;
	[tilespmem:s13+$0x70] =	vst v23;
	s13 =	smov.u32 s12;
	s12 =	smov.u32 s16  }
0x142: {  	s15 =	sadd.s32 $0x4, s15;
	v23 =	vld [tilespmem:s14+$0x10];
	[tilespmem:s13+$0x90] =	vst v21;
	v32 =	vmul.f32 v22, v24;
	v22 =	vpop (erf)  }
0x143: {  	p2 =	slt.u32 s15, $0x4C;
	v24 =	vld [tilespmem:s14+$0xFFFFFFE0];
	[tilespmem:s13+$0xFFFFFFF0] =	vst v22;
	v28 =	vperm.xlane v22, v1;
	v29 =	vperm.xlane v22, v2  }
0x144: {  	v31 =	vperm.xlane v22, v3;
	v22 =	vperm.xlane v22, v4;
	v30 =	vld [tilespmem:s16+$0xFFFFFFF0];
	[tilespmem:s13+$0x80] =	vst v32;
	v21 =	vpop (erf)  }
0x145: {  	v32 =	vld [tilespmem:s14+$0xFFFFFFF0];
	[tilespmem:s13+$0x40] =	vst v21;
	v33 =	vperm.xlane v21, v1;
	v34 =	vperm.xlane v21, v2;
	v35 =	vpop (erf)  }
0x146: {  	v36 =	vld [tilespmem:s16+$0x40];
	[tilespmem:s13+$0xFFFFFFA0] =	vst v35;
	v37 =	vperm.xlane v35, v1;
	v38 =	vperm.xlane v35, v2  }
0x147: {  	v39 =	vld [tilespmem:s14+$0x0];
	v23 =	vadd.f32 v23, v25;
	v25 =	vperm.xlane v35, v3;
	v35 =	vperm.xlane v35, v4  }
0x148: {  	v41 =	vperm.xlane v21, v3;
	v21 =	vperm.xlane v21, v4;
	v40 =	vld [tilespmem:s16+$0xFFFFFFA0]  }
0x149: {  	v37 =	vmul.f32 v5, v37;
	v42 =	vmul.f32 $2.000000030e-01, v23;
	v5 =	vld [tilespmem:s16+$0xFFFFFF60]  }
0x14a: {  	v25 =	vmul.f32 v7, v25;
	v30 =	vadd.f32 v32, v30;
	v32 =	vmul.f32 v6, v38;
	v6 =	vld [tilespmem:s16+$0xFFFFFF70]  }
0x14b: {  	v28 =	vmul.f32 v12, v28;
	v35 =	vmul.f32 v8, v35;
	v7 =	vld [tilespmem:s16+$0xFFFFFF80];
	v23 =	vmax.f32 v23, v42;
	[tilespmem:s13+$0xFFFFFF60] =	vst v37  }
0x14c: {  	v8 =	vld [tilespmem:s16+$0xFFFFFF90];
	v37 =	vmul.f32 $2.000000030e-01, v30;
	v36 =	vadd.f32 v39, v36;
	v23 =	vmul.f32 $1.442695020e+00, v23;
	[tilespmem:s13+$0xFFFFFF70] =	vst v32  }
0x14d: {  	v24 =	vadd.f32 v24, v40;
	v12 =	vld [tilespmem:s16+$0xFFFFFFB0];
	[tilespmem:s13+$0xFFFFFF80] =	vst v25;
	v25 =	vmul.f32 v10, v29;
	v29 =	vmul.f32 v16, v31  }
0x14e: {  	v16 =	vmax.f32 v30, v37;
	v10 =	vld [tilespmem:s16+$0xFFFFFFC0];
	v30 =	vmul.f32 $2.000000030e-01, v36;
	(erf) = vpow2.f32 v23;
	[tilespmem:s13+$0xFFFFFF90] =	vst v35  }
0x14f: {  	v23 =	vmul.f32 $2.000000030e-01, v24;
	v31 =	vmul.f32 $1.442695020e+00, v16;
	v16 =	vld [tilespmem:s16+$0xFFFFFFD0];
	[tilespmem:s13+$0xFFFFFFB0] =	vst v28  }
0x150: {  	v22 =	vmul.f32 v9, v22;
	v28 =	vmax.f32 v36, v30;
	[tilespmem:s13+$0xFFFFFFC0] =	vst v25;
	v9 =	vld [tilespmem:s16+$0xFFFFFFE0];
	v25 =	vmul.f32 v14, v33  }
0x151: {  	v23 =	vmax.f32 v24, v23;
	v24 =	vmul.f32 $1.442695020e+00, v28;
	v14 =	vld [tilespmem:s16+$0x0];
	(erf) = vpow2.f32 v31;
	[tilespmem:s13+$0xFFFFFFD0] =	vst v29  }
0x152: {  	v23 =	vmul.f32 $1.442695020e+00, v23;
	[tilespmem:s13+$0xFFFFFFE0] =	vst v22;
	v22 =	vmul.f32 v11, v34;
	v11 =	vld [tilespmem:s16+$0x10]  }
0x153: {  	(erf) = vpow2.f32 v24;
	[tilespmem:s13+$0x0] =	vst v25;
	v24 =	vmul.f32 v13, v41;
	v13 =	vld [tilespmem:s16+$0x20]  }
.Ltmp3:
0x154: {  	v28 =	vmul.f32 v15, v21;
	(erf) = vpow2.f32 v23;
	[tilespmem:s13+$0x10] =	vst v22;
	v15 =	vld [tilespmem:s16+$0x30];
	(pc) =	sbr.rel @p2 .LBB2_5-.Ltmp3, $4  }
0x155: {  	v20 =	vmul.f32 v17, v20;
	v25 =	vmul.f32 v18, v26;
	v22 =	vld [tilespmem:s16+$0x80];
	[tilespmem:s13+$0x20] =	vst v24  }
0x156: {  	v23 =	vmul.f32 v19, v27;
	v17 =	vld [tilespmem:s16+$0x50];
	[tilespmem:s13+$0x30] =	vst v28  }
0x157: {  	v18 =	vld [tilespmem:s16+$0x60];
	v21 =	vpop (erf);
	[tilespmem:s13+$0x50] =	vst v20  }
0x158: {  	s16 =	sadd.s32 $0x140, s16;
	v20 =	vperm.xlane v21, v1;
	v19 =	vld [tilespmem:s12+$0x70];
	v24 =	vperm.xlane v21, v4;
	[tilespmem:s13+$0x60] =	vst v25  }
0x159: {  	_ =	sdelay $0x1  }
0x15a: {  	[tilespmem:s13+$0x70] =	vst v23;
	v25 =	vpop (erf)  }
0x15b: {  	[tilespmem:s12+$0x90] =	vst v21;
	v22 =	vmul.f32 v22, v24;
	v57 =	vpop (erf)  }
0x15c: {  	[tilespmem:s12+$0xFFFFFFF0] =	vst v25;
	v60 =	vperm.xlane v25, v1;
	v58 =	vpop (erf)  }
0x15d: {  	[tilespmem:s12+$0x80] =	vst v22;
	v26 =	vperm.xlane v58, v1  }
0x15e: {  	[tilespmem:s12+$0x40] =	vst v57;
	v12 =	vmul.f32 v12, v60;
	v59 =	vperm.xlane v58, v2  }
0x15f: {  	[tilespmem:s12+$0xFFFFFFA0] =	vst v58;
	v24 =	vperm.xlane v58, v4;
	v5 =	vmul.f32 v5, v26  }
0x160: {  	v27 =	vperm.xlane v58, v3;
	[tilespmem:s12+$0xFFFFFFB0] =	vst v12;
	v6 =	vmul.f32 v6, v59  }
0x161: {  	v61 =	vperm.xlane v57, v1;
	v8 =	vmul.f32 v8, v24;
	[tilespmem:s12+$0xFFFFFF60] =	vst v5  }
0x162: {  	v7 =	vmul.f32 v7, v27;
	v5 =	vperm.xlane v25, v2;
	[tilespmem:s12+$0xFFFFFF70] =	vst v6  }
0x163: {  	v6 =	vperm.xlane v25, v3;
	[tilespmem:s12+$0xFFFFFF90] =	vst v8;
	v8 =	vmul.f32 v14, v61  }
0x164: {  	[tilespmem:s12+$0xFFFFFF80] =	vst v7;
	v7 =	vperm.xlane v25, v4;
	v5 =	vmul.f32 v10, v5  }
0x165: {  	v63 =	vperm.xlane v21, v2;
	v6 =	vmul.f32 v16, v6;
	[tilespmem:s12+$0x0] =	vst v8  }
0x166: {  	v62 =	vperm.xlane v57, v2;
	[tilespmem:s12+$0xFFFFFFC0] =	vst v5;
	v5 =	vmul.f32 v9, v7  }
0x167: {  	v8 =	vmul.f32 v18, v63;
	v7 =	vperm.xlane v57, v3;
	[tilespmem:s12+$0xFFFFFFD0] =	vst v6  }
0x168: {  	v6 =	vperm.xlane v57, v4;
	[tilespmem:s12+$0xFFFFFFE0] =	vst v5;
	v5 =	vmul.f32 v11, v62  }
0x169: {  	s16 =	sand.u32 $0x3, s21;
	[tilespmem:s12+$0x60] =	vst v8;
	v7 =	vmul.f32 v13, v7  }
0x16a: {  	s13 =	smul.u32 $0x140, s16;
	[tilespmem:s12+$0x10] =	vst v5;
	v5 =	vmul.f32 v15, v6;
	v6 =	vperm.xlane v21, v3  }
.Ltmp4:
0x16b: {  	[tilespmem:s12+$0x20] =	vst v7;
	v7 =	vmul.f32 v17, v20;
	(pc) =	sbr.rel @p1 .LBB2_8-.Ltmp4, $4  }
0x16c: {  	[tilespmem:s12+$0x30] =	vst v5;
	v5 =	vmul.f32 v19, v6  }
0x16d: {  	s13 =	sshrl.u32 s13, $0x2;
	[tilespmem:s12+$0x50] =	vst v7  }
0x16e: {  	s21 =	sadd.s32 $0xC490, s13;
	[tilespmem:s12+$0x70] =	vst v5  }
0x16f: {  	[spmem:s2] =	stream.indirect.scatter.add.f32 [tilespmem:s31], [sflag:$0x5], $0x50, s21, s24, $0xb8;
	[tilespmem:$0x10270] =	vst v63  }
0x170: {  	s11 =	sadd.s32 $0x3, s11  }
0x171: {  	s12 =	sand.u32 $0x3, s11;
	s11 =	sshll.u32 s11, $0x4  }
0x172: {  	s12 =	smul.u32 $0x50, s12;
	s11 =	sor.u32 s1, s11  }
0x173: {  	s11 =	smul.u32 $0xA, s11  }
.Ltmp5:
0x174: {  	_ = 	snop;
	(pc) =	sbr.rel .LBB2_2-.Ltmp5, $4  }
0x175: {  	s13 =	sadd.s32 $0xC350, s12;
	s14 =	sadd.s32 s6, s11  }
0x176: {  	[tilespmem:s13], [sflag:$0x1] =	stream.linear.gather [hbm4b:s14+s3], $0x50, $0x38;
	[tilespmem:$0x10270] =	vst v63  }
0x177: {  	s10 =	sadd.s32 $0x1, s10;
	s12 =	sadd.s32 $0xC490, s12;
	s11 =	sadd.s32 s7, s11  }
0x178: {  	[tilespmem:s12], [sflag:$0x1] =	stream.linear.gather [hbm4b:s11+s3], $0x50, $0x38;
	[tilespmem:$0x10270] =	vst v63  }
.LBB2_9:
0x179: {  	_ =	sfence.sel $0x180000  }
0x17a: {  	[bflag:$0x0] =	sbarrier.arrive $0xFFFF  }
0x17b: {  	_ =	strace $0x9000004A  }
0x17c: {  	[bflag:$0x2] =	sbarrier.arrive $0xFFFF  }
0x17d: {  	p0 =	sne.s32 s1, $0x0;
	s0 =	rddreg [dreg:$0x2]  }
0x17e: {  	s0 =	sadd.s32 @!p0 $0x100000, s0  }
0x17f: {  	[sflag:s0] =	ssyncadd.tile.s32 @!p0 $0x1;
	_ =	shalt  }
.Lfunc_end2:
_tile_overlayer_lowered:
.L_overlay_start_2:
0x180: {  	(tag) =	ssettag $0x2  }
0x181: {  	s0 =	rddreg [dreg:$0x0];
	s2 =	stileid.u32  }
0x182: {  	s1 =	rddreg [dreg:$0x1];
	p0 =	sne.s32 s2, $0x0  }
0x183: {  	s3 =	rddreg [dreg:$0x2];
	[bflag:$0x3] =	sbarrier.arrive $0xFFFF;
	s2 =	simm.s32 @!p0 $0x1C06  }
0x184: {  	[timem:s3], [sflag:s2] =	dma.local @!p0 [hbm:s0], s1  }
0x185: {  	s0 =	simm.s32 @!p0 $0x6  }
0x186: {  	_ =	swait.ge @!p0 [sflag:s0], s1  }
0x187: {  	s1 =	ssub.s32 @!p0 $0x0, s1;
	[sflag:s0] =	ssyncset.done @!p0 $0x0  }
0x188: {  	[sflag:s0] =	ssyncadd.s32 @!p0 s1  }
0x189: {  	[bflag:$0x3] =	sbarrier.arrive $0xFFFF  }
0x18a: {  	_ =	shalt  }

// kernel: kernel.7.cloned.1.call-start
scs
__scs_entry_jumppad:
0x0: {  	(pc) =	sbr.rel $0x88, $3  }
0x1: {  	(tag) =	ssettag $0x0;
	lr =	simm.s32 $0x1  }
0x2: {  	[smem:$0x3F91] =	sst lr;
	_ =	strace $0xD0000000  }
0x3: {  	_ = 	snop  }
0x4: {  	_ = 	snop  }
0x5: {  	_ = 	snop  }
0x6: {  	_ = 	snop  }
0x7: {  	_ = 	snop  }
__scs_overlays_trampoline_lowered:
0x8: {  	[smem:$0x3FA0] =	sst s0  }
0x9: {  	[smem:$0x3FA1] =	sst s1  }
0xa: {  	[smem:$0x3FA2] =	sst s2  }
0xb: {  	[smem:$0x3FA3] =	sst s3  }
0xc: {  	[smem:$0x3FA4] =	sst s4  }
0xd: {  	[smem:$0x3FA5] =	sst s5  }
0xe: {  	[smem:$0x3FA6] =	sst s6  }
0xf: {  	[smem:$0x3FA7] =	sst s7  }
0x10: {  	[smem:$0x3FA8] =	sst s8  }
0x11: {  	[smem:$0x3FA9] =	sst s9;
	s0 =	simm.s32 @!p0 $0x0  }
0x12: {  	s1 =	sld [smem:$0x3F8F];
	s0 =	simm.s32 @p0 $0x1  }
0x13: {  	[smem:$0x3FAA] =	sst s0;
	s0 =	simm.s32 @!p1 $0x0  }
0x14: {  	s2 =	sld [smem:$0x3F8E];
	s0 =	simm.s32 @p1 $0x1  }
0x15: {  	[smem:$0x3FAB] =	sst s0;
	s0 =	simm.s32 @!p2 $0x0  }
0x16: {  	s3 =	sld [smem:$0x3FDB];
	s0 =	simm.s32 @p2 $0x1  }
0x17: {  	s4 =	simm.s32 $0x1BF5;
	[smem:$0x3FAD] =	sst s0  }
0x18: {  	s0 =	sld [smem:$0x3F90];
	_ =	swait.ge [sflag:s4], $0x0  }
0x19: {  	s7 =	sld [smem:$0x3F91]  }
0x1a: {  	s8 =	sadd.s32 $0xFFFFE003, lr  }
0x1b: {  	s9 =	sadd.s32 $0xFFFFFEF7, lr;
	s5 =	simm.s32 $0xFFFFFFFF;
	p2 =	slt.u32 s8, $0xFFFFF086  }
0x1c: {  	p1 =	slt.u32 s9, $0xF7A;
	s5 =	simm.s32 @!p2 $0x0  }
0x1d: {  	s5 =	simm.s32 @p1 $0x1;
	p0 =	seq.s32 s7, s2  }
0x1e: {  	s7 =	smul.u32 @!p0 $0xF7A, s2;
	p2 =	seq.s32 @!p0 s5, $0x0  }
0x1f: {  	s9 =	smul.u32 $0xF7A, s1;
	s8 =	simm.s32 @!p0 $0x1BF5;
	p2 =	por !p2, p0  }
0x20: {  	[sflag:s8] =	ssyncset.s32 @!p0 $0xFFFFF086;
	s6 =	sadd.s32 @!p0 s3, s7;
	s7 =	simm.s32 @!p0 $0x108  }
0x21: {  	s3 =	sadd.s32 s3, s9;
	s6 =	sadd.s32 @!p0 $0x88, s6;
	s7 =	simm.s32 @p2 $0x1082  }
0x22: {  	[simem:s7], [sflag:s8] =	dma.local @!p0 [hbm:s6], $0xF7A  }
0x23: {  	s9 =	sor.u32 $0xD0000000, s2;
	s6 =	simm.s32 $0x108;
	_ =	swait.ge @!p0 [sflag:s8], $0x0  }
0x24: {  	s3 =	sadd.s32 $0x88, s3;
	s6 =	simm.s32 @!p1 $0x1082;
	[sflag:s4] =	ssyncset.s32 $0xFFFFF086  }
0x25: {  	[simem:s6], [sflag:s4] =	dma.local [hbm:s3], $0xF7A  }
0x26: {  	[smem:$0x3F91] =	sst s1;
	(tag) =	ssettag s2;
	_ =	strace s9  }
0x27: {  	s1 =	sld [smem:$0x3FA1]  }
0x28: {  	s2 =	sld [smem:$0x3FA2]  }
0x29: {  	s4 =	sld [smem:$0x3FA4]  }
0x2a: {  	p0 =	seq.s32 s5, $0x0;
	s5 =	sld [smem:$0x3FA5]  }
0x2b: {  	s6 =	sld [smem:$0x3FA6]  }
0x2c: {  	s7 =	sld [smem:$0x3FA7]  }
0x2d: {  	s3 =	simm.s32 $0x108;
	s8 =	sld [smem:$0x3FA8]  }
0x2e: {  	s3 =	simm.s32 @!p0 $0x1082;
	s9 =	sld [smem:$0x3FA9]  }
0x2f: {  	lr =	sadd.s32 s0, s3;
	s0 =	sld [smem:$0x3FA0]  }
0x30: {  	s3 =	sld [smem:$0x3FA3]  }
0x31: {  	[smem:$0x3FAC] =	sst s10  }
0x32: {  	s10 =	sld [smem:$0x3FAA];
	_ =	sdelay $0x3  }
0x33: {  	p0 =	seq.s32 s10, $0x1;
	s10 =	sld [smem:$0x3FAC];
	_ =	sdelay $0x3  }
0x34: {  	[smem:$0x3FAC] =	sst s10  }
0x35: {  	s10 =	sld [smem:$0x3FAB];
	_ =	sdelay $0x3  }
0x36: {  	p1 =	seq.s32 s10, $0x1;
	s10 =	sld [smem:$0x3FAC];
	_ =	sdelay $0x3  }
0x37: {  	[smem:$0x3FAC] =	sst s10  }
0x38: {  	s10 =	sld [smem:$0x3FAD]  }
0x39: {  	_ = 	snop;
	(pc) =	sbr.ind lr, $3  }
0x3a: {  	_ = 	snop  }
0x3b: {  	_ = 	snop  }
0x3c: {  	p2 =	seq.s32 s10, $0x1;
	s10 =	sld [smem:$0x3FAC]  }
0x3d: {  	_ =	shalt  }
0x3e: {  	_ =	shalt  }
0x3f: {  	_ =	shalt  }
0x40: {  	_ =	shalt  }
0x41: {  	_ =	shalt  }
0x42: {  	_ =	shalt  }
0x43: {  	_ =	shalt  }
0x44: {  	_ =	shalt  }
0x45: {  	_ =	shalt  }
0x46: {  	_ =	shalt  }
0x47: {  	_ =	shalt  }
0x48: {  	_ =	shalt  }
0x49: {  	_ =	shalt  }
0x4a: {  	_ =	shalt  }
0x4b: {  	_ =	shalt  }
0x4c: {  	_ =	shalt  }
0x4d: {  	_ =	shalt  }
0x4e: {  	_ =	shalt  }
0x4f: {  	_ =	shalt  }
0x50: {  	_ =	shalt  }
0x51: {  	_ =	shalt  }
0x52: {  	_ =	shalt  }
0x53: {  	_ =	shalt  }
0x54: {  	_ =	shalt  }
0x55: {  	_ =	shalt  }
0x56: {  	_ =	shalt  }
0x57: {  	_ =	shalt  }
0x58: {  	_ =	shalt  }
0x59: {  	_ =	shalt  }
0x5a: {  	_ =	shalt  }
0x5b: {  	_ =	shalt  }
0x5c: {  	_ =	shalt  }
0x5d: {  	_ =	shalt  }
0x5e: {  	_ =	shalt  }
0x5f: {  	_ =	shalt  }
0x60: {  	_ =	shalt  }
0x61: {  	_ =	shalt  }
0x62: {  	_ =	shalt  }
0x63: {  	_ =	shalt  }
0x64: {  	_ =	shalt  }
0x65: {  	_ =	shalt  }
0x66: {  	_ =	shalt  }
0x67: {  	_ =	shalt  }
0x68: {  	_ =	shalt  }
0x69: {  	_ =	shalt  }
0x6a: {  	_ =	shalt  }
0x6b: {  	_ =	shalt  }
0x6c: {  	_ =	shalt  }
0x6d: {  	_ =	shalt  }
0x6e: {  	_ =	shalt  }
0x6f: {  	_ =	shalt  }
0x70: {  	_ =	shalt  }
0x71: {  	_ =	shalt  }
0x72: {  	_ =	shalt  }
0x73: {  	_ =	shalt  }
0x74: {  	_ =	shalt  }
0x75: {  	_ =	shalt  }
0x76: {  	_ =	shalt  }
0x77: {  	_ =	shalt  }
0x78: {  	_ =	shalt  }
0x79: {  	_ =	shalt  }
0x7a: {  	_ =	shalt  }
0x7b: {  	_ =	shalt  }
0x7c: {  	_ =	shalt  }
0x7d: {  	_ =	shalt  }
0x7e: {  	_ =	shalt  }
0x7f: {  	_ =	shalt  }
0x80: {  	_ =	shalt  }
0x81: {  	_ =	shalt  }
0x82: {  	_ =	shalt  }
0x83: {  	_ =	shalt  }
0x84: {  	_ =	shalt  }
0x85: {  	_ =	shalt  }
0x86: {  	_ =	shalt  }
0x87: {  	_ =	shalt  }
.Lfunc_end0:
.L_simem_size_0:
called_computation_lowered:
.L_overlay_start_0:
0x88: {  	s2 =	sld [smem:$0x3FD9]  }
0x89: {  	s3 =	sld [smem:$0x3FFE];
	_ =	sdelay $0x1  }
0x8a: {  	s1 =	srdreg.scid  }
0x8b: {  	s0 =	sand.u32 $0x1, s1  }
0x8c: {  	s16 =	sshll.u32 s0, $0xA;
	s2 =	sadd.s32 s3, s2  }
0x8d: {  	s2 =	sadd.s32 s2, s16  }
0x8e: {  	[smem:$0x3FB8] =	sst s2  }
0x8f: {  	_ = 	snop  }
0x90: {  	(tm) =	ssettm $0x1  }
0x91: {  	s17 =	sld [smem:$0x3FFB];
	_ =	sdelay $0x3  }
0x92: {  	_ =	strace s17  }
0x93: {  	s2 =	sld [smem:$0x3FFC];
	_ =	sdelay $0x3  }
0x94: {  	_ =	strace s2  }
0x95: {  	s2 =	sld [smem:$0x3FFD];
	_ =	sdelay $0x3  }
0x96: {  	_ =	strace s2  }
0x97: {  	_ =	strace $0x8FFFFFFF  }
0x98: {  	s18 =	sld [smem:$0x3FDB];
	_ =	sdelay $0x1  }
0x99: {  	s19 =	simm.s32 $_scs_section_size  }
0x9a: {  	s4 =	simm.s32 $_size__tile_overlayer_lowered;
	s5 =	simm.s32 $_tile_overlayer_lowered  }
0x9b: {  	s22 =	simm.s32 $0x1BFF;
	s21 =	sshll.u32 s5, $0x1;
	s2 =	sadd.s32 s19, s18  }
0x9c: {  	s6 =	simm.s32 $0x0;
	s20 =	sshll.u32 s4, $0x1;
	s4 =	sadd.s32 s21, s2  }
0x9d: {  	[timem:s6], [sflag:s22] =	dma.local [hbm:s4], s20  }
0x9e: {  	_ =	swait.ge [sflag:s22], s20  }
0x9f: {  	s3 =	ssub.s32 $0x0, s20;
	[sflag:s22] =	ssyncset.done $0x0  }
0xa0: {  	[sflag:s22] =	ssyncadd.s32 s3;
	_ =	sdelay $0x1  }
0xa1: {  	s23 =	simm.s32 $0x1B8B  }
0xa2: {  	_ =	swait.ge [sflag:s23], $0x1  }
0xa3: {  	[sflag:s23] =	ssyncset.done $0x0  }
0xa4: {  	s25 =	simm.s32 $0x1B8E;
	s24 =	sld [smem:$0x3FFE];
	[sflag:s23] =	ssyncadd.s32 $0xFFFFFFFF  }
0xa5: {  	s26 =	simm.s32 $execute0_lowered;
	[smem:$0x3FD2] =	sst s25  }
0xa6: {  	s4 =	sshll.u32 s26, $0x1;
	_ =	strace $0x80000046;
	[dreg:$0x1] =	wrdreg $0xFFFFFFFF  }
0xa7: {  	s28 =	simm.s32 $_size_execute0_lowered;
	s2 =	sadd.s32 s2, s4;
	[dreg:$0x0] =	wrdreg $0x0  }
0xa8: {  	s4 =	sshll.u32 s28, $0x1;
	[dreg:$0x2] =	wrdreg s2  }
0xa9: {  	[dreg:$0x3] =	wrdreg s4  }
0xaa: {  	[dreg:$0x4] =	wrdreg $0xC0  }
0xab: {  	_ =	task [dreg:s6], $0x5FFFF  }
0xac: {  	[dreg:$0x1] =	wrdreg $0xFFFFFFFF  }
0xad: {  	[dreg:$0x0] =	wrdreg $0x60  }
0xae: {  	[dreg:$0x2] =	wrdreg s24  }
0xaf: {  	[dreg:$0x3] =	wrdreg $0x0  }
0xb0: {  	[dreg:$0x4] =	wrdreg $0x9  }
0xb1: {  	_ =	task.clear_ibuf [dreg:s6], $0x5FFFF;
	_ =	strace $0x90000046  }
0xb2: {  	s29 =	simm.s32 $0x9;
	_ =	strace $0x80000048  }
0xb3: {  	_ =	swait.ge [sflag:s29], $0x1  }
0xb4: {  	[sflag:s29] =	ssyncadd.s32 $0xFFFFFFFF  }
0xb5: {  	_ =	strace $0x90000048  }
0xb6: {  	_ =	sfence  }
0xb7: {  	s30 =	sld [smem:$0x0];
	_ =	sdelay $0x2  }
0xb8: {  	s31 =	sshll.u32 s1, $0xD;
	s1 =	sshrl.u32 s1, $0x2  }
0xb9: {  	s3 =	sand.u32 $0x4000, s31;
	s1 =	sadd.s32 s1, s30  }
0xba: {  	s0 =	sor.u32 s3, s0;
	s1 =	sshll.u32 s1, $0x11  }
0xbb: {  	s0 =	sor.u32 s1, s0  }
0xbc: {  	s0 =	sadd.s32 $0x8F2B, s0  }
0xbd: {  	[sflag:s0] =	ssyncadd.remote.s32 $0x1  }
0xbe: {  	_ =	sfence.sel $0xFFFF  }
0xbf: {  	[dreg:$0x0] =	wrdreg $0xFFFFFFFF;
	(pc) =	sbr.abs _section_cstart, $3  }
0xc0: {  	[dreg:$0x1] =	wrdreg $0xFFFFFFFF  }
0xc1: {  	_ =	task.clear_ibuf [dreg:s6], $0x2FFFF;
	_ =	strace $0x9FFFFFFF  }
0xc2: {  	(tm) =	ssettm $0x7FFFFFFF  }
0xc3: {  	_ =	shalt  }
tec
execute0_lowered:
.L_overlay_start_1:
0x0: {  	(tag) =	ssettag $0x1  }
0x1: {  	s0 =	rddreg [dreg:$0x0]  }
0x2: {  	s2 =	rddreg [dreg:$0x1];
	s3 =	simm.s32 $0x0;
	s1 =	stileid.u32  }
0x3: {  	s7 =	srdreg.scid;
	s31 =	simm.s32 $0xDF70;
	s28 =	simm.s32 $0x4  }
0x4: {  	s29 =	simm.s32 $0x3;
	s30 =	simm.s32 $0x5;
	[smem:$0x7FF] =	sst s3  }
0x5: {  	s8 =	smul.u32 $0xC300, s1;
	s4 =	sadd.s32 $0x4F400, s0;
	s5 =	sadd.s32 $0x1200, s0  }
0x6: {  	s6 =	sadd.s32 $0x14E00, s0;
	s10 =	sand.u32 $0x1, s7;
	s19 =	smul.u32 $0x270, s1  }
0x7: {  	s7 =	sadd.s32 $0xB000, s0;
	s12 =	sadd.s32 $0x80200, s0;
	s15 =	smul.u32 $0xA, s1  }
0x8: {  	s20 =	sshll.u32 s1, $0x6;
	s16 =	sadd.s32 $0xC3000, s2;
	s17 =	smul.u32 $0x50, s1  }
0x9: {  	p0 =	sne.s32 s1, $0xF;
	_ =	strace $0x80000047;
	s14 =	smul.u32 $0x2710, s10  }
0xa: {  	s11 =	ssub.s32 $0x2, s10;
	s22 =	smul.u32 $0xC3500, s10;
	s9 =	sshrl.u32 s8, $0x3  }
0xb: {  	s13 =	sshrl.u32 s11, $0x1;
	s8 =	sadd.s32 s8, s2;
	s21 =	sadd.s32 s6, s15  }
0xc: {  	s23 =	sadd.s32 s7, s15;
	s24 =	sshrl.u32 s17, $0x3;
	s9 =	sadd.s32 s9, s0  }
0xd: {  	s11 =	ssub.s32 s11, s13;
	s0 =	sadd.s32 $0x37200, s0;
	[dreg:$0x5] =	wrdreg s21  }
0xe: {  	[dreg:$0x6] =	wrdreg s23;
	s13 =	sadd.s32 s19, s14;
	s10 =	sadd.s32 $0xA0, s24  }
0xf: {  	s18 =	sshrl.u32 s8, $0x3;
	s19 =	simm.s32 $0x6;
	s23 =	simm.s32 $0x1  }
0x10: {  	s24 =	simm.s32 $0x50;
	s8 =	simm.s32 $0x0;
	s9 =	sadd.s32 $0x1EC00, s9  }
0x11: {  	[dreg:$0x4] =	wrdreg s0;
	s13 =	smul.u32 $0xA, s13;
	s0 =	sshrl.u32 s22, $0x3  }
0x12: {  	s25 =	sadd.s32 s6, s10;
	s10 =	sadd.s32 s7, s10;
	[dreg:$0x3] =	wrdreg s9  }
.Ltmp0:
0x13: {  	s17 =	smax.u32 s11, $0x1;
	[dreg:$0x7] =	wrdreg s25;
	(pc) =	sbr.rel .LBB2_1-.Ltmp0, $4  }
0x14: {  	s22 =	simm.s32 $0xFD70;
	s9 =	sor.u32 $0x1C06, s20;
	[dreg:$0x8] =	wrdreg s10  }
0x15: {  	s0 =	sadd.s32 s12, s0;
	s20 =	sshrl.u32 @!p0 s16, $0x3;
	s26 =	sadd.s32 s12, s13  }
0x16: {  	v1 =	vimm.s32 $0x0;
	v2 =	vimm.s32 $0x1;
	s25 =	simm.s32 $0xC670;
	s0 =	sadd.s32 $0x18600, s0;
	[dreg:$0x9] =	wrdreg s26  }
0x17: {  	v3 =	vimm.s32 $0x2;
	v4 =	vimm.s32 $0x3;
	v0 =	vmov s14;
	[dreg:$0xa] =	wrdreg s0;
	s0 =	simm.s32 $0xC620;
	s26 =	simm.s32 $0x2  }
.LBB2_8:
0x18: {  	_ =	swait.ge [sflag:s30], $0x1900  }
0x19: {  	[sflag:s30] =	ssyncset.done $0x0  }
0x1a: {  	[sflag:s30] =	ssyncadd.s32 $0xFFFFE700  }
0x1b: {  	[bflag:$0x0] =	sbarrier.arrive $0xFFFF  }
0x1c: {  	s10 =	rddreg [dreg:$0x9]  }
0x1d: {  	[hbm:s10], [sflag:s9] =	dma.local [spmem:s18], $0x1860  }
0x1e: {  	_ =	swait.ge [sflag:s19], $0x1860  }
0x1f: {  	s8 =	sadd.s32 $0x1, s8;
	[sflag:s19] =	ssyncset.done $0x0  }
0x20: {  	p1 =	sne.s32 s8, s17;
	s10 =	rddreg [dreg:$0xa];
	[sflag:s19] =	ssyncadd.s32 $0xFFFFE7A0  }
0x21: {  	[hbm:s10], [sflag:s9] =	dma.local @!p0 [spmem:s20], $0xA0  }
.Ltmp1:
0x22: {  	_ = 	snop;
	(pc) =	sbr.rel @!p1 .LBB2_9-.Ltmp1, $4  }
0x23: {  	s10 =	simm.s32 @!p0 $0x6  }
0x24: {  	_ =	swait.ge @!p0 [sflag:s10], $0xA0  }
0x25: {  	[sflag:s10] =	ssyncset.done @!p0 $0x0  }
0x26: {  	[sflag:s10] =	ssyncadd.s32 @!p0 $0xFFFFFF60  }
.LBB2_1:
0x27: {  	s10 =	rddreg [dreg:$0x3]  }
0x28: {  	[spmem:s18], [sflag:s9] =	dma.local [hbm:s10], $0x1860  }
0x29: {  	_ =	swait.ge [sflag:s19], $0x1860  }
0x2a: {  	[sflag:s19] =	ssyncset.done $0x0  }
0x2b: {  	s10 =	rddreg [dreg:$0x4];
	[sflag:s19] =	ssyncadd.s32 $0xFFFFE7A0  }
0x2c: {  	[spmem:s20], [sflag:s9] =	dma.local @!p0 [hbm:s10], $0xA0  }
0x2d: {  	s10 =	simm.s32 @!p0 $0x6  }
0x2e: {  	_ =	swait.ge @!p0 [sflag:s10], $0xA0  }
0x2f: {  	[sflag:s10] =	ssyncset.done @!p0 $0x0  }
0x30: {  	[sflag:s10] =	ssyncadd.s32 @!p0 $0xFFFFFF60  }
0x31: {  	[bflag:$0x0] =	sbarrier.arrive $0xFFFF  }
0x32: {  	s11 =	simm.s32 $0xC350;
	s16 =	rddreg [dreg:$0x5]  }
0x33: {  	[tilespmem:s11], [sflag:$0x1] =	stream.linear.gather [hbm4b:s16+s3], $0x50, $0x38;
	[tilespmem:$0x10270] =	vst v63  }
0x34: {  	s12 =	simm.s32 $0xC490;
	s21 =	rddreg [dreg:$0x6]  }
0x35: {  	[tilespmem:s12], [sflag:$0x1] =	stream.linear.gather [hbm4b:s21+s3], $0x50, $0x38;
	[tilespmem:$0x10270] =	vst v63  }
0x36: {  	_ =	swait.ge [sflag:s23], $0x50  }
0x37: {  	[sflag:s23] =	ssyncset.done $0x0  }
0x38: {  	[sflag:s23] =	ssyncadd.s32 $0xFFFFFFB0  }
0x39: {  	_ =	swait.ge [sflag:s23], $0x50  }
0x3a: {  	[sflag:s23] =	ssyncset.done $0x0  }
0x3b: {  	[sflag:s23] =	ssyncadd.s32 $0xFFFFFFB0  }
0x3c: {  	v5 =	vld [tilespmem:$0xC350]  }
0x3d: {  	v6 =	vld [tilespmem:$0xC490]  }
0x3e: {  	v7 =	vld [tilespmem:$0xC360]  }
0x3f: {  	v8 =	vld [tilespmem:$0xC4A0]  }
0x40: {  	v9 =	vld [tilespmem:$0xC370]  }
0x41: {  	v10 =	vld [tilespmem:$0xC4B0];
	v5 =	vadd.s32 v0, v5  }
0x42: {  	[tilespmem:$0xC350] =	vst v5;
	v5 =	vadd.s32 v0, v6;
	v6 =	vld [tilespmem:$0xC380]  }
0x43: {  	[tilespmem:$0xC5D0] =	vst v5;
	v5 =	vadd.s32 v0, v7;
	v7 =	vld [tilespmem:$0xC4C0]  }
0x44: {  	v62 =	vld [tilespmem:$0xC390];
	[tilespmem:$0xC360] =	vst v5;
	v5 =	vadd.s32 v0, v8  }
0x45: {  	v63 =	vld [tilespmem:$0xC4D0];
	[tilespmem:$0xC5E0] =	vst v5;
	v5 =	vadd.s32 v0, v9  }
0x46: {  	[tilespmem:$0xC370] =	vst v5;
	v5 =	vadd.s32 v0, v10  }
0x47: {  	[tilespmem:$0xC5F0] =	vst v5;
	v5 =	vadd.s32 v0, v6  }
0x48: {  	[tilespmem:$0xC380] =	vst v5;
	v5 =	vadd.s32 v0, v7  }
0x49: {  	[tilespmem:$0xC600] =	vst v5;
	v5 =	vadd.s32 v0, v62  }
0x4a: {  	[tilespmem:$0xC390] =	vst v5;
	v5 =	vadd.s32 v0, v63  }
0x4b: {  	[tilespmem:$0xC610] =	vst v5  }
0x4c: {  	[tilespmem:s25], [sflag:$0x2] =	stream.indirect.gather [hbm4b:s4+s24], $0x50, s11, s24, $0xb8;
	[tilespmem:$0x10270] =	vst v63  }
0x4d: {  	s13 =	simm.s32 $0xF870;
	s12 =	simm.s32 $0xC5D0  }
0x4e: {  	[tilespmem:s13], [sflag:$0x2] =	stream.indirect.gather [hbm4b:s5+s24], $0x10, s12, s24, $0xb8;
	[tilespmem:$0x10270] =	vst v63  }
0x4f: {  	s15 =	simm.s32 $0xC3A0;
	s14 =	rddreg [dreg:$0x7]  }
0x50: {  	[tilespmem:s15], [sflag:$0x1] =	stream.linear.gather [hbm4b:s14+s3], $0x50, $0x38;
	[tilespmem:$0x10270] =	vst v63  }
0x51: {  	s10 =	simm.s32 $0x0;
	s21 =	simm.s32 $0xC4E0;
	s16 =	rddreg [dreg:$0x8]  }
0x52: {  	[tilespmem:s21], [sflag:$0x1] =	stream.linear.gather [hbm4b:s16+s3], $0x50, $0x38;
	[tilespmem:$0x10270] =	vst v63  }
.LBB2_2:
0x53: {  	p1 =	seq.s32 s10, $0x0  }
0x54: {  	s11 =	simm.s32 @!p1 $0x5  }
0x55: {  	_ =	swait.ge @!p1 [sflag:s11], $0x1900  }
0x56: {  	[sflag:s11] =	ssyncset.done @!p1 $0x0  }
0x57: {  	[sflag:s11] =	ssyncadd.s32 @!p1 $0xFFFFE700  }
0x58: {  	_ =	swait.ge [sflag:s23], $0x50  }
0x59: {  	[sflag:s23] =	ssyncset.done $0x0  }
0x5a: {  	s11 =	sshll.u32 s10, $0x1;
	[sflag:s23] =	ssyncadd.s32 $0xFFFFFFB0  }
0x5b: {  	s12 =	sand.u32 $0x2, s11;
	_ =	swait.ge [sflag:s23], $0x50  }
0x5c: {  	s13 =	smul.u32 $0x50, s12;
	[sflag:s23] =	ssyncset.done $0x0  }
0x5d: {  	[sflag:s23] =	ssyncadd.s32 $0xFFFFFFB0  }
0x5e: {  	v5 =	vld [tilespmem:s13+$0xC3A0]  }
0x5f: {  	v6 =	vld [tilespmem:s13+$0xC4E0];
	_ =	sdelay $0x3  }
0x60: {  	v5 =	vadd.s32 v0, v5  }
0x61: {  	[tilespmem:s13+$0xC3A0] =	vst v5;
	v5 =	vadd.s32 v0, v6  }
0x62: {  	[tilespmem:$0xC620] =	vst v5  }
0x63: {  	v5 =	vld [tilespmem:s13+$0xC3B0]  }
0x64: {  	v6 =	vld [tilespmem:s13+$0xC4F0];
	_ =	sdelay $0x3  }
0x65: {  	v5 =	vadd.s32 v0, v5  }
0x66: {  	[tilespmem:s13+$0xC3B0] =	vst v5;
	v5 =	vadd.s32 v0, v6  }
0x67: {  	[tilespmem:$0xC630] =	vst v5  }
0x68: {  	v5 =	vld [tilespmem:s13+$0xC3C0]  }
0x69: {  	v6 =	vld [tilespmem:s13+$0xC500];
	_ =	sdelay $0x3  }
0x6a: {  	v5 =	vadd.s32 v0, v5  }
0x6b: {  	[tilespmem:s13+$0xC3C0] =	vst v5;
	v5 =	vadd.s32 v0, v6  }
0x6c: {  	[tilespmem:$0xC640] =	vst v5  }
0x6d: {  	v5 =	vld [tilespmem:s13+$0xC3D0]  }
0x6e: {  	v6 =	vld [tilespmem:s13+$0xC510];
	_ =	sdelay $0x3  }
0x6f: {  	v5 =	vadd.s32 v0, v5  }
0x70: {  	[tilespmem:s13+$0xC3D0] =	vst v5;
	v5 =	vadd.s32 v0, v6  }
0x71: {  	[tilespmem:$0xC650] =	vst v5  }
0x72: {  	v5 =	vld [tilespmem:s13+$0xC3E0]  }
0x73: {  	v6 =	vld [tilespmem:s13+$0xC520];
	_ =	sdelay $0x3  }
0x74: {  	v5 =	vadd.s32 v0, v5  }
0x75: {  	[tilespmem:s13+$0xC3E0] =	vst v5;
	v5 =	vadd.s32 v0, v6  }
0x76: {  	s13 =	sadd.s32 $0xC3A0, s13;
	[tilespmem:$0xC660] =	vst v5  }
0x77: {  	[tilespmem:s31], [sflag:$0x3] =	stream.indirect.gather [hbm4b:s4+s24], $0x50, s13, s24, $0xb8;
	[tilespmem:$0x10270] =	vst v63  }
0x78: {  	_ = 	snop  }
0x79: {  	[tilespmem:s22], [sflag:$0x3] =	stream.indirect.gather [hbm4b:s5+s24], $0x10, s0, s24, $0xb8;
	[tilespmem:$0x10270] =	vst v63  }
0x7a: {  	_ =	swait.ge [sflag:s26], $0x1900  }
0x7b: {  	[sflag:s26] =	ssyncset.done $0x0  }
0x7c: {  	[sflag:s26] =	ssyncadd.s32 $0xFFFFE700  }
0x7d: {  	_ =	swait.ge [sflag:s26], $0x500  }
0x7e: {  	[sflag:s26] =	ssyncset.done $0x0  }
0x7f: {  	s13 =	simm.s32 $0xC710;
	[sflag:s26] =	ssyncadd.s32 $0xFFFFFB00  }
0x80: {  	s14 =	simm.s32 $0xF890;
	v5 =	vld [tilespmem:s13+$0x90]  }
0x81: {  	v6 =	vld [tilespmem:s14+$0x10]  }
0x82: {  	v8 =	vld [tilespmem:s13+$0xFFFFFFF0]  }
0x83: {  	v9 =	vld [tilespmem:s14+$0xFFFFFFF0]  }
0x84: {  	v7 =	vld [tilespmem:s14+$0xFFFFFFE0]  }
0x85: {  	v10 =	vld [tilespmem:s13+$0x40]  }
0x86: {  	v11 =	vld [tilespmem:s14+$0x0]  }
0x87: {  	v5 =	vadd.f32 v6, v5;
	v6 =	vld [tilespmem:s13+$0xFFFFFFA0]  }
0x88: {  	v8 =	vadd.f32 v9, v8  }
0x89: {  	v12 =	vld [tilespmem:s13+$0xFFFFFF60];
	v13 =	vmul.f32 $2.000000030e-01, v5  }
0x8a: {  	v14 =	vld [tilespmem:s13+$0xFFFFFF70];
	v15 =	vmul.f32 $2.000000030e-01, v8  }
0x8b: {  	v16 =	vld [tilespmem:s13+$0xFFFFFFC0];
	v10 =	vadd.f32 v11, v10;
	v5 =	vmax.f32 v5, v13  }
0x8c: {  	v17 =	vld [tilespmem:s13+$0xFFFFFFE0];
	v5 =	vmul.f32 $1.442695020e+00, v5;
	v6 =	vadd.f32 v7, v6;
	v7 =	vmax.f32 v8, v15  }
0x8d: {  	s21 =	simm.s32 $0xC850;
	v18 =	vld [tilespmem:s13+$0x0];
	v8 =	vmul.f32 $2.000000030e-01, v10;
	v7 =	vmul.f32 $1.442695020e+00, v7  }
0x8e: {  	s14 =	simm.s32 $0xF8D0;
	v41 =	vld [tilespmem:s21+$0xFFFFFFA0];
	(erf) = vpow2.f32 v5;
	v5 =	vmul.f32 $2.000000030e-01, v6  }
0x8f: {  	v29 =	vld [tilespmem:s14+$0xFFFFFFE0];
	v8 =	vmax.f32 v10, v8  }
0x90: {  	v10 =	vld [tilespmem:s14+$0x10];
	(erf) = vpow2.f32 v7;
	v5 =	vmax.f32 v6, v5;
	v6 =	vmul.f32 $1.442695020e+00, v8  }
0x91: {  	v7 =	vld [tilespmem:s21+$0x90];
	v5 =	vmul.f32 $1.442695020e+00, v5  }
0x92: {  	v19 =	vld [tilespmem:s13+$0x10];
	(erf) = vpow2.f32 v6  }
0x93: {  	v20 =	vld [tilespmem:s13+$0x20];
	(erf) = vpow2.f32 v5  }
0x94: {  	v21 =	vld [tilespmem:s13+$0x30]  }
0x95: {  	v23 =	vld [tilespmem:s13+$0x50];
	v29 =	vadd.f32 v29, v41  }
0x96: {  	v24 =	vld [tilespmem:s13+$0x60];
	v10 =	vadd.f32 v10, v7  }
0x97: {  	v63 =	vmul.f32 $2.000000030e-01, v29;
	v5 =	vld [tilespmem:s13+$0x80];
	v6 =	vpop (erf)  }
0x98: {  	v25 =	vld [tilespmem:s13+$0x70];
	v42 =	vmul.f32 $2.000000030e-01, v10;
	v26 =	vperm.xlane v6, v1  }
0x99: {  	v11 =	vld [tilespmem:s13+$0xFFFFFFB0];
	v8 =	vperm.xlane v6, v4;
	v27 =	vperm.xlane v6, v2;
	v22 =	vpop (erf)  }
0x9a: {  	v31 =	vld [tilespmem:s21+$0xFFFFFFF0];
	v28 =	vperm.xlane v6, v3;
	v30 =	vperm.xlane v22, v1  }
0x9b: {  	v38 =	vld [tilespmem:s21+$0x40];
	v32 =	vperm.xlane v22, v2;
	v33 =	vperm.xlane v22, v3;
	v34 =	vpop (erf)  }
0x9c: {  	v35 =	vld [tilespmem:s14+$0xFFFFFFF0];
	[tilespmem:s13+$0x90] =	vst v6;
	v10 =	vmax.f32 v10, v42;
	v36 =	vperm.xlane v22, v4;
	v5 =	vmul.f32 v5, v8;
	v6 =	vpop (erf)  }
0x9d: {  	v13 =	vld [tilespmem:s13+$0xFFFFFF90];
	[tilespmem:s13+$0xFFFFFFF0] =	vst v22;
	v60 =	vmul.f32 $1.442695020e+00, v10;
	v8 =	vperm.xlane v6, v1  }
0x9e: {  	v15 =	vld [tilespmem:s13+$0xFFFFFFD0];
	v11 =	vmul.f32 v11, v30;
	[tilespmem:s13+$0x80] =	vst v5;
	v7 =	vperm.xlane v6, v2  }
0x9f: {  	v39 =	vld [tilespmem:s14+$0x0];
	v62 =	vmul.f32 v16, v32;
	[tilespmem:s13+$0x40] =	vst v34;
	v8 =	vmul.f32 v12, v8  }
0xa0: {  	v9 =	vld [tilespmem:s13+$0xFFFFFF80];
	[tilespmem:s13+$0xFFFFFFA0] =	vst v6;
	v12 =	vperm.xlane v6, v4;
	v14 =	vmul.f32 v14, v7  }
0xa1: {  	v10 =	vld [tilespmem:s21+$0xFFFFFFC0];
	v17 =	vmul.f32 v17, v36;
	v37 =	vperm.xlane v34, v1;
	[tilespmem:s13+$0xFFFFFFB0] =	vst v11  }
0xa2: {  	v16 =	vld [tilespmem:s21+$0xFFFFFFD0];
	v22 =	vperm.xlane v34, v2;
	v13 =	vmul.f32 v13, v12;
	[tilespmem:s13+$0xFFFFFF70] =	vst v14;
	v14 =	vadd.f32 v35, v31  }
0xa3: {  	v15 =	vmul.f32 v15, v33;
	v5 =	vld [tilespmem:s21+$0xFFFFFF60];
	[tilespmem:s13+$0xFFFFFFE0] =	vst v17;
	v18 =	vmul.f32 v18, v37  }
0xa4: {  	v61 =	vadd.f32 v39, v38;
	v17 =	vmul.f32 v19, v22;
	v22 =	vld [tilespmem:s21+$0x80];
	[tilespmem:s13+$0xFFFFFF90] =	vst v13;
	v13 =	vmul.f32 $2.000000030e-01, v14  }
0xa5: {  	v43 =	vperm.xlane v34, v3;
	v40 =	vperm.xlane v6, v3;
	[tilespmem:s13+$0xFFFFFFD0] =	vst v15;
	v6 =	vld [tilespmem:s21+$0xFFFFFF70]  }
0xa6: {  	(erf) = vpow2.f32 v60;
	v11 =	vmul.f32 $2.000000030e-01, v61;
	v7 =	vld [tilespmem:s21+$0xFFFFFF80];
	[tilespmem:s13+$0x0] =	vst v18;
	v13 =	vmax.f32 v14, v13  }
0xa7: {  	v34 =	vperm.xlane v34, v4;
	[tilespmem:s13+$0x10] =	vst v17;
	v17 =	vld [tilespmem:s21+$0x50];
	v15 =	vmul.f32 $1.442695020e+00, v13  }
0xa8: {  	v9 =	vmul.f32 v9, v40;
	v18 =	vmul.f32 v20, v43;
	[tilespmem:s13+$0xFFFFFF60] =	vst v8;
	v8 =	vld [tilespmem:s21+$0xFFFFFF90];
	v13 =	vmax.f32 v61, v11  }
0xa9: {  	v20 =	vmax.f32 v29, v63;
	v12 =	vld [tilespmem:s21+$0xFFFFFFB0];
	v19 =	vmul.f32 $1.442695020e+00, v13;
	(erf) = vpow2.f32 v15  }
0xaa: {  	v26 =	vmul.f32 v23, v26;
	[tilespmem:s13+$0xFFFFFF80] =	vst v9;
	v9 =	vld [tilespmem:s21+$0xFFFFFFE0];
	v20 =	vmul.f32 $1.442695020e+00, v20  }
0xab: {  	v21 =	vmul.f32 v21, v34;
	[tilespmem:s13+$0x20] =	vst v18;
	v18 =	vld [tilespmem:s21+$0x60];
	(erf) = vpow2.f32 v19  }
0xac: {  	v27 =	vmul.f32 v24, v27;
	v14 =	vld [tilespmem:s21+$0x0];
	(erf) = vpow2.f32 v20  }
0xad: {  	[tilespmem:s13+$0x50] =	vst v26;
	v11 =	vld [tilespmem:s21+$0x10]  }
0xae: {  	[tilespmem:s13+$0x60] =	vst v27;
	v13 =	vld [tilespmem:s21+$0x20]  }
0xaf: {  	v23 =	vmul.f32 v25, v28;
	[tilespmem:s13+$0x30] =	vst v21;
	v21 =	vpop (erf);
	v15 =	vld [tilespmem:s21+$0x30]  }
0xb0: {  	s15 =	simm.s32 $0x4;
	s16 =	simm.s32 $0xC990;
	[tilespmem:s13+$0xFFFFFFC0] =	vst v62;
	v24 =	vperm.xlane v21, v4;
	v19 =	vld [tilespmem:s21+$0x70];
	v20 =	vperm.xlane v21, v1  }
.LBB2_3:
0xb1: {  	v25 =	vld [tilespmem:s16+$0x90];
	v26 =	vperm.xlane v21, v2;
	v27 =	vperm.xlane v21, v3;
	s14 =	sadd.s32 $0x40, s14;
	[tilespmem:s13+$0x70] =	vst v23;
	s13 =	smov.u32 s21;
	s21 =	smov.u32 s16  }
0xb2: {  	s15 =	sadd.s32 $0x4, s15;
	v23 =	vld [tilespmem:s14+$0x10];
	[tilespmem:s13+$0x90] =	vst v21;
	v32 =	vmul.f32 v22, v24;
	v22 =	vpop (erf)  }
0xb3: {  	p1 =	slt.u32 s15, $0x4C;
	v24 =	vld [tilespmem:s14+$0xFFFFFFE0];
	[tilespmem:s13+$0xFFFFFFF0] =	vst v22;
	v28 =	vperm.xlane v22, v1;
	v29 =	vperm.xlane v22, v2  }
0xb4: {  	v31 =	vperm.xlane v22, v3;
	v22 =	vperm.xlane v22, v4;
	v30 =	vld [tilespmem:s16+$0xFFFFFFF0];
	[tilespmem:s13+$0x80] =	vst v32;
	v21 =	vpop (erf)  }
0xb5: {  	v32 =	vld [tilespmem:s14+$0xFFFFFFF0];
	[tilespmem:s13+$0x40] =	vst v21;
	v33 =	vperm.xlane v21, v1;
	v34 =	vperm.xlane v21, v2;
	v35 =	vpop (erf)  }
0xb6: {  	v36 =	vld [tilespmem:s16+$0x40];
	[tilespmem:s13+$0xFFFFFFA0] =	vst v35;
	v37 =	vperm.xlane v35, v1;
	v38 =	vperm.xlane v35, v2  }
0xb7: {  	v39 =	vld [tilespmem:s14+$0x0];
	v23 =	vadd.f32 v23, v25;
	v25 =	vperm.xlane v35, v3;
	v35 =	vperm.xlane v35, v4  }
0xb8: {  	v41 =	vperm.xlane v21, v3;
	v21 =	vperm.xlane v21, v4;
	v40 =	vld [tilespmem:s16+$0xFFFFFFA0]  }
0xb9: {  	v37 =	vmul.f32 v5, v37;
	v42 =	vmul.f32 $2.000000030e-01, v23;
	v5 =	vld [tilespmem:s16+$0xFFFFFF60]  }
0xba: {  	v25 =	vmul.f32 v7, v25;
	v30 =	vadd.f32 v32, v30;
	v32 =	vmul.f32 v6, v38;
	v6 =	vld [tilespmem:s16+$0xFFFFFF70]  }
0xbb: {  	v28 =	vmul.f32 v12, v28;
	v35 =	vmul.f32 v8, v35;
	v7 =	vld [tilespmem:s16+$0xFFFFFF80];
	v23 =	vmax.f32 v23, v42;
	[tilespmem:s13+$0xFFFFFF60] =	vst v37  }
0xbc: {  	v8 =	vld [tilespmem:s16+$0xFFFFFF90];
	v37 =	vmul.f32 $2.000000030e-01, v30;
	v36 =	vadd.f32 v39, v36;
	v23 =	vmul.f32 $1.442695020e+00, v23;
	[tilespmem:s13+$0xFFFFFF70] =	vst v32  }
0xbd: {  	v24 =	vadd.f32 v24, v40;
	v12 =	vld [tilespmem:s16+$0xFFFFFFB0];
	[tilespmem:s13+$0xFFFFFF80] =	vst v25;
	v25 =	vmul.f32 v10, v29;
	v29 =	vmul.f32 v16, v31  }
0xbe: {  	v16 =	vmax.f32 v30, v37;
	v10 =	vld [tilespmem:s16+$0xFFFFFFC0];
	v30 =	vmul.f32 $2.000000030e-01, v36;
	(erf) = vpow2.f32 v23;
	[tilespmem:s13+$0xFFFFFF90] =	vst v35  }
0xbf: {  	v23 =	vmul.f32 $2.000000030e-01, v24;
	v31 =	vmul.f32 $1.442695020e+00, v16;
	v16 =	vld [tilespmem:s16+$0xFFFFFFD0];
	[tilespmem:s13+$0xFFFFFFB0] =	vst v28  }
0xc0: {  	v22 =	vmul.f32 v9, v22;
	v28 =	vmax.f32 v36, v30;
	[tilespmem:s13+$0xFFFFFFC0] =	vst v25;
	v9 =	vld [tilespmem:s16+$0xFFFFFFE0];
	v25 =	vmul.f32 v14, v33  }
0xc1: {  	v23 =	vmax.f32 v24, v23;
	v24 =	vmul.f32 $1.442695020e+00, v28;
	v14 =	vld [tilespmem:s16+$0x0];
	(erf) = vpow2.f32 v31;
	[tilespmem:s13+$0xFFFFFFD0] =	vst v29  }
0xc2: {  	v23 =	vmul.f32 $1.442695020e+00, v23;
	[tilespmem:s13+$0xFFFFFFE0] =	vst v22;
	v22 =	vmul.f32 v11, v34;
	v11 =	vld [tilespmem:s16+$0x10]  }
0xc3: {  	(erf) = vpow2.f32 v24;
	[tilespmem:s13+$0x0] =	vst v25;
	v24 =	vmul.f32 v13, v41;
	v13 =	vld [tilespmem:s16+$0x20]  }
.Ltmp2:
0xc4: {  	v28 =	vmul.f32 v15, v21;
	(erf) = vpow2.f32 v23;
	[tilespmem:s13+$0x10] =	vst v22;
	v15 =	vld [tilespmem:s16+$0x30];
	(pc) =	sbr.rel @p1 .LBB2_3-.Ltmp2, $4  }
0xc5: {  	v20 =	vmul.f32 v17, v20;
	v25 =	vmul.f32 v18, v26;
	v22 =	vld [tilespmem:s16+$0x80];
	[tilespmem:s13+$0x20] =	vst v24  }
0xc6: {  	v23 =	vmul.f32 v19, v27;
	v17 =	vld [tilespmem:s16+$0x50];
	[tilespmem:s13+$0x30] =	vst v28  }
0xc7: {  	v18 =	vld [tilespmem:s16+$0x60];
	v21 =	vpop (erf);
	[tilespmem:s13+$0x50] =	vst v20  }
0xc8: {  	s16 =	sadd.s32 $0x140, s16;
	v20 =	vperm.xlane v21, v1;
	v19 =	vld [tilespmem:s21+$0x70];
	v24 =	vperm.xlane v21, v4;
	[tilespmem:s13+$0x60] =	vst v25  }
0xc9: {  	_ =	sdelay $0x1  }
0xca: {  	v25 =	vpop (erf)  }
0xcb: {  	[tilespmem:s13+$0x70] =	vst v23;
	v23 =	vpop (erf)  }
0xcc: {  	[tilespmem:s21+$0x90] =	vst v21;
	v22 =	vmul.f32 v22, v24;
	v24 =	vpop (erf)  }
0xcd: {  	[tilespmem:s21+$0xFFFFFFF0] =	vst v25;
	v26 =	vperm.xlane v24, v1  }
0xce: {  	[tilespmem:s21+$0x80] =	vst v22;
	v22 =	vperm.xlane v24, v2;
	v27 =	vperm.xlane v24, v3  }
0xcf: {  	[tilespmem:s21+$0xFFFFFFA0] =	vst v24;
	v24 =	vperm.xlane v24, v4;
	v5 =	vmul.f32 v5, v26  }
0xd0: {  	[tilespmem:s21+$0x40] =	vst v23;
	v6 =	vmul.f32 v6, v22  }
0xd1: {  	v22 =	vperm.xlane v25, v1;
	v8 =	vmul.f32 v8, v24;
	[tilespmem:s21+$0xFFFFFF60] =	vst v5  }
0xd2: {  	v7 =	vmul.f32 v7, v27;
	v5 =	vperm.xlane v25, v2;
	[tilespmem:s21+$0xFFFFFF70] =	vst v6  }
0xd3: {  	v12 =	vmul.f32 v12, v22;
	[tilespmem:s21+$0xFFFFFF90] =	vst v8;
	v8 =	vperm.xlane v23, v1  }
0xd4: {  	[tilespmem:s21+$0xFFFFFF80] =	vst v7;
	v7 =	vperm.xlane v25, v4;
	v5 =	vmul.f32 v10, v5  }
0xd5: {  	v6 =	vperm.xlane v25, v3;
	[tilespmem:s21+$0xFFFFFFB0] =	vst v12;
	v8 =	vmul.f32 v14, v8  }
0xd6: {  	v10 =	vperm.xlane v23, v2;
	[tilespmem:s21+$0xFFFFFFC0] =	vst v5;
	v5 =	vmul.f32 v9, v7  }
0xd7: {  	v6 =	vmul.f32 v16, v6;
	v7 =	vperm.xlane v23, v3;
	[tilespmem:s21+$0x0] =	vst v8  }
0xd8: {  	v8 =	vperm.xlane v21, v2;
	[tilespmem:s21+$0xFFFFFFE0] =	vst v5;
	v5 =	vmul.f32 v11, v10  }
0xd9: {  	[tilespmem:s21+$0xFFFFFFD0] =	vst v6;
	v6 =	vperm.xlane v23, v4;
	v7 =	vmul.f32 v13, v7  }
0xda: {  	v8 =	vmul.f32 v18, v8;
	[tilespmem:s21+$0x10] =	vst v5  }
0xdb: {  	p1 =	seq.s32 s10, $0x7C;
	v5 =	vmul.f32 v15, v6;
	v6 =	vperm.xlane v21, v3;
	[tilespmem:s21+$0x20] =	vst v7  }
0xdc: {  	s16 =	smul.u32 $0x140, s12;
	s14 =	sadd.s32 @!p1 $0x2, s11;
	v7 =	vmul.f32 v17, v20;
	[tilespmem:s21+$0x60] =	vst v8  }
0xdd: {  	s15 =	sand.u32 @!p1 $0x2, s14;
	s14 =	sshll.u32 @!p1 s14, $0x4;
	[tilespmem:s21+$0x30] =	vst v5;
	v5 =	vmul.f32 v19, v6  }
0xde: {  	s13 =	sshrl.u32 s16, $0x2;
	s15 =	smul.u32 @!p1 $0x50, s15;
	s14 =	sor.u32 @!p1 s1, s14;
	[tilespmem:s21+$0x50] =	vst v7  }
0xdf: {  	s13 =	sadd.s32 $0xC490, s13;
	s14 =	smul.u32 @!p1 $0xA, s14;
	[tilespmem:s21+$0x70] =	vst v5  }
0xe0: {  	[spmem:s2] =	stream.indirect.scatter.add.f32 [tilespmem:s25], [sflag:$0x4], $0x50, s13, s24, $0xb8;
	[tilespmem:$0x10270] =	vst v63  }
0xe1: {  	s16 =	sadd.s32 @!p1 s6, s14;
	s21 =	simm.s32 @!p1 $0x0;
	s13 =	sadd.s32 @!p1 $0xC350, s15  }
0xe2: {  	[tilespmem:s13], [sflag:$0x1] =	stream.linear.gather @!p1 [hbm4b:s16+s21], $0x50, $0x38;
	[tilespmem:$0x10270] =	vst v63  }
0xe3: {  	s14 =	sadd.s32 @!p1 s7, s14;
	s13 =	sadd.s32 @!p1 $0xC490, s15  }
0xe4: {  	[tilespmem:s13], [sflag:$0x1] =	stream.linear.gather @!p1 [hbm4b:s14+s21], $0x50, $0x38;
	[tilespmem:$0x10270] =	vst v63  }
0xe5: {  	s21 =	sor.u32 $0x1, s11;
	_ =	swait.ge [sflag:s28], $0x1900  }
0xe6: {  	p2 =	sgt.u32 s21, $0xF8;
	[sflag:s28] =	ssyncset.done $0x0  }
0xe7: {  	s13 =	simm.s32 @!p2 $0x1;
	[sflag:s28] =	ssyncadd.s32 $0xFFFFE700  }
0xe8: {  	_ =	swait.ge @!p2 [sflag:s13], $0x50  }
0xe9: {  	[sflag:s13] =	ssyncset.done @!p2 $0x0  }
0xea: {  	[sflag:s13] =	ssyncadd.s32 @!p2 $0xFFFFFFB0  }
0xeb: {  	s12 =	sxor.u32 @!p2 $0x2, s12;
	_ =	swait.ge @!p2 [sflag:s13], $0x50  }
0xec: {  	s12 =	smul.u32 @!p2 $0x50, s12;
	[sflag:s13] =	ssyncset.done @!p2 $0x0  }
0xed: {  	[sflag:s13] =	ssyncadd.s32 @!p2 $0xFFFFFFB0  }
0xee: {  	v5 =	vld @!p2 [tilespmem:s12+$0xC350]  }
0xef: {  	v6 =	vld @!p2 [tilespmem:s12+$0xC490];
	_ =	sdelay $0x3  }
0xf0: {  	v5 =	vadd.s32 @!p2 v0, v5  }
0xf1: {  	[tilespmem:s12+$0xC350] =	vst @!p2 v5;
	v5 =	vadd.s32 @!p2 v0, v6  }
0xf2: {  	[tilespmem:$0xC5D0] =	vst @!p2 v5  }
0xf3: {  	v5 =	vld @!p2 [tilespmem:s12+$0xC360]  }
0xf4: {  	v6 =	vld @!p2 [tilespmem:s12+$0xC4A0];
	_ =	sdelay $0x3  }
0xf5: {  	v5 =	vadd.s32 @!p2 v0, v5  }
0xf6: {  	[tilespmem:s12+$0xC360] =	vst @!p2 v5;
	v5 =	vadd.s32 @!p2 v0, v6  }
0xf7: {  	[tilespmem:$0xC5E0] =	vst @!p2 v5  }
0xf8: {  	v5 =	vld @!p2 [tilespmem:s12+$0xC370]  }
0xf9: {  	v6 =	vld @!p2 [tilespmem:s12+$0xC4B0];
	_ =	sdelay $0x3  }
0xfa: {  	v5 =	vadd.s32 @!p2 v0, v5  }
0xfb: {  	[tilespmem:s12+$0xC370] =	vst @!p2 v5;
	v5 =	vadd.s32 @!p2 v0, v6  }
0xfc: {  	[tilespmem:$0xC5F0] =	vst @!p2 v5  }
0xfd: {  	v5 =	vld @!p2 [tilespmem:s12+$0xC380]  }
0xfe: {  	v6 =	vld @!p2 [tilespmem:s12+$0xC4C0];
	_ =	sdelay $0x3  }
0xff: {  	v5 =	vadd.s32 @!p2 v0, v5  }
0x100: {  	[tilespmem:s12+$0xC380] =	vst @!p2 v5;
	v5 =	vadd.s32 @!p2 v0, v6  }
0x101: {  	[tilespmem:$0xC600] =	vst @!p2 v5  }
0x102: {  	v5 =	vld @!p2 [tilespmem:s12+$0xC390]  }
0x103: {  	v6 =	vld @!p2 [tilespmem:s12+$0xC4D0];
	_ =	sdelay $0x3  }
0x104: {  	v5 =	vadd.s32 @!p2 v0, v5  }
0x105: {  	[tilespmem:s12+$0xC390] =	vst @!p2 v5;
	v5 =	vadd.s32 @!p2 v0, v6  }
0x106: {  	s14 =	simm.s32 @!p2 $0xC670;
	s13 =	simm.s32 @!p2 $0x50;
	s12 =	sadd.s32 @!p2 $0xC350, s12;
	[tilespmem:$0xC610] =	vst @!p2 v5  }
0x107: {  	[tilespmem:s14], [sflag:$0x2] =	stream.indirect.gather @!p2 [hbm4b:s4+s13], $0x50, s12, s13, $0xb8;
	[tilespmem:$0x10270] =	vst v63  }
0x108: {  	s12 =	simm.s32 @!p2 $0xC5D0;
	s14 =	simm.s32 @!p2 $0xF870  }
0x109: {  	[tilespmem:s14], [sflag:$0x2] =	stream.indirect.gather @!p2 [hbm4b:s5+s13], $0x10, s12, s13, $0xb8;
	[tilespmem:$0x10270] =	vst v63  }
0x10a: {  	_ =	swait.ge [sflag:s29], $0x1900  }
0x10b: {  	[sflag:s29] =	ssyncset.done $0x0  }
0x10c: {  	[sflag:s29] =	ssyncadd.s32 $0xFFFFE700  }
0x10d: {  	_ =	swait.ge [sflag:s29], $0x500  }
0x10e: {  	[sflag:s29] =	ssyncset.done $0x0  }
0x10f: {  	s13 =	simm.s32 $0xE010;
	[sflag:s29] =	ssyncadd.s32 $0xFFFFFB00  }
0x110: {  	s16 =	simm.s32 $0xFD90;
	v5 =	vld [tilespmem:s13+$0x90]  }
0x111: {  	v6 =	vld [tilespmem:s16+$0x10]  }
0x112: {  	v8 =	vld [tilespmem:s13+$0xFFFFFFF0]  }
0x113: {  	v9 =	vld [tilespmem:s16+$0xFFFFFFF0]  }
0x114: {  	v7 =	vld [tilespmem:s16+$0xFFFFFFE0]  }
0x115: {  	v10 =	vld [tilespmem:s13+$0x40]  }
0x116: {  	v11 =	vld [tilespmem:s16+$0x0]  }
0x117: {  	v5 =	vadd.f32 v6, v5;
	v6 =	vld [tilespmem:s13+$0xFFFFFFA0]  }
0x118: {  	v8 =	vadd.f32 v9, v8  }
0x119: {  	v12 =	vld [tilespmem:s13+$0xFFFFFF60];
	v13 =	vmul.f32 $2.000000030e-01, v5  }
0x11a: {  	v14 =	vld [tilespmem:s13+$0xFFFFFF70];
	v15 =	vmul.f32 $2.000000030e-01, v8  }
0x11b: {  	v16 =	vld [tilespmem:s13+$0xFFFFFFC0];
	v10 =	vadd.f32 v11, v10;
	v5 =	vmax.f32 v5, v13  }
0x11c: {  	v17 =	vld [tilespmem:s13+$0xFFFFFFE0];
	v5 =	vmul.f32 $1.442695020e+00, v5;
	v6 =	vadd.f32 v7, v6;
	v7 =	vmax.f32 v8, v15  }
0x11d: {  	s14 =	simm.s32 $0xFDD0;
	v18 =	vld [tilespmem:s13+$0x0];
	v8 =	vmul.f32 $2.000000030e-01, v10;
	v7 =	vmul.f32 $1.442695020e+00, v7  }
0x11e: {  	s12 =	simm.s32 $0xE150;
	v29 =	vld [tilespmem:s14+$0xFFFFFFE0];
	(erf) = vpow2.f32 v5;
	v5 =	vmul.f32 $2.000000030e-01, v6  }
0x11f: {  	v41 =	vld [tilespmem:s12+$0xFFFFFFA0];
	v8 =	vmax.f32 v10, v8  }
0x120: {  	v10 =	vld [tilespmem:s14+$0x10];
	(erf) = vpow2.f32 v7;
	v5 =	vmax.f32 v6, v5;
	v6 =	vmul.f32 $1.442695020e+00, v8  }
0x121: {  	v7 =	vld [tilespmem:s12+$0x90];
	v5 =	vmul.f32 $1.442695020e+00, v5  }
0x122: {  	v19 =	vld [tilespmem:s13+$0x10];
	(erf) = vpow2.f32 v6  }
0x123: {  	v20 =	vld [tilespmem:s13+$0x20];
	(erf) = vpow2.f32 v5  }
0x124: {  	v21 =	vld [tilespmem:s13+$0x30]  }
0x125: {  	v23 =	vld [tilespmem:s13+$0x50];
	v29 =	vadd.f32 v29, v41  }
0x126: {  	v24 =	vld [tilespmem:s13+$0x60];
	v10 =	vadd.f32 v10, v7  }
0x127: {  	v63 =	vmul.f32 $2.000000030e-01, v29;
	v5 =	vld [tilespmem:s13+$0x80];
	v6 =	vpop (erf)  }
0x128: {  	v25 =	vld [tilespmem:s13+$0x70];
	v42 =	vmul.f32 $2.000000030e-01, v10;
	v26 =	vperm.xlane v6, v1  }
0x129: {  	v11 =	vld [tilespmem:s13+$0xFFFFFFB0];
	v8 =	vperm.xlane v6, v4;
	v27 =	vperm.xlane v6, v2;
	v22 =	vpop (erf)  }
0x12a: {  	v31 =	vld [tilespmem:s12+$0xFFFFFFF0];
	v28 =	vperm.xlane v6, v3;
	v30 =	vperm.xlane v22, v1  }
0x12b: {  	v35 =	vld [tilespmem:s14+$0xFFFFFFF0];
	v32 =	vperm.xlane v22, v2;
	v33 =	vperm.xlane v22, v3;
	v34 =	vpop (erf)  }
0x12c: {  	v38 =	vld [tilespmem:s12+$0x40];
	[tilespmem:s13+$0x90] =	vst v6;
	v10 =	vmax.f32 v10, v42;
	v36 =	vperm.xlane v22, v4;
	v5 =	vmul.f32 v5, v8;
	v6 =	vpop (erf)  }
0x12d: {  	v13 =	vld [tilespmem:s13+$0xFFFFFF90];
	[tilespmem:s13+$0xFFFFFFF0] =	vst v22;
	v60 =	vmul.f32 $1.442695020e+00, v10;
	v8 =	vperm.xlane v6, v1  }
0x12e: {  	v15 =	vld [tilespmem:s13+$0xFFFFFFD0];
	v11 =	vmul.f32 v11, v30;
	[tilespmem:s13+$0x80] =	vst v5;
	v7 =	vperm.xlane v6, v2  }
0x12f: {  	v39 =	vld [tilespmem:s14+$0x0];
	v62 =	vmul.f32 v16, v32;
	[tilespmem:s13+$0x40] =	vst v34;
	v8 =	vmul.f32 v12, v8  }
0x130: {  	v9 =	vld [tilespmem:s13+$0xFFFFFF80];
	[tilespmem:s13+$0xFFFFFFA0] =	vst v6;
	v12 =	vperm.xlane v6, v4;
	v14 =	vmul.f32 v14, v7  }
0x131: {  	v10 =	vld [tilespmem:s12+$0xFFFFFFC0];
	v17 =	vmul.f32 v17, v36;
	v37 =	vperm.xlane v34, v1;
	[tilespmem:s13+$0xFFFFFFB0] =	vst v11  }
0x132: {  	v16 =	vld [tilespmem:s12+$0xFFFFFFD0];
	v22 =	vperm.xlane v34, v2;
	v13 =	vmul.f32 v13, v12;
	[tilespmem:s13+$0xFFFFFF70] =	vst v14;
	v14 =	vadd.f32 v35, v31  }
0x133: {  	v15 =	vmul.f32 v15, v33;
	v5 =	vld [tilespmem:s12+$0xFFFFFF60];
	[tilespmem:s13+$0xFFFFFFE0] =	vst v17;
	v18 =	vmul.f32 v18, v37  }
0x134: {  	v61 =	vadd.f32 v39, v38;
	v17 =	vmul.f32 v19, v22;
	v22 =	vld [tilespmem:s12+$0x80];
	[tilespmem:s13+$0xFFFFFF90] =	vst v13;
	v13 =	vmul.f32 $2.000000030e-01, v14  }
0x135: {  	v43 =	vperm.xlane v34, v3;
	v40 =	vperm.xlane v6, v3;
	[tilespmem:s13+$0xFFFFFFD0] =	vst v15;
	v6 =	vld [tilespmem:s12+$0xFFFFFF70]  }
0x136: {  	(erf) = vpow2.f32 v60;
	v11 =	vmul.f32 $2.000000030e-01, v61;
	v7 =	vld [tilespmem:s12+$0xFFFFFF80];
	[tilespmem:s13+$0x0] =	vst v18;
	v13 =	vmax.f32 v14, v13  }
0x137: {  	v34 =	vperm.xlane v34, v4;
	[tilespmem:s13+$0x10] =	vst v17;
	v17 =	vld [tilespmem:s12+$0x50];
	v15 =	vmul.f32 $1.442695020e+00, v13  }
0x138: {  	v9 =	vmul.f32 v9, v40;
	v18 =	vmul.f32 v20, v43;
	[tilespmem:s13+$0xFFFFFF60] =	vst v8;
	v8 =	vld [tilespmem:s12+$0xFFFFFF90];
	v13 =	vmax.f32 v61, v11  }
0x139: {  	v20 =	vmax.f32 v29, v63;
	v12 =	vld [tilespmem:s12+$0xFFFFFFB0];
	v19 =	vmul.f32 $1.442695020e+00, v13;
	(erf) = vpow2.f32 v15  }
0x13a: {  	v26 =	vmul.f32 v23, v26;
	[tilespmem:s13+$0xFFFFFF80] =	vst v9;
	v9 =	vld [tilespmem:s12+$0xFFFFFFE0];
	v20 =	vmul.f32 $1.442695020e+00, v20  }
0x13b: {  	v21 =	vmul.f32 v21, v34;
	[tilespmem:s13+$0x20] =	vst v18;
	v18 =	vld [tilespmem:s12+$0x60];
	(erf) = vpow2.f32 v19  }
0x13c: {  	v27 =	vmul.f32 v24, v27;
	v14 =	vld [tilespmem:s12+$0x0];
	(erf) = vpow2.f32 v20  }
0x13d: {  	[tilespmem:s13+$0x50] =	vst v26;
	v11 =	vld [tilespmem:s12+$0x10]  }
0x13e: {  	[tilespmem:s13+$0x60] =	vst v27;
	v13 =	vld [tilespmem:s12+$0x20]  }
0x13f: {  	v23 =	vmul.f32 v25, v28;
	[tilespmem:s13+$0x30] =	vst v21;
	v21 =	vpop (erf);
	v15 =	vld [tilespmem:s12+$0x30]  }
0x140: {  	s15 =	simm.s32 $0x4;
	s16 =	simm.s32 $0xE290;
	[tilespmem:s13+$0xFFFFFFC0] =	vst v62;
	v24 =	vperm.xlane v21, v4;
	v19 =	vld [tilespmem:s12+$0x70];
	v20 =	vperm.xlane v21, v1  }
.LBB2_5:
0x141: {  	v25 =	vld [tilespmem:s16+$0x90];
	v26 =	vperm.xlane v21, v2;
	v27 =	vperm.xlane v21, v3;
	s14 =	sadd.s32 $0x40, s14;
	[tilespmem:s13+$0x70] =	vst v23;
	s13 =	smov.u32 s12;
	s12 =	smov.u32 s16  }
0x142: {  	s15 =	sadd.s32 $0x4, s15;
	v23 =	vld [tilespmem:s14+$0x10];
	[tilespmem:s13+$0x90] =	vst v21;
	v32 =	vmul.f32 v22, v24;
	v22 =	vpop (erf)  }
0x143: {  	p2 =	slt.u32 s15, $0x4C;
	v24 =	vld [tilespmem:s14+$0xFFFFFFE0];
	[tilespmem:s13+$0xFFFFFFF0] =	vst v22;
	v28 =	vperm.xlane v22, v1;
	v29 =	vperm.xlane v22, v2  }
0x144: {  	v31 =	vperm.xlane v22, v3;
	v22 =	vperm.xlane v22, v4;
	v30 =	vld [tilespmem:s16+$0xFFFFFFF0];
	[tilespmem:s13+$0x80] =	vst v32;
	v21 =	vpop (erf)  }
0x145: {  	v32 =	vld [tilespmem:s14+$0xFFFFFFF0];
	[tilespmem:s13+$0x40] =	vst v21;
	v33 =	vperm.xlane v21, v1;
	v34 =	vperm.xlane v21, v2;
	v35 =	vpop (erf)  }
0x146: {  	v36 =	vld [tilespmem:s16+$0x40];
	[tilespmem:s13+$0xFFFFFFA0] =	vst v35;
	v37 =	vperm.xlane v35, v1;
	v38 =	vperm.xlane v35, v2  }
0x147: {  	v39 =	vld [tilespmem:s14+$0x0];
	v23 =	vadd.f32 v23, v25;
	v25 =	vperm.xlane v35, v3;
	v35 =	vperm.xlane v35, v4  }
0x148: {  	v41 =	vperm.xlane v21, v3;
	v21 =	vperm.xlane v21, v4;
	v40 =	vld [tilespmem:s16+$0xFFFFFFA0]  }
0x149: {  	v37 =	vmul.f32 v5, v37;
	v42 =	vmul.f32 $2.000000030e-01, v23;
	v5 =	vld [tilespmem:s16+$0xFFFFFF60]  }
0x14a: {  	v25 =	vmul.f32 v7, v25;
	v30 =	vadd.f32 v32, v30;
	v32 =	vmul.f32 v6, v38;
	v6 =	vld [tilespmem:s16+$0xFFFFFF70]  }
0x14b: {  	v28 =	vmul.f32 v12, v28;
	v35 =	vmul.f32 v8, v35;
	v7 =	vld [tilespmem:s16+$0xFFFFFF80];
	v23 =	vmax.f32 v23, v42;
	[tilespmem:s13+$0xFFFFFF60] =	vst v37  }
0x14c: {  	v8 =	vld [tilespmem:s16+$0xFFFFFF90];
	v37 =	vmul.f32 $2.000000030e-01, v30;
	v36 =	vadd.f32 v39, v36;
	v23 =	vmul.f32 $1.442695020e+00, v23;
	[tilespmem:s13+$0xFFFFFF70] =	vst v32  }
0x14d: {  	v24 =	vadd.f32 v24, v40;
	v12 =	vld [tilespmem:s16+$0xFFFFFFB0];
	[tilespmem:s13+$0xFFFFFF80] =	vst v25;
	v25 =	vmul.f32 v10, v29;
	v29 =	vmul.f32 v16, v31  }
0x14e: {  	v16 =	vmax.f32 v30, v37;
	v10 =	vld [tilespmem:s16+$0xFFFFFFC0];
	v30 =	vmul.f32 $2.000000030e-01, v36;
	(erf) = vpow2.f32 v23;
	[tilespmem:s13+$0xFFFFFF90] =	vst v35  }
0x14f: {  	v23 =	vmul.f32 $2.000000030e-01, v24;
	v31 =	vmul.f32 $1.442695020e+00, v16;
	v16 =	vld [tilespmem:s16+$0xFFFFFFD0];
	[tilespmem:s13+$0xFFFFFFB0] =	vst v28  }
0x150: {  	v22 =	vmul.f32 v9, v22;
	v28 =	vmax.f32 v36, v30;
	[tilespmem:s13+$0xFFFFFFC0] =	vst v25;
	v9 =	vld [tilespmem:s16+$0xFFFFFFE0];
	v25 =	vmul.f32 v14, v33  }
0x151: {  	v23 =	vmax.f32 v24, v23;
	v24 =	vmul.f32 $1.442695020e+00, v28;
	v14 =	vld [tilespmem:s16+$0x0];
	(erf) = vpow2.f32 v31;
	[tilespmem:s13+$0xFFFFFFD0] =	vst v29  }
0x152: {  	v23 =	vmul.f32 $1.442695020e+00, v23;
	[tilespmem:s13+$0xFFFFFFE0] =	vst v22;
	v22 =	vmul.f32 v11, v34;
	v11 =	vld [tilespmem:s16+$0x10]  }
0x153: {  	(erf) = vpow2.f32 v24;
	[tilespmem:s13+$0x0] =	vst v25;
	v24 =	vmul.f32 v13, v41;
	v13 =	vld [tilespmem:s16+$0x20]  }
.Ltmp3:
0x154: {  	v28 =	vmul.f32 v15, v21;
	(erf) = vpow2.f32 v23;
	[tilespmem:s13+$0x10] =	vst v22;
	v15 =	vld [tilespmem:s16+$0x30];
	(pc) =	sbr.rel @p2 .LBB2_5-.Ltmp3, $4  }
0x155: {  	v20 =	vmul.f32 v17, v20;
	v25 =	vmul.f32 v18, v26;
	v22 =	vld [tilespmem:s16+$0x80];
	[tilespmem:s13+$0x20] =	vst v24  }
0x156: {  	v23 =	vmul.f32 v19, v27;
	v17 =	vld [tilespmem:s16+$0x50];
	[tilespmem:s13+$0x30] =	vst v28  }
0x157: {  	v18 =	vld [tilespmem:s16+$0x60];
	v21 =	vpop (erf);
	[tilespmem:s13+$0x50] =	vst v20  }
0x158: {  	s16 =	sadd.s32 $0x140, s16;
	v20 =	vperm.xlane v21, v1;
	v19 =	vld [tilespmem:s12+$0x70];
	v24 =	vperm.xlane v21, v4;
	[tilespmem:s13+$0x60] =	vst v25  }
0x159: {  	_ =	sdelay $0x1  }
0x15a: {  	[tilespmem:s13+$0x70] =	vst v23;
	v25 =	vpop (erf)  }
0x15b: {  	[tilespmem:s12+$0x90] =	vst v21;
	v22 =	vmul.f32 v22, v24;
	v57 =	vpop (erf)  }
0x15c: {  	[tilespmem:s12+$0xFFFFFFF0] =	vst v25;
	v60 =	vperm.xlane v25, v1;
	v58 =	vpop (erf)  }
0x15d: {  	[tilespmem:s12+$0x80] =	vst v22;
	v26 =	vperm.xlane v58, v1  }
0x15e: {  	[tilespmem:s12+$0x40] =	vst v57;
	v12 =	vmul.f32 v12, v60;
	v59 =	vperm.xlane v58, v2  }
0x15f: {  	[tilespmem:s12+$0xFFFFFFA0] =	vst v58;
	v24 =	vperm.xlane v58, v4;
	v5 =	vmul.f32 v5, v26  }
0x160: {  	v27 =	vperm.xlane v58, v3;
	[tilespmem:s12+$0xFFFFFFB0] =	vst v12;
	v6 =	vmul.f32 v6, v59  }
0x161: {  	v61 =	vperm.xlane v57, v1;
	v8 =	vmul.f32 v8, v24;
	[tilespmem:s12+$0xFFFFFF60] =	vst v5  }
0x162: {  	v7 =	vmul.f32 v7, v27;
	v5 =	vperm.xlane v25, v2;
	[tilespmem:s12+$0xFFFFFF70] =	vst v6  }
0x163: {  	v6 =	vperm.xlane v25, v3;
	[tilespmem:s12+$0xFFFFFF90] =	vst v8;
	v8 =	vmul.f32 v14, v61  }
0x164: {  	[tilespmem:s12+$0xFFFFFF80] =	vst v7;
	v7 =	vperm.xlane v25, v4;
	v5 =	vmul.f32 v10, v5  }
0x165: {  	v63 =	vperm.xlane v21, v2;
	v6 =	vmul.f32 v16, v6;
	[tilespmem:s12+$0x0] =	vst v8  }
0x166: {  	v62 =	vperm.xlane v57, v2;
	[tilespmem:s12+$0xFFFFFFC0] =	vst v5;
	v5 =	vmul.f32 v9, v7  }
0x167: {  	v8 =	vmul.f32 v18, v63;
	v7 =	vperm.xlane v57, v3;
	[tilespmem:s12+$0xFFFFFFD0] =	vst v6  }
0x168: {  	v6 =	vperm.xlane v57, v4;
	[tilespmem:s12+$0xFFFFFFE0] =	vst v5;
	v5 =	vmul.f32 v11, v62  }
0x169: {  	s16 =	sand.u32 $0x3, s21;
	[tilespmem:s12+$0x60] =	vst v8;
	v7 =	vmul.f32 v13, v7  }
0x16a: {  	s13 =	smul.u32 $0x140, s16;
	[tilespmem:s12+$0x10] =	vst v5;
	v5 =	vmul.f32 v15, v6;
	v6 =	vperm.xlane v21, v3  }
.Ltmp4:
0x16b: {  	[tilespmem:s12+$0x20] =	vst v7;
	v7 =	vmul.f32 v17, v20;
	(pc) =	sbr.rel @p1 .LBB2_8-.Ltmp4, $4  }
0x16c: {  	[tilespmem:s12+$0x30] =	vst v5;
	v5 =	vmul.f32 v19, v6  }
0x16d: {  	s13 =	sshrl.u32 s13, $0x2;
	[tilespmem:s12+$0x50] =	vst v7  }
0x16e: {  	s21 =	sadd.s32 $0xC490, s13;
	[tilespmem:s12+$0x70] =	vst v5  }
0x16f: {  	[spmem:s2] =	stream.indirect.scatter.add.f32 [tilespmem:s31], [sflag:$0x5], $0x50, s21, s24, $0xb8;
	[tilespmem:$0x10270] =	vst v63  }
0x170: {  	s11 =	sadd.s32 $0x3, s11  }
0x171: {  	s12 =	sand.u32 $0x3, s11;
	s11 =	sshll.u32 s11, $0x4  }
0x172: {  	s12 =	smul.u32 $0x50, s12;
	s11 =	sor.u32 s1, s11  }
0x173: {  	s11 =	smul.u32 $0xA, s11  }
.Ltmp5:
0x174: {  	_ = 	snop;
	(pc) =	sbr.rel .LBB2_2-.Ltmp5, $4  }
0x175: {  	s13 =	sadd.s32 $0xC350, s12;
	s14 =	sadd.s32 s6, s11  }
0x176: {  	[tilespmem:s13], [sflag:$0x1] =	stream.linear.gather [hbm4b:s14+s3], $0x50, $0x38;
	[tilespmem:$0x10270] =	vst v63  }
0x177: {  	s10 =	sadd.s32 $0x1, s10;
	s12 =	sadd.s32 $0xC490, s12;
	s11 =	sadd.s32 s7, s11  }
0x178: {  	[tilespmem:s12], [sflag:$0x1] =	stream.linear.gather [hbm4b:s11+s3], $0x50, $0x38;
	[tilespmem:$0x10270] =	vst v63  }
.LBB2_9:
0x179: {  	_ =	sfence.sel $0x180000  }
0x17a: {  	[bflag:$0x0] =	sbarrier.arrive $0xFFFF  }
0x17b: {  	_ =	strace $0x90000047  }
0x17c: {  	[bflag:$0x2] =	sbarrier.arrive $0xFFFF  }
0x17d: {  	p0 =	sne.s32 s1, $0x0;
	s0 =	rddreg [dreg:$0x2]  }
0x17e: {  	s0 =	sadd.s32 @!p0 $0x100000, s0  }
0x17f: {  	[sflag:s0] =	ssyncadd.tile.s32 @!p0 $0x1;
	_ =	shalt  }
.Lfunc_end2:
_tile_overlayer_lowered:
.L_overlay_start_2:
0x180: {  	(tag) =	ssettag $0x2  }
0x181: {  	s0 =	rddreg [dreg:$0x0];
	s2 =	stileid.u32  }
0x182: {  	s1 =	rddreg [dreg:$0x1];
	p0 =	sne.s32 s2, $0x0  }
0x183: {  	s3 =	rddreg [dreg:$0x2];
	[bflag:$0x3] =	sbarrier.arrive $0xFFFF;
	s2 =	simm.s32 @!p0 $0x1C06  }
0x184: {  	[timem:s3], [sflag:s2] =	dma.local @!p0 [hbm:s0], s1  }
0x185: {  	s0 =	simm.s32 @!p0 $0x6  }
0x186: {  	_ =	swait.ge @!p0 [sflag:s0], s1  }
0x187: {  	s1 =	ssub.s32 @!p0 $0x0, s1;
	[sflag:s0] =	ssyncset.done @!p0 $0x0  }
0x188: {  	[sflag:s0] =	ssyncadd.s32 @!p0 s1  }
0x189: {  	[bflag:$0x3] =	sbarrier.arrive $0xFFFF  }
0x18a: {  	_ =	shalt  }

</sc_bundles>
